<compile_context>
chip_gen: v7x
topology: tpu7x:2x2x1
jax: 0.10.2.dev20260603
libtpu: 0.0.44.dev20260713+nightly
codegen_flags: <defaults>
</compile_context>

<pallas_src>
import functools

import jax
import jax.numpy as jnp
from jax import lax
from jax.experimental import pallas as pl
from jax.experimental.pallas import tpu as pltpu
from jax.experimental.pallas import tpu_sc as plsc

N = 10000
E = 160000
D_IN = 768
HID = 256
G = 64
BN_EPS = 1e-5

NC = 2
NS = 16
CK = 80
CHUNKS = 128
PCH = 32
NBUF = 4
E_PAD = NC * NS * CHUNKS * CK // 2
EPT = CHUNKS * CK
N_PAD = 10112
ZR = N_PAD // NS

BNODE = 400
NB = N // BNODE

HALF = HID // 2


def _sc_segment_sum(y2, src_w, dst_r):
    y_flat = y2.reshape(NC * N, HALF)

    mesh = plsc.VectorSubcoreMesh(
        core_axis_name="c", subcore_axis_name="s", num_cores=NC, num_subcores=NS
    )

    @functools.partial(
        pl.kernel,
        out_type=jax.ShapeDtypeStruct((NC * N_PAD, HALF), jnp.float32),
        mesh=mesh,
        scratch_types=[
            pltpu.VMEM((PCH, CK), jnp.int32),
            pltpu.VMEM((PCH, CK), jnp.int32),
            pltpu.VMEM((CK, HALF), jnp.float32),
            pltpu.VMEM((CK, HALF), jnp.float32),
            pltpu.VMEM((CK, HALF), jnp.float32),
            pltpu.VMEM((CK, HALF), jnp.float32),
            pltpu.VMEM_SHARED((N_PAD, HALF), jnp.float32),
            pltpu.SemaphoreType.DMA,
            pltpu.SemaphoreType.DMA,
            pltpu.SemaphoreType.DMA,
            pltpu.SemaphoreType.DMA,
            pltpu.SemaphoreType.DMA,
            pltpu.SemaphoreType.DMA,
            pltpu.SemaphoreType.DMA,
            pltpu.SemaphoreType.DMA,
        ],
    )
    def k(y_hbm, src_hbm, dst_hbm, out_hbm, src_v, dst_v,
          r0, r1, r2, r3, acc, g0, g1, g2, g3, s0, s1, s2, s3):
        c = lax.axis_index("c")
        s = lax.axis_index("s")
        w = c * NS + s
        rows = [r0, r1, r2, r3]
        gs = [g0, g1, g2, g3]
        ss = [s0, s1, s2, s3]

        def zero_row(i, _):
            for j in range(HALF // 16):
                r0[i, pl.ds(j * 16, 16)] = jnp.zeros((16,), jnp.float32)
            return 0
        lax.fori_loop(0, CK, zero_row, 0)
        base = s * ZR
        nfull = ZR // CK
        for k4 in range(nfull):
            pltpu.sync_copy(r0, acc.at[pl.ds(base + k4 * CK, CK)])
        rem = ZR - nfull * CK
        if rem:
            pltpu.sync_copy(r0.at[pl.ds(0, rem)],
                            acc.at[pl.ds(base + nfull * CK, rem)])
        plsc.subcore_barrier()

        def wait_g(rows_b, sem):
            pltpu.make_async_copy(y_hbm.at[src_v.at[0]], rows_b, sem).wait()

        def wait_s(rows_b, sem):
            pltpu.make_async_copy(rows_b, acc.at[dst_v.at[0]], sem).wait()

        for h in range(CHUNKS // PCH):
            pltpu.sync_copy(src_hbm.at[w, pl.ds(h * PCH, PCH)], src_v)
            pltpu.sync_copy(dst_hbm.at[s, pl.ds(h * PCH, PCH)], dst_v)
            pltpu.async_copy(y_hbm.at[src_v.at[0]], rows[0], gs[0])
            pltpu.async_copy(y_hbm.at[src_v.at[1]], rows[1], gs[1])

            def outer(i, _):
                for b in range(NBUF):
                    j = i * NBUF + b
                    wait_g(rows[b], gs[b])
                    pltpu.async_copy(rows[b], acc.at[dst_v.at[j]],
                                     ss[b], add=True)
                    b2 = (b + 2) % NBUF

                    @pl.when(j + 2 < PCH)
                    def _():
                        @pl.when(j >= 2)
                        def _():
                            wait_s(rows[b2], ss[b2])
                        pltpu.async_copy(y_hbm.at[src_v.at[j + 2]],
                                         rows[b2], gs[b2])
                return 0

            lax.fori_loop(0, PCH // NBUF, outer, 0)
            for b in range(NBUF):
                wait_s(rows[b], ss[b])
        plsc.subcore_barrier()

        pltpu.sync_copy(acc.at[pl.ds(base, ZR)],
                        out_hbm.at[pl.ds(c * N_PAD + base, ZR)])

    out = k(y_flat, src_w, dst_r)
    return out.reshape(NC, N_PAD, HALF)


def _k1_body(x_ref, w_ref, y_ref):
    r = jnp.dot(x_ref[...], w_ref[...], preferred_element_type=jnp.float32)
    y_ref[0] = r[:, :HALF]
    y_ref[1] = r[:, HALF:]


def _k1(x, W1a):
    return pl.pallas_call(
        _k1_body,
        grid=(NB,),
        in_specs=[
            pl.BlockSpec((BNODE, D_IN), lambda i: (i, 0)),
            pl.BlockSpec((D_IN, HID), lambda i: (0, 0)),
        ],
        out_specs=pl.BlockSpec((NC, BNODE, HALF), lambda i: (0, i, 0)),
        out_shape=jax.ShapeDtypeStruct((NC, N, HALF), jnp.float32),
    )(x, W1a)


def _k2_body(y_ref, a_ref, s1_ref, c1_ref, w1b_ref, b1b_ref, w2a_ref,
             x1_ref, y2_ref):
    h = jnp.concatenate([y_ref[0] + a_ref[0], y_ref[1] + a_ref[1]], axis=1)
    h = jnp.maximum(h * s1_ref[...] + c1_ref[...], 0.0)
    x1 = jnp.dot(h, w1b_ref[...], preferred_element_type=jnp.float32)
    x1 = jnp.maximum(x1 + b1b_ref[...], 0.0)
    x1_ref[...] = x1
    r2 = jnp.dot(x1, w2a_ref[...], preferred_element_type=jnp.float32)
    y2_ref[0] = r2[:, :HALF]
    y2_ref[1] = r2[:, HALF:]


def _k2(y, agg, s1, c1, W1b, b1b, W2a):
    return pl.pallas_call(
        _k2_body,
        grid=(NB,),
        in_specs=[
            pl.BlockSpec((NC, BNODE, HALF), lambda i: (0, i, 0)),
            pl.BlockSpec((NC, BNODE, HALF), lambda i: (0, i, 0)),
            pl.BlockSpec((1, HID), lambda i: (0, 0)),
            pl.BlockSpec((1, HID), lambda i: (0, 0)),
            pl.BlockSpec((HID, HID), lambda i: (0, 0)),
            pl.BlockSpec((1, HID), lambda i: (0, 0)),
            pl.BlockSpec((HID, HID), lambda i: (0, 0)),
        ],
        out_specs=[
            pl.BlockSpec((BNODE, HID), lambda i: (i, 0)),
            pl.BlockSpec((NC, BNODE, HALF), lambda i: (0, i, 0)),
        ],
        out_shape=[
            jax.ShapeDtypeStruct((N, HID), jnp.float32),
            jax.ShapeDtypeStruct((NC, N, HALF), jnp.float32),
        ],
    )(y, agg, s1, c1, W1b, b1b, W2a)


def _k3_body(y_ref, a_ref, s2_ref, c2_ref, w2b_ref, b2b_ref, x1_ref,
             wl_ref, bl_ref, batch_ref, out_ref):
    i = pl.program_id(0)
    h = jnp.concatenate([y_ref[0] + a_ref[0], y_ref[1] + a_ref[1]], axis=1)
    h = jnp.maximum(h * s2_ref[...] + c2_ref[...], 0.0)
    x2 = jnp.dot(h, w2b_ref[...], preferred_element_type=jnp.float32)
    x2 = jnp.maximum(x2 + b2b_ref[...], 0.0)
    p = (jnp.dot(x1_ref[...], wl_ref[:HID], preferred_element_type=jnp.float32)
         + jnp.dot(x2, wl_ref[HID:], preferred_element_type=jnp.float32))
    b = batch_ref[0, 0, :]
    onehot = (b[None, :] == lax.broadcasted_iota(jnp.int32, (G, BNODE), 0)
              ).astype(jnp.float32)
    contrib = jnp.dot(onehot, p, preferred_element_type=jnp.float32)

    @pl.when(i == 0)
    def _():
        out_ref[...] = jnp.broadcast_to(bl_ref[...], (G, 2))

    out_ref[...] += contrib


def _k3(y2, agg2, s2, c2, W2b, b2b, x1, Wl, bl, batch3):
    return pl.pallas_call(
        _k3_body,
        grid=(NB,),
        in_specs=[
            pl.BlockSpec((NC, BNODE, HALF), lambda i: (0, i, 0)),
            pl.BlockSpec((NC, BNODE, HALF), lambda i: (0, i, 0)),
            pl.BlockSpec((1, HID), lambda i: (0, 0)),
            pl.BlockSpec((1, HID), lambda i: (0, 0)),
            pl.BlockSpec((HID, HID), lambda i: (0, 0)),
            pl.BlockSpec((1, HID), lambda i: (0, 0)),
            pl.BlockSpec((BNODE, HID), lambda i: (i, 0)),
            pl.BlockSpec((2 * HID, 2), lambda i: (0, 0)),
            pl.BlockSpec((1, 2), lambda i: (0, 0)),
            pl.BlockSpec((1, 1, BNODE), lambda i: (i, 0, 0)),
        ],
        out_specs=pl.BlockSpec((G, 2), lambda i: (0, 0)),
        out_shape=jax.ShapeDtypeStruct((G, 2), jnp.float32),
    )(y2, agg2, s2, c2, W2b, b2b, x1, Wl, bl, batch3)


def kernel(x, edge_index, batch, W1a, b1a, g1, be1, W1b, b1b,
           W2a, b2a, g2, be2, W2b, b2b, Wl, bl):
    src = edge_index[0]
    dst = edge_index[1]

    pad = E_PAD - E
    src_p = jnp.concatenate([src, jnp.zeros((pad,), jnp.int32)])
    dst_p = jnp.concatenate([dst, jnp.full((pad,), N, jnp.int32)])
    src_r = src_p.reshape(NS, CHUNKS, CK)
    src_w = jnp.concatenate([src_r, src_r + N], axis=0).reshape(
        NC * NS, CHUNKS, CK)
    dst_r = dst_p.reshape(NS, CHUNKS, CK)
    batch3 = batch.reshape(NB, 1, BNODE)

    inv = 1.0 / jnp.sqrt(1.0 + BN_EPS)
    s1 = (g1 * inv).reshape(1, HID)
    c1 = (b1a * g1 * inv + be1).reshape(1, HID)
    s2 = (g2 * inv).reshape(1, HID)
    c2 = (b2a * g2 * inv + be2).reshape(1, HID)

    y = _k1(x, W1a)
    agg1 = _sc_segment_sum(y, src_w, dst_r)
    x1, y2 = _k2(y, agg1, s1, c1, W1b, b1b.reshape(1, HID), W2a)
    agg2 = _sc_segment_sum(y2, src_w, dst_r)
    out = _k3(y2, agg2, s2, c2, W2b, b2b.reshape(1, HID), x1,
              Wl, bl.reshape(1, 2), batch3)
    return out

# --- scband reference (transcript-rebuilt; emitter-appended) ---
"""Pipeline reference for scband-flaky-greedy-gin-41686952575395 (READ-ONLY COPY).

The authoritative reference and input builder live on the scoring server;
editing this copy changes nothing except your own understanding.
"""

import jax, jax.numpy as jnp
import numpy as np

N_NODES = 10000
N_EDGES = 160000
D_IN = 768
H = 256
N_GRAPHS = 64
BN_EPS = 1e-5


def setup_inputs(seed: int = 0) -> dict:
    key = jax.random.key(seed)
    ks = jax.random.split(key, 20)
    x = jax.random.normal(ks[0], (N_NODES, D_IN), dtype=jnp.float32)
    edge_index = jax.random.randint(ks[1], (2, N_EDGES), 0, N_NODES, dtype=jnp.int32)
    batch = jnp.sort(jax.random.randint(ks[2], (N_NODES,), 0, N_GRAPHS, dtype=jnp.int32))
    s = 0.02
    params = {
        'W1a': jax.random.normal(ks[3], (D_IN, H), jnp.float32) * s,
        'b1a': jnp.zeros((H,), jnp.float32),
        'g1': jnp.ones((H,), jnp.float32),
        'be1': jnp.zeros((H,), jnp.float32),
        'W1b': jax.random.normal(ks[4], (H, H), jnp.float32) * s,
        'b1b': jnp.zeros((H,), jnp.float32),
        'W2a': jax.random.normal(ks[5], (H, H), jnp.float32) * s,
        'b2a': jnp.zeros((H,), jnp.float32),
        'g2': jnp.ones((H,), jnp.float32),
        'be2': jnp.zeros((H,), jnp.float32),
        'W2b': jax.random.normal(ks[6], (H, H), jnp.float32) * s,
        'b2b': jnp.zeros((H,), jnp.float32),
        'Wl': jax.random.normal(ks[7], (2 * H, 2), jnp.float32) * s,
        'bl': jnp.zeros((2,), jnp.float32),
    }
    inp = {'x': x, 'edge_index': edge_index, 'batch': batch}
    inp.update(params)
    return inp


def _mlp(h, Wa, ba, g, be, Wb, bb):
    h = h @ Wa + ba
    # BatchNorm1d in eval mode: running_mean=0, running_var=1
    h = h / jnp.sqrt(1.0 + BN_EPS) * g + be
    h = jax.nn.relu(h)
    return h @ Wb + bb


def reference(x, edge_index, batch, W1a, b1a, g1, be1, W1b, b1b,
              W2a, b2a, g2, be2, W2b, b2b, Wl, bl):
    src = edge_index[0]
    dst = edge_index[1]
    # GINConv layer 1: (1 + eps) * x + sum_{j in N(i)} x_j, eps=0 (eval: dropout_edge inactive)
    agg1 = jax.ops.segment_sum(jnp.take(x, src, axis=0), dst, num_segments=N_NODES)
    x1 = _mlp(x + agg1, W1a, b1a, g1, be1, W1b, b1b)
    x1 = jax.nn.relu(x1)
    # GINConv layer 2 (dropout inactive in eval)
    agg2 = jax.ops.segment_sum(jnp.take(x1, src, axis=0), dst, num_segments=N_NODES)
    x2 = _mlp(x1 + agg2, W2a, b2a, g2, be2, W2b, b2b)
    x2 = jax.nn.relu(x2)
    x_jk = jnp.concatenate([x1, x2], axis=-1)
    x_pool = jax.ops.segment_sum(x_jk, batch, num_segments=N_GRAPHS)
    out = x_pool @ Wl + bl
    return out

if __name__ == "__main__":
    import jax
    _d = setup_inputs()
    print(jax.jit(kernel)(*tuple(_d.values())))

</pallas_src>

<mosaic_0001>
#map = affine_map<(d0, d1) -> (0, 0)>
#map1 = affine_map<(d0, d1) -> (0, 0, 0)>
module attributes {stable_mosaic.version = 14 : i64} {
  func.func @k(%arg0: i32, %arg1: i32, %arg2: memref<20000x128xf32, #tpu.memory_space<hbm>>, %arg3: memref<32x128x80xi32, #tpu.memory_space<hbm>>, %arg4: memref<16x128x80xi32, #tpu.memory_space<hbm>>, %arg5: memref<20224x128xf32, #tpu.memory_space<hbm>>, %arg6: memref<32x80xi32, #tpu.memory_space<vmem>>, %arg7: memref<32x80xi32, #tpu.memory_space<vmem>>, %arg8: memref<80x128xf32, #tpu.memory_space<vmem>>, %arg9: memref<80x128xf32, #tpu.memory_space<vmem>>, %arg10: memref<80x128xf32, #tpu.memory_space<vmem>>, %arg11: memref<80x128xf32, #tpu.memory_space<vmem>>, %arg12: memref<10112x128xf32, #tpu.memory_space<vmem_shared>>, %arg13: memref<!tpu.dma_semaphore, #tpu.memory_space<semaphore_mem>>, %arg14: memref<!tpu.dma_semaphore, #tpu.memory_space<semaphore_mem>>, %arg15: memref<!tpu.dma_semaphore, #tpu.memory_space<semaphore_mem>>, %arg16: memref<!tpu.dma_semaphore, #tpu.memory_space<semaphore_mem>>, %arg17: memref<!tpu.dma_semaphore, #tpu.memory_space<semaphore_mem>>, %arg18: memref<!tpu.dma_semaphore, #tpu.memory_space<semaphore_mem>>, %arg19: memref<!tpu.dma_semaphore, #tpu.memory_space<semaphore_mem>>, %arg20: memref<!tpu.dma_semaphore, #tpu.memory_space<semaphore_mem>>) attributes {dimension_semantics = [#tpu.dimension_semantics<core_parallel>, #tpu.dimension_semantics<subcore_parallel>], iteration_bounds = array<i64: 2, 16>, scalar_prefetch = 0 : i64, scratch_operands = 15 : i64, tpu.core_type = #tpu.core_type<sc_vector_subcore>, window_params = [{transform_indices = #map}, {transform_indices = #map1}, {transform_indices = #map1}, {transform_indices = #map}]} {
    %mul3A = arith.constant 16 : i32
    %mul3A_0 = arith.muli %arg0, %mul3A : i32
    %add3A = arith.addi %mul3A_0, %arg1 : i32
    %scan3A = arith.constant 0 : i32
    %scan3A_1 = arith.constant 0 : i32
    %scan3A_2 = arith.constant 80 : i32
    %scan3A_3 = arith.addi %scan3A_1, %scan3A_2 : i32
    %scan3A_4 = arith.constant 1 : i32
    %scan3A_5 = scf.for %scan3A_223 = %scan3A_1 to %scan3A_3 step %scan3A_4 iter_args(%scan3A_224 = %scan3A) -> (i32)  : i32 {
      %broadcast_in_dim3A = arith.constant 0.000000e+00 : f32
      %broadcast_in_dim3A_225 = vector.broadcast %broadcast_in_dim3A : f32 to vector<16xf32>
      %swap3A = arith.index_cast %scan3A_223 : i32 to index
      %swap3A_226 = arith.constant 0 : index
      %swap3A_227 = tpu.vector_load %arg8[%swap3A, %swap3A_226] {strides = array<i32>} : memref<80x128xf32, #tpu.memory_space<vmem>>, vector<1x16xf32>,
      %swap3A_228 = vector.shape_cast %swap3A_227 : vector<1x16xf32> to vector<16xf32>
      %swap3A_229 = vector.shape_cast %broadcast_in_dim3A_225 : vector<16xf32> to vector<1x16xf32>
      tpu.vector_store %arg8[%swap3A, %swap3A_226], %swap3A_229 {strides = array<i32>} : memref<80x128xf32, #tpu.memory_space<vmem>>, vector<1x16xf32>,
      %broadcast_in_dim3A_230 = arith.constant 0.000000e+00 : f32
      %broadcast_in_dim3A_231 = vector.broadcast %broadcast_in_dim3A_230 : f32 to vector<16xf32>
      %swap3A_232 = arith.index_cast %scan3A_223 : i32 to index
      %swap3A_233 = arith.constant 16 : index
      %swap3A_234 = tpu.vector_load %arg8[%swap3A_232, %swap3A_233] {strides = array<i32>} : memref<80x128xf32, #tpu.memory_space<vmem>>, vector<1x16xf32>,
      %swap3A_235 = vector.shape_cast %swap3A_234 : vector<1x16xf32> to vector<16xf32>
      %swap3A_236 = vector.shape_cast %broadcast_in_dim3A_231 : vector<16xf32> to vector<1x16xf32>
      tpu.vector_store %arg8[%swap3A_232, %swap3A_233], %swap3A_236 {strides = array<i32>} : memref<80x128xf32, #tpu.memory_space<vmem>>, vector<1x16xf32>,
      %broadcast_in_dim3A_237 = arith.constant 0.000000e+00 : f32
      %broadcast_in_dim3A_238 = vector.broadcast %broadcast_in_dim3A_237 : f32 to vector<16xf32>
      %swap3A_239 = arith.index_cast %scan3A_223 : i32 to index
      %swap3A_240 = arith.constant 32 : index
      %swap3A_241 = tpu.vector_load %arg8[%swap3A_239, %swap3A_240] {strides = array<i32>} : memref<80x128xf32, #tpu.memory_space<vmem>>, vector<1x16xf32>,
      %swap3A_242 = vector.shape_cast %swap3A_241 : vector<1x16xf32> to vector<16xf32>
      %swap3A_243 = vector.shape_cast %broadcast_in_dim3A_238 : vector<16xf32> to vector<1x16xf32>
      tpu.vector_store %arg8[%swap3A_239, %swap3A_240], %swap3A_243 {strides = array<i32>} : memref<80x128xf32, #tpu.memory_space<vmem>>, vector<1x16xf32>,
      %broadcast_in_dim3A_244 = arith.constant 0.000000e+00 : f32
      %broadcast_in_dim3A_245 = vector.broadcast %broadcast_in_dim3A_244 : f32 to vector<16xf32>
      %swap3A_246 = arith.index_cast %scan3A_223 : i32 to index
      %swap3A_247 = arith.constant 48 : index
      %swap3A_248 = tpu.vector_load %arg8[%swap3A_246, %swap3A_247] {strides = array<i32>} : memref<80x128xf32, #tpu.memory_space<vmem>>, vector<1x16xf32>,
      %swap3A_249 = vector.shape_cast %swap3A_248 : vector<1x16xf32> to vector<16xf32>
      %swap3A_250 = vector.shape_cast %broadcast_in_dim3A_245 : vector<16xf32> to vector<1x16xf32>
      tpu.vector_store %arg8[%swap3A_246, %swap3A_247], %swap3A_250 {strides = array<i32>} : memref<80x128xf32, #tpu.memory_space<vmem>>, vector<1x16xf32>,
      %broadcast_in_dim3A_251 = arith.constant 0.000000e+00 : f32
      %broadcast_in_dim3A_252 = vector.broadcast %broadcast_in_dim3A_251 : f32 to vector<16xf32>
      %swap3A_253 = arith.index_cast %scan3A_223 : i32 to index
      %swap3A_254 = arith.constant 64 : index
      %swap3A_255 = tpu.vector_load %arg8[%swap3A_253, %swap3A_254] {strides = array<i32>} : memref<80x128xf32, #tpu.memory_space<vmem>>, vector<1x16xf32>,
      %swap3A_256 = vector.shape_cast %swap3A_255 : vector<1x16xf32> to vector<16xf32>
      %swap3A_257 = vector.shape_cast %broadcast_in_dim3A_252 : vector<16xf32> to vector<1x16xf32>
      tpu.vector_store %arg8[%swap3A_253, %swap3A_254], %swap3A_257 {strides = array<i32>} : memref<80x128xf32, #tpu.memory_space<vmem>>, vector<1x16xf32>,
      %broadcast_in_dim3A_258 = arith.constant 0.000000e+00 : f32
      %broadcast_in_dim3A_259 = vector.broadcast %broadcast_in_dim3A_258 : f32 to vector<16xf32>
      %swap3A_260 = arith.index_cast %scan3A_223 : i32 to index
      %swap3A_261 = arith.constant 80 : index
      %swap3A_262 = tpu.vector_load %arg8[%swap3A_260, %swap3A_261] {strides = array<i32>} : memref<80x128xf32, #tpu.memory_space<vmem>>, vector<1x16xf32>,
      %swap3A_263 = vector.shape_cast %swap3A_262 : vector<1x16xf32> to vector<16xf32>
      %swap3A_264 = vector.shape_cast %broadcast_in_dim3A_259 : vector<16xf32> to vector<1x16xf32>
      tpu.vector_store %arg8[%swap3A_260, %swap3A_261], %swap3A_264 {strides = array<i32>} : memref<80x128xf32, #tpu.memory_space<vmem>>, vector<1x16xf32>,
      %broadcast_in_dim3A_265 = arith.constant 0.000000e+00 : f32
      %broadcast_in_dim3A_266 = vector.broadcast %broadcast_in_dim3A_265 : f32 to vector<16xf32>
      %swap3A_267 = arith.index_cast %scan3A_223 : i32 to index
      %swap3A_268 = arith.constant 96 : index
      %swap3A_269 = tpu.vector_load %arg8[%swap3A_267, %swap3A_268] {strides = array<i32>} : memref<80x128xf32, #tpu.memory_space<vmem>>, vector<1x16xf32>,
      %swap3A_270 = vector.shape_cast %swap3A_269 : vector<1x16xf32> to vector<16xf32>
      %swap3A_271 = vector.shape_cast %broadcast_in_dim3A_266 : vector<16xf32> to vector<1x16xf32>
      tpu.vector_store %arg8[%swap3A_267, %swap3A_268], %swap3A_271 {strides = array<i32>} : memref<80x128xf32, #tpu.memory_space<vmem>>, vector<1x16xf32>,
      %broadcast_in_dim3A_272 = arith.constant 0.000000e+00 : f32
      %broadcast_in_dim3A_273 = vector.broadcast %broadcast_in_dim3A_272 : f32 to vector<16xf32>
      %swap3A_274 = arith.index_cast %scan3A_223 : i32 to index
      %swap3A_275 = arith.constant 112 : index
      %swap3A_276 = tpu.vector_load %arg8[%swap3A_274, %swap3A_275] {strides = array<i32>} : memref<80x128xf32, #tpu.memory_space<vmem>>, vector<1x16xf32>,
      %swap3A_277 = vector.shape_cast %swap3A_276 : vector<1x16xf32> to vector<16xf32>
      %swap3A_278 = vector.shape_cast %broadcast_in_dim3A_273 : vector<16xf32> to vector<1x16xf32>
      tpu.vector_store %arg8[%swap3A_274, %swap3A_275], %swap3A_278 {strides = array<i32>} : memref<80x128xf32, #tpu.memory_space<vmem>>, vector<1x16xf32>,
      %scan3A_279 = arith.constant 0 : i32
      scf.yield %scan3A_279 : i32
    }
    %scan3A_6 = arith.constant 80 : i32
    %mul3A_7 = arith.constant 632 : i32
    %mul3A_8 = arith.muli %arg1, %mul3A_7 : i32
    %add3A_9 = arith.constant 0 : i32
    %add3A_10 = arith.addi %mul3A_8, %add3A_9 : i32
    "tpu.region"() ({
      %run_scoped3A = tpu.sem_alloc : memref<!tpu.dma_semaphore, #tpu.memory_space<semaphore_mem>>
      %dma_start3A_223 = arith.constant 0 : i32
      %dma_start3A_224 = tpu.memref_slice %arg12[%add3A_10, %dma_start3A_223] : memref<10112x128xf32, #tpu.memory_space<vmem_shared>> -> memref<80x128xf32, #tpu.memory_space<vmem_shared>>
      %dma_start3A_225 = arith.constant 0 : i32
      %dma_start3A_226 = tpu.memref_slice %arg12[%add3A_10, %dma_start3A_225] : memref<10112x128xf32, #tpu.memory_space<vmem_shared>> -> memref<80x128xf32, #tpu.memory_space<vmem_shared>>
      tpu.enqueue_dma source(%arg8 : memref<80x128xf32, #tpu.memory_space<vmem>>) target(%dma_start3A_226 : memref<80x128xf32, #tpu.memory_space<vmem_shared>>) target_semaphore(%run_scoped3A : memref<!tpu.dma_semaphore, #tpu.memory_space<semaphore_mem>>)
      %dma_wait3A_227 = arith.constant 0 : i32
      %dma_wait3A_228 = tpu.memref_slice %arg12[%add3A_10, %dma_wait3A_227] : memref<10112x128xf32, #tpu.memory_space<vmem_shared>> -> memref<80x128xf32, #tpu.memory_space<vmem_shared>>
      %dma_wait3A_229 = arith.constant 0 : i32
      %dma_wait3A_230 = tpu.memref_slice %arg12[%add3A_10, %dma_wait3A_229] : memref<10112x128xf32, #tpu.memory_space<vmem_shared>> -> memref<80x128xf32, #tpu.memory_space<vmem_shared>>
      tpu.wait_dma2 semaphore(%run_scoped3A : memref<!tpu.dma_semaphore, #tpu.memory_space<semaphore_mem>>) src(%arg8 : memref<80x128xf32, #tpu.memory_space<vmem>>) dst(%dma_wait3A_230 : memref<80x128xf32, #tpu.memory_space<vmem_shared>>)
      tpu.yield
    }) : () -> ()
    %add3A_11 = arith.constant 80 : i32
    %add3A_12 = arith.addi %mul3A_8, %add3A_11 : i32
    "tpu.region"() ({
      %run_scoped3A = tpu.sem_alloc : memref<!tpu.dma_semaphore, #tpu.memory_space<semaphore_mem>>
      %dma_start3A_223 = arith.constant 0 : i32
      %dma_start3A_224 = tpu.memref_slice %arg12[%add3A_12, %dma_start3A_223] : memref<10112x128xf32, #tpu.memory_space<vmem_shared>> -> memref<80x128xf32, #tpu.memory_space<vmem_shared>>
      %dma_start3A_225 = arith.constant 0 : i32
      %dma_start3A_226 = tpu.memref_slice %arg12[%add3A_12, %dma_start3A_225] : memref<10112x128xf32, #tpu.memory_space<vmem_shared>> -> memref<80x128xf32, #tpu.memory_space<vmem_shared>>
      tpu.enqueue_dma source(%arg8 : memref<80x128xf32, #tpu.memory_space<vmem>>) target(%dma_start3A_226 : memref<80x128xf32, #tpu.memory_space<vmem_shared>>) target_semaphore(%run_scoped3A : memref<!tpu.dma_semaphore, #tpu.memory_space<semaphore_mem>>)
      %dma_wait3A_227 = arith.constant 0 : i32
      %dma_wait3A_228 = tpu.memref_slice %arg12[%add3A_12, %dma_wait3A_227] : memref<10112x128xf32, #tpu.memory_space<vmem_shared>> -> memref<80x128xf32, #tpu.memory_space<vmem_shared>>
      %dma_wait3A_229 = arith.constant 0 : i32
      %dma_wait3A_230 = tpu.memref_slice %arg12[%add3A_12, %dma_wait3A_229] : memref<10112x128xf32, #tpu.memory_space<vmem_shared>> -> memref<80x128xf32, #tpu.memory_space<vmem_shared>>
      tpu.wait_dma2 semaphore(%run_scoped3A : memref<!tpu.dma_semaphore, #tpu.memory_space<semaphore_mem>>) src(%arg8 : memref<80x128xf32, #tpu.memory_space<vmem>>) dst(%dma_wait3A_230 : memref<80x128xf32, #tpu.memory_space<vmem_shared>>)
      tpu.yield
    }) : () -> ()
    %add3A_13 = arith.constant 160 : i32
    %add3A_14 = arith.addi %mul3A_8, %add3A_13 : i32
    "tpu.region"() ({
      %run_scoped3A = tpu.sem_alloc : memref<!tpu.dma_semaphore, #tpu.memory_space<semaphore_mem>>
      %dma_start3A_223 = arith.constant 0 : i32
      %dma_start3A_224 = tpu.memref_slice %arg12[%add3A_14, %dma_start3A_223] : memref<10112x128xf32, #tpu.memory_space<vmem_shared>> -> memref<80x128xf32, #tpu.memory_space<vmem_shared>>
      %dma_start3A_225 = arith.constant 0 : i32
      %dma_start3A_226 = tpu.memref_slice %arg12[%add3A_14, %dma_start3A_225] : memref<10112x128xf32, #tpu.memory_space<vmem_shared>> -> memref<80x128xf32, #tpu.memory_space<vmem_shared>>
      tpu.enqueue_dma source(%arg8 : memref<80x128xf32, #tpu.memory_space<vmem>>) target(%dma_start3A_226 : memref<80x128xf32, #tpu.memory_space<vmem_shared>>) target_semaphore(%run_scoped3A : memref<!tpu.dma_semaphore, #tpu.memory_space<semaphore_mem>>)
      %dma_wait3A_227 = arith.constant 0 : i32
      %dma_wait3A_228 = tpu.memref_slice %arg12[%add3A_14, %dma_wait3A_227] : memref<10112x128xf32, #tpu.memory_space<vmem_shared>> -> memref<80x128xf32, #tpu.memory_space<vmem_shared>>
      %dma_wait3A_229 = arith.constant 0 : i32
      %dma_wait3A_230 = tpu.memref_slice %arg12[%add3A_14, %dma_wait3A_229] : memref<10112x128xf32, #tpu.memory_space<vmem_shared>> -> memref<80x128xf32, #tpu.memory_space<vmem_shared>>
      tpu.wait_dma2 semaphore(%run_scoped3A : memref<!tpu.dma_semaphore, #tpu.memory_space<semaphore_mem>>) src(%arg8 : memref<80x128xf32, #tpu.memory_space<vmem>>) dst(%dma_wait3A_230 : memref<80x128xf32, #tpu.memory_space<vmem_shared>>)
      tpu.yield
    }) : () -> ()
    %add3A_15 = arith.constant 240 : i32
    %add3A_16 = arith.addi %mul3A_8, %add3A_15 : i32
    "tpu.region"() ({
      %run_scoped3A = tpu.sem_alloc : memref<!tpu.dma_semaphore, #tpu.memory_space<semaphore_mem>>
      %dma_start3A_223 = arith.constant 0 : i32
      %dma_start3A_224 = tpu.memref_slice %arg12[%add3A_16, %dma_start3A_223] : memref<10112x128xf32, #tpu.memory_space<vmem_shared>> -> memref<80x128xf32, #tpu.memory_space<vmem_shared>>
      %dma_start3A_225 = arith.constant 0 : i32
      %dma_start3A_226 = tpu.memref_slice %arg12[%add3A_16, %dma_start3A_225] : memref<10112x128xf32, #tpu.memory_space<vmem_shared>> -> memref<80x128xf32, #tpu.memory_space<vmem_shared>>
      tpu.enqueue_dma source(%arg8 : memref<80x128xf32, #tpu.memory_space<vmem>>) target(%dma_start3A_226 : memref<80x128xf32, #tpu.memory_space<vmem_shared>>) target_semaphore(%run_scoped3A : memref<!tpu.dma_semaphore, #tpu.memory_space<semaphore_mem>>)
      %dma_wait3A_227 = arith.constant 0 : i32
      %dma_wait3A_228 = tpu.memref_slice %arg12[%add3A_16, %dma_wait3A_227] : memref<10112x128xf32, #tpu.memory_space<vmem_shared>> -> memref<80x128xf32, #tpu.memory_space<vmem_shared>>
      %dma_wait3A_229 = arith.constant 0 : i32
      %dma_wait3A_230 = tpu.memref_slice %arg12[%add3A_16, %dma_wait3A_229] : memref<10112x128xf32, #tpu.memory_space<vmem_shared>> -> memref<80x128xf32, #tpu.memory_space<vmem_shared>>
      tpu.wait_dma2 semaphore(%run_scoped3A : memref<!tpu.dma_semaphore, #tpu.memory_space<semaphore_mem>>) src(%arg8 : memref<80x128xf32, #tpu.memory_space<vmem>>) dst(%dma_wait3A_230 : memref<80x128xf32, #tpu.memory_space<vmem_shared>>)
      tpu.yield
    }) : () -> ()
    %add3A_17 = arith.constant 320 : i32
    %add3A_18 = arith.addi %mul3A_8, %add3A_17 : i32
    "tpu.region"() ({
      %run_scoped3A = tpu.sem_alloc : memref<!tpu.dma_semaphore, #tpu.memory_space<semaphore_mem>>
      %dma_start3A_223 = arith.constant 0 : i32
      %dma_start3A_224 = tpu.memref_slice %arg12[%add3A_18, %dma_start3A_223] : memref<10112x128xf32, #tpu.memory_space<vmem_shared>> -> memref<80x128xf32, #tpu.memory_space<vmem_shared>>
      %dma_start3A_225 = arith.constant 0 : i32
      %dma_start3A_226 = tpu.memref_slice %arg12[%add3A_18, %dma_start3A_225] : memref<10112x128xf32, #tpu.memory_space<vmem_shared>> -> memref<80x128xf32, #tpu.memory_space<vmem_shared>>
      tpu.enqueue_dma source(%arg8 : memref<80x128xf32, #tpu.memory_space<vmem>>) target(%dma_start3A_226 : memref<80x128xf32, #tpu.memory_space<vmem_shared>>) target_semaphore(%run_scoped3A : memref<!tpu.dma_semaphore, #tpu.memory_space<semaphore_mem>>)
      %dma_wait3A_227 = arith.constant 0 : i32
      %dma_wait3A_228 = tpu.memref_slice %arg12[%add3A_18, %dma_wait3A_227] : memref<10112x128xf32, #tpu.memory_space<vmem_shared>> -> memref<80x128xf32, #tpu.memory_space<vmem_shared>>
      %dma_wait3A_229 = arith.constant 0 : i32
      %dma_wait3A_230 = tpu.memref_slice %arg12[%add3A_18, %dma_wait3A_229] : memref<10112x128xf32, #tpu.memory_space<vmem_shared>> -> memref<80x128xf32, #tpu.memory_space<vmem_shared>>
      tpu.wait_dma2 semaphore(%run_scoped3A : memref<!tpu.dma_semaphore, #tpu.memory_space<semaphore_mem>>) src(%arg8 : memref<80x128xf32, #tpu.memory_space<vmem>>) dst(%dma_wait3A_230 : memref<80x128xf32, #tpu.memory_space<vmem_shared>>)
      tpu.yield
    }) : () -> ()
    %add3A_19 = arith.constant 400 : i32
    %add3A_20 = arith.addi %mul3A_8, %add3A_19 : i32
    "tpu.region"() ({
      %run_scoped3A = tpu.sem_alloc : memref<!tpu.dma_semaphore, #tpu.memory_space<semaphore_mem>>
      %dma_start3A_223 = arith.constant 0 : i32
      %dma_start3A_224 = tpu.memref_slice %arg12[%add3A_20, %dma_start3A_223] : memref<10112x128xf32, #tpu.memory_space<vmem_shared>> -> memref<80x128xf32, #tpu.memory_space<vmem_shared>>
      %dma_start3A_225 = arith.constant 0 : i32
      %dma_start3A_226 = tpu.memref_slice %arg12[%add3A_20, %dma_start3A_225] : memref<10112x128xf32, #tpu.memory_space<vmem_shared>> -> memref<80x128xf32, #tpu.memory_space<vmem_shared>>
      tpu.enqueue_dma source(%arg8 : memref<80x128xf32, #tpu.memory_space<vmem>>) target(%dma_start3A_226 : memref<80x128xf32, #tpu.memory_space<vmem_shared>>) target_semaphore(%run_scoped3A : memref<!tpu.dma_semaphore, #tpu.memory_space<semaphore_mem>>)
      %dma_wait3A_227 = arith.constant 0 : i32
      %dma_wait3A_228 = tpu.memref_slice %arg12[%add3A_20, %dma_wait3A_227] : memref<10112x128xf32, #tpu.memory_space<vmem_shared>> -> memref<80x128xf32, #tpu.memory_space<vmem_shared>>
      %dma_wait3A_229 = arith.constant 0 : i32
      %dma_wait3A_230 = tpu.memref_slice %arg12[%add3A_20, %dma_wait3A_229] : memref<10112x128xf32, #tpu.memory_space<vmem_shared>> -> memref<80x128xf32, #tpu.memory_space<vmem_shared>>
      tpu.wait_dma2 semaphore(%run_scoped3A : memref<!tpu.dma_semaphore, #tpu.memory_space<semaphore_mem>>) src(%arg8 : memref<80x128xf32, #tpu.memory_space<vmem>>) dst(%dma_wait3A_230 : memref<80x128xf32, #tpu.memory_space<vmem_shared>>)
      tpu.yield
    }) : () -> ()
    %add3A_21 = arith.constant 480 : i32
    %add3A_22 = arith.addi %mul3A_8, %add3A_21 : i32
    "tpu.region"() ({
      %run_scoped3A = tpu.sem_alloc : memref<!tpu.dma_semaphore, #tpu.memory_space<semaphore_mem>>
      %dma_start3A_223 = arith.constant 0 : i32
      %dma_start3A_224 = tpu.memref_slice %arg12[%add3A_22, %dma_start3A_223] : memref<10112x128xf32, #tpu.memory_space<vmem_shared>> -> memref<80x128xf32, #tpu.memory_space<vmem_shared>>
      %dma_start3A_225 = arith.constant 0 : i32
      %dma_start3A_226 = tpu.memref_slice %arg12[%add3A_22, %dma_start3A_225] : memref<10112x128xf32, #tpu.memory_space<vmem_shared>> -> memref<80x128xf32, #tpu.memory_space<vmem_shared>>
      tpu.enqueue_dma source(%arg8 : memref<80x128xf32, #tpu.memory_space<vmem>>) target(%dma_start3A_226 : memref<80x128xf32, #tpu.memory_space<vmem_shared>>) target_semaphore(%run_scoped3A : memref<!tpu.dma_semaphore, #tpu.memory_space<semaphore_mem>>)
      %dma_wait3A_227 = arith.constant 0 : i32
      %dma_wait3A_228 = tpu.memref_slice %arg12[%add3A_22, %dma_wait3A_227] : memref<10112x128xf32, #tpu.memory_space<vmem_shared>> -> memref<80x128xf32, #tpu.memory_space<vmem_shared>>
      %dma_wait3A_229 = arith.constant 0 : i32
      %dma_wait3A_230 = tpu.memref_slice %arg12[%add3A_22, %dma_wait3A_229] : memref<10112x128xf32, #tpu.memory_space<vmem_shared>> -> memref<80x128xf32, #tpu.memory_space<vmem_shared>>
      tpu.wait_dma2 semaphore(%run_scoped3A : memref<!tpu.dma_semaphore, #tpu.memory_space<semaphore_mem>>) src(%arg8 : memref<80x128xf32, #tpu.memory_space<vmem>>) dst(%dma_wait3A_230 : memref<80x128xf32, #tpu.memory_space<vmem_shared>>)
      tpu.yield
    }) : () -> ()
    %add3A_23 = arith.constant 560 : i32
    %add3A_24 = arith.addi %mul3A_8, %add3A_23 : i32
    "tpu.region"() ({
      %run_scoped3A = tpu.sem_alloc : memref<!tpu.dma_semaphore, #tpu.memory_space<semaphore_mem>>
      %dma_start3A_223 = arith.constant 0 : i32
      %dma_start3A_224 = arith.constant 0 : i32
      %dma_start3A_225 = tpu.memref_slice %arg8[%dma_start3A_223, %dma_start3A_224] : memref<80x128xf32, #tpu.memory_space<vmem>> -> memref<72x128xf32, #tpu.memory_space<vmem>>
      %dma_start3A_226 = arith.constant 0 : i32
      %dma_start3A_227 = tpu.memref_slice %arg12[%add3A_24, %dma_start3A_226] : memref<10112x128xf32, #tpu.memory_space<vmem_shared>> -> memref<72x128xf32, #tpu.memory_space<vmem_shared>>
      %dma_start3A_228 = arith.constant 0 : i32
      %dma_start3A_229 = tpu.memref_slice %arg12[%add3A_24, %dma_start3A_228] : memref<10112x128xf32, #tpu.memory_space<vmem_shared>> -> memref<72x128xf32, #tpu.memory_space<vmem_shared>>
      %dma_start3A_230 = arith.constant 0 : i32
      %dma_start3A_231 = arith.constant 0 : i32
      %dma_start3A_232 = tpu.memref_slice %arg8[%dma_start3A_230, %dma_start3A_231] : memref<80x128xf32, #tpu.memory_space<vmem>> -> memref<72x128xf32, #tpu.memory_space<vmem>>
      tpu.enqueue_dma source(%dma_start3A_232 : memref<72x128xf32, #tpu.memory_space<vmem>>) target(%dma_start3A_229 : memref<72x128xf32, #tpu.memory_space<vmem_shared>>) target_semaphore(%run_scoped3A : memref<!tpu.dma_semaphore, #tpu.memory_space<semaphore_mem>>)
      %dma_wait3A_233 = arith.constant 0 : i32
      %dma_wait3A_234 = arith.constant 0 : i32
      %dma_wait3A_235 = tpu.memref_slice %arg8[%dma_wait3A_233, %dma_wait3A_234] : memref<80x128xf32, #tpu.memory_space<vmem>> -> memref<72x128xf32, #tpu.memory_space<vmem>>
      %dma_wait3A_236 = arith.constant 0 : i32
      %dma_wait3A_237 = tpu.memref_slice %arg12[%add3A_24, %dma_wait3A_236] : memref<10112x128xf32, #tpu.memory_space<vmem_shared>> -> memref<72x128xf32, #tpu.memory_space<vmem_shared>>
      %dma_wait3A_238 = arith.constant 0 : i32
      %dma_wait3A_239 = tpu.memref_slice %arg12[%add3A_24, %dma_wait3A_238] : memref<10112x128xf32, #tpu.memory_space<vmem_shared>> -> memref<72x128xf32, #tpu.memory_space<vmem_shared>>
      %dma_wait3A_240 = arith.constant 0 : i32
      %dma_wait3A_241 = arith.constant 0 : i32
      %dma_wait3A_242 = tpu.memref_slice %arg8[%dma_wait3A_240, %dma_wait3A_241] : memref<80x128xf32, #tpu.memory_space<vmem>> -> memref<72x128xf32, #tpu.memory_space<vmem>>
      tpu.wait_dma2 semaphore(%run_scoped3A : memref<!tpu.dma_semaphore, #tpu.memory_space<semaphore_mem>>) src(%dma_wait3A_242 : memref<72x128xf32, #tpu.memory_space<vmem>>) dst(%dma_wait3A_239 : memref<72x128xf32, #tpu.memory_space<vmem_shared>>)
      tpu.yield
    }) : () -> ()
    %barrier3A = arith.constant 0 : index
    tpu.barrier barrier_id(%barrier3A)
    "tpu.region"() ({
      %run_scoped3A = tpu.sem_alloc : memref<!tpu.dma_semaphore, #tpu.memory_space<semaphore_mem>>
      %dma_start3A_223 = arith.constant 0 : i32
      %dma_start3A_224 = arith.constant 0 : i32
      %dma_start3A_225 = tpu.memref_slice %arg3[%add3A, %dma_start3A_223, %dma_start3A_224] : memref<32x128x80xi32, #tpu.memory_space<hbm>> -> memref<1x32x80xi32, #tpu.memory_space<hbm>>
      %dma_start3A_226 = tpu.memref_squeeze %dma_start3A_225 : memref<1x32x80xi32, #tpu.memory_space<hbm>> -> memref<32x80xi32, #tpu.memory_space<hbm>>
      %dma_start3A_227 = arith.constant 0 : i32
      %dma_start3A_228 = arith.constant 0 : i32
      %dma_start3A_229 = tpu.memref_slice %arg3[%add3A, %dma_start3A_227, %dma_start3A_228] : memref<32x128x80xi32, #tpu.memory_space<hbm>> -> memref<1x32x80xi32, #tpu.memory_space<hbm>>
      %dma_start3A_230 = tpu.memref_squeeze %dma_start3A_229 : memref<1x32x80xi32, #tpu.memory_space<hbm>> -> memref<32x80xi32, #tpu.memory_space<hbm>>
      tpu.enqueue_dma source(%dma_start3A_230 : memref<32x80xi32, #tpu.memory_space<hbm>>) target(%arg6 : memref<32x80xi32, #tpu.memory_space<vmem>>) target_semaphore(%run_scoped3A : memref<!tpu.dma_semaphore, #tpu.memory_space<semaphore_mem>>)
      %dma_wait3A_231 = arith.constant 0 : i32
      %dma_wait3A_232 = arith.constant 0 : i32
      %dma_wait3A_233 = tpu.memref_slice %arg3[%add3A, %dma_wait3A_231, %dma_wait3A_232] : memref<32x128x80xi32, #tpu.memory_space<hbm>> -> memref<1x32x80xi32, #tpu.memory_space<hbm>>
      %dma_wait3A_234 = tpu.memref_squeeze %dma_wait3A_233 : memref<1x32x80xi32, #tpu.memory_space<hbm>> -> memref<32x80xi32, #tpu.memory_space<hbm>>
      %dma_wait3A_235 = arith.constant 0 : i32
      %dma_wait3A_236 = arith.constant 0 : i32
      %dma_wait3A_237 = tpu.memref_slice %arg3[%add3A, %dma_wait3A_235, %dma_wait3A_236] : memref<32x128x80xi32, #tpu.memory_space<hbm>> -> memref<1x32x80xi32, #tpu.memory_space<hbm>>
      %dma_wait3A_238 = tpu.memref_squeeze %dma_wait3A_237 : memref<1x32x80xi32, #tpu.memory_space<hbm>> -> memref<32x80xi32, #tpu.memory_space<hbm>>
      tpu.wait_dma2 semaphore(%run_scoped3A : memref<!tpu.dma_semaphore, #tpu.memory_space<semaphore_mem>>) src(%dma_wait3A_238 : memref<32x80xi32, #tpu.memory_space<hbm>>) dst(%arg6 : memref<32x80xi32, #tpu.memory_space<vmem>>)
      tpu.yield
    }) : () -> ()
    "tpu.region"() ({
      %run_scoped3A = tpu.sem_alloc : memref<!tpu.dma_semaphore, #tpu.memory_space<semaphore_mem>>
      %dma_start3A_223 = arith.constant 0 : i32
      %dma_start3A_224 = arith.constant 0 : i32
      %dma_start3A_225 = tpu.memref_slice %arg4[%arg1, %dma_start3A_223, %dma_start3A_224] : memref<16x128x80xi32, #tpu.memory_space<hbm>> -> memref<1x32x80xi32, #tpu.memory_space<hbm>>
      %dma_start3A_226 = tpu.memref_squeeze %dma_start3A_225 : memref<1x32x80xi32, #tpu.memory_space<hbm>> -> memref<32x80xi32, #tpu.memory_space<hbm>>
      %dma_start3A_227 = arith.constant 0 : i32
      %dma_start3A_228 = arith.constant 0 : i32
      %dma_start3A_229 = tpu.memref_slice %arg4[%arg1, %dma_start3A_227, %dma_start3A_228] : memref<16x128x80xi32, #tpu.memory_space<hbm>> -> memref<1x32x80xi32, #tpu.memory_space<hbm>>
      %dma_start3A_230 = tpu.memref_squeeze %dma_start3A_229 : memref<1x32x80xi32, #tpu.memory_space<hbm>> -> memref<32x80xi32, #tpu.memory_space<hbm>>
      tpu.enqueue_dma source(%dma_start3A_230 : memref<32x80xi32, #tpu.memory_space<hbm>>) target(%arg7 : memref<32x80xi32, #tpu.memory_space<vmem>>) target_semaphore(%run_scoped3A : memref<!tpu.dma_semaphore, #tpu.memory_space<semaphore_mem>>)
      %dma_wait3A_231 = arith.constant 0 : i32
      %dma_wait3A_232 = arith.constant 0 : i32
      %dma_wait3A_233 = tpu.memref_slice %arg4[%arg1, %dma_wait3A_231, %dma_wait3A_232] : memref<16x128x80xi32, #tpu.memory_space<hbm>> -> memref<1x32x80xi32, #tpu.memory_space<hbm>>
      %dma_wait3A_234 = tpu.memref_squeeze %dma_wait3A_233 : memref<1x32x80xi32, #tpu.memory_space<hbm>> -> memref<32x80xi32, #tpu.memory_space<hbm>>
      %dma_wait3A_235 = arith.constant 0 : i32
      %dma_wait3A_236 = arith.constant 0 : i32
      %dma_wait3A_237 = tpu.memref_slice %arg4[%arg1, %dma_wait3A_235, %dma_wait3A_236] : memref<16x128x80xi32, #tpu.memory_space<hbm>> -> memref<1x32x80xi32, #tpu.memory_space<hbm>>
      %dma_wait3A_238 = tpu.memref_squeeze %dma_wait3A_237 : memref<1x32x80xi32, #tpu.memory_space<hbm>> -> memref<32x80xi32, #tpu.memory_space<hbm>>
      tpu.wait_dma2 semaphore(%run_scoped3A : memref<!tpu.dma_semaphore, #tpu.memory_space<semaphore_mem>>) src(%dma_wait3A_238 : memref<32x80xi32, #tpu.memory_space<hbm>>) dst(%arg7 : memref<32x80xi32, #tpu.memory_space<vmem>>)
      tpu.yield
    }) : () -> ()
    %dma_start3A = arith.constant 0 : i32
    %dma_start3A_25 = arith.constant 0 : i32
    %dma_start3A_26 = tpu.memref_slice %arg6[%dma_start3A, %dma_start3A_25] : memref<32x80xi32, #tpu.memory_space<vmem>> -> memref<1x80xi32, #tpu.memory_space<vmem>>
    %dma_start3A_27 = tpu.memref_squeeze %dma_start3A_26 : memref<1x80xi32, #tpu.memory_space<vmem>> -> memref<80xi32, #tpu.memory_space<vmem>>
    %dma_start3A_28 = arith.constant 0 : i32
    %dma_start3A_29 = arith.constant 0 : i32
    %dma_start3A_30 = tpu.memref_slice %arg2[%dma_start3A_28, %dma_start3A_29] : memref<20000x128xf32, #tpu.memory_space<hbm>> -> memref<20000x128xf32, #tpu.memory_space<hbm>>
    tpu.enqueue_indirect_dma source(%dma_start3A_30 : memref<20000x128xf32, #tpu.memory_space<hbm>>) target(%arg8 : memref<80x128xf32, #tpu.memory_space<vmem>>) offsets(%dma_start3A_27 : memref<80xi32, #tpu.memory_space<vmem>>) semaphore(%arg13 : memref<!tpu.dma_semaphore, #tpu.memory_space<semaphore_mem>>)
    %dma_start3A_31 = arith.constant 1 : i32
    %dma_start3A_32 = arith.constant 0 : i32
    %dma_start3A_33 = tpu.memref_slice %arg6[%dma_start3A_31, %dma_start3A_32] : memref<32x80xi32, #tpu.memory_space<vmem>> -> memref<1x80xi32, #tpu.memory_space<vmem>>
    %dma_start3A_34 = tpu.memref_squeeze %dma_start3A_33 : memref<1x80xi32, #tpu.memory_space<vmem>> -> memref<80xi32, #tpu.memory_space<vmem>>
    %dma_start3A_35 = arith.constant 0 : i32
    %dma_start3A_36 = arith.constant 0 : i32
    %dma_start3A_37 = tpu.memref_slice %arg2[%dma_start3A_35, %dma_start3A_36] : memref<20000x128xf32, #tpu.memory_space<hbm>> -> memref<20000x128xf32, #tpu.memory_space<hbm>>
    tpu.enqueue_indirect_dma source(%dma_start3A_37 : memref<20000x128xf32, #tpu.memory_space<hbm>>) target(%arg9 : memref<80x128xf32, #tpu.memory_space<vmem>>) offsets(%dma_start3A_34 : memref<80xi32, #tpu.memory_space<vmem>>) semaphore(%arg14 : memref<!tpu.dma_semaphore, #tpu.memory_space<semaphore_mem>>)
    %scan3A_38 = arith.constant 0 : i32
    %scan3A_39 = arith.constant 0 : i32
    %scan3A_40 = arith.constant 8 : i32
    %scan3A_41 = arith.addi %scan3A_39, %scan3A_40 : i32
    %scan3A_42 = arith.constant 1 : i32
    %scan3A_43 = scf.for %scan3A_223 = %scan3A_39 to %scan3A_41 step %scan3A_42 iter_args(%scan3A_224 = %scan3A_38) -> (i32)  : i32 {
      %mul3A_225 = arith.constant 4 : i32
      %mul3A_226 = arith.muli %scan3A_223, %mul3A_225 : i32
      %add3A_227 = arith.constant 0 : i32
      %add3A_228 = arith.addi %mul3A_226, %add3A_227 : i32
      %dma_wait3A_229 = arith.constant 0 : i32
      %dma_wait3A_230 = arith.constant 0 : i32
      %dma_wait3A_231 = tpu.memref_slice %arg6[%dma_wait3A_229, %dma_wait3A_230] : memref<32x80xi32, #tpu.memory_space<vmem>> -> memref<1x80xi32, #tpu.memory_space<vmem>>
      %dma_wait3A_232 = tpu.memref_squeeze %dma_wait3A_231 : memref<1x80xi32, #tpu.memory_space<vmem>> -> memref<80xi32, #tpu.memory_space<vmem>>
      %dma_wait3A_233 = arith.constant 0 : i32
      %dma_wait3A_234 = arith.constant 0 : i32
      %dma_wait3A_235 = tpu.memref_slice %arg2[%dma_wait3A_233, %dma_wait3A_234] : memref<20000x128xf32, #tpu.memory_space<hbm>> -> memref<20000x128xf32, #tpu.memory_space<hbm>>
      tpu.wait_indirect_dma semaphore(%arg13 : memref<!tpu.dma_semaphore, #tpu.memory_space<semaphore_mem>>) src(%dma_wait3A_235 : memref<20000x128xf32, #tpu.memory_space<hbm>>) dst(%arg8 : memref<80x128xf32, #tpu.memory_space<vmem>>)
      %dma_start3A_236 = arith.constant 0 : i32
      %dma_start3A_237 = tpu.memref_slice %arg7[%add3A_228, %dma_start3A_236] : memref<32x80xi32, #tpu.memory_space<vmem>> -> memref<1x80xi32, #tpu.memory_space<vmem>>
      %dma_start3A_238 = tpu.memref_squeeze %dma_start3A_237 : memref<1x80xi32, #tpu.memory_space<vmem>> -> memref<80xi32, #tpu.memory_space<vmem>>
      %dma_start3A_239 = arith.constant 0 : i32
      %dma_start3A_240 = arith.constant 0 : i32
      %dma_start3A_241 = tpu.memref_slice %arg12[%dma_start3A_239, %dma_start3A_240] : memref<10112x128xf32, #tpu.memory_space<vmem_shared>> -> memref<10112x128xf32, #tpu.memory_space<vmem_shared>>
      tpu.enqueue_indirect_dma source(%arg8 : memref<80x128xf32, #tpu.memory_space<vmem>>) target(%dma_start3A_241 : memref<10112x128xf32, #tpu.memory_space<vmem_shared>>) offsets(%dma_start3A_238 : memref<80xi32, #tpu.memory_space<vmem>>) semaphore(%arg17 : memref<!tpu.dma_semaphore, #tpu.memory_space<semaphore_mem>>) {add = true}
      %add3A_242 = arith.constant 2 : i32
      %add3A_243 = arith.addi %add3A_228, %add3A_242 : i32
      %lt3A = arith.constant 32 : i32
      %lt3A_244 = arith.cmpi slt, %add3A_243, %lt3A : i32
      %convert_element_type3A = arith.extui %lt3A_244 : i1 to i32
      %cond3A = arith.constant 0 : i32
      %cond3A_245 = arith.cmpi ne, %convert_element_type3A, %cond3A : i32
      scf.if %cond3A_245 {
        %ge3A = arith.constant 2 : i32
        %ge3A_319 = arith.cmpi sge, %add3A_228, %ge3A : i32
        %convert_element_type3A_320 = arith.extui %ge3A_319 : i1 to i32
        %cond3A_321 = arith.constant 0 : i32
        %cond3A_322 = arith.cmpi ne, %convert_element_type3A_320, %cond3A_321 : i32
        scf.if %cond3A_322 {
          %dma_wait3A_331 = arith.constant 0 : i32
          %dma_wait3A_332 = arith.constant 0 : i32
          %dma_wait3A_333 = tpu.memref_slice %arg7[%dma_wait3A_331, %dma_wait3A_332] : memref<32x80xi32, #tpu.memory_space<vmem>> -> memref<1x80xi32, #tpu.memory_space<vmem>>
          %dma_wait3A_334 = tpu.memref_squeeze %dma_wait3A_333 : memref<1x80xi32, #tpu.memory_space<vmem>> -> memref<80xi32, #tpu.memory_space<vmem>>
          %dma_wait3A_335 = arith.constant 0 : i32
          %dma_wait3A_336 = arith.constant 0 : i32
          %dma_wait3A_337 = tpu.memref_slice %arg12[%dma_wait3A_335, %dma_wait3A_336] : memref<10112x128xf32, #tpu.memory_space<vmem_shared>> -> memref<10112x128xf32, #tpu.memory_space<vmem_shared>>
          tpu.wait_indirect_dma semaphore(%arg19 : memref<!tpu.dma_semaphore, #tpu.memory_space<semaphore_mem>>) src(%arg10 : memref<80x128xf32, #tpu.memory_space<vmem>>) dst(%dma_wait3A_337 : memref<10112x128xf32, #tpu.memory_space<vmem_shared>>)
        } else {
        }
        %add3A_323 = arith.constant 2 : i32
        %add3A_324 = arith.addi %add3A_228, %add3A_323 : i32
        %dma_start3A_325 = arith.constant 0 : i32
        %dma_start3A_326 = tpu.memref_slice %arg6[%add3A_324, %dma_start3A_325] : memref<32x80xi32, #tpu.memory_space<vmem>> -> memref<1x80xi32, #tpu.memory_space<vmem>>
        %dma_start3A_327 = tpu.memref_squeeze %dma_start3A_326 : memref<1x80xi32, #tpu.memory_space<vmem>> -> memref<80xi32, #tpu.memory_space<vmem>>
        %dma_start3A_328 = arith.constant 0 : i32
        %dma_start3A_329 = arith.constant 0 : i32
        %dma_start3A_330 = tpu.memref_slice %arg2[%dma_start3A_328, %dma_start3A_329] : memref<20000x128xf32, #tpu.memory_space<hbm>> -> memref<20000x128xf32, #tpu.memory_space<hbm>>
        tpu.enqueue_indirect_dma source(%dma_start3A_330 : memref<20000x128xf32, #tpu.memory_space<hbm>>) target(%arg10 : memref<80x128xf32, #tpu.memory_space<vmem>>) offsets(%dma_start3A_327 : memref<80xi32, #tpu.memory_space<vmem>>) semaphore(%arg15 : memref<!tpu.dma_semaphore, #tpu.memory_space<semaphore_mem>>)
      } else {
      }
      %mul3A_246 = arith.constant 4 : i32
      %mul3A_247 = arith.muli %scan3A_223, %mul3A_246 : i32
      %add3A_248 = arith.constant 1 : i32
      %add3A_249 = arith.addi %mul3A_247, %add3A_248 : i32
      %dma_wait3A_250 = arith.constant 0 : i32
      %dma_wait3A_251 = arith.constant 0 : i32
      %dma_wait3A_252 = tpu.memref_slice %arg6[%dma_wait3A_250, %dma_wait3A_251] : memref<32x80xi32, #tpu.memory_space<vmem>> -> memref<1x80xi32, #tpu.memory_space<vmem>>
      %dma_wait3A_253 = tpu.memref_squeeze %dma_wait3A_252 : memref<1x80xi32, #tpu.memory_space<vmem>> -> memref<80xi32, #tpu.memory_space<vmem>>
      %dma_wait3A_254 = arith.constant 0 : i32
      %dma_wait3A_255 = arith.constant 0 : i32
      %dma_wait3A_256 = tpu.memref_slice %arg2[%dma_wait3A_254, %dma_wait3A_255] : memref<20000x128xf32, #tpu.memory_space<hbm>> -> memref<20000x128xf32, #tpu.memory_space<hbm>>
      tpu.wait_indirect_dma semaphore(%arg14 : memref<!tpu.dma_semaphore, #tpu.memory_space<semaphore_mem>>) src(%dma_wait3A_256 : memref<20000x128xf32, #tpu.memory_space<hbm>>) dst(%arg9 : memref<80x128xf32, #tpu.memory_space<vmem>>)
      %dma_start3A_257 = arith.constant 0 : i32
      %dma_start3A_258 = tpu.memref_slice %arg7[%add3A_249, %dma_start3A_257] : memref<32x80xi32, #tpu.memory_space<vmem>> -> memref<1x80xi32, #tpu.memory_space<vmem>>
      %dma_start3A_259 = tpu.memref_squeeze %dma_start3A_258 : memref<1x80xi32, #tpu.memory_space<vmem>> -> memref<80xi32, #tpu.memory_space<vmem>>
      %dma_start3A_260 = arith.constant 0 : i32
      %dma_start3A_261 = arith.constant 0 : i32
      %dma_start3A_262 = tpu.memref_slice %arg12[%dma_start3A_260, %dma_start3A_261] : memref<10112x128xf32, #tpu.memory_space<vmem_shared>> -> memref<10112x128xf32, #tpu.memory_space<vmem_shared>>
      tpu.enqueue_indirect_dma source(%arg9 : memref<80x128xf32, #tpu.memory_space<vmem>>) target(%dma_start3A_262 : memref<10112x128xf32, #tpu.memory_space<vmem_shared>>) offsets(%dma_start3A_259 : memref<80xi32, #tpu.memory_space<vmem>>) semaphore(%arg18 : memref<!tpu.dma_semaphore, #tpu.memory_space<semaphore_mem>>) {add = true}
      %add3A_263 = arith.constant 2 : i32
      %add3A_264 = arith.addi %add3A_249, %add3A_263 : i32
      %lt3A_265 = arith.constant 32 : i32
      %lt3A_266 = arith.cmpi slt, %add3A_264, %lt3A_265 : i32
      %convert_element_type3A_267 = arith.extui %lt3A_266 : i1 to i32
      %cond3A_268 = arith.constant 0 : i32
      %cond3A_269 = arith.cmpi ne, %convert_element_type3A_267, %cond3A_268 : i32
      scf.if %cond3A_269 {
        %ge3A = arith.constant 2 : i32
        %ge3A_319 = arith.cmpi sge, %add3A_249, %ge3A : i32
        %convert_element_type3A_320 = arith.extui %ge3A_319 : i1 to i32
        %cond3A_321 = arith.constant 0 : i32
        %cond3A_322 = arith.cmpi ne, %convert_element_type3A_320, %cond3A_321 : i32
        scf.if %cond3A_322 {
          %dma_wait3A_331 = arith.constant 0 : i32
          %dma_wait3A_332 = arith.constant 0 : i32
          %dma_wait3A_333 = tpu.memref_slice %arg7[%dma_wait3A_331, %dma_wait3A_332] : memref<32x80xi32, #tpu.memory_space<vmem>> -> memref<1x80xi32, #tpu.memory_space<vmem>>
          %dma_wait3A_334 = tpu.memref_squeeze %dma_wait3A_333 : memref<1x80xi32, #tpu.memory_space<vmem>> -> memref<80xi32, #tpu.memory_space<vmem>>
          %dma_wait3A_335 = arith.constant 0 : i32
          %dma_wait3A_336 = arith.constant 0 : i32
          %dma_wait3A_337 = tpu.memref_slice %arg12[%dma_wait3A_335, %dma_wait3A_336] : memref<10112x128xf32, #tpu.memory_space<vmem_shared>> -> memref<10112x128xf32, #tpu.memory_space<vmem_shared>>
          tpu.wait_indirect_dma semaphore(%arg20 : memref<!tpu.dma_semaphore, #tpu.memory_space<semaphore_mem>>) src(%arg11 : memref<80x128xf32, #tpu.memory_space<vmem>>) dst(%dma_wait3A_337 : memref<10112x128xf32, #tpu.memory_space<vmem_shared>>)
        } else {
        }
        %add3A_323 = arith.constant 2 : i32
        %add3A_324 = arith.addi %add3A_249, %add3A_323 : i32
        %dma_start3A_325 = arith.constant 0 : i32
        %dma_start3A_326 = tpu.memref_slice %arg6[%add3A_324, %dma_start3A_325] : memref<32x80xi32, #tpu.memory_space<vmem>> -> memref<1x80xi32, #tpu.memory_space<vmem>>
        %dma_start3A_327 = tpu.memref_squeeze %dma_start3A_326 : memref<1x80xi32, #tpu.memory_space<vmem>> -> memref<80xi32, #tpu.memory_space<vmem>>
        %dma_start3A_328 = arith.constant 0 : i32
        %dma_start3A_329 = arith.constant 0 : i32
        %dma_start3A_330 = tpu.memref_slice %arg2[%dma_start3A_328, %dma_start3A_329] : memref<20000x128xf32, #tpu.memory_space<hbm>> -> memref<20000x128xf32, #tpu.memory_space<hbm>>
        tpu.enqueue_indirect_dma source(%dma_start3A_330 : memref<20000x128xf32, #tpu.memory_space<hbm>>) target(%arg11 : memref<80x128xf32, #tpu.memory_space<vmem>>) offsets(%dma_start3A_327 : memref<80xi32, #tpu.memory_space<vmem>>) semaphore(%arg16 : memref<!tpu.dma_semaphore, #tpu.memory_space<semaphore_mem>>)
      } else {
      }
      %mul3A_270 = arith.constant 4 : i32
      %mul3A_271 = arith.muli %scan3A_223, %mul3A_270 : i32
      %add3A_272 = arith.constant 2 : i32
      %add3A_273 = arith.addi %mul3A_271, %add3A_272 : i32
      %dma_wait3A_274 = arith.constant 0 : i32
      %dma_wait3A_275 = arith.constant 0 : i32
      %dma_wait3A_276 = tpu.memref_slice %arg6[%dma_wait3A_274, %dma_wait3A_275] : memref<32x80xi32, #tpu.memory_space<vmem>> -> memref<1x80xi32, #tpu.memory_space<vmem>>
      %dma_wait3A_277 = tpu.memref_squeeze %dma_wait3A_276 : memref<1x80xi32, #tpu.memory_space<vmem>> -> memref<80xi32, #tpu.memory_space<vmem>>
      %dma_wait3A_278 = arith.constant 0 : i32
      %dma_wait3A_279 = arith.constant 0 : i32
      %dma_wait3A_280 = tpu.memref_slice %arg2[%dma_wait3A_278, %dma_wait3A_279] : memref<20000x128xf32, #tpu.memory_space<hbm>> -> memref<20000x128xf32, #tpu.memory_space<hbm>>
      tpu.wait_indirect_dma semaphore(%arg15 : memref<!tpu.dma_semaphore, #tpu.memory_space<semaphore_mem>>) src(%dma_wait3A_280 : memref<20000x128xf32, #tpu.memory_space<hbm>>) dst(%arg10 : memref<80x128xf32, #tpu.memory_space<vmem>>)
      %dma_start3A_281 = arith.constant 0 : i32
      %dma_start3A_282 = tpu.memref_slice %arg7[%add3A_273, %dma_start3A_281] : memref<32x80xi32, #tpu.memory_space<vmem>> -> memref<1x80xi32, #tpu.memory_space<vmem>>
      %dma_start3A_283 = tpu.memref_squeeze %dma_start3A_282 : memref<1x80xi32, #tpu.memory_space<vmem>> -> memref<80xi32, #tpu.memory_space<vmem>>
      %dma_start3A_284 = arith.constant 0 : i32
      %dma_start3A_285 = arith.constant 0 : i32
      %dma_start3A_286 = tpu.memref_slice %arg12[%dma_start3A_284, %dma_start3A_285] : memref<10112x128xf32, #tpu.memory_space<vmem_shared>> -> memref<10112x128xf32, #tpu.memory_space<vmem_shared>>
      tpu.enqueue_indirect_dma source(%arg10 : memref<80x128xf32, #tpu.memory_space<vmem>>) target(%dma_start3A_286 : memref<10112x128xf32, #tpu.memory_space<vmem_shared>>) offsets(%dma_start3A_283 : memref<80xi32, #tpu.memory_space<vmem>>) semaphore(%arg19 : memref<!tpu.dma_semaphore, #tpu.memory_space<semaphore_mem>>) {add = true}
      %add3A_287 = arith.constant 2 : i32
      %add3A_288 = arith.addi %add3A_273, %add3A_287 : i32
      %lt3A_289 = arith.constant 32 : i32
      %lt3A_290 = arith.cmpi slt, %add3A_288, %lt3A_289 : i32
      %convert_element_type3A_291 = arith.extui %lt3A_290 : i1 to i32
      %cond3A_292 = arith.constant 0 : i32
      %cond3A_293 = arith.cmpi ne, %convert_element_type3A_291, %cond3A_292 : i32
      scf.if %cond3A_293 {
        %ge3A = arith.constant 2 : i32
        %ge3A_319 = arith.cmpi sge, %add3A_273, %ge3A : i32
        %convert_element_type3A_320 = arith.extui %ge3A_319 : i1 to i32
        %cond3A_321 = arith.constant 0 : i32
        %cond3A_322 = arith.cmpi ne, %convert_element_type3A_320, %cond3A_321 : i32
        scf.if %cond3A_322 {
          %dma_wait3A_331 = arith.constant 0 : i32
          %dma_wait3A_332 = arith.constant 0 : i32
          %dma_wait3A_333 = tpu.memref_slice %arg7[%dma_wait3A_331, %dma_wait3A_332] : memref<32x80xi32, #tpu.memory_space<vmem>> -> memref<1x80xi32, #tpu.memory_space<vmem>>
          %dma_wait3A_334 = tpu.memref_squeeze %dma_wait3A_333 : memref<1x80xi32, #tpu.memory_space<vmem>> -> memref<80xi32, #tpu.memory_space<vmem>>
          %dma_wait3A_335 = arith.constant 0 : i32
          %dma_wait3A_336 = arith.constant 0 : i32
          %dma_wait3A_337 = tpu.memref_slice %arg12[%dma_wait3A_335, %dma_wait3A_336] : memref<10112x128xf32, #tpu.memory_space<vmem_shared>> -> memref<10112x128xf32, #tpu.memory_space<vmem_shared>>
          tpu.wait_indirect_dma semaphore(%arg17 : memref<!tpu.dma_semaphore, #tpu.memory_space<semaphore_mem>>) src(%arg8 : memref<80x128xf32, #tpu.memory_space<vmem>>) dst(%dma_wait3A_337 : memref<10112x128xf32, #tpu.memory_space<vmem_shared>>)
        } else {
        }
        %add3A_323 = arith.constant 2 : i32
        %add3A_324 = arith.addi %add3A_273, %add3A_323 : i32
        %dma_start3A_325 = arith.constant 0 : i32
        %dma_start3A_326 = tpu.memref_slice %arg6[%add3A_324, %dma_start3A_325] : memref<32x80xi32, #tpu.memory_space<vmem>> -> memref<1x80xi32, #tpu.memory_space<vmem>>
        %dma_start3A_327 = tpu.memref_squeeze %dma_start3A_326 : memref<1x80xi32, #tpu.memory_space<vmem>> -> memref<80xi32, #tpu.memory_space<vmem>>
        %dma_start3A_328 = arith.constant 0 : i32
        %dma_start3A_329 = arith.constant 0 : i32
        %dma_start3A_330 = tpu.memref_slice %arg2[%dma_start3A_328, %dma_start3A_329] : memref<20000x128xf32, #tpu.memory_space<hbm>> -> memref<20000x128xf32, #tpu.memory_space<hbm>>
        tpu.enqueue_indirect_dma source(%dma_start3A_330 : memref<20000x128xf32, #tpu.memory_space<hbm>>) target(%arg8 : memref<80x128xf32, #tpu.memory_space<vmem>>) offsets(%dma_start3A_327 : memref<80xi32, #tpu.memory_space<vmem>>) semaphore(%arg13 : memref<!tpu.dma_semaphore, #tpu.memory_space<semaphore_mem>>)
      } else {
      }
      %mul3A_294 = arith.constant 4 : i32
      %mul3A_295 = arith.muli %scan3A_223, %mul3A_294 : i32
      %add3A_296 = arith.constant 3 : i32
      %add3A_297 = arith.addi %mul3A_295, %add3A_296 : i32
      %dma_wait3A_298 = arith.constant 0 : i32
      %dma_wait3A_299 = arith.constant 0 : i32
      %dma_wait3A_300 = tpu.memref_slice %arg6[%dma_wait3A_298, %dma_wait3A_299] : memref<32x80xi32, #tpu.memory_space<vmem>> -> memref<1x80xi32, #tpu.memory_space<vmem>>
      %dma_wait3A_301 = tpu.memref_squeeze %dma_wait3A_300 : memref<1x80xi32, #tpu.memory_space<vmem>> -> memref<80xi32, #tpu.memory_space<vmem>>
      %dma_wait3A_302 = arith.constant 0 : i32
      %dma_wait3A_303 = arith.constant 0 : i32
      %dma_wait3A_304 = tpu.memref_slice %arg2[%dma_wait3A_302, %dma_wait3A_303] : memref<20000x128xf32, #tpu.memory_space<hbm>> -> memref<20000x128xf32, #tpu.memory_space<hbm>>
      tpu.wait_indirect_dma semaphore(%arg16 : memref<!tpu.dma_semaphore, #tpu.memory_space<semaphore_mem>>) src(%dma_wait3A_304 : memref<20000x128xf32, #tpu.memory_space<hbm>>) dst(%arg11 : memref<80x128xf32, #tpu.memory_space<vmem>>)
      %dma_start3A_305 = arith.constant 0 : i32
      %dma_start3A_306 = tpu.memref_slice %arg7[%add3A_297, %dma_start3A_305] : memref<32x80xi32, #tpu.memory_space<vmem>> -> memref<1x80xi32, #tpu.memory_space<vmem>>
      %dma_start3A_307 = tpu.memref_squeeze %dma_start3A_306 : memref<1x80xi32, #tpu.memory_space<vmem>> -> memref<80xi32, #tpu.memory_space<vmem>>
      %dma_start3A_308 = arith.constant 0 : i32
      %dma_start3A_309 = arith.constant 0 : i32
      %dma_start3A_310 = tpu.memref_slice %arg12[%dma_start3A_308, %dma_start3A_309] : memref<10112x128xf32, #tpu.memory_space<vmem_shared>> -> memref<10112x128xf32, #tpu.memory_space<vmem_shared>>
      tpu.enqueue_indirect_dma source(%arg11 : memref<80x128xf32, #tpu.memory_space<vmem>>) target(%dma_start3A_310 : memref<10112x128xf32, #tpu.memory_space<vmem_shared>>) offsets(%dma_start3A_307 : memref<80xi32, #tpu.memory_space<vmem>>) semaphore(%arg20 : memref<!tpu.dma_semaphore, #tpu.memory_space<semaphore_mem>>) {add = true}
      %add3A_311 = arith.constant 2 : i32
      %add3A_312 = arith.addi %add3A_297, %add3A_311 : i32
      %lt3A_313 = arith.constant 32 : i32
      %lt3A_314 = arith.cmpi slt, %add3A_312, %lt3A_313 : i32
      %convert_element_type3A_315 = arith.extui %lt3A_314 : i1 to i32
      %cond3A_316 = arith.constant 0 : i32
      %cond3A_317 = arith.cmpi ne, %convert_element_type3A_315, %cond3A_316 : i32
      scf.if %cond3A_317 {
        %ge3A = arith.constant 2 : i32
        %ge3A_319 = arith.cmpi sge, %add3A_297, %ge3A : i32
        %convert_element_type3A_320 = arith.extui %ge3A_319 : i1 to i32
        %cond3A_321 = arith.constant 0 : i32
        %cond3A_322 = arith.cmpi ne, %convert_element_type3A_320, %cond3A_321 : i32
        scf.if %cond3A_322 {
          %dma_wait3A_331 = arith.constant 0 : i32
          %dma_wait3A_332 = arith.constant 0 : i32
          %dma_wait3A_333 = tpu.memref_slice %arg7[%dma_wait3A_331, %dma_wait3A_332] : memref<32x80xi32, #tpu.memory_space<vmem>> -> memref<1x80xi32, #tpu.memory_space<vmem>>
          %dma_wait3A_334 = tpu.memref_squeeze %dma_wait3A_333 : memref<1x80xi32, #tpu.memory_space<vmem>> -> memref<80xi32, #tpu.memory_space<vmem>>
          %dma_wait3A_335 = arith.constant 0 : i32
          %dma_wait3A_336 = arith.constant 0 : i32
          %dma_wait3A_337 = tpu.memref_slice %arg12[%dma_wait3A_335, %dma_wait3A_336] : memref<10112x128xf32, #tpu.memory_space<vmem_shared>> -> memref<10112x128xf32, #tpu.memory_space<vmem_shared>>
          tpu.wait_indirect_dma semaphore(%arg18 : memref<!tpu.dma_semaphore, #tpu.memory_space<semaphore_mem>>) src(%arg9 : memref<80x128xf32, #tpu.memory_space<vmem>>) dst(%dma_wait3A_337 : memref<10112x128xf32, #tpu.memory_space<vmem_shared>>)
        } else {
        }
        %add3A_323 = arith.constant 2 : i32
        %add3A_324 = arith.addi %add3A_297, %add3A_323 : i32
        %dma_start3A_325 = arith.constant 0 : i32
        %dma_start3A_326 = tpu.memref_slice %arg6[%add3A_324, %dma_start3A_325] : memref<32x80xi32, #tpu.memory_space<vmem>> -> memref<1x80xi32, #tpu.memory_space<vmem>>
        %dma_start3A_327 = tpu.memref_squeeze %dma_start3A_326 : memref<1x80xi32, #tpu.memory_space<vmem>> -> memref<80xi32, #tpu.memory_space<vmem>>
        %dma_start3A_328 = arith.constant 0 : i32
        %dma_start3A_329 = arith.constant 0 : i32
        %dma_start3A_330 = tpu.memref_slice %arg2[%dma_start3A_328, %dma_start3A_329] : memref<20000x128xf32, #tpu.memory_space<hbm>> -> memref<20000x128xf32, #tpu.memory_space<hbm>>
        tpu.enqueue_indirect_dma source(%dma_start3A_330 : memref<20000x128xf32, #tpu.memory_space<hbm>>) target(%arg9 : memref<80x128xf32, #tpu.memory_space<vmem>>) offsets(%dma_start3A_327 : memref<80xi32, #tpu.memory_space<vmem>>) semaphore(%arg14 : memref<!tpu.dma_semaphore, #tpu.memory_space<semaphore_mem>>)
      } else {
      }
      %scan3A_318 = arith.constant 0 : i32
      scf.yield %scan3A_318 : i32
    }
    %scan3A_44 = arith.constant 8 : i32
    %dma_wait3A = arith.constant 0 : i32
    %dma_wait3A_45 = arith.constant 0 : i32
    %dma_wait3A_46 = tpu.memref_slice %arg7[%dma_wait3A, %dma_wait3A_45] : memref<32x80xi32, #tpu.memory_space<vmem>> -> memref<1x80xi32, #tpu.memory_space<vmem>>
    %dma_wait3A_47 = tpu.memref_squeeze %dma_wait3A_46 : memref<1x80xi32, #tpu.memory_space<vmem>> -> memref<80xi32, #tpu.memory_space<vmem>>
    %dma_wait3A_48 = arith.constant 0 : i32
    %dma_wait3A_49 = arith.constant 0 : i32
    %dma_wait3A_50 = tpu.memref_slice %arg12[%dma_wait3A_48, %dma_wait3A_49] : memref<10112x128xf32, #tpu.memory_space<vmem_shared>> -> memref<10112x128xf32, #tpu.memory_space<vmem_shared>>
    tpu.wait_indirect_dma semaphore(%arg17 : memref<!tpu.dma_semaphore, #tpu.memory_space<semaphore_mem>>) src(%arg8 : memref<80x128xf32, #tpu.memory_space<vmem>>) dst(%dma_wait3A_50 : memref<10112x128xf32, #tpu.memory_space<vmem_shared>>)
    %dma_wait3A_51 = arith.constant 0 : i32
    %dma_wait3A_52 = arith.constant 0 : i32
    %dma_wait3A_53 = tpu.memref_slice %arg7[%dma_wait3A_51, %dma_wait3A_52] : memref<32x80xi32, #tpu.memory_space<vmem>> -> memref<1x80xi32, #tpu.memory_space<vmem>>
    %dma_wait3A_54 = tpu.memref_squeeze %dma_wait3A_53 : memref<1x80xi32, #tpu.memory_space<vmem>> -> memref<80xi32, #tpu.memory_space<vmem>>
    %dma_wait3A_55 = arith.constant 0 : i32
    %dma_wait3A_56 = arith.constant 0 : i32
    %dma_wait3A_57 = tpu.memref_slice %arg12[%dma_wait3A_55, %dma_wait3A_56] : memref<10112x128xf32, #tpu.memory_space<vmem_shared>> -> memref<10112x128xf32, #tpu.memory_space<vmem_shared>>
    tpu.wait_indirect_dma semaphore(%arg18 : memref<!tpu.dma_semaphore, #tpu.memory_space<semaphore_mem>>) src(%arg9 : memref<80x128xf32, #tpu.memory_space<vmem>>) dst(%dma_wait3A_57 : memref<10112x128xf32, #tpu.memory_space<vmem_shared>>)
    %dma_wait3A_58 = arith.constant 0 : i32
    %dma_wait3A_59 = arith.constant 0 : i32
    %dma_wait3A_60 = tpu.memref_slice %arg7[%dma_wait3A_58, %dma_wait3A_59] : memref<32x80xi32, #tpu.memory_space<vmem>> -> memref<1x80xi32, #tpu.memory_space<vmem>>
    %dma_wait3A_61 = tpu.memref_squeeze %dma_wait3A_60 : memref<1x80xi32, #tpu.memory_space<vmem>> -> memref<80xi32, #tpu.memory_space<vmem>>
    %dma_wait3A_62 = arith.constant 0 : i32
    %dma_wait3A_63 = arith.constant 0 : i32
    %dma_wait3A_64 = tpu.memref_slice %arg12[%dma_wait3A_62, %dma_wait3A_63] : memref<10112x128xf32, #tpu.memory_space<vmem_shared>> -> memref<10112x128xf32, #tpu.memory_space<vmem_shared>>
    tpu.wait_indirect_dma semaphore(%arg19 : memref<!tpu.dma_semaphore, #tpu.memory_space<semaphore_mem>>) src(%arg10 : memref<80x128xf32, #tpu.memory_space<vmem>>) dst(%dma_wait3A_64 : memref<10112x128xf32, #tpu.memory_space<vmem_shared>>)
    %dma_wait3A_65 = arith.constant 0 : i32
    %dma_wait3A_66 = arith.constant 0 : i32
    %dma_wait3A_67 = tpu.memref_slice %arg7[%dma_wait3A_65, %dma_wait3A_66] : memref<32x80xi32, #tpu.memory_space<vmem>> -> memref<1x80xi32, #tpu.memory_space<vmem>>
    %dma_wait3A_68 = tpu.memref_squeeze %dma_wait3A_67 : memref<1x80xi32, #tpu.memory_space<vmem>> -> memref<80xi32, #tpu.memory_space<vmem>>
    %dma_wait3A_69 = arith.constant 0 : i32
    %dma_wait3A_70 = arith.constant 0 : i32
    %dma_wait3A_71 = tpu.memref_slice %arg12[%dma_wait3A_69, %dma_wait3A_70] : memref<10112x128xf32, #tpu.memory_space<vmem_shared>> -> memref<10112x128xf32, #tpu.memory_space<vmem_shared>>
    tpu.wait_indirect_dma semaphore(%arg20 : memref<!tpu.dma_semaphore, #tpu.memory_space<semaphore_mem>>) src(%arg11 : memref<80x128xf32, #tpu.memory_space<vmem>>) dst(%dma_wait3A_71 : memref<10112x128xf32, #tpu.memory_space<vmem_shared>>)
    "tpu.region"() ({
      %run_scoped3A = tpu.sem_alloc : memref<!tpu.dma_semaphore, #tpu.memory_space<semaphore_mem>>
      %dma_start3A_223 = arith.constant 32 : i32
      %dma_start3A_224 = arith.constant 0 : i32
      %dma_start3A_225 = tpu.memref_slice %arg3[%add3A, %dma_start3A_223, %dma_start3A_224] : memref<32x128x80xi32, #tpu.memory_space<hbm>> -> memref<1x32x80xi32, #tpu.memory_space<hbm>>
      %dma_start3A_226 = tpu.memref_squeeze %dma_start3A_225 : memref<1x32x80xi32, #tpu.memory_space<hbm>> -> memref<32x80xi32, #tpu.memory_space<hbm>>
      %dma_start3A_227 = arith.constant 32 : i32
      %dma_start3A_228 = arith.constant 0 : i32
      %dma_start3A_229 = tpu.memref_slice %arg3[%add3A, %dma_start3A_227, %dma_start3A_228] : memref<32x128x80xi32, #tpu.memory_space<hbm>> -> memref<1x32x80xi32, #tpu.memory_space<hbm>>
      %dma_start3A_230 = tpu.memref_squeeze %dma_start3A_229 : memref<1x32x80xi32, #tpu.memory_space<hbm>> -> memref<32x80xi32, #tpu.memory_space<hbm>>
      tpu.enqueue_dma source(%dma_start3A_230 : memref<32x80xi32, #tpu.memory_space<hbm>>) target(%arg6 : memref<32x80xi32, #tpu.memory_space<vmem>>) target_semaphore(%run_scoped3A : memref<!tpu.dma_semaphore, #tpu.memory_space<semaphore_mem>>)
      %dma_wait3A_231 = arith.constant 32 : i32
      %dma_wait3A_232 = arith.constant 0 : i32
      %dma_wait3A_233 = tpu.memref_slice %arg3[%add3A, %dma_wait3A_231, %dma_wait3A_232] : memref<32x128x80xi32, #tpu.memory_space<hbm>> -> memref<1x32x80xi32, #tpu.memory_space<hbm>>
      %dma_wait3A_234 = tpu.memref_squeeze %dma_wait3A_233 : memref<1x32x80xi32, #tpu.memory_space<hbm>> -> memref<32x80xi32, #tpu.memory_space<hbm>>
      %dma_wait3A_235 = arith.constant 32 : i32
      %dma_wait3A_236 = arith.constant 0 : i32
      %dma_wait3A_237 = tpu.memref_slice %arg3[%add3A, %dma_wait3A_235, %dma_wait3A_236] : memref<32x128x80xi32, #tpu.memory_space<hbm>> -> memref<1x32x80xi32, #tpu.memory_space<hbm>>
      %dma_wait3A_238 = tpu.memref_squeeze %dma_wait3A_237 : memref<1x32x80xi32, #tpu.memory_space<hbm>> -> memref<32x80xi32, #tpu.memory_space<hbm>>
      tpu.wait_dma2 semaphore(%run_scoped3A : memref<!tpu.dma_semaphore, #tpu.memory_space<semaphore_mem>>) src(%dma_wait3A_238 : memref<32x80xi32, #tpu.memory_space<hbm>>) dst(%arg6 : memref<32x80xi32, #tpu.memory_space<vmem>>)
      tpu.yield
    }) : () -> ()
    "tpu.region"() ({
      %run_scoped3A = tpu.sem_alloc : memref<!tpu.dma_semaphore, #tpu.memory_space<semaphore_mem>>
      %dma_start3A_223 = arith.constant 32 : i32
      %dma_start3A_224 = arith.constant 0 : i32
      %dma_start3A_225 = tpu.memref_slice %arg4[%arg1, %dma_start3A_223, %dma_start3A_224] : memref<16x128x80xi32, #tpu.memory_space<hbm>> -> memref<1x32x80xi32, #tpu.memory_space<hbm>>
      %dma_start3A_226 = tpu.memref_squeeze %dma_start3A_225 : memref<1x32x80xi32, #tpu.memory_space<hbm>> -> memref<32x80xi32, #tpu.memory_space<hbm>>
      %dma_start3A_227 = arith.constant 32 : i32
      %dma_start3A_228 = arith.constant 0 : i32
      %dma_start3A_229 = tpu.memref_slice %arg4[%arg1, %dma_start3A_227, %dma_start3A_228] : memref<16x128x80xi32, #tpu.memory_space<hbm>> -> memref<1x32x80xi32, #tpu.memory_space<hbm>>
      %dma_start3A_230 = tpu.memref_squeeze %dma_start3A_229 : memref<1x32x80xi32, #tpu.memory_space<hbm>> -> memref<32x80xi32, #tpu.memory_space<hbm>>
      tpu.enqueue_dma source(%dma_start3A_230 : memref<32x80xi32, #tpu.memory_space<hbm>>) target(%arg7 : memref<32x80xi32, #tpu.memory_space<vmem>>) target_semaphore(%run_scoped3A : memref<!tpu.dma_semaphore, #tpu.memory_space<semaphore_mem>>)
      %dma_wait3A_231 = arith.constant 32 : i32
      %dma_wait3A_232 = arith.constant 0 : i32
      %dma_wait3A_233 = tpu.memref_slice %arg4[%arg1, %dma_wait3A_231, %dma_wait3A_232] : memref<16x128x80xi32, #tpu.memory_space<hbm>> -> memref<1x32x80xi32, #tpu.memory_space<hbm>>
      %dma_wait3A_234 = tpu.memref_squeeze %dma_wait3A_233 : memref<1x32x80xi32, #tpu.memory_space<hbm>> -> memref<32x80xi32, #tpu.memory_space<hbm>>
      %dma_wait3A_235 = arith.constant 32 : i32
      %dma_wait3A_236 = arith.constant 0 : i32
      %dma_wait3A_237 = tpu.memref_slice %arg4[%arg1, %dma_wait3A_235, %dma_wait3A_236] : memref<16x128x80xi32, #tpu.memory_space<hbm>> -> memref<1x32x80xi32, #tpu.memory_space<hbm>>
      %dma_wait3A_238 = tpu.memref_squeeze %dma_wait3A_237 : memref<1x32x80xi32, #tpu.memory_space<hbm>> -> memref<32x80xi32, #tpu.memory_space<hbm>>
      tpu.wait_dma2 semaphore(%run_scoped3A : memref<!tpu.dma_semaphore, #tpu.memory_space<semaphore_mem>>) src(%dma_wait3A_238 : memref<32x80xi32, #tpu.memory_space<hbm>>) dst(%arg7 : memref<32x80xi32, #tpu.memory_space<vmem>>)
      tpu.yield
    }) : () -> ()
    %dma_start3A_72 = arith.constant 0 : i32
    %dma_start3A_73 = arith.constant 0 : i32
    %dma_start3A_74 = tpu.memref_slice %arg6[%dma_start3A_72, %dma_start3A_73] : memref<32x80xi32, #tpu.memory_space<vmem>> -> memref<1x80xi32, #tpu.memory_space<vmem>>
    %dma_start3A_75 = tpu.memref_squeeze %dma_start3A_74 : memref<1x80xi32, #tpu.memory_space<vmem>> -> memref<80xi32, #tpu.memory_space<vmem>>
    %dma_start3A_76 = arith.constant 0 : i32
    %dma_start3A_77 = arith.constant 0 : i32
    %dma_start3A_78 = tpu.memref_slice %arg2[%dma_start3A_76, %dma_start3A_77] : memref<20000x128xf32, #tpu.memory_space<hbm>> -> memref<20000x128xf32, #tpu.memory_space<hbm>>
    tpu.enqueue_indirect_dma source(%dma_start3A_78 : memref<20000x128xf32, #tpu.memory_space<hbm>>) target(%arg8 : memref<80x128xf32, #tpu.memory_space<vmem>>) offsets(%dma_start3A_75 : memref<80xi32, #tpu.memory_space<vmem>>) semaphore(%arg13 : memref<!tpu.dma_semaphore, #tpu.memory_space<semaphore_mem>>)
    %dma_start3A_79 = arith.constant 1 : i32
    %dma_start3A_80 = arith.constant 0 : i32
    %dma_start3A_81 = tpu.memref_slice %arg6[%dma_start3A_79, %dma_start3A_80] : memref<32x80xi32, #tpu.memory_space<vmem>> -> memref<1x80xi32, #tpu.memory_space<vmem>>
    %dma_start3A_82 = tpu.memref_squeeze %dma_start3A_81 : memref<1x80xi32, #tpu.memory_space<vmem>> -> memref<80xi32, #tpu.memory_space<vmem>>
    %dma_start3A_83 = arith.constant 0 : i32
    %dma_start3A_84 = arith.constant 0 : i32
    %dma_start3A_85 = tpu.memref_slice %arg2[%dma_start3A_83, %dma_start3A_84] : memref<20000x128xf32, #tpu.memory_space<hbm>> -> memref<20000x128xf32, #tpu.memory_space<hbm>>
    tpu.enqueue_indirect_dma source(%dma_start3A_85 : memref<20000x128xf32, #tpu.memory_space<hbm>>) target(%arg9 : memref<80x128xf32, #tpu.memory_space<vmem>>) offsets(%dma_start3A_82 : memref<80xi32, #tpu.memory_space<vmem>>) semaphore(%arg14 : memref<!tpu.dma_semaphore, #tpu.memory_space<semaphore_mem>>)
    %scan3A_86 = arith.constant 0 : i32
    %scan3A_87 = arith.constant 0 : i32
    %scan3A_88 = arith.constant 8 : i32
    %scan3A_89 = arith.addi %scan3A_87, %scan3A_88 : i32
    %scan3A_90 = arith.constant 1 : i32
    %scan3A_91 = scf.for %scan3A_223 = %scan3A_87 to %scan3A_89 step %scan3A_90 iter_args(%scan3A_224 = %scan3A_86) -> (i32)  : i32 {
      %mul3A_225 = arith.constant 4 : i32
      %mul3A_226 = arith.muli %scan3A_223, %mul3A_225 : i32
      %add3A_227 = arith.constant 0 : i32
      %add3A_228 = arith.addi %mul3A_226, %add3A_227 : i32
      %dma_wait3A_229 = arith.constant 0 : i32
      %dma_wait3A_230 = arith.constant 0 : i32
      %dma_wait3A_231 = tpu.memref_slice %arg6[%dma_wait3A_229, %dma_wait3A_230] : memref<32x80xi32, #tpu.memory_space<vmem>> -> memref<1x80xi32, #tpu.memory_space<vmem>>
      %dma_wait3A_232 = tpu.memref_squeeze %dma_wait3A_231 : memref<1x80xi32, #tpu.memory_space<vmem>> -> memref<80xi32, #tpu.memory_space<vmem>>
      %dma_wait3A_233 = arith.constant 0 : i32
      %dma_wait3A_234 = arith.constant 0 : i32
      %dma_wait3A_235 = tpu.memref_slice %arg2[%dma_wait3A_233, %dma_wait3A_234] : memref<20000x128xf32, #tpu.memory_space<hbm>> -> memref<20000x128xf32, #tpu.memory_space<hbm>>
      tpu.wait_indirect_dma semaphore(%arg13 : memref<!tpu.dma_semaphore, #tpu.memory_space<semaphore_mem>>) src(%dma_wait3A_235 : memref<20000x128xf32, #tpu.memory_space<hbm>>) dst(%arg8 : memref<80x128xf32, #tpu.memory_space<vmem>>)
      %dma_start3A_236 = arith.constant 0 : i32
      %dma_start3A_237 = tpu.memref_slice %arg7[%add3A_228, %dma_start3A_236] : memref<32x80xi32, #tpu.memory_space<vmem>> -> memref<1x80xi32, #tpu.memory_space<vmem>>
      %dma_start3A_238 = tpu.memref_squeeze %dma_start3A_237 : memref<1x80xi32, #tpu.memory_space<vmem>> -> memref<80xi32, #tpu.memory_space<vmem>>
      %dma_start3A_239 = arith.constant 0 : i32
      %dma_start3A_240 = arith.constant 0 : i32
      %dma_start3A_241 = tpu.memref_slice %arg12[%dma_start3A_239, %dma_start3A_240] : memref<10112x128xf32, #tpu.memory_space<vmem_shared>> -> memref<10112x128xf32, #tpu.memory_space<vmem_shared>>
      tpu.enqueue_indirect_dma source(%arg8 : memref<80x128xf32, #tpu.memory_space<vmem>>) target(%dma_start3A_241 : memref<10112x128xf32, #tpu.memory_space<vmem_shared>>) offsets(%dma_start3A_238 : memref<80xi32, #tpu.memory_space<vmem>>) semaphore(%arg17 : memref<!tpu.dma_semaphore, #tpu.memory_space<semaphore_mem>>) {add = true}
      %add3A_242 = arith.constant 2 : i32
      %add3A_243 = arith.addi %add3A_228, %add3A_242 : i32
      %lt3A = arith.constant 32 : i32
      %lt3A_244 = arith.cmpi slt, %add3A_243, %lt3A : i32
      %convert_element_type3A = arith.extui %lt3A_244 : i1 to i32
      %cond3A = arith.constant 0 : i32
      %cond3A_245 = arith.cmpi ne, %convert_element_type3A, %cond3A : i32
      scf.if %cond3A_245 {
        %ge3A = arith.constant 2 : i32
        %ge3A_319 = arith.cmpi sge, %add3A_228, %ge3A : i32
        %convert_element_type3A_320 = arith.extui %ge3A_319 : i1 to i32
        %cond3A_321 = arith.constant 0 : i32
        %cond3A_322 = arith.cmpi ne, %convert_element_type3A_320, %cond3A_321 : i32
        scf.if %cond3A_322 {
          %dma_wait3A_331 = arith.constant 0 : i32
          %dma_wait3A_332 = arith.constant 0 : i32
          %dma_wait3A_333 = tpu.memref_slice %arg7[%dma_wait3A_331, %dma_wait3A_332] : memref<32x80xi32, #tpu.memory_space<vmem>> -> memref<1x80xi32, #tpu.memory_space<vmem>>
          %dma_wait3A_334 = tpu.memref_squeeze %dma_wait3A_333 : memref<1x80xi32, #tpu.memory_space<vmem>> -> memref<80xi32, #tpu.memory_space<vmem>>
          %dma_wait3A_335 = arith.constant 0 : i32
          %dma_wait3A_336 = arith.constant 0 : i32
          %dma_wait3A_337 = tpu.memref_slice %arg12[%dma_wait3A_335, %dma_wait3A_336] : memref<10112x128xf32, #tpu.memory_space<vmem_shared>> -> memref<10112x128xf32, #tpu.memory_space<vmem_shared>>
          tpu.wait_indirect_dma semaphore(%arg19 : memref<!tpu.dma_semaphore, #tpu.memory_space<semaphore_mem>>) src(%arg10 : memref<80x128xf32, #tpu.memory_space<vmem>>) dst(%dma_wait3A_337 : memref<10112x128xf32, #tpu.memory_space<vmem_shared>>)
        } else {
        }
        %add3A_323 = arith.constant 2 : i32
        %add3A_324 = arith.addi %add3A_228, %add3A_323 : i32
        %dma_start3A_325 = arith.constant 0 : i32
        %dma_start3A_326 = tpu.memref_slice %arg6[%add3A_324, %dma_start3A_325] : memref<32x80xi32, #tpu.memory_space<vmem>> -> memref<1x80xi32, #tpu.memory_space<vmem>>
        %dma_start3A_327 = tpu.memref_squeeze %dma_start3A_326 : memref<1x80xi32, #tpu.memory_space<vmem>> -> memref<80xi32, #tpu.memory_space<vmem>>
        %dma_start3A_328 = arith.constant 0 : i32
        %dma_start3A_329 = arith.constant 0 : i32
        %dma_start3A_330 = tpu.memref_slice %arg2[%dma_start3A_328, %dma_start3A_329] : memref<20000x128xf32, #tpu.memory_space<hbm>> -> memref<20000x128xf32, #tpu.memory_space<hbm>>
        tpu.enqueue_indirect_dma source(%dma_start3A_330 : memref<20000x128xf32, #tpu.memory_space<hbm>>) target(%arg10 : memref<80x128xf32, #tpu.memory_space<vmem>>) offsets(%dma_start3A_327 : memref<80xi32, #tpu.memory_space<vmem>>) semaphore(%arg15 : memref<!tpu.dma_semaphore, #tpu.memory_space<semaphore_mem>>)
      } else {
      }
      %mul3A_246 = arith.constant 4 : i32
      %mul3A_247 = arith.muli %scan3A_223, %mul3A_246 : i32
      %add3A_248 = arith.constant 1 : i32
      %add3A_249 = arith.addi %mul3A_247, %add3A_248 : i32
      %dma_wait3A_250 = arith.constant 0 : i32
      %dma_wait3A_251 = arith.constant 0 : i32
      %dma_wait3A_252 = tpu.memref_slice %arg6[%dma_wait3A_250, %dma_wait3A_251] : memref<32x80xi32, #tpu.memory_space<vmem>> -> memref<1x80xi32, #tpu.memory_space<vmem>>
      %dma_wait3A_253 = tpu.memref_squeeze %dma_wait3A_252 : memref<1x80xi32, #tpu.memory_space<vmem>> -> memref<80xi32, #tpu.memory_space<vmem>>
      %dma_wait3A_254 = arith.constant 0 : i32
      %dma_wait3A_255 = arith.constant 0 : i32
      %dma_wait3A_256 = tpu.memref_slice %arg2[%dma_wait3A_254, %dma_wait3A_255] : memref<20000x128xf32, #tpu.memory_space<hbm>> -> memref<20000x128xf32, #tpu.memory_space<hbm>>
      tpu.wait_indirect_dma semaphore(%arg14 : memref<!tpu.dma_semaphore, #tpu.memory_space<semaphore_mem>>) src(%dma_wait3A_256 : memref<20000x128xf32, #tpu.memory_space<hbm>>) dst(%arg9 : memref<80x128xf32, #tpu.memory_space<vmem>>)
      %dma_start3A_257 = arith.constant 0 : i32
      %dma_start3A_258 = tpu.memref_slice %arg7[%add3A_249, %dma_start3A_257] : memref<32x80xi32, #tpu.memory_space<vmem>> -> memref<1x80xi32, #tpu.memory_space<vmem>>
      %dma_start3A_259 = tpu.memref_squeeze %dma_start3A_258 : memref<1x80xi32, #tpu.memory_space<vmem>> -> memref<80xi32, #tpu.memory_space<vmem>>
      %dma_start3A_260 = arith.constant 0 : i32
      %dma_start3A_261 = arith.constant 0 : i32
      %dma_start3A_262 = tpu.memref_slice %arg12[%dma_start3A_260, %dma_start3A_261] : memref<10112x128xf32, #tpu.memory_space<vmem_shared>> -> memref<10112x128xf32, #tpu.memory_space<vmem_shared>>
      tpu.enqueue_indirect_dma source(%arg9 : memref<80x128xf32, #tpu.memory_space<vmem>>) target(%dma_start3A_262 : memref<10112x128xf32, #tpu.memory_space<vmem_shared>>) offsets(%dma_start3A_259 : memref<80xi32, #tpu.memory_space<vmem>>) semaphore(%arg18 : memref<!tpu.dma_semaphore, #tpu.memory_space<semaphore_mem>>) {add = true}
      %add3A_263 = arith.constant 2 : i32
      %add3A_264 = arith.addi %add3A_249, %add3A_263 : i32
      %lt3A_265 = arith.constant 32 : i32
      %lt3A_266 = arith.cmpi slt, %add3A_264, %lt3A_265 : i32
      %convert_element_type3A_267 = arith.extui %lt3A_266 : i1 to i32
      %cond3A_268 = arith.constant 0 : i32
      %cond3A_269 = arith.cmpi ne, %convert_element_type3A_267, %cond3A_268 : i32
      scf.if %cond3A_269 {
        %ge3A = arith.constant 2 : i32
        %ge3A_319 = arith.cmpi sge, %add3A_249, %ge3A : i32
        %convert_element_type3A_320 = arith.extui %ge3A_319 : i1 to i32
        %cond3A_321 = arith.constant 0 : i32
        %cond3A_322 = arith.cmpi ne, %convert_element_type3A_320, %cond3A_321 : i32
        scf.if %cond3A_322 {
          %dma_wait3A_331 = arith.constant 0 : i32
          %dma_wait3A_332 = arith.constant 0 : i32
          %dma_wait3A_333 = tpu.memref_slice %arg7[%dma_wait3A_331, %dma_wait3A_332] : memref<32x80xi32, #tpu.memory_space<vmem>> -> memref<1x80xi32, #tpu.memory_space<vmem>>
          %dma_wait3A_334 = tpu.memref_squeeze %dma_wait3A_333 : memref<1x80xi32, #tpu.memory_space<vmem>> -> memref<80xi32, #tpu.memory_space<vmem>>
          %dma_wait3A_335 = arith.constant 0 : i32
          %dma_wait3A_336 = arith.constant 0 : i32
          %dma_wait3A_337 = tpu.memref_slice %arg12[%dma_wait3A_335, %dma_wait3A_336] : memref<10112x128xf32, #tpu.memory_space<vmem_shared>> -> memref<10112x128xf32, #tpu.memory_space<vmem_shared>>
          tpu.wait_indirect_dma semaphore(%arg20 : memref<!tpu.dma_semaphore, #tpu.memory_space<semaphore_mem>>) src(%arg11 : memref<80x128xf32, #tpu.memory_space<vmem>>) dst(%dma_wait3A_337 : memref<10112x128xf32, #tpu.memory_space<vmem_shared>>)
        } else {
        }
        %add3A_323 = arith.constant 2 : i32
        %add3A_324 = arith.addi %add3A_249, %add3A_323 : i32
        %dma_start3A_325 = arith.constant 0 : i32
        %dma_start3A_326 = tpu.memref_slice %arg6[%add3A_324, %dma_start3A_325] : memref<32x80xi32, #tpu.memory_space<vmem>> -> memref<1x80xi32, #tpu.memory_space<vmem>>
        %dma_start3A_327 = tpu.memref_squeeze %dma_start3A_326 : memref<1x80xi32, #tpu.memory_space<vmem>> -> memref<80xi32, #tpu.memory_space<vmem>>
        %dma_start3A_328 = arith.constant 0 : i32
        %dma_start3A_329 = arith.constant 0 : i32
        %dma_start3A_330 = tpu.memref_slice %arg2[%dma_start3A_328, %dma_start3A_329] : memref<20000x128xf32, #tpu.memory_space<hbm>> -> memref<20000x128xf32, #tpu.memory_space<hbm>>
        tpu.enqueue_indirect_dma source(%dma_start3A_330 : memref<20000x128xf32, #tpu.memory_space<hbm>>) target(%arg11 : memref<80x128xf32, #tpu.memory_space<vmem>>) offsets(%dma_start3A_327 : memref<80xi32, #tpu.memory_space<vmem>>) semaphore(%arg16 : memref<!tpu.dma_semaphore, #tpu.memory_space<semaphore_mem>>)
      } else {
      }
      %mul3A_270 = arith.constant 4 : i32
      %mul3A_271 = arith.muli %scan3A_223, %mul3A_270 : i32
      %add3A_272 = arith.constant 2 : i32
      %add3A_273 = arith.addi %mul3A_271, %add3A_272 : i32
      %dma_wait3A_274 = arith.constant 0 : i32
      %dma_wait3A_275 = arith.constant 0 : i32
      %dma_wait3A_276 = tpu.memref_slice %arg6[%dma_wait3A_274, %dma_wait3A_275] : memref<32x80xi32, #tpu.memory_space<vmem>> -> memref<1x80xi32, #tpu.memory_space<vmem>>
      %dma_wait3A_277 = tpu.memref_squeeze %dma_wait3A_276 : memref<1x80xi32, #tpu.memory_space<vmem>> -> memref<80xi32, #tpu.memory_space<vmem>>
      %dma_wait3A_278 = arith.constant 0 : i32
      %dma_wait3A_279 = arith.constant 0 : i32
      %dma_wait3A_280 = tpu.memref_slice %arg2[%dma_wait3A_278, %dma_wait3A_279] : memref<20000x128xf32, #tpu.memory_space<hbm>> -> memref<20000x128xf32, #tpu.memory_space<hbm>>
      tpu.wait_indirect_dma semaphore(%arg15 : memref<!tpu.dma_semaphore, #tpu.memory_space<semaphore_mem>>) src(%dma_wait3A_280 : memref<20000x128xf32, #tpu.memory_space<hbm>>) dst(%arg10 : memref<80x128xf32, #tpu.memory_space<vmem>>)
      %dma_start3A_281 = arith.constant 0 : i32
      %dma_start3A_282 = tpu.memref_slice %arg7[%add3A_273, %dma_start3A_281] : memref<32x80xi32, #tpu.memory_space<vmem>> -> memref<1x80xi32, #tpu.memory_space<vmem>>
      %dma_start3A_283 = tpu.memref_squeeze %dma_start3A_282 : memref<1x80xi32, #tpu.memory_space<vmem>> -> memref<80xi32, #tpu.memory_space<vmem>>
      %dma_start3A_284 = arith.constant 0 : i32
      %dma_start3A_285 = arith.constant 0 : i32
      %dma_start3A_286 = tpu.memref_slice %arg12[%dma_start3A_284, %dma_start3A_285] : memref<10112x128xf32, #tpu.memory_space<vmem_shared>> -> memref<10112x128xf32, #tpu.memory_space<vmem_shared>>
      tpu.enqueue_indirect_dma source(%arg10 : memref<80x128xf32, #tpu.memory_space<vmem>>) target(%dma_start3A_286 : memref<10112x128xf32, #tpu.memory_space<vmem_shared>>) offsets(%dma_start3A_283 : memref<80xi32, #tpu.memory_space<vmem>>) semaphore(%arg19 : memref<!tpu.dma_semaphore, #tpu.memory_space<semaphore_mem>>) {add = true}
      %add3A_287 = arith.constant 2 : i32
      %add3A_288 = arith.addi %add3A_273, %add3A_287 : i32
      %lt3A_289 = arith.constant 32 : i32
      %lt3A_290 = arith.cmpi slt, %add3A_288, %lt3A_289 : i32
      %convert_element_type3A_291 = arith.extui %lt3A_290 : i1 to i32
      %cond3A_292 = arith.constant 0 : i32
      %cond3A_293 = arith.cmpi ne, %convert_element_type3A_291, %cond3A_292 : i32
      scf.if %cond3A_293 {
        %ge3A = arith.constant 2 : i32
        %ge3A_319 = arith.cmpi sge, %add3A_273, %ge3A : i32
        %convert_element_type3A_320 = arith.extui %ge3A_319 : i1 to i32
        %cond3A_321 = arith.constant 0 : i32
        %cond3A_322 = arith.cmpi ne, %convert_element_type3A_320, %cond3A_321 : i32
        scf.if %cond3A_322 {
          %dma_wait3A_331 = arith.constant 0 : i32
          %dma_wait3A_332 = arith.constant 0 : i32
          %dma_wait3A_333 = tpu.memref_slice %arg7[%dma_wait3A_331, %dma_wait3A_332] : memref<32x80xi32, #tpu.memory_space<vmem>> -> memref<1x80xi32, #tpu.memory_space<vmem>>
          %dma_wait3A_334 = tpu.memref_squeeze %dma_wait3A_333 : memref<1x80xi32, #tpu.memory_space<vmem>> -> memref<80xi32, #tpu.memory_space<vmem>>
          %dma_wait3A_335 = arith.constant 0 : i32
          %dma_wait3A_336 = arith.constant 0 : i32
          %dma_wait3A_337 = tpu.memref_slice %arg12[%dma_wait3A_335, %dma_wait3A_336] : memref<10112x128xf32, #tpu.memory_space<vmem_shared>> -> memref<10112x128xf32, #tpu.memory_space<vmem_shared>>
          tpu.wait_indirect_dma semaphore(%arg17 : memref<!tpu.dma_semaphore, #tpu.memory_space<semaphore_mem>>) src(%arg8 : memref<80x128xf32, #tpu.memory_space<vmem>>) dst(%dma_wait3A_337 : memref<10112x128xf32, #tpu.memory_space<vmem_shared>>)
        } else {
        }
        %add3A_323 = arith.constant 2 : i32
        %add3A_324 = arith.addi %add3A_273, %add3A_323 : i32
        %dma_start3A_325 = arith.constant 0 : i32
        %dma_start3A_326 = tpu.memref_slice %arg6[%add3A_324, %dma_start3A_325] : memref<32x80xi32, #tpu.memory_space<vmem>> -> memref<1x80xi32, #tpu.memory_space<vmem>>
        %dma_start3A_327 = tpu.memref_squeeze %dma_start3A_326 : memref<1x80xi32, #tpu.memory_space<vmem>> -> memref<80xi32, #tpu.memory_space<vmem>>
        %dma_start3A_328 = arith.constant 0 : i32
        %dma_start3A_329 = arith.constant 0 : i32
        %dma_start3A_330 = tpu.memref_slice %arg2[%dma_start3A_328, %dma_start3A_329] : memref<20000x128xf32, #tpu.memory_space<hbm>> -> memref<20000x128xf32, #tpu.memory_space<hbm>>
        tpu.enqueue_indirect_dma source(%dma_start3A_330 : memref<20000x128xf32, #tpu.memory_space<hbm>>) target(%arg8 : memref<80x128xf32, #tpu.memory_space<vmem>>) offsets(%dma_start3A_327 : memref<80xi32, #tpu.memory_space<vmem>>) semaphore(%arg13 : memref<!tpu.dma_semaphore, #tpu.memory_space<semaphore_mem>>)
      } else {
      }
      %mul3A_294 = arith.constant 4 : i32
      %mul3A_295 = arith.muli %scan3A_223, %mul3A_294 : i32
      %add3A_296 = arith.constant 3 : i32
      %add3A_297 = arith.addi %mul3A_295, %add3A_296 : i32
      %dma_wait3A_298 = arith.constant 0 : i32
      %dma_wait3A_299 = arith.constant 0 : i32
      %dma_wait3A_300 = tpu.memref_slice %arg6[%dma_wait3A_298, %dma_wait3A_299] : memref<32x80xi32, #tpu.memory_space<vmem>> -> memref<1x80xi32, #tpu.memory_space<vmem>>
      %dma_wait3A_301 = tpu.memref_squeeze %dma_wait3A_300 : memref<1x80xi32, #tpu.memory_space<vmem>> -> memref<80xi32, #tpu.memory_space<vmem>>
      %dma_wait3A_302 = arith.constant 0 : i32
      %dma_wait3A_303 = arith.constant 0 : i32
      %dma_wait3A_304 = tpu.memref_slice %arg2[%dma_wait3A_302, %dma_wait3A_303] : memref<20000x128xf32, #tpu.memory_space<hbm>> -> memref<20000x128xf32, #tpu.memory_space<hbm>>
      tpu.wait_indirect_dma semaphore(%arg16 : memref<!tpu.dma_semaphore, #tpu.memory_space<semaphore_mem>>) src(%dma_wait3A_304 : memref<20000x128xf32, #tpu.memory_space<hbm>>) dst(%arg11 : memref<80x128xf32, #tpu.memory_space<vmem>>)
      %dma_start3A_305 = arith.constant 0 : i32
      %dma_start3A_306 = tpu.memref_slice %arg7[%add3A_297, %dma_start3A_305] : memref<32x80xi32, #tpu.memory_space<vmem>> -> memref<1x80xi32, #tpu.memory_space<vmem>>
      %dma_start3A_307 = tpu.memref_squeeze %dma_start3A_306 : memref<1x80xi32, #tpu.memory_space<vmem>> -> memref<80xi32, #tpu.memory_space<vmem>>
      %dma_start3A_308 = arith.constant 0 : i32
      %dma_start3A_309 = arith.constant 0 : i32
      %dma_start3A_310 = tpu.memref_slice %arg12[%dma_start3A_308, %dma_start3A_309] : memref<10112x128xf32, #tpu.memory_space<vmem_shared>> -> memref<10112x128xf32, #tpu.memory_space<vmem_shared>>
      tpu.enqueue_indirect_dma source(%arg11 : memref<80x128xf32, #tpu.memory_space<vmem>>) target(%dma_start3A_310 : memref<10112x128xf32, #tpu.memory_space<vmem_shared>>) offsets(%dma_start3A_307 : memref<80xi32, #tpu.memory_space<vmem>>) semaphore(%arg20 : memref<!tpu.dma_semaphore, #tpu.memory_space<semaphore_mem>>) {add = true}
      %add3A_311 = arith.constant 2 : i32
      %add3A_312 = arith.addi %add3A_297, %add3A_311 : i32
      %lt3A_313 = arith.constant 32 : i32
      %lt3A_314 = arith.cmpi slt, %add3A_312, %lt3A_313 : i32
      %convert_element_type3A_315 = arith.extui %lt3A_314 : i1 to i32
      %cond3A_316 = arith.constant 0 : i32
      %cond3A_317 = arith.cmpi ne, %convert_element_type3A_315, %cond3A_316 : i32
      scf.if %cond3A_317 {
        %ge3A = arith.constant 2 : i32
        %ge3A_319 = arith.cmpi sge, %add3A_297, %ge3A : i32
        %convert_element_type3A_320 = arith.extui %ge3A_319 : i1 to i32
        %cond3A_321 = arith.constant 0 : i32
        %cond3A_322 = arith.cmpi ne, %convert_element_type3A_320, %cond3A_321 : i32
        scf.if %cond3A_322 {
          %dma_wait3A_331 = arith.constant 0 : i32
          %dma_wait3A_332 = arith.constant 0 : i32
          %dma_wait3A_333 = tpu.memref_slice %arg7[%dma_wait3A_331, %dma_wait3A_332] : memref<32x80xi32, #tpu.memory_space<vmem>> -> memref<1x80xi32, #tpu.memory_space<vmem>>
          %dma_wait3A_334 = tpu.memref_squeeze %dma_wait3A_333 : memref<1x80xi32, #tpu.memory_space<vmem>> -> memref<80xi32, #tpu.memory_space<vmem>>
          %dma_wait3A_335 = arith.constant 0 : i32
          %dma_wait3A_336 = arith.constant 0 : i32
          %dma_wait3A_337 = tpu.memref_slice %arg12[%dma_wait3A_335, %dma_wait3A_336] : memref<10112x128xf32, #tpu.memory_space<vmem_shared>> -> memref<10112x128xf32, #tpu.memory_space<vmem_shared>>
          tpu.wait_indirect_dma semaphore(%arg18 : memref<!tpu.dma_semaphore, #tpu.memory_space<semaphore_mem>>) src(%arg9 : memref<80x128xf32, #tpu.memory_space<vmem>>) dst(%dma_wait3A_337 : memref<10112x128xf32, #tpu.memory_space<vmem_shared>>)
        } else {
        }
        %add3A_323 = arith.constant 2 : i32
        %add3A_324 = arith.addi %add3A_297, %add3A_323 : i32
        %dma_start3A_325 = arith.constant 0 : i32
        %dma_start3A_326 = tpu.memref_slice %arg6[%add3A_324, %dma_start3A_325] : memref<32x80xi32, #tpu.memory_space<vmem>> -> memref<1x80xi32, #tpu.memory_space<vmem>>
        %dma_start3A_327 = tpu.memref_squeeze %dma_start3A_326 : memref<1x80xi32, #tpu.memory_space<vmem>> -> memref<80xi32, #tpu.memory_space<vmem>>
        %dma_start3A_328 = arith.constant 0 : i32
        %dma_start3A_329 = arith.constant 0 : i32
        %dma_start3A_330 = tpu.memref_slice %arg2[%dma_start3A_328, %dma_start3A_329] : memref<20000x128xf32, #tpu.memory_space<hbm>> -> memref<20000x128xf32, #tpu.memory_space<hbm>>
        tpu.enqueue_indirect_dma source(%dma_start3A_330 : memref<20000x128xf32, #tpu.memory_space<hbm>>) target(%arg9 : memref<80x128xf32, #tpu.memory_space<vmem>>) offsets(%dma_start3A_327 : memref<80xi32, #tpu.memory_space<vmem>>) semaphore(%arg14 : memref<!tpu.dma_semaphore, #tpu.memory_space<semaphore_mem>>)
      } else {
      }
      %scan3A_318 = arith.constant 0 : i32
      scf.yield %scan3A_318 : i32
    }
    %scan3A_92 = arith.constant 8 : i32
    %dma_wait3A_93 = arith.constant 0 : i32
    %dma_wait3A_94 = arith.constant 0 : i32
    %dma_wait3A_95 = tpu.memref_slice %arg7[%dma_wait3A_93, %dma_wait3A_94] : memref<32x80xi32, #tpu.memory_space<vmem>> -> memref<1x80xi32, #tpu.memory_space<vmem>>
    %dma_wait3A_96 = tpu.memref_squeeze %dma_wait3A_95 : memref<1x80xi32, #tpu.memory_space<vmem>> -> memref<80xi32, #tpu.memory_space<vmem>>
    %dma_wait3A_97 = arith.constant 0 : i32
    %dma_wait3A_98 = arith.constant 0 : i32
    %dma_wait3A_99 = tpu.memref_slice %arg12[%dma_wait3A_97, %dma_wait3A_98] : memref<10112x128xf32, #tpu.memory_space<vmem_shared>> -> memref<10112x128xf32, #tpu.memory_space<vmem_shared>>
    tpu.wait_indirect_dma semaphore(%arg17 : memref<!tpu.dma_semaphore, #tpu.memory_space<semaphore_mem>>) src(%arg8 : memref<80x128xf32, #tpu.memory_space<vmem>>) dst(%dma_wait3A_99 : memref<10112x128xf32, #tpu.memory_space<vmem_shared>>)
    %dma_wait3A_100 = arith.constant 0 : i32
    %dma_wait3A_101 = arith.constant 0 : i32
    %dma_wait3A_102 = tpu.memref_slice %arg7[%dma_wait3A_100, %dma_wait3A_101] : memref<32x80xi32, #tpu.memory_space<vmem>> -> memref<1x80xi32, #tpu.memory_space<vmem>>
    %dma_wait3A_103 = tpu.memref_squeeze %dma_wait3A_102 : memref<1x80xi32, #tpu.memory_space<vmem>> -> memref<80xi32, #tpu.memory_space<vmem>>
    %dma_wait3A_104 = arith.constant 0 : i32
    %dma_wait3A_105 = arith.constant 0 : i32
    %dma_wait3A_106 = tpu.memref_slice %arg12[%dma_wait3A_104, %dma_wait3A_105] : memref<10112x128xf32, #tpu.memory_space<vmem_shared>> -> memref<10112x128xf32, #tpu.memory_space<vmem_shared>>
    tpu.wait_indirect_dma semaphore(%arg18 : memref<!tpu.dma_semaphore, #tpu.memory_space<semaphore_mem>>) src(%arg9 : memref<80x128xf32, #tpu.memory_space<vmem>>) dst(%dma_wait3A_106 : memref<10112x128xf32, #tpu.memory_space<vmem_shared>>)
    %dma_wait3A_107 = arith.constant 0 : i32
    %dma_wait3A_108 = arith.constant 0 : i32
    %dma_wait3A_109 = tpu.memref_slice %arg7[%dma_wait3A_107, %dma_wait3A_108] : memref<32x80xi32, #tpu.memory_space<vmem>> -> memref<1x80xi32, #tpu.memory_space<vmem>>
    %dma_wait3A_110 = tpu.memref_squeeze %dma_wait3A_109 : memref<1x80xi32, #tpu.memory_space<vmem>> -> memref<80xi32, #tpu.memory_space<vmem>>
    %dma_wait3A_111 = arith.constant 0 : i32
    %dma_wait3A_112 = arith.constant 0 : i32
    %dma_wait3A_113 = tpu.memref_slice %arg12[%dma_wait3A_111, %dma_wait3A_112] : memref<10112x128xf32, #tpu.memory_space<vmem_shared>> -> memref<10112x128xf32, #tpu.memory_space<vmem_shared>>
    tpu.wait_indirect_dma semaphore(%arg19 : memref<!tpu.dma_semaphore, #tpu.memory_space<semaphore_mem>>) src(%arg10 : memref<80x128xf32, #tpu.memory_space<vmem>>) dst(%dma_wait3A_113 : memref<10112x128xf32, #tpu.memory_space<vmem_shared>>)
    %dma_wait3A_114 = arith.constant 0 : i32
    %dma_wait3A_115 = arith.constant 0 : i32
    %dma_wait3A_116 = tpu.memref_slice %arg7[%dma_wait3A_114, %dma_wait3A_115] : memref<32x80xi32, #tpu.memory_space<vmem>> -> memref<1x80xi32, #tpu.memory_space<vmem>>
    %dma_wait3A_117 = tpu.memref_squeeze %dma_wait3A_116 : memref<1x80xi32, #tpu.memory_space<vmem>> -> memref<80xi32, #tpu.memory_space<vmem>>
    %dma_wait3A_118 = arith.constant 0 : i32
    %dma_wait3A_119 = arith.constant 0 : i32
    %dma_wait3A_120 = tpu.memref_slice %arg12[%dma_wait3A_118, %dma_wait3A_119] : memref<10112x128xf32, #tpu.memory_space<vmem_shared>> -> memref<10112x128xf32, #tpu.memory_space<vmem_shared>>
    tpu.wait_indirect_dma semaphore(%arg20 : memref<!tpu.dma_semaphore, #tpu.memory_space<semaphore_mem>>) src(%arg11 : memref<80x128xf32, #tpu.memory_space<vmem>>) dst(%dma_wait3A_120 : memref<10112x128xf32, #tpu.memory_space<vmem_shared>>)
    "tpu.region"() ({
      %run_scoped3A = tpu.sem_alloc : memref<!tpu.dma_semaphore, #tpu.memory_space<semaphore_mem>>
      %dma_start3A_223 = arith.constant 64 : i32
      %dma_start3A_224 = arith.constant 0 : i32
      %dma_start3A_225 = tpu.memref_slice %arg3[%add3A, %dma_start3A_223, %dma_start3A_224] : memref<32x128x80xi32, #tpu.memory_space<hbm>> -> memref<1x32x80xi32, #tpu.memory_space<hbm>>
      %dma_start3A_226 = tpu.memref_squeeze %dma_start3A_225 : memref<1x32x80xi32, #tpu.memory_space<hbm>> -> memref<32x80xi32, #tpu.memory_space<hbm>>
      %dma_start3A_227 = arith.constant 64 : i32
      %dma_start3A_228 = arith.constant 0 : i32
      %dma_start3A_229 = tpu.memref_slice %arg3[%add3A, %dma_start3A_227, %dma_start3A_228] : memref<32x128x80xi32, #tpu.memory_space<hbm>> -> memref<1x32x80xi32, #tpu.memory_space<hbm>>
      %dma_start3A_230 = tpu.memref_squeeze %dma_start3A_229 : memref<1x32x80xi32, #tpu.memory_space<hbm>> -> memref<32x80xi32, #tpu.memory_space<hbm>>
      tpu.enqueue_dma source(%dma_start3A_230 : memref<32x80xi32, #tpu.memory_space<hbm>>) target(%arg6 : memref<32x80xi32, #tpu.memory_space<vmem>>) target_semaphore(%run_scoped3A : memref<!tpu.dma_semaphore, #tpu.memory_space<semaphore_mem>>)
      %dma_wait3A_231 = arith.constant 64 : i32
      %dma_wait3A_232 = arith.constant 0 : i32
      %dma_wait3A_233 = tpu.memref_slice %arg3[%add3A, %dma_wait3A_231, %dma_wait3A_232] : memref<32x128x80xi32, #tpu.memory_space<hbm>> -> memref<1x32x80xi32, #tpu.memory_space<hbm>>
      %dma_wait3A_234 = tpu.memref_squeeze %dma_wait3A_233 : memref<1x32x80xi32, #tpu.memory_space<hbm>> -> memref<32x80xi32, #tpu.memory_space<hbm>>
      %dma_wait3A_235 = arith.constant 64 : i32
      %dma_wait3A_236 = arith.constant 0 : i32
      %dma_wait3A_237 = tpu.memref_slice %arg3[%add3A, %dma_wait3A_235, %dma_wait3A_236] : memref<32x128x80xi32, #tpu.memory_space<hbm>> -> memref<1x32x80xi32, #tpu.memory_space<hbm>>
      %dma_wait3A_238 = tpu.memref_squeeze %dma_wait3A_237 : memref<1x32x80xi32, #tpu.memory_space<hbm>> -> memref<32x80xi32, #tpu.memory_space<hbm>>
      tpu.wait_dma2 semaphore(%run_scoped3A : memref<!tpu.dma_semaphore, #tpu.memory_space<semaphore_mem>>) src(%dma_wait3A_238 : memref<32x80xi32, #tpu.memory_space<hbm>>) dst(%arg6 : memref<32x80xi32, #tpu.memory_space<vmem>>)
      tpu.yield
    }) : () -> ()
    "tpu.region"() ({
      %run_scoped3A = tpu.sem_alloc : memref<!tpu.dma_semaphore, #tpu.memory_space<semaphore_mem>>
      %dma_start3A_223 = arith.constant 64 : i32
      %dma_start3A_224 = arith.constant 0 : i32
      %dma_start3A_225 = tpu.memref_slice %arg4[%arg1, %dma_start3A_223, %dma_start3A_224] : memref<16x128x80xi32, #tpu.memory_space<hbm>> -> memref<1x32x80xi32, #tpu.memory_space<hbm>>
      %dma_start3A_226 = tpu.memref_squeeze %dma_start3A_225 : memref<1x32x80xi32, #tpu.memory_space<hbm>> -> memref<32x80xi32, #tpu.memory_space<hbm>>
      %dma_start3A_227 = arith.constant 64 : i32
      %dma_start3A_228 = arith.constant 0 : i32
      %dma_start3A_229 = tpu.memref_slice %arg4[%arg1, %dma_start3A_227, %dma_start3A_228] : memref<16x128x80xi32, #tpu.memory_space<hbm>> -> memref<1x32x80xi32, #tpu.memory_space<hbm>>
      %dma_start3A_230 = tpu.memref_squeeze %dma_start3A_229 : memref<1x32x80xi32, #tpu.memory_space<hbm>> -> memref<32x80xi32, #tpu.memory_space<hbm>>
      tpu.enqueue_dma source(%dma_start3A_230 : memref<32x80xi32, #tpu.memory_space<hbm>>) target(%arg7 : memref<32x80xi32, #tpu.memory_space<vmem>>) target_semaphore(%run_scoped3A : memref<!tpu.dma_semaphore, #tpu.memory_space<semaphore_mem>>)
      %dma_wait3A_231 = arith.constant 64 : i32
      %dma_wait3A_232 = arith.constant 0 : i32
      %dma_wait3A_233 = tpu.memref_slice %arg4[%arg1, %dma_wait3A_231, %dma_wait3A_232] : memref<16x128x80xi32, #tpu.memory_space<hbm>> -> memref<1x32x80xi32, #tpu.memory_space<hbm>>
      %dma_wait3A_234 = tpu.memref_squeeze %dma_wait3A_233 : memref<1x32x80xi32, #tpu.memory_space<hbm>> -> memref<32x80xi32, #tpu.memory_space<hbm>>
      %dma_wait3A_235 = arith.constant 64 : i32
      %dma_wait3A_236 = arith.constant 0 : i32
      %dma_wait3A_237 = tpu.memref_slice %arg4[%arg1, %dma_wait3A_235, %dma_wait3A_236] : memref<16x128x80xi32, #tpu.memory_space<hbm>> -> memref<1x32x80xi32, #tpu.memory_space<hbm>>
      %dma_wait3A_238 = tpu.memref_squeeze %dma_wait3A_237 : memref<1x32x80xi32, #tpu.memory_space<hbm>> -> memref<32x80xi32, #tpu.memory_space<hbm>>
      tpu.wait_dma2 semaphore(%run_scoped3A : memref<!tpu.dma_semaphore, #tpu.memory_space<semaphore_mem>>) src(%dma_wait3A_238 : memref<32x80xi32, #tpu.memory_space<hbm>>) dst(%arg7 : memref<32x80xi32, #tpu.memory_space<vmem>>)
      tpu.yield
    }) : () -> ()
    %dma_start3A_121 = arith.constant 0 : i32
    %dma_start3A_122 = arith.constant 0 : i32
    %dma_start3A_123 = tpu.memref_slice %arg6[%dma_start3A_121, %dma_start3A_122] : memref<32x80xi32, #tpu.memory_space<vmem>> -> memref<1x80xi32, #tpu.memory_space<vmem>>
    %dma_start3A_124 = tpu.memref_squeeze %dma_start3A_123 : memref<1x80xi32, #tpu.memory_space<vmem>> -> memref<80xi32, #tpu.memory_space<vmem>>
    %dma_start3A_125 = arith.constant 0 : i32
    %dma_start3A_126 = arith.constant 0 : i32
    %dma_start3A_127 = tpu.memref_slice %arg2[%dma_start3A_125, %dma_start3A_126] : memref<20000x128xf32, #tpu.memory_space<hbm>> -> memref<20000x128xf32, #tpu.memory_space<hbm>>
    tpu.enqueue_indirect_dma source(%dma_start3A_127 : memref<20000x128xf32, #tpu.memory_space<hbm>>) target(%arg8 : memref<80x128xf32, #tpu.memory_space<vmem>>) offsets(%dma_start3A_124 : memref<80xi32, #tpu.memory_space<vmem>>) semaphore(%arg13 : memref<!tpu.dma_semaphore, #tpu.memory_space<semaphore_mem>>)
    %dma_start3A_128 = arith.constant 1 : i32
    %dma_start3A_129 = arith.constant 0 : i32
    %dma_start3A_130 = tpu.memref_slice %arg6[%dma_start3A_128, %dma_start3A_129] : memref<32x80xi32, #tpu.memory_space<vmem>> -> memref<1x80xi32, #tpu.memory_space<vmem>>
    %dma_start3A_131 = tpu.memref_squeeze %dma_start3A_130 : memref<1x80xi32, #tpu.memory_space<vmem>> -> memref<80xi32, #tpu.memory_space<vmem>>
    %dma_start3A_132 = arith.constant 0 : i32
    %dma_start3A_133 = arith.constant 0 : i32
    %dma_start3A_134 = tpu.memref_slice %arg2[%dma_start3A_132, %dma_start3A_133] : memref<20000x128xf32, #tpu.memory_space<hbm>> -> memref<20000x128xf32, #tpu.memory_space<hbm>>
    tpu.enqueue_indirect_dma source(%dma_start3A_134 : memref<20000x128xf32, #tpu.memory_space<hbm>>) target(%arg9 : memref<80x128xf32, #tpu.memory_space<vmem>>) offsets(%dma_start3A_131 : memref<80xi32, #tpu.memory_space<vmem>>) semaphore(%arg14 : memref<!tpu.dma_semaphore, #tpu.memory_space<semaphore_mem>>)
    %scan3A_135 = arith.constant 0 : i32
    %scan3A_136 = arith.constant 0 : i32
    %scan3A_137 = arith.constant 8 : i32
    %scan3A_138 = arith.addi %scan3A_136, %scan3A_137 : i32
    %scan3A_139 = arith.constant 1 : i32
    %scan3A_140 = scf.for %scan3A_223 = %scan3A_136 to %scan3A_138 step %scan3A_139 iter_args(%scan3A_224 = %scan3A_135) -> (i32)  : i32 {
      %mul3A_225 = arith.constant 4 : i32
      %mul3A_226 = arith.muli %scan3A_223, %mul3A_225 : i32
      %add3A_227 = arith.constant 0 : i32
      %add3A_228 = arith.addi %mul3A_226, %add3A_227 : i32
      %dma_wait3A_229 = arith.constant 0 : i32
      %dma_wait3A_230 = arith.constant 0 : i32
      %dma_wait3A_231 = tpu.memref_slice %arg6[%dma_wait3A_229, %dma_wait3A_230] : memref<32x80xi32, #tpu.memory_space<vmem>> -> memref<1x80xi32, #tpu.memory_space<vmem>>
      %dma_wait3A_232 = tpu.memref_squeeze %dma_wait3A_231 : memref<1x80xi32, #tpu.memory_space<vmem>> -> memref<80xi32, #tpu.memory_space<vmem>>
      %dma_wait3A_233 = arith.constant 0 : i32
      %dma_wait3A_234 = arith.constant 0 : i32
      %dma_wait3A_235 = tpu.memref_slice %arg2[%dma_wait3A_233, %dma_wait3A_234] : memref<20000x128xf32, #tpu.memory_space<hbm>> -> memref<20000x128xf32, #tpu.memory_space<hbm>>
      tpu.wait_indirect_dma semaphore(%arg13 : memref<!tpu.dma_semaphore, #tpu.memory_space<semaphore_mem>>) src(%dma_wait3A_235 : memref<20000x128xf32, #tpu.memory_space<hbm>>) dst(%arg8 : memref<80x128xf32, #tpu.memory_space<vmem>>)
      %dma_start3A_236 = arith.constant 0 : i32
      %dma_start3A_237 = tpu.memref_slice %arg7[%add3A_228, %dma_start3A_236] : memref<32x80xi32, #tpu.memory_space<vmem>> -> memref<1x80xi32, #tpu.memory_space<vmem>>
      %dma_start3A_238 = tpu.memref_squeeze %dma_start3A_237 : memref<1x80xi32, #tpu.memory_space<vmem>> -> memref<80xi32, #tpu.memory_space<vmem>>
      %dma_start3A_239 = arith.constant 0 : i32
      %dma_start3A_240 = arith.constant 0 : i32
      %dma_start3A_241 = tpu.memref_slice %arg12[%dma_start3A_239, %dma_start3A_240] : memref<10112x128xf32, #tpu.memory_space<vmem_shared>> -> memref<10112x128xf32, #tpu.memory_space<vmem_shared>>
      tpu.enqueue_indirect_dma source(%arg8 : memref<80x128xf32, #tpu.memory_space<vmem>>) target(%dma_start3A_241 : memref<10112x128xf32, #tpu.memory_space<vmem_shared>>) offsets(%dma_start3A_238 : memref<80xi32, #tpu.memory_space<vmem>>) semaphore(%arg17 : memref<!tpu.dma_semaphore, #tpu.memory_space<semaphore_mem>>) {add = true}
      %add3A_242 = arith.constant 2 : i32
      %add3A_243 = arith.addi %add3A_228, %add3A_242 : i32
      %lt3A = arith.constant 32 : i32
      %lt3A_244 = arith.cmpi slt, %add3A_243, %lt3A : i32
      %convert_element_type3A = arith.extui %lt3A_244 : i1 to i32
      %cond3A = arith.constant 0 : i32
      %cond3A_245 = arith.cmpi ne, %convert_element_type3A, %cond3A : i32
      scf.if %cond3A_245 {
        %ge3A = arith.constant 2 : i32
        %ge3A_319 = arith.cmpi sge, %add3A_228, %ge3A : i32
        %convert_element_type3A_320 = arith.extui %ge3A_319 : i1 to i32
        %cond3A_321 = arith.constant 0 : i32
        %cond3A_322 = arith.cmpi ne, %convert_element_type3A_320, %cond3A_321 : i32
        scf.if %cond3A_322 {
          %dma_wait3A_331 = arith.constant 0 : i32
          %dma_wait3A_332 = arith.constant 0 : i32
          %dma_wait3A_333 = tpu.memref_slice %arg7[%dma_wait3A_331, %dma_wait3A_332] : memref<32x80xi32, #tpu.memory_space<vmem>> -> memref<1x80xi32, #tpu.memory_space<vmem>>
          %dma_wait3A_334 = tpu.memref_squeeze %dma_wait3A_333 : memref<1x80xi32, #tpu.memory_space<vmem>> -> memref<80xi32, #tpu.memory_space<vmem>>
          %dma_wait3A_335 = arith.constant 0 : i32
          %dma_wait3A_336 = arith.constant 0 : i32
          %dma_wait3A_337 = tpu.memref_slice %arg12[%dma_wait3A_335, %dma_wait3A_336] : memref<10112x128xf32, #tpu.memory_space<vmem_shared>> -> memref<10112x128xf32, #tpu.memory_space<vmem_shared>>
          tpu.wait_indirect_dma semaphore(%arg19 : memref<!tpu.dma_semaphore, #tpu.memory_space<semaphore_mem>>) src(%arg10 : memref<80x128xf32, #tpu.memory_space<vmem>>) dst(%dma_wait3A_337 : memref<10112x128xf32, #tpu.memory_space<vmem_shared>>)
        } else {
        }
        %add3A_323 = arith.constant 2 : i32
        %add3A_324 = arith.addi %add3A_228, %add3A_323 : i32
        %dma_start3A_325 = arith.constant 0 : i32
        %dma_start3A_326 = tpu.memref_slice %arg6[%add3A_324, %dma_start3A_325] : memref<32x80xi32, #tpu.memory_space<vmem>> -> memref<1x80xi32, #tpu.memory_space<vmem>>
        %dma_start3A_327 = tpu.memref_squeeze %dma_start3A_326 : memref<1x80xi32, #tpu.memory_space<vmem>> -> memref<80xi32, #tpu.memory_space<vmem>>
        %dma_start3A_328 = arith.constant 0 : i32
        %dma_start3A_329 = arith.constant 0 : i32
        %dma_start3A_330 = tpu.memref_slice %arg2[%dma_start3A_328, %dma_start3A_329] : memref<20000x128xf32, #tpu.memory_space<hbm>> -> memref<20000x128xf32, #tpu.memory_space<hbm>>
        tpu.enqueue_indirect_dma source(%dma_start3A_330 : memref<20000x128xf32, #tpu.memory_space<hbm>>) target(%arg10 : memref<80x128xf32, #tpu.memory_space<vmem>>) offsets(%dma_start3A_327 : memref<80xi32, #tpu.memory_space<vmem>>) semaphore(%arg15 : memref<!tpu.dma_semaphore, #tpu.memory_space<semaphore_mem>>)
      } else {
      }
      %mul3A_246 = arith.constant 4 : i32
      %mul3A_247 = arith.muli %scan3A_223, %mul3A_246 : i32
      %add3A_248 = arith.constant 1 : i32
      %add3A_249 = arith.addi %mul3A_247, %add3A_248 : i32
      %dma_wait3A_250 = arith.constant 0 : i32
      %dma_wait3A_251 = arith.constant 0 : i32
      %dma_wait3A_252 = tpu.memref_slice %arg6[%dma_wait3A_250, %dma_wait3A_251] : memref<32x80xi32, #tpu.memory_space<vmem>> -> memref<1x80xi32, #tpu.memory_space<vmem>>
      %dma_wait3A_253 = tpu.memref_squeeze %dma_wait3A_252 : memref<1x80xi32, #tpu.memory_space<vmem>> -> memref<80xi32, #tpu.memory_space<vmem>>
      %dma_wait3A_254 = arith.constant 0 : i32
      %dma_wait3A_255 = arith.constant 0 : i32
      %dma_wait3A_256 = tpu.memref_slice %arg2[%dma_wait3A_254, %dma_wait3A_255] : memref<20000x128xf32, #tpu.memory_space<hbm>> -> memref<20000x128xf32, #tpu.memory_space<hbm>>
      tpu.wait_indirect_dma semaphore(%arg14 : memref<!tpu.dma_semaphore, #tpu.memory_space<semaphore_mem>>) src(%dma_wait3A_256 : memref<20000x128xf32, #tpu.memory_space<hbm>>) dst(%arg9 : memref<80x128xf32, #tpu.memory_space<vmem>>)
      %dma_start3A_257 = arith.constant 0 : i32
      %dma_start3A_258 = tpu.memref_slice %arg7[%add3A_249, %dma_start3A_257] : memref<32x80xi32, #tpu.memory_space<vmem>> -> memref<1x80xi32, #tpu.memory_space<vmem>>
      %dma_start3A_259 = tpu.memref_squeeze %dma_start3A_258 : memref<1x80xi32, #tpu.memory_space<vmem>> -> memref<80xi32, #tpu.memory_space<vmem>>
      %dma_start3A_260 = arith.constant 0 : i32
      %dma_start3A_261 = arith.constant 0 : i32
      %dma_start3A_262 = tpu.memref_slice %arg12[%dma_start3A_260, %dma_start3A_261] : memref<10112x128xf32, #tpu.memory_space<vmem_shared>> -> memref<10112x128xf32, #tpu.memory_space<vmem_shared>>
      tpu.enqueue_indirect_dma source(%arg9 : memref<80x128xf32, #tpu.memory_space<vmem>>) target(%dma_start3A_262 : memref<10112x128xf32, #tpu.memory_space<vmem_shared>>) offsets(%dma_start3A_259 : memref<80xi32, #tpu.memory_space<vmem>>) semaphore(%arg18 : memref<!tpu.dma_semaphore, #tpu.memory_space<semaphore_mem>>) {add = true}
      %add3A_263 = arith.constant 2 : i32
      %add3A_264 = arith.addi %add3A_249, %add3A_263 : i32
      %lt3A_265 = arith.constant 32 : i32
      %lt3A_266 = arith.cmpi slt, %add3A_264, %lt3A_265 : i32
      %convert_element_type3A_267 = arith.extui %lt3A_266 : i1 to i32
      %cond3A_268 = arith.constant 0 : i32
      %cond3A_269 = arith.cmpi ne, %convert_element_type3A_267, %cond3A_268 : i32
      scf.if %cond3A_269 {
        %ge3A = arith.constant 2 : i32
        %ge3A_319 = arith.cmpi sge, %add3A_249, %ge3A : i32
        %convert_element_type3A_320 = arith.extui %ge3A_319 : i1 to i32
        %cond3A_321 = arith.constant 0 : i32
        %cond3A_322 = arith.cmpi ne, %convert_element_type3A_320, %cond3A_321 : i32
        scf.if %cond3A_322 {
          %dma_wait3A_331 = arith.constant 0 : i32
          %dma_wait3A_332 = arith.constant 0 : i32
          %dma_wait3A_333 = tpu.memref_slice %arg7[%dma_wait3A_331, %dma_wait3A_332] : memref<32x80xi32, #tpu.memory_space<vmem>> -> memref<1x80xi32, #tpu.memory_space<vmem>>
          %dma_wait3A_334 = tpu.memref_squeeze %dma_wait3A_333 : memref<1x80xi32, #tpu.memory_space<vmem>> -> memref<80xi32, #tpu.memory_space<vmem>>
          %dma_wait3A_335 = arith.constant 0 : i32
          %dma_wait3A_336 = arith.constant 0 : i32
          %dma_wait3A_337 = tpu.memref_slice %arg12[%dma_wait3A_335, %dma_wait3A_336] : memref<10112x128xf32, #tpu.memory_space<vmem_shared>> -> memref<10112x128xf32, #tpu.memory_space<vmem_shared>>
          tpu.wait_indirect_dma semaphore(%arg20 : memref<!tpu.dma_semaphore, #tpu.memory_space<semaphore_mem>>) src(%arg11 : memref<80x128xf32, #tpu.memory_space<vmem>>) dst(%dma_wait3A_337 : memref<10112x128xf32, #tpu.memory_space<vmem_shared>>)
        } else {
        }
        %add3A_323 = arith.constant 2 : i32
        %add3A_324 = arith.addi %add3A_249, %add3A_323 : i32
        %dma_start3A_325 = arith.constant 0 : i32
        %dma_start3A_326 = tpu.memref_slice %arg6[%add3A_324, %dma_start3A_325] : memref<32x80xi32, #tpu.memory_space<vmem>> -> memref<1x80xi32, #tpu.memory_space<vmem>>
        %dma_start3A_327 = tpu.memref_squeeze %dma_start3A_326 : memref<1x80xi32, #tpu.memory_space<vmem>> -> memref<80xi32, #tpu.memory_space<vmem>>
        %dma_start3A_328 = arith.constant 0 : i32
        %dma_start3A_329 = arith.constant 0 : i32
        %dma_start3A_330 = tpu.memref_slice %arg2[%dma_start3A_328, %dma_start3A_329] : memref<20000x128xf32, #tpu.memory_space<hbm>> -> memref<20000x128xf32, #tpu.memory_space<hbm>>
        tpu.enqueue_indirect_dma source(%dma_start3A_330 : memref<20000x128xf32, #tpu.memory_space<hbm>>) target(%arg11 : memref<80x128xf32, #tpu.memory_space<vmem>>) offsets(%dma_start3A_327 : memref<80xi32, #tpu.memory_space<vmem>>) semaphore(%arg16 : memref<!tpu.dma_semaphore, #tpu.memory_space<semaphore_mem>>)
      } else {
      }
      %mul3A_270 = arith.constant 4 : i32
      %mul3A_271 = arith.muli %scan3A_223, %mul3A_270 : i32
      %add3A_272 = arith.constant 2 : i32
      %add3A_273 = arith.addi %mul3A_271, %add3A_272 : i32
      %dma_wait3A_274 = arith.constant 0 : i32
      %dma_wait3A_275 = arith.constant 0 : i32
      %dma_wait3A_276 = tpu.memref_slice %arg6[%dma_wait3A_274, %dma_wait3A_275] : memref<32x80xi32, #tpu.memory_space<vmem>> -> memref<1x80xi32, #tpu.memory_space<vmem>>
      %dma_wait3A_277 = tpu.memref_squeeze %dma_wait3A_276 : memref<1x80xi32, #tpu.memory_space<vmem>> -> memref<80xi32, #tpu.memory_space<vmem>>
      %dma_wait3A_278 = arith.constant 0 : i32
      %dma_wait3A_279 = arith.constant 0 : i32
      %dma_wait3A_280 = tpu.memref_slice %arg2[%dma_wait3A_278, %dma_wait3A_279] : memref<20000x128xf32, #tpu.memory_space<hbm>> -> memref<20000x128xf32, #tpu.memory_space<hbm>>
      tpu.wait_indirect_dma semaphore(%arg15 : memref<!tpu.dma_semaphore, #tpu.memory_space<semaphore_mem>>) src(%dma_wait3A_280 : memref<20000x128xf32, #tpu.memory_space<hbm>>) dst(%arg10 : memref<80x128xf32, #tpu.memory_space<vmem>>)
      %dma_start3A_281 = arith.constant 0 : i32
      %dma_start3A_282 = tpu.memref_slice %arg7[%add3A_273, %dma_start3A_281] : memref<32x80xi32, #tpu.memory_space<vmem>> -> memref<1x80xi32, #tpu.memory_space<vmem>>
      %dma_start3A_283 = tpu.memref_squeeze %dma_start3A_282 : memref<1x80xi32, #tpu.memory_space<vmem>> -> memref<80xi32, #tpu.memory_space<vmem>>
      %dma_start3A_284 = arith.constant 0 : i32
      %dma_start3A_285 = arith.constant 0 : i32
      %dma_start3A_286 = tpu.memref_slice %arg12[%dma_start3A_284, %dma_start3A_285] : memref<10112x128xf32, #tpu.memory_space<vmem_shared>> -> memref<10112x128xf32, #tpu.memory_space<vmem_shared>>
      tpu.enqueue_indirect_dma source(%arg10 : memref<80x128xf32, #tpu.memory_space<vmem>>) target(%dma_start3A_286 : memref<10112x128xf32, #tpu.memory_space<vmem_shared>>) offsets(%dma_start3A_283 : memref<80xi32, #tpu.memory_space<vmem>>) semaphore(%arg19 : memref<!tpu.dma_semaphore, #tpu.memory_space<semaphore_mem>>) {add = true}
      %add3A_287 = arith.constant 2 : i32
      %add3A_288 = arith.addi %add3A_273, %add3A_287 : i32
      %lt3A_289 = arith.constant 32 : i32
      %lt3A_290 = arith.cmpi slt, %add3A_288, %lt3A_289 : i32
      %convert_element_type3A_291 = arith.extui %lt3A_290 : i1 to i32
      %cond3A_292 = arith.constant 0 : i32
      %cond3A_293 = arith.cmpi ne, %convert_element_type3A_291, %cond3A_292 : i32
      scf.if %cond3A_293 {
        %ge3A = arith.constant 2 : i32
        %ge3A_319 = arith.cmpi sge, %add3A_273, %ge3A : i32
        %convert_element_type3A_320 = arith.extui %ge3A_319 : i1 to i32
        %cond3A_321 = arith.constant 0 : i32
        %cond3A_322 = arith.cmpi ne, %convert_element_type3A_320, %cond3A_321 : i32
        scf.if %cond3A_322 {
          %dma_wait3A_331 = arith.constant 0 : i32
          %dma_wait3A_332 = arith.constant 0 : i32
          %dma_wait3A_333 = tpu.memref_slice %arg7[%dma_wait3A_331, %dma_wait3A_332] : memref<32x80xi32, #tpu.memory_space<vmem>> -> memref<1x80xi32, #tpu.memory_space<vmem>>
          %dma_wait3A_334 = tpu.memref_squeeze %dma_wait3A_333 : memref<1x80xi32, #tpu.memory_space<vmem>> -> memref<80xi32, #tpu.memory_space<vmem>>
          %dma_wait3A_335 = arith.constant 0 : i32
          %dma_wait3A_336 = arith.constant 0 : i32
          %dma_wait3A_337 = tpu.memref_slice %arg12[%dma_wait3A_335, %dma_wait3A_336] : memref<10112x128xf32, #tpu.memory_space<vmem_shared>> -> memref<10112x128xf32, #tpu.memory_space<vmem_shared>>
          tpu.wait_indirect_dma semaphore(%arg17 : memref<!tpu.dma_semaphore, #tpu.memory_space<semaphore_mem>>) src(%arg8 : memref<80x128xf32, #tpu.memory_space<vmem>>) dst(%dma_wait3A_337 : memref<10112x128xf32, #tpu.memory_space<vmem_shared>>)
        } else {
        }
        %add3A_323 = arith.constant 2 : i32
        %add3A_324 = arith.addi %add3A_273, %add3A_323 : i32
        %dma_start3A_325 = arith.constant 0 : i32
        %dma_start3A_326 = tpu.memref_slice %arg6[%add3A_324, %dma_start3A_325] : memref<32x80xi32, #tpu.memory_space<vmem>> -> memref<1x80xi32, #tpu.memory_space<vmem>>
        %dma_start3A_327 = tpu.memref_squeeze %dma_start3A_326 : memref<1x80xi32, #tpu.memory_space<vmem>> -> memref<80xi32, #tpu.memory_space<vmem>>
        %dma_start3A_328 = arith.constant 0 : i32
        %dma_start3A_329 = arith.constant 0 : i32
        %dma_start3A_330 = tpu.memref_slice %arg2[%dma_start3A_328, %dma_start3A_329] : memref<20000x128xf32, #tpu.memory_space<hbm>> -> memref<20000x128xf32, #tpu.memory_space<hbm>>
        tpu.enqueue_indirect_dma source(%dma_start3A_330 : memref<20000x128xf32, #tpu.memory_space<hbm>>) target(%arg8 : memref<80x128xf32, #tpu.memory_space<vmem>>) offsets(%dma_start3A_327 : memref<80xi32, #tpu.memory_space<vmem>>) semaphore(%arg13 : memref<!tpu.dma_semaphore, #tpu.memory_space<semaphore_mem>>)
      } else {
      }
      %mul3A_294 = arith.constant 4 : i32
      %mul3A_295 = arith.muli %scan3A_223, %mul3A_294 : i32
      %add3A_296 = arith.constant 3 : i32
      %add3A_297 = arith.addi %mul3A_295, %add3A_296 : i32
      %dma_wait3A_298 = arith.constant 0 : i32
      %dma_wait3A_299 = arith.constant 0 : i32
      %dma_wait3A_300 = tpu.memref_slice %arg6[%dma_wait3A_298, %dma_wait3A_299] : memref<32x80xi32, #tpu.memory_space<vmem>> -> memref<1x80xi32, #tpu.memory_space<vmem>>
      %dma_wait3A_301 = tpu.memref_squeeze %dma_wait3A_300 : memref<1x80xi32, #tpu.memory_space<vmem>> -> memref<80xi32, #tpu.memory_space<vmem>>
      %dma_wait3A_302 = arith.constant 0 : i32
      %dma_wait3A_303 = arith.constant 0 : i32
      %dma_wait3A_304 = tpu.memref_slice %arg2[%dma_wait3A_302, %dma_wait3A_303] : memref<20000x128xf32, #tpu.memory_space<hbm>> -> memref<20000x128xf32, #tpu.memory_space<hbm>>
      tpu.wait_indirect_dma semaphore(%arg16 : memref<!tpu.dma_semaphore, #tpu.memory_space<semaphore_mem>>) src(%dma_wait3A_304 : memref<20000x128xf32, #tpu.memory_space<hbm>>) dst(%arg11 : memref<80x128xf32, #tpu.memory_space<vmem>>)
      %dma_start3A_305 = arith.constant 0 : i32
      %dma_start3A_306 = tpu.memref_slice %arg7[%add3A_297, %dma_start3A_305] : memref<32x80xi32, #tpu.memory_space<vmem>> -> memref<1x80xi32, #tpu.memory_space<vmem>>
      %dma_start3A_307 = tpu.memref_squeeze %dma_start3A_306 : memref<1x80xi32, #tpu.memory_space<vmem>> -> memref<80xi32, #tpu.memory_space<vmem>>
      %dma_start3A_308 = arith.constant 0 : i32
      %dma_start3A_309 = arith.constant 0 : i32
      %dma_start3A_310 = tpu.memref_slice %arg12[%dma_start3A_308, %dma_start3A_309] : memref<10112x128xf32, #tpu.memory_space<vmem_shared>> -> memref<10112x128xf32, #tpu.memory_space<vmem_shared>>
      tpu.enqueue_indirect_dma source(%arg11 : memref<80x128xf32, #tpu.memory_space<vmem>>) target(%dma_start3A_310 : memref<10112x128xf32, #tpu.memory_space<vmem_shared>>) offsets(%dma_start3A_307 : memref<80xi32, #tpu.memory_space<vmem>>) semaphore(%arg20 : memref<!tpu.dma_semaphore, #tpu.memory_space<semaphore_mem>>) {add = true}
      %add3A_311 = arith.constant 2 : i32
      %add3A_312 = arith.addi %add3A_297, %add3A_311 : i32
      %lt3A_313 = arith.constant 32 : i32
      %lt3A_314 = arith.cmpi slt, %add3A_312, %lt3A_313 : i32
      %convert_element_type3A_315 = arith.extui %lt3A_314 : i1 to i32
      %cond3A_316 = arith.constant 0 : i32
      %cond3A_317 = arith.cmpi ne, %convert_element_type3A_315, %cond3A_316 : i32
      scf.if %cond3A_317 {
        %ge3A = arith.constant 2 : i32
        %ge3A_319 = arith.cmpi sge, %add3A_297, %ge3A : i32
        %convert_element_type3A_320 = arith.extui %ge3A_319 : i1 to i32
        %cond3A_321 = arith.constant 0 : i32
        %cond3A_322 = arith.cmpi ne, %convert_element_type3A_320, %cond3A_321 : i32
        scf.if %cond3A_322 {
          %dma_wait3A_331 = arith.constant 0 : i32
          %dma_wait3A_332 = arith.constant 0 : i32
          %dma_wait3A_333 = tpu.memref_slice %arg7[%dma_wait3A_331, %dma_wait3A_332] : memref<32x80xi32, #tpu.memory_space<vmem>> -> memref<1x80xi32, #tpu.memory_space<vmem>>
          %dma_wait3A_334 = tpu.memref_squeeze %dma_wait3A_333 : memref<1x80xi32, #tpu.memory_space<vmem>> -> memref<80xi32, #tpu.memory_space<vmem>>
          %dma_wait3A_335 = arith.constant 0 : i32
          %dma_wait3A_336 = arith.constant 0 : i32
          %dma_wait3A_337 = tpu.memref_slice %arg12[%dma_wait3A_335, %dma_wait3A_336] : memref<10112x128xf32, #tpu.memory_space<vmem_shared>> -> memref<10112x128xf32, #tpu.memory_space<vmem_shared>>
          tpu.wait_indirect_dma semaphore(%arg18 : memref<!tpu.dma_semaphore, #tpu.memory_space<semaphore_mem>>) src(%arg9 : memref<80x128xf32, #tpu.memory_space<vmem>>) dst(%dma_wait3A_337 : memref<10112x128xf32, #tpu.memory_space<vmem_shared>>)
        } else {
        }
        %add3A_323 = arith.constant 2 : i32
        %add3A_324 = arith.addi %add3A_297, %add3A_323 : i32
        %dma_start3A_325 = arith.constant 0 : i32
        %dma_start3A_326 = tpu.memref_slice %arg6[%add3A_324, %dma_start3A_325] : memref<32x80xi32, #tpu.memory_space<vmem>> -> memref<1x80xi32, #tpu.memory_space<vmem>>
        %dma_start3A_327 = tpu.memref_squeeze %dma_start3A_326 : memref<1x80xi32, #tpu.memory_space<vmem>> -> memref<80xi32, #tpu.memory_space<vmem>>
        %dma_start3A_328 = arith.constant 0 : i32
        %dma_start3A_329 = arith.constant 0 : i32
        %dma_start3A_330 = tpu.memref_slice %arg2[%dma_start3A_328, %dma_start3A_329] : memref<20000x128xf32, #tpu.memory_space<hbm>> -> memref<20000x128xf32, #tpu.memory_space<hbm>>
        tpu.enqueue_indirect_dma source(%dma_start3A_330 : memref<20000x128xf32, #tpu.memory_space<hbm>>) target(%arg9 : memref<80x128xf32, #tpu.memory_space<vmem>>) offsets(%dma_start3A_327 : memref<80xi32, #tpu.memory_space<vmem>>) semaphore(%arg14 : memref<!tpu.dma_semaphore, #tpu.memory_space<semaphore_mem>>)
      } else {
      }
      %scan3A_318 = arith.constant 0 : i32
      scf.yield %scan3A_318 : i32
    }
    %scan3A_141 = arith.constant 8 : i32
    %dma_wait3A_142 = arith.constant 0 : i32
    %dma_wait3A_143 = arith.constant 0 : i32
    %dma_wait3A_144 = tpu.memref_slice %arg7[%dma_wait3A_142, %dma_wait3A_143] : memref<32x80xi32, #tpu.memory_space<vmem>> -> memref<1x80xi32, #tpu.memory_space<vmem>>
    %dma_wait3A_145 = tpu.memref_squeeze %dma_wait3A_144 : memref<1x80xi32, #tpu.memory_space<vmem>> -> memref<80xi32, #tpu.memory_space<vmem>>
    %dma_wait3A_146 = arith.constant 0 : i32
    %dma_wait3A_147 = arith.constant 0 : i32
    %dma_wait3A_148 = tpu.memref_slice %arg12[%dma_wait3A_146, %dma_wait3A_147] : memref<10112x128xf32, #tpu.memory_space<vmem_shared>> -> memref<10112x128xf32, #tpu.memory_space<vmem_shared>>
    tpu.wait_indirect_dma semaphore(%arg17 : memref<!tpu.dma_semaphore, #tpu.memory_space<semaphore_mem>>) src(%arg8 : memref<80x128xf32, #tpu.memory_space<vmem>>) dst(%dma_wait3A_148 : memref<10112x128xf32, #tpu.memory_space<vmem_shared>>)
    %dma_wait3A_149 = arith.constant 0 : i32
    %dma_wait3A_150 = arith.constant 0 : i32
    %dma_wait3A_151 = tpu.memref_slice %arg7[%dma_wait3A_149, %dma_wait3A_150] : memref<32x80xi32, #tpu.memory_space<vmem>> -> memref<1x80xi32, #tpu.memory_space<vmem>>
    %dma_wait3A_152 = tpu.memref_squeeze %dma_wait3A_151 : memref<1x80xi32, #tpu.memory_space<vmem>> -> memref<80xi32, #tpu.memory_space<vmem>>
    %dma_wait3A_153 = arith.constant 0 : i32
    %dma_wait3A_154 = arith.constant 0 : i32
    %dma_wait3A_155 = tpu.memref_slice %arg12[%dma_wait3A_153, %dma_wait3A_154] : memref<10112x128xf32, #tpu.memory_space<vmem_shared>> -> memref<10112x128xf32, #tpu.memory_space<vmem_shared>>
    tpu.wait_indirect_dma semaphore(%arg18 : memref<!tpu.dma_semaphore, #tpu.memory_space<semaphore_mem>>) src(%arg9 : memref<80x128xf32, #tpu.memory_space<vmem>>) dst(%dma_wait3A_155 : memref<10112x128xf32, #tpu.memory_space<vmem_shared>>)
    %dma_wait3A_156 = arith.constant 0 : i32
    %dma_wait3A_157 = arith.constant 0 : i32
    %dma_wait3A_158 = tpu.memref_slice %arg7[%dma_wait3A_156, %dma_wait3A_157] : memref<32x80xi32, #tpu.memory_space<vmem>> -> memref<1x80xi32, #tpu.memory_space<vmem>>
    %dma_wait3A_159 = tpu.memref_squeeze %dma_wait3A_158 : memref<1x80xi32, #tpu.memory_space<vmem>> -> memref<80xi32, #tpu.memory_space<vmem>>
    %dma_wait3A_160 = arith.constant 0 : i32
    %dma_wait3A_161 = arith.constant 0 : i32
    %dma_wait3A_162 = tpu.memref_slice %arg12[%dma_wait3A_160, %dma_wait3A_161] : memref<10112x128xf32, #tpu.memory_space<vmem_shared>> -> memref<10112x128xf32, #tpu.memory_space<vmem_shared>>
    tpu.wait_indirect_dma semaphore(%arg19 : memref<!tpu.dma_semaphore, #tpu.memory_space<semaphore_mem>>) src(%arg10 : memref<80x128xf32, #tpu.memory_space<vmem>>) dst(%dma_wait3A_162 : memref<10112x128xf32, #tpu.memory_space<vmem_shared>>)
    %dma_wait3A_163 = arith.constant 0 : i32
    %dma_wait3A_164 = arith.constant 0 : i32
    %dma_wait3A_165 = tpu.memref_slice %arg7[%dma_wait3A_163, %dma_wait3A_164] : memref<32x80xi32, #tpu.memory_space<vmem>> -> memref<1x80xi32, #tpu.memory_space<vmem>>
    %dma_wait3A_166 = tpu.memref_squeeze %dma_wait3A_165 : memref<1x80xi32, #tpu.memory_space<vmem>> -> memref<80xi32, #tpu.memory_space<vmem>>
    %dma_wait3A_167 = arith.constant 0 : i32
    %dma_wait3A_168 = arith.constant 0 : i32
    %dma_wait3A_169 = tpu.memref_slice %arg12[%dma_wait3A_167, %dma_wait3A_168] : memref<10112x128xf32, #tpu.memory_space<vmem_shared>> -> memref<10112x128xf32, #tpu.memory_space<vmem_shared>>
    tpu.wait_indirect_dma semaphore(%arg20 : memref<!tpu.dma_semaphore, #tpu.memory_space<semaphore_mem>>) src(%arg11 : memref<80x128xf32, #tpu.memory_space<vmem>>) dst(%dma_wait3A_169 : memref<10112x128xf32, #tpu.memory_space<vmem_shared>>)
    "tpu.region"() ({
      %run_scoped3A = tpu.sem_alloc : memref<!tpu.dma_semaphore, #tpu.memory_space<semaphore_mem>>
      %dma_start3A_223 = arith.constant 96 : i32
      %dma_start3A_224 = arith.constant 0 : i32
      %dma_start3A_225 = tpu.memref_slice %arg3[%add3A, %dma_start3A_223, %dma_start3A_224] : memref<32x128x80xi32, #tpu.memory_space<hbm>> -> memref<1x32x80xi32, #tpu.memory_space<hbm>>
      %dma_start3A_226 = tpu.memref_squeeze %dma_start3A_225 : memref<1x32x80xi32, #tpu.memory_space<hbm>> -> memref<32x80xi32, #tpu.memory_space<hbm>>
      %dma_start3A_227 = arith.constant 96 : i32
      %dma_start3A_228 = arith.constant 0 : i32
      %dma_start3A_229 = tpu.memref_slice %arg3[%add3A, %dma_start3A_227, %dma_start3A_228] : memref<32x128x80xi32, #tpu.memory_space<hbm>> -> memref<1x32x80xi32, #tpu.memory_space<hbm>>
      %dma_start3A_230 = tpu.memref_squeeze %dma_start3A_229 : memref<1x32x80xi32, #tpu.memory_space<hbm>> -> memref<32x80xi32, #tpu.memory_space<hbm>>
      tpu.enqueue_dma source(%dma_start3A_230 : memref<32x80xi32, #tpu.memory_space<hbm>>) target(%arg6 : memref<32x80xi32, #tpu.memory_space<vmem>>) target_semaphore(%run_scoped3A : memref<!tpu.dma_semaphore, #tpu.memory_space<semaphore_mem>>)
      %dma_wait3A_231 = arith.constant 96 : i32
      %dma_wait3A_232 = arith.constant 0 : i32
      %dma_wait3A_233 = tpu.memref_slice %arg3[%add3A, %dma_wait3A_231, %dma_wait3A_232] : memref<32x128x80xi32, #tpu.memory_space<hbm>> -> memref<1x32x80xi32, #tpu.memory_space<hbm>>
      %dma_wait3A_234 = tpu.memref_squeeze %dma_wait3A_233 : memref<1x32x80xi32, #tpu.memory_space<hbm>> -> memref<32x80xi32, #tpu.memory_space<hbm>>
      %dma_wait3A_235 = arith.constant 96 : i32
      %dma_wait3A_236 = arith.constant 0 : i32
      %dma_wait3A_237 = tpu.memref_slice %arg3[%add3A, %dma_wait3A_235, %dma_wait3A_236] : memref<32x128x80xi32, #tpu.memory_space<hbm>> -> memref<1x32x80xi32, #tpu.memory_space<hbm>>
      %dma_wait3A_238 = tpu.memref_squeeze %dma_wait3A_237 : memref<1x32x80xi32, #tpu.memory_space<hbm>> -> memref<32x80xi32, #tpu.memory_space<hbm>>
      tpu.wait_dma2 semaphore(%run_scoped3A : memref<!tpu.dma_semaphore, #tpu.memory_space<semaphore_mem>>) src(%dma_wait3A_238 : memref<32x80xi32, #tpu.memory_space<hbm>>) dst(%arg6 : memref<32x80xi32, #tpu.memory_space<vmem>>)
      tpu.yield
    }) : () -> ()
    "tpu.region"() ({
      %run_scoped3A = tpu.sem_alloc : memref<!tpu.dma_semaphore, #tpu.memory_space<semaphore_mem>>
      %dma_start3A_223 = arith.constant 96 : i32
      %dma_start3A_224 = arith.constant 0 : i32
      %dma_start3A_225 = tpu.memref_slice %arg4[%arg1, %dma_start3A_223, %dma_start3A_224] : memref<16x128x80xi32, #tpu.memory_space<hbm>> -> memref<1x32x80xi32, #tpu.memory_space<hbm>>
      %dma_start3A_226 = tpu.memref_squeeze %dma_start3A_225 : memref<1x32x80xi32, #tpu.memory_space<hbm>> -> memref<32x80xi32, #tpu.memory_space<hbm>>
      %dma_start3A_227 = arith.constant 96 : i32
      %dma_start3A_228 = arith.constant 0 : i32
      %dma_start3A_229 = tpu.memref_slice %arg4[%arg1, %dma_start3A_227, %dma_start3A_228] : memref<16x128x80xi32, #tpu.memory_space<hbm>> -> memref<1x32x80xi32, #tpu.memory_space<hbm>>
      %dma_start3A_230 = tpu.memref_squeeze %dma_start3A_229 : memref<1x32x80xi32, #tpu.memory_space<hbm>> -> memref<32x80xi32, #tpu.memory_space<hbm>>
      tpu.enqueue_dma source(%dma_start3A_230 : memref<32x80xi32, #tpu.memory_space<hbm>>) target(%arg7 : memref<32x80xi32, #tpu.memory_space<vmem>>) target_semaphore(%run_scoped3A : memref<!tpu.dma_semaphore, #tpu.memory_space<semaphore_mem>>)
      %dma_wait3A_231 = arith.constant 96 : i32
      %dma_wait3A_232 = arith.constant 0 : i32
      %dma_wait3A_233 = tpu.memref_slice %arg4[%arg1, %dma_wait3A_231, %dma_wait3A_232] : memref<16x128x80xi32, #tpu.memory_space<hbm>> -> memref<1x32x80xi32, #tpu.memory_space<hbm>>
      %dma_wait3A_234 = tpu.memref_squeeze %dma_wait3A_233 : memref<1x32x80xi32, #tpu.memory_space<hbm>> -> memref<32x80xi32, #tpu.memory_space<hbm>>
      %dma_wait3A_235 = arith.constant 96 : i32
      %dma_wait3A_236 = arith.constant 0 : i32
      %dma_wait3A_237 = tpu.memref_slice %arg4[%arg1, %dma_wait3A_235, %dma_wait3A_236] : memref<16x128x80xi32, #tpu.memory_space<hbm>> -> memref<1x32x80xi32, #tpu.memory_space<hbm>>
      %dma_wait3A_238 = tpu.memref_squeeze %dma_wait3A_237 : memref<1x32x80xi32, #tpu.memory_space<hbm>> -> memref<32x80xi32, #tpu.memory_space<hbm>>
      tpu.wait_dma2 semaphore(%run_scoped3A : memref<!tpu.dma_semaphore, #tpu.memory_space<semaphore_mem>>) src(%dma_wait3A_238 : memref<32x80xi32, #tpu.memory_space<hbm>>) dst(%arg7 : memref<32x80xi32, #tpu.memory_space<vmem>>)
      tpu.yield
    }) : () -> ()
    %dma_start3A_170 = arith.constant 0 : i32
    %dma_start3A_171 = arith.constant 0 : i32
    %dma_start3A_172 = tpu.memref_slice %arg6[%dma_start3A_170, %dma_start3A_171] : memref<32x80xi32, #tpu.memory_space<vmem>> -> memref<1x80xi32, #tpu.memory_space<vmem>>
    %dma_start3A_173 = tpu.memref_squeeze %dma_start3A_172 : memref<1x80xi32, #tpu.memory_space<vmem>> -> memref<80xi32, #tpu.memory_space<vmem>>
    %dma_start3A_174 = arith.constant 0 : i32
    %dma_start3A_175 = arith.constant 0 : i32
    %dma_start3A_176 = tpu.memref_slice %arg2[%dma_start3A_174, %dma_start3A_175] : memref<20000x128xf32, #tpu.memory_space<hbm>> -> memref<20000x128xf32, #tpu.memory_space<hbm>>
    tpu.enqueue_indirect_dma source(%dma_start3A_176 : memref<20000x128xf32, #tpu.memory_space<hbm>>) target(%arg8 : memref<80x128xf32, #tpu.memory_space<vmem>>) offsets(%dma_start3A_173 : memref<80xi32, #tpu.memory_space<vmem>>) semaphore(%arg13 : memref<!tpu.dma_semaphore, #tpu.memory_space<semaphore_mem>>)
    %dma_start3A_177 = arith.constant 1 : i32
    %dma_start3A_178 = arith.constant 0 : i32
    %dma_start3A_179 = tpu.memref_slice %arg6[%dma_start3A_177, %dma_start3A_178] : memref<32x80xi32, #tpu.memory_space<vmem>> -> memref<1x80xi32, #tpu.memory_space<vmem>>
    %dma_start3A_180 = tpu.memref_squeeze %dma_start3A_179 : memref<1x80xi32, #tpu.memory_space<vmem>> -> memref<80xi32, #tpu.memory_space<vmem>>
    %dma_start3A_181 = arith.constant 0 : i32
    %dma_start3A_182 = arith.constant 0 : i32
    %dma_start3A_183 = tpu.memref_slice %arg2[%dma_start3A_181, %dma_start3A_182] : memref<20000x128xf32, #tpu.memory_space<hbm>> -> memref<20000x128xf32, #tpu.memory_space<hbm>>
    tpu.enqueue_indirect_dma source(%dma_start3A_183 : memref<20000x128xf32, #tpu.memory_space<hbm>>) target(%arg9 : memref<80x128xf32, #tpu.memory_space<vmem>>) offsets(%dma_start3A_180 : memref<80xi32, #tpu.memory_space<vmem>>) semaphore(%arg14 : memref<!tpu.dma_semaphore, #tpu.memory_space<semaphore_mem>>)
    %scan3A_184 = arith.constant 0 : i32
    %scan3A_185 = arith.constant 0 : i32
    %scan3A_186 = arith.constant 8 : i32
    %scan3A_187 = arith.addi %scan3A_185, %scan3A_186 : i32
    %scan3A_188 = arith.constant 1 : i32
    %scan3A_189 = scf.for %scan3A_223 = %scan3A_185 to %scan3A_187 step %scan3A_188 iter_args(%scan3A_224 = %scan3A_184) -> (i32)  : i32 {
      %mul3A_225 = arith.constant 4 : i32
      %mul3A_226 = arith.muli %scan3A_223, %mul3A_225 : i32
      %add3A_227 = arith.constant 0 : i32
      %add3A_228 = arith.addi %mul3A_226, %add3A_227 : i32
      %dma_wait3A_229 = arith.constant 0 : i32
      %dma_wait3A_230 = arith.constant 0 : i32
      %dma_wait3A_231 = tpu.memref_slice %arg6[%dma_wait3A_229, %dma_wait3A_230] : memref<32x80xi32, #tpu.memory_space<vmem>> -> memref<1x80xi32, #tpu.memory_space<vmem>>
      %dma_wait3A_232 = tpu.memref_squeeze %dma_wait3A_231 : memref<1x80xi32, #tpu.memory_space<vmem>> -> memref<80xi32, #tpu.memory_space<vmem>>
      %dma_wait3A_233 = arith.constant 0 : i32
      %dma_wait3A_234 = arith.constant 0 : i32
      %dma_wait3A_235 = tpu.memref_slice %arg2[%dma_wait3A_233, %dma_wait3A_234] : memref<20000x128xf32, #tpu.memory_space<hbm>> -> memref<20000x128xf32, #tpu.memory_space<hbm>>
      tpu.wait_indirect_dma semaphore(%arg13 : memref<!tpu.dma_semaphore, #tpu.memory_space<semaphore_mem>>) src(%dma_wait3A_235 : memref<20000x128xf32, #tpu.memory_space<hbm>>) dst(%arg8 : memref<80x128xf32, #tpu.memory_space<vmem>>)
      %dma_start3A_236 = arith.constant 0 : i32
      %dma_start3A_237 = tpu.memref_slice %arg7[%add3A_228, %dma_start3A_236] : memref<32x80xi32, #tpu.memory_space<vmem>> -> memref<1x80xi32, #tpu.memory_space<vmem>>
      %dma_start3A_238 = tpu.memref_squeeze %dma_start3A_237 : memref<1x80xi32, #tpu.memory_space<vmem>> -> memref<80xi32, #tpu.memory_space<vmem>>
      %dma_start3A_239 = arith.constant 0 : i32
      %dma_start3A_240 = arith.constant 0 : i32
      %dma_start3A_241 = tpu.memref_slice %arg12[%dma_start3A_239, %dma_start3A_240] : memref<10112x128xf32, #tpu.memory_space<vmem_shared>> -> memref<10112x128xf32, #tpu.memory_space<vmem_shared>>
      tpu.enqueue_indirect_dma source(%arg8 : memref<80x128xf32, #tpu.memory_space<vmem>>) target(%dma_start3A_241 : memref<10112x128xf32, #tpu.memory_space<vmem_shared>>) offsets(%dma_start3A_238 : memref<80xi32, #tpu.memory_space<vmem>>) semaphore(%arg17 : memref<!tpu.dma_semaphore, #tpu.memory_space<semaphore_mem>>) {add = true}
      %add3A_242 = arith.constant 2 : i32
      %add3A_243 = arith.addi %add3A_228, %add3A_242 : i32
      %lt3A = arith.constant 32 : i32
      %lt3A_244 = arith.cmpi slt, %add3A_243, %lt3A : i32
      %convert_element_type3A = arith.extui %lt3A_244 : i1 to i32
      %cond3A = arith.constant 0 : i32
      %cond3A_245 = arith.cmpi ne, %convert_element_type3A, %cond3A : i32
      scf.if %cond3A_245 {
        %ge3A = arith.constant 2 : i32
        %ge3A_319 = arith.cmpi sge, %add3A_228, %ge3A : i32
        %convert_element_type3A_320 = arith.extui %ge3A_319 : i1 to i32
        %cond3A_321 = arith.constant 0 : i32
        %cond3A_322 = arith.cmpi ne, %convert_element_type3A_320, %cond3A_321 : i32
        scf.if %cond3A_322 {
          %dma_wait3A_331 = arith.constant 0 : i32
          %dma_wait3A_332 = arith.constant 0 : i32
          %dma_wait3A_333 = tpu.memref_slice %arg7[%dma_wait3A_331, %dma_wait3A_332] : memref<32x80xi32, #tpu.memory_space<vmem>> -> memref<1x80xi32, #tpu.memory_space<vmem>>
          %dma_wait3A_334 = tpu.memref_squeeze %dma_wait3A_333 : memref<1x80xi32, #tpu.memory_space<vmem>> -> memref<80xi32, #tpu.memory_space<vmem>>
          %dma_wait3A_335 = arith.constant 0 : i32
          %dma_wait3A_336 = arith.constant 0 : i32
          %dma_wait3A_337 = tpu.memref_slice %arg12[%dma_wait3A_335, %dma_wait3A_336] : memref<10112x128xf32, #tpu.memory_space<vmem_shared>> -> memref<10112x128xf32, #tpu.memory_space<vmem_shared>>
          tpu.wait_indirect_dma semaphore(%arg19 : memref<!tpu.dma_semaphore, #tpu.memory_space<semaphore_mem>>) src(%arg10 : memref<80x128xf32, #tpu.memory_space<vmem>>) dst(%dma_wait3A_337 : memref<10112x128xf32, #tpu.memory_space<vmem_shared>>)
        } else {
        }
        %add3A_323 = arith.constant 2 : i32
        %add3A_324 = arith.addi %add3A_228, %add3A_323 : i32
        %dma_start3A_325 = arith.constant 0 : i32
        %dma_start3A_326 = tpu.memref_slice %arg6[%add3A_324, %dma_start3A_325] : memref<32x80xi32, #tpu.memory_space<vmem>> -> memref<1x80xi32, #tpu.memory_space<vmem>>
        %dma_start3A_327 = tpu.memref_squeeze %dma_start3A_326 : memref<1x80xi32, #tpu.memory_space<vmem>> -> memref<80xi32, #tpu.memory_space<vmem>>
        %dma_start3A_328 = arith.constant 0 : i32
        %dma_start3A_329 = arith.constant 0 : i32
        %dma_start3A_330 = tpu.memref_slice %arg2[%dma_start3A_328, %dma_start3A_329] : memref<20000x128xf32, #tpu.memory_space<hbm>> -> memref<20000x128xf32, #tpu.memory_space<hbm>>
        tpu.enqueue_indirect_dma source(%dma_start3A_330 : memref<20000x128xf32, #tpu.memory_space<hbm>>) target(%arg10 : memref<80x128xf32, #tpu.memory_space<vmem>>) offsets(%dma_start3A_327 : memref<80xi32, #tpu.memory_space<vmem>>) semaphore(%arg15 : memref<!tpu.dma_semaphore, #tpu.memory_space<semaphore_mem>>)
      } else {
      }
      %mul3A_246 = arith.constant 4 : i32
      %mul3A_247 = arith.muli %scan3A_223, %mul3A_246 : i32
      %add3A_248 = arith.constant 1 : i32
      %add3A_249 = arith.addi %mul3A_247, %add3A_248 : i32
      %dma_wait3A_250 = arith.constant 0 : i32
      %dma_wait3A_251 = arith.constant 0 : i32
      %dma_wait3A_252 = tpu.memref_slice %arg6[%dma_wait3A_250, %dma_wait3A_251] : memref<32x80xi32, #tpu.memory_space<vmem>> -> memref<1x80xi32, #tpu.memory_space<vmem>>
      %dma_wait3A_253 = tpu.memref_squeeze %dma_wait3A_252 : memref<1x80xi32, #tpu.memory_space<vmem>> -> memref<80xi32, #tpu.memory_space<vmem>>
      %dma_wait3A_254 = arith.constant 0 : i32
      %dma_wait3A_255 = arith.constant 0 : i32
      %dma_wait3A_256 = tpu.memref_slice %arg2[%dma_wait3A_254, %dma_wait3A_255] : memref<20000x128xf32, #tpu.memory_space<hbm>> -> memref<20000x128xf32, #tpu.memory_space<hbm>>
      tpu.wait_indirect_dma semaphore(%arg14 : memref<!tpu.dma_semaphore, #tpu.memory_space<semaphore_mem>>) src(%dma_wait3A_256 : memref<20000x128xf32, #tpu.memory_space<hbm>>) dst(%arg9 : memref<80x128xf32, #tpu.memory_space<vmem>>)
      %dma_start3A_257 = arith.constant 0 : i32
      %dma_start3A_258 = tpu.memref_slice %arg7[%add3A_249, %dma_start3A_257] : memref<32x80xi32, #tpu.memory_space<vmem>> -> memref<1x80xi32, #tpu.memory_space<vmem>>
      %dma_start3A_259 = tpu.memref_squeeze %dma_start3A_258 : memref<1x80xi32, #tpu.memory_space<vmem>> -> memref<80xi32, #tpu.memory_space<vmem>>
      %dma_start3A_260 = arith.constant 0 : i32
      %dma_start3A_261 = arith.constant 0 : i32
      %dma_start3A_262 = tpu.memref_slice %arg12[%dma_start3A_260, %dma_start3A_261] : memref<10112x128xf32, #tpu.memory_space<vmem_shared>> -> memref<10112x128xf32, #tpu.memory_space<vmem_shared>>
      tpu.enqueue_indirect_dma source(%arg9 : memref<80x128xf32, #tpu.memory_space<vmem>>) target(%dma_start3A_262 : memref<10112x128xf32, #tpu.memory_space<vmem_shared>>) offsets(%dma_start3A_259 : memref<80xi32, #tpu.memory_space<vmem>>) semaphore(%arg18 : memref<!tpu.dma_semaphore, #tpu.memory_space<semaphore_mem>>) {add = true}
      %add3A_263 = arith.constant 2 : i32
      %add3A_264 = arith.addi %add3A_249, %add3A_263 : i32
      %lt3A_265 = arith.constant 32 : i32
      %lt3A_266 = arith.cmpi slt, %add3A_264, %lt3A_265 : i32
      %convert_element_type3A_267 = arith.extui %lt3A_266 : i1 to i32
      %cond3A_268 = arith.constant 0 : i32
      %cond3A_269 = arith.cmpi ne, %convert_element_type3A_267, %cond3A_268 : i32
      scf.if %cond3A_269 {
        %ge3A = arith.constant 2 : i32
        %ge3A_319 = arith.cmpi sge, %add3A_249, %ge3A : i32
        %convert_element_type3A_320 = arith.extui %ge3A_319 : i1 to i32
        %cond3A_321 = arith.constant 0 : i32
        %cond3A_322 = arith.cmpi ne, %convert_element_type3A_320, %cond3A_321 : i32
        scf.if %cond3A_322 {
          %dma_wait3A_331 = arith.constant 0 : i32
          %dma_wait3A_332 = arith.constant 0 : i32
          %dma_wait3A_333 = tpu.memref_slice %arg7[%dma_wait3A_331, %dma_wait3A_332] : memref<32x80xi32, #tpu.memory_space<vmem>> -> memref<1x80xi32, #tpu.memory_space<vmem>>
          %dma_wait3A_334 = tpu.memref_squeeze %dma_wait3A_333 : memref<1x80xi32, #tpu.memory_space<vmem>> -> memref<80xi32, #tpu.memory_space<vmem>>
          %dma_wait3A_335 = arith.constant 0 : i32
          %dma_wait3A_336 = arith.constant 0 : i32
          %dma_wait3A_337 = tpu.memref_slice %arg12[%dma_wait3A_335, %dma_wait3A_336] : memref<10112x128xf32, #tpu.memory_space<vmem_shared>> -> memref<10112x128xf32, #tpu.memory_space<vmem_shared>>
          tpu.wait_indirect_dma semaphore(%arg20 : memref<!tpu.dma_semaphore, #tpu.memory_space<semaphore_mem>>) src(%arg11 : memref<80x128xf32, #tpu.memory_space<vmem>>) dst(%dma_wait3A_337 : memref<10112x128xf32, #tpu.memory_space<vmem_shared>>)
        } else {
        }
        %add3A_323 = arith.constant 2 : i32
        %add3A_324 = arith.addi %add3A_249, %add3A_323 : i32
        %dma_start3A_325 = arith.constant 0 : i32
        %dma_start3A_326 = tpu.memref_slice %arg6[%add3A_324, %dma_start3A_325] : memref<32x80xi32, #tpu.memory_space<vmem>> -> memref<1x80xi32, #tpu.memory_space<vmem>>
        %dma_start3A_327 = tpu.memref_squeeze %dma_start3A_326 : memref<1x80xi32, #tpu.memory_space<vmem>> -> memref<80xi32, #tpu.memory_space<vmem>>
        %dma_start3A_328 = arith.constant 0 : i32
        %dma_start3A_329 = arith.constant 0 : i32
        %dma_start3A_330 = tpu.memref_slice %arg2[%dma_start3A_328, %dma_start3A_329] : memref<20000x128xf32, #tpu.memory_space<hbm>> -> memref<20000x128xf32, #tpu.memory_space<hbm>>
        tpu.enqueue_indirect_dma source(%dma_start3A_330 : memref<20000x128xf32, #tpu.memory_space<hbm>>) target(%arg11 : memref<80x128xf32, #tpu.memory_space<vmem>>) offsets(%dma_start3A_327 : memref<80xi32, #tpu.memory_space<vmem>>) semaphore(%arg16 : memref<!tpu.dma_semaphore, #tpu.memory_space<semaphore_mem>>)
      } else {
      }
      %mul3A_270 = arith.constant 4 : i32
      %mul3A_271 = arith.muli %scan3A_223, %mul3A_270 : i32
      %add3A_272 = arith.constant 2 : i32
      %add3A_273 = arith.addi %mul3A_271, %add3A_272 : i32
      %dma_wait3A_274 = arith.constant 0 : i32
      %dma_wait3A_275 = arith.constant 0 : i32
      %dma_wait3A_276 = tpu.memref_slice %arg6[%dma_wait3A_274, %dma_wait3A_275] : memref<32x80xi32, #tpu.memory_space<vmem>> -> memref<1x80xi32, #tpu.memory_space<vmem>>
      %dma_wait3A_277 = tpu.memref_squeeze %dma_wait3A_276 : memref<1x80xi32, #tpu.memory_space<vmem>> -> memref<80xi32, #tpu.memory_space<vmem>>
      %dma_wait3A_278 = arith.constant 0 : i32
      %dma_wait3A_279 = arith.constant 0 : i32
      %dma_wait3A_280 = tpu.memref_slice %arg2[%dma_wait3A_278, %dma_wait3A_279] : memref<20000x128xf32, #tpu.memory_space<hbm>> -> memref<20000x128xf32, #tpu.memory_space<hbm>>
      tpu.wait_indirect_dma semaphore(%arg15 : memref<!tpu.dma_semaphore, #tpu.memory_space<semaphore_mem>>) src(%dma_wait3A_280 : memref<20000x128xf32, #tpu.memory_space<hbm>>) dst(%arg10 : memref<80x128xf32, #tpu.memory_space<vmem>>)
      %dma_start3A_281 = arith.constant 0 : i32
      %dma_start3A_282 = tpu.memref_slice %arg7[%add3A_273, %dma_start3A_281] : memref<32x80xi32, #tpu.memory_space<vmem>> -> memref<1x80xi32, #tpu.memory_space<vmem>>
      %dma_start3A_283 = tpu.memref_squeeze %dma_start3A_282 : memref<1x80xi32, #tpu.memory_space<vmem>> -> memref<80xi32, #tpu.memory_space<vmem>>
      %dma_start3A_284 = arith.constant 0 : i32
      %dma_start3A_285 = arith.constant 0 : i32
      %dma_start3A_286 = tpu.memref_slice %arg12[%dma_start3A_284, %dma_start3A_285] : memref<10112x128xf32, #tpu.memory_space<vmem_shared>> -> memref<10112x128xf32, #tpu.memory_space<vmem_shared>>
      tpu.enqueue_indirect_dma source(%arg10 : memref<80x128xf32, #tpu.memory_space<vmem>>) target(%dma_start3A_286 : memref<10112x128xf32, #tpu.memory_space<vmem_shared>>) offsets(%dma_start3A_283 : memref<80xi32, #tpu.memory_space<vmem>>) semaphore(%arg19 : memref<!tpu.dma_semaphore, #tpu.memory_space<semaphore_mem>>) {add = true}
      %add3A_287 = arith.constant 2 : i32
      %add3A_288 = arith.addi %add3A_273, %add3A_287 : i32
      %lt3A_289 = arith.constant 32 : i32
      %lt3A_290 = arith.cmpi slt, %add3A_288, %lt3A_289 : i32
      %convert_element_type3A_291 = arith.extui %lt3A_290 : i1 to i32
      %cond3A_292 = arith.constant 0 : i32
      %cond3A_293 = arith.cmpi ne, %convert_element_type3A_291, %cond3A_292 : i32
      scf.if %cond3A_293 {
        %ge3A = arith.constant 2 : i32
        %ge3A_319 = arith.cmpi sge, %add3A_273, %ge3A : i32
        %convert_element_type3A_320 = arith.extui %ge3A_319 : i1 to i32
        %cond3A_321 = arith.constant 0 : i32
        %cond3A_322 = arith.cmpi ne, %convert_element_type3A_320, %cond3A_321 : i32
        scf.if %cond3A_322 {
          %dma_wait3A_331 = arith.constant 0 : i32
          %dma_wait3A_332 = arith.constant 0 : i32
          %dma_wait3A_333 = tpu.memref_slice %arg7[%dma_wait3A_331, %dma_wait3A_332] : memref<32x80xi32, #tpu.memory_space<vmem>> -> memref<1x80xi32, #tpu.memory_space<vmem>>
          %dma_wait3A_334 = tpu.memref_squeeze %dma_wait3A_333 : memref<1x80xi32, #tpu.memory_space<vmem>> -> memref<80xi32, #tpu.memory_space<vmem>>
          %dma_wait3A_335 = arith.constant 0 : i32
          %dma_wait3A_336 = arith.constant 0 : i32
          %dma_wait3A_337 = tpu.memref_slice %arg12[%dma_wait3A_335, %dma_wait3A_336] : memref<10112x128xf32, #tpu.memory_space<vmem_shared>> -> memref<10112x128xf32, #tpu.memory_space<vmem_shared>>
          tpu.wait_indirect_dma semaphore(%arg17 : memref<!tpu.dma_semaphore, #tpu.memory_space<semaphore_mem>>) src(%arg8 : memref<80x128xf32, #tpu.memory_space<vmem>>) dst(%dma_wait3A_337 : memref<10112x128xf32, #tpu.memory_space<vmem_shared>>)
        } else {
        }
        %add3A_323 = arith.constant 2 : i32
        %add3A_324 = arith.addi %add3A_273, %add3A_323 : i32
        %dma_start3A_325 = arith.constant 0 : i32
        %dma_start3A_326 = tpu.memref_slice %arg6[%add3A_324, %dma_start3A_325] : memref<32x80xi32, #tpu.memory_space<vmem>> -> memref<1x80xi32, #tpu.memory_space<vmem>>
        %dma_start3A_327 = tpu.memref_squeeze %dma_start3A_326 : memref<1x80xi32, #tpu.memory_space<vmem>> -> memref<80xi32, #tpu.memory_space<vmem>>
        %dma_start3A_328 = arith.constant 0 : i32
        %dma_start3A_329 = arith.constant 0 : i32
        %dma_start3A_330 = tpu.memref_slice %arg2[%dma_start3A_328, %dma_start3A_329] : memref<20000x128xf32, #tpu.memory_space<hbm>> -> memref<20000x128xf32, #tpu.memory_space<hbm>>
        tpu.enqueue_indirect_dma source(%dma_start3A_330 : memref<20000x128xf32, #tpu.memory_space<hbm>>) target(%arg8 : memref<80x128xf32, #tpu.memory_space<vmem>>) offsets(%dma_start3A_327 : memref<80xi32, #tpu.memory_space<vmem>>) semaphore(%arg13 : memref<!tpu.dma_semaphore, #tpu.memory_space<semaphore_mem>>)
      } else {
      }
      %mul3A_294 = arith.constant 4 : i32
      %mul3A_295 = arith.muli %scan3A_223, %mul3A_294 : i32
      %add3A_296 = arith.constant 3 : i32
      %add3A_297 = arith.addi %mul3A_295, %add3A_296 : i32
      %dma_wait3A_298 = arith.constant 0 : i32
      %dma_wait3A_299 = arith.constant 0 : i32
      %dma_wait3A_300 = tpu.memref_slice %arg6[%dma_wait3A_298, %dma_wait3A_299] : memref<32x80xi32, #tpu.memory_space<vmem>> -> memref<1x80xi32, #tpu.memory_space<vmem>>
      %dma_wait3A_301 = tpu.memref_squeeze %dma_wait3A_300 : memref<1x80xi32, #tpu.memory_space<vmem>> -> memref<80xi32, #tpu.memory_space<vmem>>
      %dma_wait3A_302 = arith.constant 0 : i32
      %dma_wait3A_303 = arith.constant 0 : i32
      %dma_wait3A_304 = tpu.memref_slice %arg2[%dma_wait3A_302, %dma_wait3A_303] : memref<20000x128xf32, #tpu.memory_space<hbm>> -> memref<20000x128xf32, #tpu.memory_space<hbm>>
      tpu.wait_indirect_dma semaphore(%arg16 : memref<!tpu.dma_semaphore, #tpu.memory_space<semaphore_mem>>) src(%dma_wait3A_304 : memref<20000x128xf32, #tpu.memory_space<hbm>>) dst(%arg11 : memref<80x128xf32, #tpu.memory_space<vmem>>)
      %dma_start3A_305 = arith.constant 0 : i32
      %dma_start3A_306 = tpu.memref_slice %arg7[%add3A_297, %dma_start3A_305] : memref<32x80xi32, #tpu.memory_space<vmem>> -> memref<1x80xi32, #tpu.memory_space<vmem>>
      %dma_start3A_307 = tpu.memref_squeeze %dma_start3A_306 : memref<1x80xi32, #tpu.memory_space<vmem>> -> memref<80xi32, #tpu.memory_space<vmem>>
      %dma_start3A_308 = arith.constant 0 : i32
      %dma_start3A_309 = arith.constant 0 : i32
      %dma_start3A_310 = tpu.memref_slice %arg12[%dma_start3A_308, %dma_start3A_309] : memref<10112x128xf32, #tpu.memory_space<vmem_shared>> -> memref<10112x128xf32, #tpu.memory_space<vmem_shared>>
      tpu.enqueue_indirect_dma source(%arg11 : memref<80x128xf32, #tpu.memory_space<vmem>>) target(%dma_start3A_310 : memref<10112x128xf32, #tpu.memory_space<vmem_shared>>) offsets(%dma_start3A_307 : memref<80xi32, #tpu.memory_space<vmem>>) semaphore(%arg20 : memref<!tpu.dma_semaphore, #tpu.memory_space<semaphore_mem>>) {add = true}
      %add3A_311 = arith.constant 2 : i32
      %add3A_312 = arith.addi %add3A_297, %add3A_311 : i32
      %lt3A_313 = arith.constant 32 : i32
      %lt3A_314 = arith.cmpi slt, %add3A_312, %lt3A_313 : i32
      %convert_element_type3A_315 = arith.extui %lt3A_314 : i1 to i32
      %cond3A_316 = arith.constant 0 : i32
      %cond3A_317 = arith.cmpi ne, %convert_element_type3A_315, %cond3A_316 : i32
      scf.if %cond3A_317 {
        %ge3A = arith.constant 2 : i32
        %ge3A_319 = arith.cmpi sge, %add3A_297, %ge3A : i32
        %convert_element_type3A_320 = arith.extui %ge3A_319 : i1 to i32
        %cond3A_321 = arith.constant 0 : i32
        %cond3A_322 = arith.cmpi ne, %convert_element_type3A_320, %cond3A_321 : i32
        scf.if %cond3A_322 {
          %dma_wait3A_331 = arith.constant 0 : i32
          %dma_wait3A_332 = arith.constant 0 : i32
          %dma_wait3A_333 = tpu.memref_slice %arg7[%dma_wait3A_331, %dma_wait3A_332] : memref<32x80xi32, #tpu.memory_space<vmem>> -> memref<1x80xi32, #tpu.memory_space<vmem>>
          %dma_wait3A_334 = tpu.memref_squeeze %dma_wait3A_333 : memref<1x80xi32, #tpu.memory_space<vmem>> -> memref<80xi32, #tpu.memory_space<vmem>>
          %dma_wait3A_335 = arith.constant 0 : i32
          %dma_wait3A_336 = arith.constant 0 : i32
          %dma_wait3A_337 = tpu.memref_slice %arg12[%dma_wait3A_335, %dma_wait3A_336] : memref<10112x128xf32, #tpu.memory_space<vmem_shared>> -> memref<10112x128xf32, #tpu.memory_space<vmem_shared>>
          tpu.wait_indirect_dma semaphore(%arg18 : memref<!tpu.dma_semaphore, #tpu.memory_space<semaphore_mem>>) src(%arg9 : memref<80x128xf32, #tpu.memory_space<vmem>>) dst(%dma_wait3A_337 : memref<10112x128xf32, #tpu.memory_space<vmem_shared>>)
        } else {
        }
        %add3A_323 = arith.constant 2 : i32
        %add3A_324 = arith.addi %add3A_297, %add3A_323 : i32
        %dma_start3A_325 = arith.constant 0 : i32
        %dma_start3A_326 = tpu.memref_slice %arg6[%add3A_324, %dma_start3A_325] : memref<32x80xi32, #tpu.memory_space<vmem>> -> memref<1x80xi32, #tpu.memory_space<vmem>>
        %dma_start3A_327 = tpu.memref_squeeze %dma_start3A_326 : memref<1x80xi32, #tpu.memory_space<vmem>> -> memref<80xi32, #tpu.memory_space<vmem>>
        %dma_start3A_328 = arith.constant 0 : i32
        %dma_start3A_329 = arith.constant 0 : i32
        %dma_start3A_330 = tpu.memref_slice %arg2[%dma_start3A_328, %dma_start3A_329] : memref<20000x128xf32, #tpu.memory_space<hbm>> -> memref<20000x128xf32, #tpu.memory_space<hbm>>
        tpu.enqueue_indirect_dma source(%dma_start3A_330 : memref<20000x128xf32, #tpu.memory_space<hbm>>) target(%arg9 : memref<80x128xf32, #tpu.memory_space<vmem>>) offsets(%dma_start3A_327 : memref<80xi32, #tpu.memory_space<vmem>>) semaphore(%arg14 : memref<!tpu.dma_semaphore, #tpu.memory_space<semaphore_mem>>)
      } else {
      }
      %scan3A_318 = arith.constant 0 : i32
      scf.yield %scan3A_318 : i32
    }
    %scan3A_190 = arith.constant 8 : i32
    %dma_wait3A_191 = arith.constant 0 : i32
    %dma_wait3A_192 = arith.constant 0 : i32
    %dma_wait3A_193 = tpu.memref_slice %arg7[%dma_wait3A_191, %dma_wait3A_192] : memref<32x80xi32, #tpu.memory_space<vmem>> -> memref<1x80xi32, #tpu.memory_space<vmem>>
    %dma_wait3A_194 = tpu.memref_squeeze %dma_wait3A_193 : memref<1x80xi32, #tpu.memory_space<vmem>> -> memref<80xi32, #tpu.memory_space<vmem>>
    %dma_wait3A_195 = arith.constant 0 : i32
    %dma_wait3A_196 = arith.constant 0 : i32
    %dma_wait3A_197 = tpu.memref_slice %arg12[%dma_wait3A_195, %dma_wait3A_196] : memref<10112x128xf32, #tpu.memory_space<vmem_shared>> -> memref<10112x128xf32, #tpu.memory_space<vmem_shared>>
    tpu.wait_indirect_dma semaphore(%arg17 : memref<!tpu.dma_semaphore, #tpu.memory_space<semaphore_mem>>) src(%arg8 : memref<80x128xf32, #tpu.memory_space<vmem>>) dst(%dma_wait3A_197 : memref<10112x128xf32, #tpu.memory_space<vmem_shared>>)
    %dma_wait3A_198 = arith.constant 0 : i32
    %dma_wait3A_199 = arith.constant 0 : i32
    %dma_wait3A_200 = tpu.memref_slice %arg7[%dma_wait3A_198, %dma_wait3A_199] : memref<32x80xi32, #tpu.memory_space<vmem>> -> memref<1x80xi32, #tpu.memory_space<vmem>>
    %dma_wait3A_201 = tpu.memref_squeeze %dma_wait3A_200 : memref<1x80xi32, #tpu.memory_space<vmem>> -> memref<80xi32, #tpu.memory_space<vmem>>
    %dma_wait3A_202 = arith.constant 0 : i32
    %dma_wait3A_203 = arith.constant 0 : i32
    %dma_wait3A_204 = tpu.memref_slice %arg12[%dma_wait3A_202, %dma_wait3A_203] : memref<10112x128xf32, #tpu.memory_space<vmem_shared>> -> memref<10112x128xf32, #tpu.memory_space<vmem_shared>>
    tpu.wait_indirect_dma semaphore(%arg18 : memref<!tpu.dma_semaphore, #tpu.memory_space<semaphore_mem>>) src(%arg9 : memref<80x128xf32, #tpu.memory_space<vmem>>) dst(%dma_wait3A_204 : memref<10112x128xf32, #tpu.memory_space<vmem_shared>>)
    %dma_wait3A_205 = arith.constant 0 : i32
    %dma_wait3A_206 = arith.constant 0 : i32
    %dma_wait3A_207 = tpu.memref_slice %arg7[%dma_wait3A_205, %dma_wait3A_206] : memref<32x80xi32, #tpu.memory_space<vmem>> -> memref<1x80xi32, #tpu.memory_space<vmem>>
    %dma_wait3A_208 = tpu.memref_squeeze %dma_wait3A_207 : memref<1x80xi32, #tpu.memory_space<vmem>> -> memref<80xi32, #tpu.memory_space<vmem>>
    %dma_wait3A_209 = arith.constant 0 : i32
    %dma_wait3A_210 = arith.constant 0 : i32
    %dma_wait3A_211 = tpu.memref_slice %arg12[%dma_wait3A_209, %dma_wait3A_210] : memref<10112x128xf32, #tpu.memory_space<vmem_shared>> -> memref<10112x128xf32, #tpu.memory_space<vmem_shared>>
    tpu.wait_indirect_dma semaphore(%arg19 : memref<!tpu.dma_semaphore, #tpu.memory_space<semaphore_mem>>) src(%arg10 : memref<80x128xf32, #tpu.memory_space<vmem>>) dst(%dma_wait3A_211 : memref<10112x128xf32, #tpu.memory_space<vmem_shared>>)
    %dma_wait3A_212 = arith.constant 0 : i32
    %dma_wait3A_213 = arith.constant 0 : i32
    %dma_wait3A_214 = tpu.memref_slice %arg7[%dma_wait3A_212, %dma_wait3A_213] : memref<32x80xi32, #tpu.memory_space<vmem>> -> memref<1x80xi32, #tpu.memory_space<vmem>>
    %dma_wait3A_215 = tpu.memref_squeeze %dma_wait3A_214 : memref<1x80xi32, #tpu.memory_space<vmem>> -> memref<80xi32, #tpu.memory_space<vmem>>
    %dma_wait3A_216 = arith.constant 0 : i32
    %dma_wait3A_217 = arith.constant 0 : i32
    %dma_wait3A_218 = tpu.memref_slice %arg12[%dma_wait3A_216, %dma_wait3A_217] : memref<10112x128xf32, #tpu.memory_space<vmem_shared>> -> memref<10112x128xf32, #tpu.memory_space<vmem_shared>>
    tpu.wait_indirect_dma semaphore(%arg20 : memref<!tpu.dma_semaphore, #tpu.memory_space<semaphore_mem>>) src(%arg11 : memref<80x128xf32, #tpu.memory_space<vmem>>) dst(%dma_wait3A_218 : memref<10112x128xf32, #tpu.memory_space<vmem_shared>>)
    %barrier3A_219 = arith.constant 0 : index
    tpu.barrier barrier_id(%barrier3A_219)
    %mul3A_220 = arith.constant 10112 : i32
    %mul3A_221 = arith.muli %arg0, %mul3A_220 : i32
    %add3A_222 = arith.addi %mul3A_221, %mul3A_8 : i32
    "tpu.region"() ({
      %run_scoped3A = tpu.sem_alloc : memref<!tpu.dma_semaphore, #tpu.memory_space<semaphore_mem>>
      %dma_start3A_223 = arith.constant 0 : i32
      %dma_start3A_224 = tpu.memref_slice %arg5[%add3A_222, %dma_start3A_223] : memref<20224x128xf32, #tpu.memory_space<hbm>> -> memref<632x128xf32, #tpu.memory_space<hbm>>
      %dma_start3A_225 = arith.constant 0 : i32
      %dma_start3A_226 = tpu.memref_slice %arg12[%mul3A_8, %dma_start3A_225] : memref<10112x128xf32, #tpu.memory_space<vmem_shared>> -> memref<632x128xf32, #tpu.memory_space<vmem_shared>>
      tpu.enqueue_dma source(%dma_start3A_226 : memref<632x128xf32, #tpu.memory_space<vmem_shared>>) target(%dma_start3A_224 : memref<632x128xf32, #tpu.memory_space<hbm>>) target_semaphore(%run_scoped3A : memref<!tpu.dma_semaphore, #tpu.memory_space<semaphore_mem>>)
      %dma_wait3A_227 = arith.constant 0 : i32
      %dma_wait3A_228 = tpu.memref_slice %arg5[%add3A_222, %dma_wait3A_227] : memref<20224x128xf32, #tpu.memory_space<hbm>> -> memref<632x128xf32, #tpu.memory_space<hbm>>
      %dma_wait3A_229 = arith.constant 0 : i32
      %dma_wait3A_230 = tpu.memref_slice %arg12[%mul3A_8, %dma_wait3A_229] : memref<10112x128xf32, #tpu.memory_space<vmem_shared>> -> memref<632x128xf32, #tpu.memory_space<vmem_shared>>
      tpu.wait_dma2 semaphore(%run_scoped3A : memref<!tpu.dma_semaphore, #tpu.memory_space<semaphore_mem>>) src(%dma_wait3A_230 : memref<632x128xf32, #tpu.memory_space<vmem_shared>>) dst(%dma_wait3A_228 : memref<632x128xf32, #tpu.memory_space<hbm>>)
      tpu.yield
    }) : () -> ()
    return
  }
}

#map = affine_map<(d0, d1) -> (0, 0)>
#map1 = affine_map<(d0, d1) -> (0, 0, 0)>
module attributes {stable_mosaic.version = 14 : i64} {
  func.func @k(%arg0: i32, %arg1: i32, %arg2: memref<20000x128xf32, #tpu.memory_space<hbm>>, %arg3: memref<32x128x80xi32, #tpu.memory_space<hbm>>, %arg4: memref<16x128x80xi32, #tpu.memory_space<hbm>>, %arg5: memref<20224x128xf32, #tpu.memory_space<hbm>>, %arg6: memref<32x80xi32, #tpu.memory_space<vmem>>, %arg7: memref<32x80xi32, #tpu.memory_space<vmem>>, %arg8: memref<80x128xf32, #tpu.memory_space<vmem>>, %arg9: memref<80x128xf32, #tpu.memory_space<vmem>>, %arg10: memref<80x128xf32, #tpu.memory_space<vmem>>, %arg11: memref<80x128xf32, #tpu.memory_space<vmem>>, %arg12: memref<10112x128xf32, #tpu.memory_space<vmem_shared>>, %arg13: memref<!tpu.dma_semaphore, #tpu.memory_space<semaphore_mem>>, %arg14: memref<!tpu.dma_semaphore, #tpu.memory_space<semaphore_mem>>, %arg15: memref<!tpu.dma_semaphore, #tpu.memory_space<semaphore_mem>>, %arg16: memref<!tpu.dma_semaphore, #tpu.memory_space<semaphore_mem>>, %arg17: memref<!tpu.dma_semaphore, #tpu.memory_space<semaphore_mem>>, %arg18: memref<!tpu.dma_semaphore, #tpu.memory_space<semaphore_mem>>, %arg19: memref<!tpu.dma_semaphore, #tpu.memory_space<semaphore_mem>>, %arg20: memref<!tpu.dma_semaphore, #tpu.memory_space<semaphore_mem>>) attributes {dimension_semantics = [#tpu.dimension_semantics<core_parallel>, #tpu.dimension_semantics<subcore_parallel>], iteration_bounds = array<i64: 2, 16>, scalar_prefetch = 0 : i64, scratch_operands = 15 : i64, tpu.core_type = #tpu.core_type<sc_vector_subcore>, window_params = [{transform_indices = #map}, {transform_indices = #map1}, {transform_indices = #map1}, {transform_indices = #map}]} {
    %mul3A = arith.constant 16 : i32
    %mul3A_0 = arith.muli %arg0, %mul3A : i32
    %add3A = arith.addi %mul3A_0, %arg1 : i32
    %scan3A = arith.constant 0 : i32
    %scan3A_1 = arith.constant 0 : i32
    %scan3A_2 = arith.constant 80 : i32
    %scan3A_3 = arith.addi %scan3A_1, %scan3A_2 : i32
    %scan3A_4 = arith.constant 1 : i32
    %scan3A_5 = scf.for %scan3A_223 = %scan3A_1 to %scan3A_3 step %scan3A_4 iter_args(%scan3A_224 = %scan3A) -> (i32)  : i32 {
      %broadcast_in_dim3A = arith.constant 0.000000e+00 : f32
      %broadcast_in_dim3A_225 = vector.broadcast %broadcast_in_dim3A : f32 to vector<16xf32>
      %swap3A = arith.index_cast %scan3A_223 : i32 to index
      %swap3A_226 = arith.constant 0 : index
      %swap3A_227 = tpu.vector_load %arg8[%swap3A, %swap3A_226] {strides = array<i32>} : memref<80x128xf32, #tpu.memory_space<vmem>>, vector<1x16xf32>,
      %swap3A_228 = vector.shape_cast %swap3A_227 : vector<1x16xf32> to vector<16xf32>
      %swap3A_229 = vector.shape_cast %broadcast_in_dim3A_225 : vector<16xf32> to vector<1x16xf32>
      tpu.vector_store %arg8[%swap3A, %swap3A_226], %swap3A_229 {strides = array<i32>} : memref<80x128xf32, #tpu.memory_space<vmem>>, vector<1x16xf32>,
      %broadcast_in_dim3A_230 = arith.constant 0.000000e+00 : f32
      %broadcast_in_dim3A_231 = vector.broadcast %broadcast_in_dim3A_230 : f32 to vector<16xf32>
      %swap3A_232 = arith.index_cast %scan3A_223 : i32 to index
      %swap3A_233 = arith.constant 16 : index
      %swap3A_234 = tpu.vector_load %arg8[%swap3A_232, %swap3A_233] {strides = array<i32>} : memref<80x128xf32, #tpu.memory_space<vmem>>, vector<1x16xf32>,
      %swap3A_235 = vector.shape_cast %swap3A_234 : vector<1x16xf32> to vector<16xf32>
      %swap3A_236 = vector.shape_cast %broadcast_in_dim3A_231 : vector<16xf32> to vector<1x16xf32>
      tpu.vector_store %arg8[%swap3A_232, %swap3A_233], %swap3A_236 {strides = array<i32>} : memref<80x128xf32, #tpu.memory_space<vmem>>, vector<1x16xf32>,
      %broadcast_in_dim3A_237 = arith.constant 0.000000e+00 : f32
      %broadcast_in_dim3A_238 = vector.broadcast %broadcast_in_dim3A_237 : f32 to vector<16xf32>
      %swap3A_239 = arith.index_cast %scan3A_223 : i32 to index
      %swap3A_240 = arith.constant 32 : index
      %swap3A_241 = tpu.vector_load %arg8[%swap3A_239, %swap3A_240] {strides = array<i32>} : memref<80x128xf32, #tpu.memory_space<vmem>>, vector<1x16xf32>,
      %swap3A_242 = vector.shape_cast %swap3A_241 : vector<1x16xf32> to vector<16xf32>
      %swap3A_243 = vector.shape_cast %broadcast_in_dim3A_238 : vector<16xf32> to vector<1x16xf32>
      tpu.vector_store %arg8[%swap3A_239, %swap3A_240], %swap3A_243 {strides = array<i32>} : memref<80x128xf32, #tpu.memory_space<vmem>>, vector<1x16xf32>,
      %broadcast_in_dim3A_244 = arith.constant 0.000000e+00 : f32
      %broadcast_in_dim3A_245 = vector.broadcast %broadcast_in_dim3A_244 : f32 to vector<16xf32>
      %swap3A_246 = arith.index_cast %scan3A_223 : i32 to index
      %swap3A_247 = arith.constant 48 : index
      %swap3A_248 = tpu.vector_load %arg8[%swap3A_246, %swap3A_247] {strides = array<i32>} : memref<80x128xf32, #tpu.memory_space<vmem>>, vector<1x16xf32>,
      %swap3A_249 = vector.shape_cast %swap3A_248 : vector<1x16xf32> to vector<16xf32>
      %swap3A_250 = vector.shape_cast %broadcast_in_dim3A_245 : vector<16xf32> to vector<1x16xf32>
      tpu.vector_store %arg8[%swap3A_246, %swap3A_247], %swap3A_250 {strides = array<i32>} : memref<80x128xf32, #tpu.memory_space<vmem>>, vector<1x16xf32>,
      %broadcast_in_dim3A_251 = arith.constant 0.000000e+00 : f32
      %broadcast_in_dim3A_252 = vector.broadcast %broadcast_in_dim3A_251 : f32 to vector<16xf32>
      %swap3A_253 = arith.index_cast %scan3A_223 : i32 to index
      %swap3A_254 = arith.constant 64 : index
      %swap3A_255 = tpu.vector_load %arg8[%swap3A_253, %swap3A_254] {strides = array<i32>} : memref<80x128xf32, #tpu.memory_space<vmem>>, vector<1x16xf32>,
      %swap3A_256 = vector.shape_cast %swap3A_255 : vector<1x16xf32> to vector<16xf32>
      %swap3A_257 = vector.shape_cast %broadcast_in_dim3A_252 : vector<16xf32> to vector<1x16xf32>
      tpu.vector_store %arg8[%swap3A_253, %swap3A_254], %swap3A_257 {strides = array<i32>} : memref<80x128xf32, #tpu.memory_space<vmem>>, vector<1x16xf32>,
      %broadcast_in_dim3A_258 = arith.constant 0.000000e+00 : f32
      %broadcast_in_dim3A_259 = vector.broadcast %broadcast_in_dim3A_258 : f32 to vector<16xf32>
      %swap3A_260 = arith.index_cast %scan3A_223 : i32 to index
      %swap3A_261 = arith.constant 80 : index
      %swap3A_262 = tpu.vector_load %arg8[%swap3A_260, %swap3A_261] {strides = array<i32>} : memref<80x128xf32, #tpu.memory_space<vmem>>, vector<1x16xf32>,
      %swap3A_263 = vector.shape_cast %swap3A_262 : vector<1x16xf32> to vector<16xf32>
      %swap3A_264 = vector.shape_cast %broadcast_in_dim3A_259 : vector<16xf32> to vector<1x16xf32>
      tpu.vector_store %arg8[%swap3A_260, %swap3A_261], %swap3A_264 {strides = array<i32>} : memref<80x128xf32, #tpu.memory_space<vmem>>, vector<1x16xf32>,
      %broadcast_in_dim3A_265 = arith.constant 0.000000e+00 : f32
      %broadcast_in_dim3A_266 = vector.broadcast %broadcast_in_dim3A_265 : f32 to vector<16xf32>
      %swap3A_267 = arith.index_cast %scan3A_223 : i32 to index
      %swap3A_268 = arith.constant 96 : index
      %swap3A_269 = tpu.vector_load %arg8[%swap3A_267, %swap3A_268] {strides = array<i32>} : memref<80x128xf32, #tpu.memory_space<vmem>>, vector<1x16xf32>,
      %swap3A_270 = vector.shape_cast %swap3A_269 : vector<1x16xf32> to vector<16xf32>
      %swap3A_271 = vector.shape_cast %broadcast_in_dim3A_266 : vector<16xf32> to vector<1x16xf32>
      tpu.vector_store %arg8[%swap3A_267, %swap3A_268], %swap3A_271 {strides = array<i32>} : memref<80x128xf32, #tpu.memory_space<vmem>>, vector<1x16xf32>,
      %broadcast_in_dim3A_272 = arith.constant 0.000000e+00 : f32
      %broadcast_in_dim3A_273 = vector.broadcast %broadcast_in_dim3A_272 : f32 to vector<16xf32>
      %swap3A_274 = arith.index_cast %scan3A_223 : i32 to index
      %swap3A_275 = arith.constant 112 : index
      %swap3A_276 = tpu.vector_load %arg8[%swap3A_274, %swap3A_275] {strides = array<i32>} : memref<80x128xf32, #tpu.memory_space<vmem>>, vector<1x16xf32>,
      %swap3A_277 = vector.shape_cast %swap3A_276 : vector<1x16xf32> to vector<16xf32>
      %swap3A_278 = vector.shape_cast %broadcast_in_dim3A_273 : vector<16xf32> to vector<1x16xf32>
      tpu.vector_store %arg8[%swap3A_274, %swap3A_275], %swap3A_278 {strides = array<i32>} : memref<80x128xf32, #tpu.memory_space<vmem>>, vector<1x16xf32>,
      %scan3A_279 = arith.constant 0 : i32
      scf.yield %scan3A_279 : i32
    }
    %scan3A_6 = arith.constant 80 : i32
    %mul3A_7 = arith.constant 632 : i32
    %mul3A_8 = arith.muli %arg1, %mul3A_7 : i32
    %add3A_9 = arith.constant 0 : i32
    %add3A_10 = arith.addi %mul3A_8, %add3A_9 : i32
    "tpu.region"() ({
      %run_scoped3A = tpu.sem_alloc : memref<!tpu.dma_semaphore, #tpu.memory_space<semaphore_mem>>
      %dma_start3A_223 = arith.constant 0 : i32
      %dma_start3A_224 = tpu.memref_slice %arg12[%add3A_10, %dma_start3A_223] : memref<10112x128xf32, #tpu.memory_space<vmem_shared>> -> memref<80x128xf32, #tpu.memory_space<vmem_shared>>
      %dma_start3A_225 = arith.constant 0 : i32
      %dma_start3A_226 = tpu.memref_slice %arg12[%add3A_10, %dma_start3A_225] : memref<10112x128xf32, #tpu.memory_space<vmem_shared>> -> memref<80x128xf32, #tpu.memory_space<vmem_shared>>
      tpu.enqueue_dma source(%arg8 : memref<80x128xf32, #tpu.memory_space<vmem>>) target(%dma_start3A_226 : memref<80x128xf32, #tpu.memory_space<vmem_shared>>) target_semaphore(%run_scoped3A : memref<!tpu.dma_semaphore, #tpu.memory_space<semaphore_mem>>)
      %dma_wait3A_227 = arith.constant 0 : i32
      %dma_wait3A_228 = tpu.memref_slice %arg12[%add3A_10, %dma_wait3A_227] : memref<10112x128xf32, #tpu.memory_space<vmem_shared>> -> memref<80x128xf32, #tpu.memory_space<vmem_shared>>
      %dma_wait3A_229 = arith.constant 0 : i32
      %dma_wait3A_230 = tpu.memref_slice %arg12[%add3A_10, %dma_wait3A_229] : memref<10112x128xf32, #tpu.memory_space<vmem_shared>> -> memref<80x128xf32, #tpu.memory_space<vmem_shared>>
      tpu.wait_dma2 semaphore(%run_scoped3A : memref<!tpu.dma_semaphore, #tpu.memory_space<semaphore_mem>>) src(%arg8 : memref<80x128xf32, #tpu.memory_space<vmem>>) dst(%dma_wait3A_230 : memref<80x128xf32, #tpu.memory_space<vmem_shared>>)
      tpu.yield
    }) : () -> ()
    %add3A_11 = arith.constant 80 : i32
    %add3A_12 = arith.addi %mul3A_8, %add3A_11 : i32
    "tpu.region"() ({
      %run_scoped3A = tpu.sem_alloc : memref<!tpu.dma_semaphore, #tpu.memory_space<semaphore_mem>>
      %dma_start3A_223 = arith.constant 0 : i32
      %dma_start3A_224 = tpu.memref_slice %arg12[%add3A_12, %dma_start3A_223] : memref<10112x128xf32, #tpu.memory_space<vmem_shared>> -> memref<80x128xf32, #tpu.memory_space<vmem_shared>>
      %dma_start3A_225 = arith.constant 0 : i32
      %dma_start3A_226 = tpu.memref_slice %arg12[%add3A_12, %dma_start3A_225] : memref<10112x128xf32, #tpu.memory_space<vmem_shared>> -> memref<80x128xf32, #tpu.memory_space<vmem_shared>>
      tpu.enqueue_dma source(%arg8 : memref<80x128xf32, #tpu.memory_space<vmem>>) target(%dma_start3A_226 : memref<80x128xf32, #tpu.memory_space<vmem_shared>>) target_semaphore(%run_scoped3A : memref<!tpu.dma_semaphore, #tpu.memory_space<semaphore_mem>>)
      %dma_wait3A_227 = arith.constant 0 : i32
      %dma_wait3A_228 = tpu.memref_slice %arg12[%add3A_12, %dma_wait3A_227] : memref<10112x128xf32, #tpu.memory_space<vmem_shared>> -> memref<80x128xf32, #tpu.memory_space<vmem_shared>>
      %dma_wait3A_229 = arith.constant 0 : i32
      %dma_wait3A_230 = tpu.memref_slice %arg12[%add3A_12, %dma_wait3A_229] : memref<10112x128xf32, #tpu.memory_space<vmem_shared>> -> memref<80x128xf32, #tpu.memory_space<vmem_shared>>
      tpu.wait_dma2 semaphore(%run_scoped3A : memref<!tpu.dma_semaphore, #tpu.memory_space<semaphore_mem>>) src(%arg8 : memref<80x128xf32, #tpu.memory_space<vmem>>) dst(%dma_wait3A_230 : memref<80x128xf32, #tpu.memory_space<vmem_shared>>)
      tpu.yield
    }) : () -> ()
    %add3A_13 = arith.constant 160 : i32
    %add3A_14 = arith.addi %mul3A_8, %add3A_13 : i32
    "tpu.region"() ({
      %run_scoped3A = tpu.sem_alloc : memref<!tpu.dma_semaphore, #tpu.memory_space<semaphore_mem>>
      %dma_start3A_223 = arith.constant 0 : i32
      %dma_start3A_224 = tpu.memref_slice %arg12[%add3A_14, %dma_start3A_223] : memref<10112x128xf32, #tpu.memory_space<vmem_shared>> -> memref<80x128xf32, #tpu.memory_space<vmem_shared>>
      %dma_start3A_225 = arith.constant 0 : i32
      %dma_start3A_226 = tpu.memref_slice %arg12[%add3A_14, %dma_start3A_225] : memref<10112x128xf32, #tpu.memory_space<vmem_shared>> -> memref<80x128xf32, #tpu.memory_space<vmem_shared>>
      tpu.enqueue_dma source(%arg8 : memref<80x128xf32, #tpu.memory_space<vmem>>) target(%dma_start3A_226 : memref<80x128xf32, #tpu.memory_space<vmem_shared>>) target_semaphore(%run_scoped3A : memref<!tpu.dma_semaphore, #tpu.memory_space<semaphore_mem>>)
      %dma_wait3A_227 = arith.constant 0 : i32
      %dma_wait3A_228 = tpu.memref_slice %arg12[%add3A_14, %dma_wait3A_227] : memref<10112x128xf32, #tpu.memory_space<vmem_shared>> -> memref<80x128xf32, #tpu.memory_space<vmem_shared>>
      %dma_wait3A_229 = arith.constant 0 : i32
      %dma_wait3A_230 = tpu.memref_slice %arg12[%add3A_14, %dma_wait3A_229] : memref<10112x128xf32, #tpu.memory_space<vmem_shared>> -> memref<80x128xf32, #tpu.memory_space<vmem_shared>>
      tpu.wait_dma2 semaphore(%run_scoped3A : memref<!tpu.dma_semaphore, #tpu.memory_space<semaphore_mem>>) src(%arg8 : memref<80x128xf32, #tpu.memory_space<vmem>>) dst(%dma_wait3A_230 : memref<80x128xf32, #tpu.memory_space<vmem_shared>>)
      tpu.yield
    }) : () -> ()
    %add3A_15 = arith.constant 240 : i32
    %add3A_16 = arith.addi %mul3A_8, %add3A_15 : i32
    "tpu.region"() ({
      %run_scoped3A = tpu.sem_alloc : memref<!tpu.dma_semaphore, #tpu.memory_space<semaphore_mem>>
      %dma_start3A_223 = arith.constant 0 : i32
      %dma_start3A_224 = tpu.memref_slice %arg12[%add3A_16, %dma_start3A_223] : memref<10112x128xf32, #tpu.memory_space<vmem_shared>> -> memref<80x128xf32, #tpu.memory_space<vmem_shared>>
      %dma_start3A_225 = arith.constant 0 : i32
      %dma_start3A_226 = tpu.memref_slice %arg12[%add3A_16, %dma_start3A_225] : memref<10112x128xf32, #tpu.memory_space<vmem_shared>> -> memref<80x128xf32, #tpu.memory_space<vmem_shared>>
      tpu.enqueue_dma source(%arg8 : memref<80x128xf32, #tpu.memory_space<vmem>>) target(%dma_start3A_226 : memref<80x128xf32, #tpu.memory_space<vmem_shared>>) target_semaphore(%run_scoped3A : memref<!tpu.dma_semaphore, #tpu.memory_space<semaphore_mem>>)
      %dma_wait3A_227 = arith.constant 0 : i32
      %dma_wait3A_228 = tpu.memref_slice %arg12[%add3A_16, %dma_wait3A_227] : memref<10112x128xf32, #tpu.memory_space<vmem_shared>> -> memref<80x128xf32, #tpu.memory_space<vmem_shared>>
      %dma_wait3A_229 = arith.constant 0 : i32
      %dma_wait3A_230 = tpu.memref_slice %arg12[%add3A_16, %dma_wait3A_229] : memref<10112x128xf32, #tpu.memory_space<vmem_shared>> -> memref<80x128xf32, #tpu.memory_space<vmem_shared>>
      tpu.wait_dma2 semaphore(%run_scoped3A : memref<!tpu.dma_semaphore, #tpu.memory_space<semaphore_mem>>) src(%arg8 : memref<80x128xf32, #tpu.memory_space<vmem>>) dst(%dma_wait3A_230 : memref<80x128xf32, #tpu.memory_space<vmem_shared>>)
      tpu.yield
    }) : () -> ()
    %add3A_17 = arith.constant 320 : i32
    %add3A_18 = arith.addi %mul3A_8, %add3A_17 : i32
    "tpu.region"() ({
      %run_scoped3A = tpu.sem_alloc : memref<!tpu.dma_semaphore, #tpu.memory_space<semaphore_mem>>
      %dma_start3A_223 = arith.constant 0 : i32
      %dma_start3A_224 = tpu.memref_slice %arg12[%add3A_18, %dma_start3A_223] : memref<10112x128xf32, #tpu.memory_space<vmem_shared>> -> memref<80x128xf32, #tpu.memory_space<vmem_shared>>
      %dma_start3A_225 = arith.constant 0 : i32
      %dma_start3A_226 = tpu.memref_slice %arg12[%add3A_18, %dma_start3A_225] : memref<10112x128xf32, #tpu.memory_space<vmem_shared>> -> memref<80x128xf32, #tpu.memory_space<vmem_shared>>
      tpu.enqueue_dma source(%arg8 : memref<80x128xf32, #tpu.memory_space<vmem>>) target(%dma_start3A_226 : memref<80x128xf32, #tpu.memory_space<vmem_shared>>) target_semaphore(%run_scoped3A : memref<!tpu.dma_semaphore, #tpu.memory_space<semaphore_mem>>)
      %dma_wait3A_227 = arith.constant 0 : i32
      %dma_wait3A_228 = tpu.memref_slice %arg12[%add3A_18, %dma_wait3A_227] : memref<10112x128xf32, #tpu.memory_space<vmem_shared>> -> memref<80x128xf32, #tpu.memory_space<vmem_shared>>
      %dma_wait3A_229 = arith.constant 0 : i32
      %dma_wait3A_230 = tpu.memref_slice %arg12[%add3A_18, %dma_wait3A_229] : memref<10112x128xf32, #tpu.memory_space<vmem_shared>> -> memref<80x128xf32, #tpu.memory_space<vmem_shared>>
      tpu.wait_dma2 semaphore(%run_scoped3A : memref<!tpu.dma_semaphore, #tpu.memory_space<semaphore_mem>>) src(%arg8 : memref<80x128xf32, #tpu.memory_space<vmem>>) dst(%dma_wait3A_230 : memref<80x128xf32, #tpu.memory_space<vmem_shared>>)
      tpu.yield
    }) : () -> ()
    %add3A_19 = arith.constant 400 : i32
    %add3A_20 = arith.addi %mul3A_8, %add3A_19 : i32
    "tpu.region"() ({
      %run_scoped3A = tpu.sem_alloc : memref<!tpu.dma_semaphore, #tpu.memory_space<semaphore_mem>>
      %dma_start3A_223 = arith.constant 0 : i32
      %dma_start3A_224 = tpu.memref_slice %arg12[%add3A_20, %dma_start3A_223] : memref<10112x128xf32, #tpu.memory_space<vmem_shared>> -> memref<80x128xf32, #tpu.memory_space<vmem_shared>>
      %dma_start3A_225 = arith.constant 0 : i32
      %dma_start3A_226 = tpu.memref_slice %arg12[%add3A_20, %dma_start3A_225] : memref<10112x128xf32, #tpu.memory_space<vmem_shared>> -> memref<80x128xf32, #tpu.memory_space<vmem_shared>>
      tpu.enqueue_dma source(%arg8 : memref<80x128xf32, #tpu.memory_space<vmem>>) target(%dma_start3A_226 : memref<80x128xf32, #tpu.memory_space<vmem_shared>>) target_semaphore(%run_scoped3A : memref<!tpu.dma_semaphore, #tpu.memory_space<semaphore_mem>>)
      %dma_wait3A_227 = arith.constant 0 : i32
      %dma_wait3A_228 = tpu.memref_slice %arg12[%add3A_20, %dma_wait3A_227] : memref<10112x128xf32, #tpu.memory_space<vmem_shared>> -> memref<80x128xf32, #tpu.memory_space<vmem_shared>>
      %dma_wait3A_229 = arith.constant 0 : i32
      %dma_wait3A_230 = tpu.memref_slice %arg12[%add3A_20, %dma_wait3A_229] : memref<10112x128xf32, #tpu.memory_space<vmem_shared>> -> memref<80x128xf32, #tpu.memory_space<vmem_shared>>
      tpu.wait_dma2 semaphore(%run_scoped3A : memref<!tpu.dma_semaphore, #tpu.memory_space<semaphore_mem>>) src(%arg8 : memref<80x128xf32, #tpu.memory_space<vmem>>) dst(%dma_wait3A_230 : memref<80x128xf32, #tpu.memory_space<vmem_shared>>)
      tpu.yield
    }) : () -> ()
    %add3A_21 = arith.constant 480 : i32
    %add3A_22 = arith.addi %mul3A_8, %add3A_21 : i32
    "tpu.region"() ({
      %run_scoped3A = tpu.sem_alloc : memref<!tpu.dma_semaphore, #tpu.memory_space<semaphore_mem>>
      %dma_start3A_223 = arith.constant 0 : i32
      %dma_start3A_224 = tpu.memref_slice %arg12[%add3A_22, %dma_start3A_223] : memref<10112x128xf32, #tpu.memory_space<vmem_shared>> -> memref<80x128xf32, #tpu.memory_space<vmem_shared>>
      %dma_start3A_225 = arith.constant 0 : i32
      %dma_start3A_226 = tpu.memref_slice %arg12[%add3A_22, %dma_start3A_225] : memref<10112x128xf32, #tpu.memory_space<vmem_shared>> -> memref<80x128xf32, #tpu.memory_space<vmem_shared>>
      tpu.enqueue_dma source(%arg8 : memref<80x128xf32, #tpu.memory_space<vmem>>) target(%dma_start3A_226 : memref<80x128xf32, #tpu.memory_space<vmem_shared>>) target_semaphore(%run_scoped3A : memref<!tpu.dma_semaphore, #tpu.memory_space<semaphore_mem>>)
      %dma_wait3A_227 = arith.constant 0 : i32
      %dma_wait3A_228 = tpu.memref_slice %arg12[%add3A_22, %dma_wait3A_227] : memref<10112x128xf32, #tpu.memory_space<vmem_shared>> -> memref<80x128xf32, #tpu.memory_space<vmem_shared>>
      %dma_wait3A_229 = arith.constant 0 : i32
      %dma_wait3A_230 = tpu.memref_slice %arg12[%add3A_22, %dma_wait3A_229] : memref<10112x128xf32, #tpu.memory_space<vmem_shared>> -> memref<80x128xf32, #tpu.memory_space<vmem_shared>>
      tpu.wait_dma2 semaphore(%run_scoped3A : memref<!tpu.dma_semaphore, #tpu.memory_space<semaphore_mem>>) src(%arg8 : memref<80x128xf32, #tpu.memory_space<vmem>>) dst(%dma_wait3A_230 : memref<80x128xf32, #tpu.memory_space<vmem_shared>>)
      tpu.yield
    }) : () -> ()
    %add3A_23 = arith.constant 560 : i32
    %add3A_24 = arith.addi %mul3A_8, %add3A_23 : i32
    "tpu.region"() ({
      %run_scoped3A = tpu.sem_alloc : memref<!tpu.dma_semaphore, #tpu.memory_space<semaphore_mem>>
      %dma_start3A_223 = arith.constant 0 : i32
      %dma_start3A_224 = arith.constant 0 : i32
      %dma_start3A_225 = tpu.memref_slice %arg8[%dma_start3A_223, %dma_start3A_224] : memref<80x128xf32, #tpu.memory_space<vmem>> -> memref<72x128xf32, #tpu.memory_space<vmem>>
      %dma_start3A_226 = arith.constant 0 : i32
      %dma_start3A_227 = tpu.memref_slice %arg12[%add3A_24, %dma_start3A_226] : memref<10112x128xf32, #tpu.memory_space<vmem_shared>> -> memref<72x128xf32, #tpu.memory_space<vmem_shared>>
      %dma_start3A_228 = arith.constant 0 : i32
      %dma_start3A_229 = tpu.memref_slice %arg12[%add3A_24, %dma_start3A_228] : memref<10112x128xf32, #tpu.memory_space<vmem_shared>> -> memref<72x128xf32, #tpu.memory_space<vmem_shared>>
      %dma_start3A_230 = arith.constant 0 : i32
      %dma_start3A_231 = arith.constant 0 : i32
      %dma_start3A_232 = tpu.memref_slice %arg8[%dma_start3A_230, %dma_start3A_231] : memref<80x128xf32, #tpu.memory_space<vmem>> -> memref<72x128xf32, #tpu.memory_space<vmem>>
      tpu.enqueue_dma source(%dma_start3A_232 : memref<72x128xf32, #tpu.memory_space<vmem>>) target(%dma_start3A_229 : memref<72x128xf32, #tpu.memory_space<vmem_shared>>) target_semaphore(%run_scoped3A : memref<!tpu.dma_semaphore, #tpu.memory_space<semaphore_mem>>)
      %dma_wait3A_233 = arith.constant 0 : i32
      %dma_wait3A_234 = arith.constant 0 : i32
      %dma_wait3A_235 = tpu.memref_slice %arg8[%dma_wait3A_233, %dma_wait3A_234] : memref<80x128xf32, #tpu.memory_space<vmem>> -> memref<72x128xf32, #tpu.memory_space<vmem>>
      %dma_wait3A_236 = arith.constant 0 : i32
      %dma_wait3A_237 = tpu.memref_slice %arg12[%add3A_24, %dma_wait3A_236] : memref<10112x128xf32, #tpu.memory_space<vmem_shared>> -> memref<72x128xf32, #tpu.memory_space<vmem_shared>>
      %dma_wait3A_238 = arith.constant 0 : i32
      %dma_wait3A_239 = tpu.memref_slice %arg12[%add3A_24, %dma_wait3A_238] : memref<10112x128xf32, #tpu.memory_space<vmem_shared>> -> memref<72x128xf32, #tpu.memory_space<vmem_shared>>
      %dma_wait3A_240 = arith.constant 0 : i32
      %dma_wait3A_241 = arith.constant 0 : i32
      %dma_wait3A_242 = tpu.memref_slice %arg8[%dma_wait3A_240, %dma_wait3A_241] : memref<80x128xf32, #tpu.memory_space<vmem>> -> memref<72x128xf32, #tpu.memory_space<vmem>>
      tpu.wait_dma2 semaphore(%run_scoped3A : memref<!tpu.dma_semaphore, #tpu.memory_space<semaphore_mem>>) src(%dma_wait3A_242 : memref<72x128xf32, #tpu.memory_space<vmem>>) dst(%dma_wait3A_239 : memref<72x128xf32, #tpu.memory_space<vmem_shared>>)
      tpu.yield
    }) : () -> ()
    %barrier3A = arith.constant 0 : index
    tpu.barrier barrier_id(%barrier3A)
    "tpu.region"() ({
      %run_scoped3A = tpu.sem_alloc : memref<!tpu.dma_semaphore, #tpu.memory_space<semaphore_mem>>
      %dma_start3A_223 = arith.constant 0 : i32
      %dma_start3A_224 = arith.constant 0 : i32
      %dma_start3A_225 = tpu.memref_slice %arg3[%add3A, %dma_start3A_223, %dma_start3A_224] : memref<32x128x80xi32, #tpu.memory_space<hbm>> -> memref<1x32x80xi32, #tpu.memory_space<hbm>>
      %dma_start3A_226 = tpu.memref_squeeze %dma_start3A_225 : memref<1x32x80xi32, #tpu.memory_space<hbm>> -> memref<32x80xi32, #tpu.memory_space<hbm>>
      %dma_start3A_227 = arith.constant 0 : i32
      %dma_start3A_228 = arith.constant 0 : i32
      %dma_start3A_229 = tpu.memref_slice %arg3[%add3A, %dma_start3A_227, %dma_start3A_228] : memref<32x128x80xi32, #tpu.memory_space<hbm>> -> memref<1x32x80xi32, #tpu.memory_space<hbm>>
      %dma_start3A_230 = tpu.memref_squeeze %dma_start3A_229 : memref<1x32x80xi32, #tpu.memory_space<hbm>> -> memref<32x80xi32, #tpu.memory_space<hbm>>
      tpu.enqueue_dma source(%dma_start3A_230 : memref<32x80xi32, #tpu.memory_space<hbm>>) target(%arg6 : memref<32x80xi32, #tpu.memory_space<vmem>>) target_semaphore(%run_scoped3A : memref<!tpu.dma_semaphore, #tpu.memory_space<semaphore_mem>>)
      %dma_wait3A_231 = arith.constant 0 : i32
      %dma_wait3A_232 = arith.constant 0 : i32
      %dma_wait3A_233 = tpu.memref_slice %arg3[%add3A, %dma_wait3A_231, %dma_wait3A_232] : memref<32x128x80xi32, #tpu.memory_space<hbm>> -> memref<1x32x80xi32, #tpu.memory_space<hbm>>
      %dma_wait3A_234 = tpu.memref_squeeze %dma_wait3A_233 : memref<1x32x80xi32, #tpu.memory_space<hbm>> -> memref<32x80xi32, #tpu.memory_space<hbm>>
      %dma_wait3A_235 = arith.constant 0 : i32
      %dma_wait3A_236 = arith.constant 0 : i32
      %dma_wait3A_237 = tpu.memref_slice %arg3[%add3A, %dma_wait3A_235, %dma_wait3A_236] : memref<32x128x80xi32, #tpu.memory_space<hbm>> -> memref<1x32x80xi32, #tpu.memory_space<hbm>>
      %dma_wait3A_238 = tpu.memref_squeeze %dma_wait3A_237 : memref<1x32x80xi32, #tpu.memory_space<hbm>> -> memref<32x80xi32, #tpu.memory_space<hbm>>
      tpu.wait_dma2 semaphore(%run_scoped3A : memref<!tpu.dma_semaphore, #tpu.memory_space<semaphore_mem>>) src(%dma_wait3A_238 : memref<32x80xi32, #tpu.memory_space<hbm>>) dst(%arg6 : memref<32x80xi32, #tpu.memory_space<vmem>>)
      tpu.yield
    }) : () -> ()
    "tpu.region"() ({
      %run_scoped3A = tpu.sem_alloc : memref<!tpu.dma_semaphore, #tpu.memory_space<semaphore_mem>>
      %dma_start3A_223 = arith.constant 0 : i32
      %dma_start3A_224 = arith.constant 0 : i32
      %dma_start3A_225 = tpu.memref_slice %arg4[%arg1, %dma_start3A_223, %dma_start3A_224] : memref<16x128x80xi32, #tpu.memory_space<hbm>> -> memref<1x32x80xi32, #tpu.memory_space<hbm>>
      %dma_start3A_226 = tpu.memref_squeeze %dma_start3A_225 : memref<1x32x80xi32, #tpu.memory_space<hbm>> -> memref<32x80xi32, #tpu.memory_space<hbm>>
      %dma_start3A_227 = arith.constant 0 : i32
      %dma_start3A_228 = arith.constant 0 : i32
      %dma_start3A_229 = tpu.memref_slice %arg4[%arg1, %dma_start3A_227, %dma_start3A_228] : memref<16x128x80xi32, #tpu.memory_space<hbm>> -> memref<1x32x80xi32, #tpu.memory_space<hbm>>
      %dma_start3A_230 = tpu.memref_squeeze %dma_start3A_229 : memref<1x32x80xi32, #tpu.memory_space<hbm>> -> memref<32x80xi32, #tpu.memory_space<hbm>>
      tpu.enqueue_dma source(%dma_start3A_230 : memref<32x80xi32, #tpu.memory_space<hbm>>) target(%arg7 : memref<32x80xi32, #tpu.memory_space<vmem>>) target_semaphore(%run_scoped3A : memref<!tpu.dma_semaphore, #tpu.memory_space<semaphore_mem>>)
      %dma_wait3A_231 = arith.constant 0 : i32
      %dma_wait3A_232 = arith.constant 0 : i32
      %dma_wait3A_233 = tpu.memref_slice %arg4[%arg1, %dma_wait3A_231, %dma_wait3A_232] : memref<16x128x80xi32, #tpu.memory_space<hbm>> -> memref<1x32x80xi32, #tpu.memory_space<hbm>>
      %dma_wait3A_234 = tpu.memref_squeeze %dma_wait3A_233 : memref<1x32x80xi32, #tpu.memory_space<hbm>> -> memref<32x80xi32, #tpu.memory_space<hbm>>
      %dma_wait3A_235 = arith.constant 0 : i32
      %dma_wait3A_236 = arith.constant 0 : i32
      %dma_wait3A_237 = tpu.memref_slice %arg4[%arg1, %dma_wait3A_235, %dma_wait3A_236] : memref<16x128x80xi32, #tpu.memory_space<hbm>> -> memref<1x32x80xi32, #tpu.memory_space<hbm>>
      %dma_wait3A_238 = tpu.memref_squeeze %dma_wait3A_237 : memref<1x32x80xi32, #tpu.memory_space<hbm>> -> memref<32x80xi32, #tpu.memory_space<hbm>>
      tpu.wait_dma2 semaphore(%run_scoped3A : memref<!tpu.dma_semaphore, #tpu.memory_space<semaphore_mem>>) src(%dma_wait3A_238 : memref<32x80xi32, #tpu.memory_space<hbm>>) dst(%arg7 : memref<32x80xi32, #tpu.memory_space<vmem>>)
      tpu.yield
    }) : () -> ()
    %dma_start3A = arith.constant 0 : i32
    %dma_start3A_25 = arith.constant 0 : i32
    %dma_start3A_26 = tpu.memref_slice %arg6[%dma_start3A, %dma_start3A_25] : memref<32x80xi32, #tpu.memory_space<vmem>> -> memref<1x80xi32, #tpu.memory_space<vmem>>
    %dma_start3A_27 = tpu.memref_squeeze %dma_start3A_26 : memref<1x80xi32, #tpu.memory_space<vmem>> -> memref<80xi32, #tpu.memory_space<vmem>>
    %dma_start3A_28 = arith.constant 0 : i32
    %dma_start3A_29 = arith.constant 0 : i32
    %dma_start3A_30 = tpu.memref_slice %arg2[%dma_start3A_28, %dma_start3A_29] : memref<20000x128xf32, #tpu.memory_space<hbm>> -> memref<20000x128xf32, #tpu.memory_space<hbm>>
    tpu.enqueue_indirect_dma source(%dma_start3A_30 : memref<20000x128xf32, #tpu.memory_space<hbm>>) target(%arg8 : memref<80x128xf32, #tpu.memory_space<vmem>>) offsets(%dma_start3A_27 : memref<80xi32, #tpu.memory_space<vmem>>) semaphore(%arg13 : memref<!tpu.dma_semaphore, #tpu.memory_space<semaphore_mem>>)
    %dma_start3A_31 = arith.constant 1 : i32
    %dma_start3A_32 = arith.constant 0 : i32
    %dma_start3A_33 = tpu.memref_slice %arg6[%dma_start3A_31, %dma_start3A_32] : memref<32x80xi32, #tpu.memory_space<vmem>> -> memref<1x80xi32, #tpu.memory_space<vmem>>
    %dma_start3A_34 = tpu.memref_squeeze %dma_start3A_33 : memref<1x80xi32, #tpu.memory_space<vmem>> -> memref<80xi32, #tpu.memory_space<vmem>>
    %dma_start3A_35 = arith.constant 0 : i32
    %dma_start3A_36 = arith.constant 0 : i32
    %dma_start3A_37 = tpu.memref_slice %arg2[%dma_start3A_35, %dma_start3A_36] : memref<20000x128xf32, #tpu.memory_space<hbm>> -> memref<20000x128xf32, #tpu.memory_space<hbm>>
    tpu.enqueue_indirect_dma source(%dma_start3A_37 : memref<20000x128xf32, #tpu.memory_space<hbm>>) target(%arg9 : memref<80x128xf32, #tpu.memory_space<vmem>>) offsets(%dma_start3A_34 : memref<80xi32, #tpu.memory_space<vmem>>) semaphore(%arg14 : memref<!tpu.dma_semaphore, #tpu.memory_space<semaphore_mem>>)
    %scan3A_38 = arith.constant 0 : i32
    %scan3A_39 = arith.constant 0 : i32
    %scan3A_40 = arith.constant 8 : i32
    %scan3A_41 = arith.addi %scan3A_39, %scan3A_40 : i32
    %scan3A_42 = arith.constant 1 : i32
    %scan3A_43 = scf.for %scan3A_223 = %scan3A_39 to %scan3A_41 step %scan3A_42 iter_args(%scan3A_224 = %scan3A_38) -> (i32)  : i32 {
      %mul3A_225 = arith.constant 4 : i32
      %mul3A_226 = arith.muli %scan3A_223, %mul3A_225 : i32
      %add3A_227 = arith.constant 0 : i32
      %add3A_228 = arith.addi %mul3A_226, %add3A_227 : i32
      %dma_wait3A_229 = arith.constant 0 : i32
      %dma_wait3A_230 = arith.constant 0 : i32
      %dma_wait3A_231 = tpu.memref_slice %arg6[%dma_wait3A_229, %dma_wait3A_230] : memref<32x80xi32, #tpu.memory_space<vmem>> -> memref<1x80xi32, #tpu.memory_space<vmem>>
      %dma_wait3A_232 = tpu.memref_squeeze %dma_wait3A_231 : memref<1x80xi32, #tpu.memory_space<vmem>> -> memref<80xi32, #tpu.memory_space<vmem>>
      %dma_wait3A_233 = arith.constant 0 : i32
      %dma_wait3A_234 = arith.constant 0 : i32
      %dma_wait3A_235 = tpu.memref_slice %arg2[%dma_wait3A_233, %dma_wait3A_234] : memref<20000x128xf32, #tpu.memory_space<hbm>> -> memref<20000x128xf32, #tpu.memory_space<hbm>>
      tpu.wait_indirect_dma semaphore(%arg13 : memref<!tpu.dma_semaphore, #tpu.memory_space<semaphore_mem>>) src(%dma_wait3A_235 : memref<20000x128xf32, #tpu.memory_space<hbm>>) dst(%arg8 : memref<80x128xf32, #tpu.memory_space<vmem>>)
      %dma_start3A_236 = arith.constant 0 : i32
      %dma_start3A_237 = tpu.memref_slice %arg7[%add3A_228, %dma_start3A_236] : memref<32x80xi32, #tpu.memory_space<vmem>> -> memref<1x80xi32, #tpu.memory_space<vmem>>
      %dma_start3A_238 = tpu.memref_squeeze %dma_start3A_237 : memref<1x80xi32, #tpu.memory_space<vmem>> -> memref<80xi32, #tpu.memory_space<vmem>>
      %dma_start3A_239 = arith.constant 0 : i32
      %dma_start3A_240 = arith.constant 0 : i32
      %dma_start3A_241 = tpu.memref_slice %arg12[%dma_start3A_239, %dma_start3A_240] : memref<10112x128xf32, #tpu.memory_space<vmem_shared>> -> memref<10112x128xf32, #tpu.memory_space<vmem_shared>>
      tpu.enqueue_indirect_dma source(%arg8 : memref<80x128xf32, #tpu.memory_space<vmem>>) target(%dma_start3A_241 : memref<10112x128xf32, #tpu.memory_space<vmem_shared>>) offsets(%dma_start3A_238 : memref<80xi32, #tpu.memory_space<vmem>>) semaphore(%arg17 : memref<!tpu.dma_semaphore, #tpu.memory_space<semaphore_mem>>) {add = true}
      %add3A_242 = arith.constant 2 : i32
      %add3A_243 = arith.addi %add3A_228, %add3A_242 : i32
      %lt3A = arith.constant 32 : i32
      %lt3A_244 = arith.cmpi slt, %add3A_243, %lt3A : i32
      %convert_element_type3A = arith.extui %lt3A_244 : i1 to i32
      %cond3A = arith.constant 0 : i32
      %cond3A_245 = arith.cmpi ne, %convert_element_type3A, %cond3A : i32
      scf.if %cond3A_245 {
        %ge3A = arith.constant 2 : i32
        %ge3A_319 = arith.cmpi sge, %add3A_228, %ge3A : i32
        %convert_element_type3A_320 = arith.extui %ge3A_319 : i1 to i32
        %cond3A_321 = arith.constant 0 : i32
        %cond3A_322 = arith.cmpi ne, %convert_element_type3A_320, %cond3A_321 : i32
        scf.if %cond3A_322 {
          %dma_wait3A_331 = arith.constant 0 : i32
          %dma_wait3A_332 = arith.constant 0 : i32
          %dma_wait3A_333 = tpu.memref_slice %arg7[%dma_wait3A_331, %dma_wait3A_332] : memref<32x80xi32, #tpu.memory_space<vmem>> -> memref<1x80xi32, #tpu.memory_space<vmem>>
          %dma_wait3A_334 = tpu.memref_squeeze %dma_wait3A_333 : memref<1x80xi32, #tpu.memory_space<vmem>> -> memref<80xi32, #tpu.memory_space<vmem>>
          %dma_wait3A_335 = arith.constant 0 : i32
          %dma_wait3A_336 = arith.constant 0 : i32
          %dma_wait3A_337 = tpu.memref_slice %arg12[%dma_wait3A_335, %dma_wait3A_336] : memref<10112x128xf32, #tpu.memory_space<vmem_shared>> -> memref<10112x128xf32, #tpu.memory_space<vmem_shared>>
          tpu.wait_indirect_dma semaphore(%arg19 : memref<!tpu.dma_semaphore, #tpu.memory_space<semaphore_mem>>) src(%arg10 : memref<80x128xf32, #tpu.memory_space<vmem>>) dst(%dma_wait3A_337 : memref<10112x128xf32, #tpu.memory_space<vmem_shared>>)
        } else {
        }
        %add3A_323 = arith.constant 2 : i32
        %add3A_324 = arith.addi %add3A_228, %add3A_323 : i32
        %dma_start3A_325 = arith.constant 0 : i32
        %dma_start3A_326 = tpu.memref_slice %arg6[%add3A_324, %dma_start3A_325] : memref<32x80xi32, #tpu.memory_space<vmem>> -> memref<1x80xi32, #tpu.memory_space<vmem>>
        %dma_start3A_327 = tpu.memref_squeeze %dma_start3A_326 : memref<1x80xi32, #tpu.memory_space<vmem>> -> memref<80xi32, #tpu.memory_space<vmem>>
        %dma_start3A_328 = arith.constant 0 : i32
        %dma_start3A_329 = arith.constant 0 : i32
        %dma_start3A_330 = tpu.memref_slice %arg2[%dma_start3A_328, %dma_start3A_329] : memref<20000x128xf32, #tpu.memory_space<hbm>> -> memref<20000x128xf32, #tpu.memory_space<hbm>>
        tpu.enqueue_indirect_dma source(%dma_start3A_330 : memref<20000x128xf32, #tpu.memory_space<hbm>>) target(%arg10 : memref<80x128xf32, #tpu.memory_space<vmem>>) offsets(%dma_start3A_327 : memref<80xi32, #tpu.memory_space<vmem>>) semaphore(%arg15 : memref<!tpu.dma_semaphore, #tpu.memory_space<semaphore_mem>>)
      } else {
      }
      %mul3A_246 = arith.constant 4 : i32
      %mul3A_247 = arith.muli %scan3A_223, %mul3A_246 : i32
      %add3A_248 = arith.constant 1 : i32
      %add3A_249 = arith.addi %mul3A_247, %add3A_248 : i32
      %dma_wait3A_250 = arith.constant 0 : i32
      %dma_wait3A_251 = arith.constant 0 : i32
      %dma_wait3A_252 = tpu.memref_slice %arg6[%dma_wait3A_250, %dma_wait3A_251] : memref<32x80xi32, #tpu.memory_space<vmem>> -> memref<1x80xi32, #tpu.memory_space<vmem>>
      %dma_wait3A_253 = tpu.memref_squeeze %dma_wait3A_252 : memref<1x80xi32, #tpu.memory_space<vmem>> -> memref<80xi32, #tpu.memory_space<vmem>>
      %dma_wait3A_254 = arith.constant 0 : i32
      %dma_wait3A_255 = arith.constant 0 : i32
      %dma_wait3A_256 = tpu.memref_slice %arg2[%dma_wait3A_254, %dma_wait3A_255] : memref<20000x128xf32, #tpu.memory_space<hbm>> -> memref<20000x128xf32, #tpu.memory_space<hbm>>
      tpu.wait_indirect_dma semaphore(%arg14 : memref<!tpu.dma_semaphore, #tpu.memory_space<semaphore_mem>>) src(%dma_wait3A_256 : memref<20000x128xf32, #tpu.memory_space<hbm>>) dst(%arg9 : memref<80x128xf32, #tpu.memory_space<vmem>>)
      %dma_start3A_257 = arith.constant 0 : i32
      %dma_start3A_258 = tpu.memref_slice %arg7[%add3A_249, %dma_start3A_257] : memref<32x80xi32, #tpu.memory_space<vmem>> -> memref<1x80xi32, #tpu.memory_space<vmem>>
      %dma_start3A_259 = tpu.memref_squeeze %dma_start3A_258 : memref<1x80xi32, #tpu.memory_space<vmem>> -> memref<80xi32, #tpu.memory_space<vmem>>
      %dma_start3A_260 = arith.constant 0 : i32
      %dma_start3A_261 = arith.constant 0 : i32
      %dma_start3A_262 = tpu.memref_slice %arg12[%dma_start3A_260, %dma_start3A_261] : memref<10112x128xf32, #tpu.memory_space<vmem_shared>> -> memref<10112x128xf32, #tpu.memory_space<vmem_shared>>
      tpu.enqueue_indirect_dma source(%arg9 : memref<80x128xf32, #tpu.memory_space<vmem>>) target(%dma_start3A_262 : memref<10112x128xf32, #tpu.memory_space<vmem_shared>>) offsets(%dma_start3A_259 : memref<80xi32, #tpu.memory_space<vmem>>) semaphore(%arg18 : memref<!tpu.dma_semaphore, #tpu.memory_space<semaphore_mem>>) {add = true}
      %add3A_263 = arith.constant 2 : i32
      %add3A_264 = arith.addi %add3A_249, %add3A_263 : i32
      %lt3A_265 = arith.constant 32 : i32
      %lt3A_266 = arith.cmpi slt, %add3A_264, %lt3A_265 : i32
      %convert_element_type3A_267 = arith.extui %lt3A_266 : i1 to i32
      %cond3A_268 = arith.constant 0 : i32
      %cond3A_269 = arith.cmpi ne, %convert_element_type3A_267, %cond3A_268 : i32
      scf.if %cond3A_269 {
        %ge3A = arith.constant 2 : i32
        %ge3A_319 = arith.cmpi sge, %add3A_249, %ge3A : i32
        %convert_element_type3A_320 = arith.extui %ge3A_319 : i1 to i32
        %cond3A_321 = arith.constant 0 : i32
        %cond3A_322 = arith.cmpi ne, %convert_element_type3A_320, %cond3A_321 : i32
        scf.if %cond3A_322 {
          %dma_wait3A_331 = arith.constant 0 : i32
          %dma_wait3A_332 = arith.constant 0 : i32
          %dma_wait3A_333 = tpu.memref_slice %arg7[%dma_wait3A_331, %dma_wait3A_332] : memref<32x80xi32, #tpu.memory_space<vmem>> -> memref<1x80xi32, #tpu.memory_space<vmem>>
          %dma_wait3A_334 = tpu.memref_squeeze %dma_wait3A_333 : memref<1x80xi32, #tpu.memory_space<vmem>> -> memref<80xi32, #tpu.memory_space<vmem>>
          %dma_wait3A_335 = arith.constant 0 : i32
          %dma_wait3A_336 = arith.constant 0 : i32
          %dma_wait3A_337 = tpu.memref_slice %arg12[%dma_wait3A_335, %dma_wait3A_336] : memref<10112x128xf32, #tpu.memory_space<vmem_shared>> -> memref<10112x128xf32, #tpu.memory_space<vmem_shared>>
          tpu.wait_indirect_dma semaphore(%arg20 : memref<!tpu.dma_semaphore, #tpu.memory_space<semaphore_mem>>) src(%arg11 : memref<80x128xf32, #tpu.memory_space<vmem>>) dst(%dma_wait3A_337 : memref<10112x128xf32, #tpu.memory_space<vmem_shared>>)
        } else {
        }
        %add3A_323 = arith.constant 2 : i32
        %add3A_324 = arith.addi %add3A_249, %add3A_323 : i32
        %dma_start3A_325 = arith.constant 0 : i32
        %dma_start3A_326 = tpu.memref_slice %arg6[%add3A_324, %dma_start3A_325] : memref<32x80xi32, #tpu.memory_space<vmem>> -> memref<1x80xi32, #tpu.memory_space<vmem>>
        %dma_start3A_327 = tpu.memref_squeeze %dma_start3A_326 : memref<1x80xi32, #tpu.memory_space<vmem>> -> memref<80xi32, #tpu.memory_space<vmem>>
        %dma_start3A_328 = arith.constant 0 : i32
        %dma_start3A_329 = arith.constant 0 : i32
        %dma_start3A_330 = tpu.memref_slice %arg2[%dma_start3A_328, %dma_start3A_329] : memref<20000x128xf32, #tpu.memory_space<hbm>> -> memref<20000x128xf32, #tpu.memory_space<hbm>>
        tpu.enqueue_indirect_dma source(%dma_start3A_330 : memref<20000x128xf32, #tpu.memory_space<hbm>>) target(%arg11 : memref<80x128xf32, #tpu.memory_space<vmem>>) offsets(%dma_start3A_327 : memref<80xi32, #tpu.memory_space<vmem>>) semaphore(%arg16 : memref<!tpu.dma_semaphore, #tpu.memory_space<semaphore_mem>>)
      } else {
      }
      %mul3A_270 = arith.constant 4 : i32
      %mul3A_271 = arith.muli %scan3A_223, %mul3A_270 : i32
      %add3A_272 = arith.constant 2 : i32
      %add3A_273 = arith.addi %mul3A_271, %add3A_272 : i32
      %dma_wait3A_274 = arith.constant 0 : i32
      %dma_wait3A_275 = arith.constant 0 : i32
      %dma_wait3A_276 = tpu.memref_slice %arg6[%dma_wait3A_274, %dma_wait3A_275] : memref<32x80xi32, #tpu.memory_space<vmem>> -> memref<1x80xi32, #tpu.memory_space<vmem>>
      %dma_wait3A_277 = tpu.memref_squeeze %dma_wait3A_276 : memref<1x80xi32, #tpu.memory_space<vmem>> -> memref<80xi32, #tpu.memory_space<vmem>>
      %dma_wait3A_278 = arith.constant 0 : i32
      %dma_wait3A_279 = arith.constant 0 : i32
      %dma_wait3A_280 = tpu.memref_slice %arg2[%dma_wait3A_278, %dma_wait3A_279] : memref<20000x128xf32, #tpu.memory_space<hbm>> -> memref<20000x128xf32, #tpu.memory_space<hbm>>
      tpu.wait_indirect_dma semaphore(%arg15 : memref<!tpu.dma_semaphore, #tpu.memory_space<semaphore_mem>>) src(%dma_wait3A_280 : memref<20000x128xf32, #tpu.memory_space<hbm>>) dst(%arg10 : memref<80x128xf32, #tpu.memory_space<vmem>>)
      %dma_start3A_281 = arith.constant 0 : i32
      %dma_start3A_282 = tpu.memref_slice %arg7[%add3A_273, %dma_start3A_281] : memref<32x80xi32, #tpu.memory_space<vmem>> -> memref<1x80xi32, #tpu.memory_space<vmem>>
      %dma_start3A_283 = tpu.memref_squeeze %dma_start3A_282 : memref<1x80xi32, #tpu.memory_space<vmem>> -> memref<80xi32, #tpu.memory_space<vmem>>
      %dma_start3A_284 = arith.constant 0 : i32
      %dma_start3A_285 = arith.constant 0 : i32
      %dma_start3A_286 = tpu.memref_slice %arg12[%dma_start3A_284, %dma_start3A_285] : memref<10112x128xf32, #tpu.memory_space<vmem_shared>> -> memref<10112x128xf32, #tpu.memory_space<vmem_shared>>
      tpu.enqueue_indirect_dma source(%arg10 : memref<80x128xf32, #tpu.memory_space<vmem>>) target(%dma_start3A_286 : memref<10112x128xf32, #tpu.memory_space<vmem_shared>>) offsets(%dma_start3A_283 : memref<80xi32, #tpu.memory_space<vmem>>) semaphore(%arg19 : memref<!tpu.dma_semaphore, #tpu.memory_space<semaphore_mem>>) {add = true}
      %add3A_287 = arith.constant 2 : i32
      %add3A_288 = arith.addi %add3A_273, %add3A_287 : i32
      %lt3A_289 = arith.constant 32 : i32
      %lt3A_290 = arith.cmpi slt, %add3A_288, %lt3A_289 : i32
      %convert_element_type3A_291 = arith.extui %lt3A_290 : i1 to i32
      %cond3A_292 = arith.constant 0 : i32
      %cond3A_293 = arith.cmpi ne, %convert_element_type3A_291, %cond3A_292 : i32
      scf.if %cond3A_293 {
        %ge3A = arith.constant 2 : i32
        %ge3A_319 = arith.cmpi sge, %add3A_273, %ge3A : i32
        %convert_element_type3A_320 = arith.extui %ge3A_319 : i1 to i32
        %cond3A_321 = arith.constant 0 : i32
        %cond3A_322 = arith.cmpi ne, %convert_element_type3A_320, %cond3A_321 : i32
        scf.if %cond3A_322 {
          %dma_wait3A_331 = arith.constant 0 : i32
          %dma_wait3A_332 = arith.constant 0 : i32
          %dma_wait3A_333 = tpu.memref_slice %arg7[%dma_wait3A_331, %dma_wait3A_332] : memref<32x80xi32, #tpu.memory_space<vmem>> -> memref<1x80xi32, #tpu.memory_space<vmem>>
          %dma_wait3A_334 = tpu.memref_squeeze %dma_wait3A_333 : memref<1x80xi32, #tpu.memory_space<vmem>> -> memref<80xi32, #tpu.memory_space<vmem>>
          %dma_wait3A_335 = arith.constant 0 : i32
          %dma_wait3A_336 = arith.constant 0 : i32
          %dma_wait3A_337 = tpu.memref_slice %arg12[%dma_wait3A_335, %dma_wait3A_336] : memref<10112x128xf32, #tpu.memory_space<vmem_shared>> -> memref<10112x128xf32, #tpu.memory_space<vmem_shared>>
          tpu.wait_indirect_dma semaphore(%arg17 : memref<!tpu.dma_semaphore, #tpu.memory_space<semaphore_mem>>) src(%arg8 : memref<80x128xf32, #tpu.memory_space<vmem>>) dst(%dma_wait3A_337 : memref<10112x128xf32, #tpu.memory_space<vmem_shared>>)
        } else {
        }
        %add3A_323 = arith.constant 2 : i32
        %add3A_324 = arith.addi %add3A_273, %add3A_323 : i32
        %dma_start3A_325 = arith.constant 0 : i32
        %dma_start3A_326 = tpu.memref_slice %arg6[%add3A_324, %dma_start3A_325] : memref<32x80xi32, #tpu.memory_space<vmem>> -> memref<1x80xi32, #tpu.memory_space<vmem>>
        %dma_start3A_327 = tpu.memref_squeeze %dma_start3A_326 : memref<1x80xi32, #tpu.memory_space<vmem>> -> memref<80xi32, #tpu.memory_space<vmem>>
        %dma_start3A_328 = arith.constant 0 : i32
        %dma_start3A_329 = arith.constant 0 : i32
        %dma_start3A_330 = tpu.memref_slice %arg2[%dma_start3A_328, %dma_start3A_329] : memref<20000x128xf32, #tpu.memory_space<hbm>> -> memref<20000x128xf32, #tpu.memory_space<hbm>>
        tpu.enqueue_indirect_dma source(%dma_start3A_330 : memref<20000x128xf32, #tpu.memory_space<hbm>>) target(%arg8 : memref<80x128xf32, #tpu.memory_space<vmem>>) offsets(%dma_start3A_327 : memref<80xi32, #tpu.memory_space<vmem>>) semaphore(%arg13 : memref<!tpu.dma_semaphore, #tpu.memory_space<semaphore_mem>>)
      } else {
      }
      %mul3A_294 = arith.constant 4 : i32
      %mul3A_295 = arith.muli %scan3A_223, %mul3A_294 : i32
      %add3A_296 = arith.constant 3 : i32
      %add3A_297 = arith.addi %mul3A_295, %add3A_296 : i32
      %dma_wait3A_298 = arith.constant 0 : i32
      %dma_wait3A_299 = arith.constant 0 : i32
      %dma_wait3A_300 = tpu.memref_slice %arg6[%dma_wait3A_298, %dma_wait3A_299] : memref<32x80xi32, #tpu.memory_space<vmem>> -> memref<1x80xi32, #tpu.memory_space<vmem>>
      %dma_wait3A_301 = tpu.memref_squeeze %dma_wait3A_300 : memref<1x80xi32, #tpu.memory_space<vmem>> -> memref<80xi32, #tpu.memory_space<vmem>>
      %dma_wait3A_302 = arith.constant 0 : i32
      %dma_wait3A_303 = arith.constant 0 : i32
      %dma_wait3A_304 = tpu.memref_slice %arg2[%dma_wait3A_302, %dma_wait3A_303] : memref<20000x128xf32, #tpu.memory_space<hbm>> -> memref<20000x128xf32, #tpu.memory_space<hbm>>
      tpu.wait_indirect_dma semaphore(%arg16 : memref<!tpu.dma_semaphore, #tpu.memory_space<semaphore_mem>>) src(%dma_wait3A_304 : memref<20000x128xf32, #tpu.memory_space<hbm>>) dst(%arg11 : memref<80x128xf32, #tpu.memory_space<vmem>>)
      %dma_start3A_305 = arith.constant 0 : i32
      %dma_start3A_306 = tpu.memref_slice %arg7[%add3A_297, %dma_start3A_305] : memref<32x80xi32, #tpu.memory_space<vmem>> -> memref<1x80xi32, #tpu.memory_space<vmem>>
      %dma_start3A_307 = tpu.memref_squeeze %dma_start3A_306 : memref<1x80xi32, #tpu.memory_space<vmem>> -> memref<80xi32, #tpu.memory_space<vmem>>
      %dma_start3A_308 = arith.constant 0 : i32
      %dma_start3A_309 = arith.constant 0 : i32
      %dma_start3A_310 = tpu.memref_slice %arg12[%dma_start3A_308, %dma_start3A_309] : memref<10112x128xf32, #tpu.memory_space<vmem_shared>> -> memref<10112x128xf32, #tpu.memory_space<vmem_shared>>
      tpu.enqueue_indirect_dma source(%arg11 : memref<80x128xf32, #tpu.memory_space<vmem>>) target(%dma_start3A_310 : memref<10112x128xf32, #tpu.memory_space<vmem_shared>>) offsets(%dma_start3A_307 : memref<80xi32, #tpu.memory_space<vmem>>) semaphore(%arg20 : memref<!tpu.dma_semaphore, #tpu.memory_space<semaphore_mem>>) {add = true}
      %add3A_311 = arith.constant 2 : i32
      %add3A_312 = arith.addi %add3A_297, %add3A_311 : i32
      %lt3A_313 = arith.constant 32 : i32
      %lt3A_314 = arith.cmpi slt, %add3A_312, %lt3A_313 : i32
      %convert_element_type3A_315 = arith.extui %lt3A_314 : i1 to i32
      %cond3A_316 = arith.constant 0 : i32
      %cond3A_317 = arith.cmpi ne, %convert_element_type3A_315, %cond3A_316 : i32
      scf.if %cond3A_317 {
        %ge3A = arith.constant 2 : i32
        %ge3A_319 = arith.cmpi sge, %add3A_297, %ge3A : i32
        %convert_element_type3A_320 = arith.extui %ge3A_319 : i1 to i32
        %cond3A_321 = arith.constant 0 : i32
        %cond3A_322 = arith.cmpi ne, %convert_element_type3A_320, %cond3A_321 : i32
        scf.if %cond3A_322 {
          %dma_wait3A_331 = arith.constant 0 : i32
          %dma_wait3A_332 = arith.constant 0 : i32
          %dma_wait3A_333 = tpu.memref_slice %arg7[%dma_wait3A_331, %dma_wait3A_332] : memref<32x80xi32, #tpu.memory_space<vmem>> -> memref<1x80xi32, #tpu.memory_space<vmem>>
          %dma_wait3A_334 = tpu.memref_squeeze %dma_wait3A_333 : memref<1x80xi32, #tpu.memory_space<vmem>> -> memref<80xi32, #tpu.memory_space<vmem>>
          %dma_wait3A_335 = arith.constant 0 : i32
          %dma_wait3A_336 = arith.constant 0 : i32
          %dma_wait3A_337 = tpu.memref_slice %arg12[%dma_wait3A_335, %dma_wait3A_336] : memref<10112x128xf32, #tpu.memory_space<vmem_shared>> -> memref<10112x128xf32, #tpu.memory_space<vmem_shared>>
          tpu.wait_indirect_dma semaphore(%arg18 : memref<!tpu.dma_semaphore, #tpu.memory_space<semaphore_mem>>) src(%arg9 : memref<80x128xf32, #tpu.memory_space<vmem>>) dst(%dma_wait3A_337 : memref<10112x128xf32, #tpu.memory_space<vmem_shared>>)
        } else {
        }
        %add3A_323 = arith.constant 2 : i32
        %add3A_324 = arith.addi %add3A_297, %add3A_323 : i32
        %dma_start3A_325 = arith.constant 0 : i32
        %dma_start3A_326 = tpu.memref_slice %arg6[%add3A_324, %dma_start3A_325] : memref<32x80xi32, #tpu.memory_space<vmem>> -> memref<1x80xi32, #tpu.memory_space<vmem>>
        %dma_start3A_327 = tpu.memref_squeeze %dma_start3A_326 : memref<1x80xi32, #tpu.memory_space<vmem>> -> memref<80xi32, #tpu.memory_space<vmem>>
        %dma_start3A_328 = arith.constant 0 : i32
        %dma_start3A_329 = arith.constant 0 : i32
        %dma_start3A_330 = tpu.memref_slice %arg2[%dma_start3A_328, %dma_start3A_329] : memref<20000x128xf32, #tpu.memory_space<hbm>> -> memref<20000x128xf32, #tpu.memory_space<hbm>>
        tpu.enqueue_indirect_dma source(%dma_start3A_330 : memref<20000x128xf32, #tpu.memory_space<hbm>>) target(%arg9 : memref<80x128xf32, #tpu.memory_space<vmem>>) offsets(%dma_start3A_327 : memref<80xi32, #tpu.memory_space<vmem>>) semaphore(%arg14 : memref<!tpu.dma_semaphore, #tpu.memory_space<semaphore_mem>>)
      } else {
      }
      %scan3A_318 = arith.constant 0 : i32
      scf.yield %scan3A_318 : i32
    }
    %scan3A_44 = arith.constant 8 : i32
    %dma_wait3A = arith.constant 0 : i32
    %dma_wait3A_45 = arith.constant 0 : i32
    %dma_wait3A_46 = tpu.memref_slice %arg7[%dma_wait3A, %dma_wait3A_45] : memref<32x80xi32, #tpu.memory_space<vmem>> -> memref<1x80xi32, #tpu.memory_space<vmem>>
    %dma_wait3A_47 = tpu.memref_squeeze %dma_wait3A_46 : memref<1x80xi32, #tpu.memory_space<vmem>> -> memref<80xi32, #tpu.memory_space<vmem>>
    %dma_wait3A_48 = arith.constant 0 : i32
    %dma_wait3A_49 = arith.constant 0 : i32
    %dma_wait3A_50 = tpu.memref_slice %arg12[%dma_wait3A_48, %dma_wait3A_49] : memref<10112x128xf32, #tpu.memory_space<vmem_shared>> -> memref<10112x128xf32, #tpu.memory_space<vmem_shared>>
    tpu.wait_indirect_dma semaphore(%arg17 : memref<!tpu.dma_semaphore, #tpu.memory_space<semaphore_mem>>) src(%arg8 : memref<80x128xf32, #tpu.memory_space<vmem>>) dst(%dma_wait3A_50 : memref<10112x128xf32, #tpu.memory_space<vmem_shared>>)
    %dma_wait3A_51 = arith.constant 0 : i32
    %dma_wait3A_52 = arith.constant 0 : i32
    %dma_wait3A_53 = tpu.memref_slice %arg7[%dma_wait3A_51, %dma_wait3A_52] : memref<32x80xi32, #tpu.memory_space<vmem>> -> memref<1x80xi32, #tpu.memory_space<vmem>>
    %dma_wait3A_54 = tpu.memref_squeeze %dma_wait3A_53 : memref<1x80xi32, #tpu.memory_space<vmem>> -> memref<80xi32, #tpu.memory_space<vmem>>
    %dma_wait3A_55 = arith.constant 0 : i32
    %dma_wait3A_56 = arith.constant 0 : i32
    %dma_wait3A_57 = tpu.memref_slice %arg12[%dma_wait3A_55, %dma_wait3A_56] : memref<10112x128xf32, #tpu.memory_space<vmem_shared>> -> memref<10112x128xf32, #tpu.memory_space<vmem_shared>>
    tpu.wait_indirect_dma semaphore(%arg18 : memref<!tpu.dma_semaphore, #tpu.memory_space<semaphore_mem>>) src(%arg9 : memref<80x128xf32, #tpu.memory_space<vmem>>) dst(%dma_wait3A_57 : memref<10112x128xf32, #tpu.memory_space<vmem_shared>>)
    %dma_wait3A_58 = arith.constant 0 : i32
    %dma_wait3A_59 = arith.constant 0 : i32
    %dma_wait3A_60 = tpu.memref_slice %arg7[%dma_wait3A_58, %dma_wait3A_59] : memref<32x80xi32, #tpu.memory_space<vmem>> -> memref<1x80xi32, #tpu.memory_space<vmem>>
    %dma_wait3A_61 = tpu.memref_squeeze %dma_wait3A_60 : memref<1x80xi32, #tpu.memory_space<vmem>> -> memref<80xi32, #tpu.memory_space<vmem>>
    %dma_wait3A_62 = arith.constant 0 : i32
    %dma_wait3A_63 = arith.constant 0 : i32
    %dma_wait3A_64 = tpu.memref_slice %arg12[%dma_wait3A_62, %dma_wait3A_63] : memref<10112x128xf32, #tpu.memory_space<vmem_shared>> -> memref<10112x128xf32, #tpu.memory_space<vmem_shared>>
    tpu.wait_indirect_dma semaphore(%arg19 : memref<!tpu.dma_semaphore, #tpu.memory_space<semaphore_mem>>) src(%arg10 : memref<80x128xf32, #tpu.memory_space<vmem>>) dst(%dma_wait3A_64 : memref<10112x128xf32, #tpu.memory_space<vmem_shared>>)
    %dma_wait3A_65 = arith.constant 0 : i32
    %dma_wait3A_66 = arith.constant 0 : i32
    %dma_wait3A_67 = tpu.memref_slice %arg7[%dma_wait3A_65, %dma_wait3A_66] : memref<32x80xi32, #tpu.memory_space<vmem>> -> memref<1x80xi32, #tpu.memory_space<vmem>>
    %dma_wait3A_68 = tpu.memref_squeeze %dma_wait3A_67 : memref<1x80xi32, #tpu.memory_space<vmem>> -> memref<80xi32, #tpu.memory_space<vmem>>
    %dma_wait3A_69 = arith.constant 0 : i32
    %dma_wait3A_70 = arith.constant 0 : i32
    %dma_wait3A_71 = tpu.memref_slice %arg12[%dma_wait3A_69, %dma_wait3A_70] : memref<10112x128xf32, #tpu.memory_space<vmem_shared>> -> memref<10112x128xf32, #tpu.memory_space<vmem_shared>>
    tpu.wait_indirect_dma semaphore(%arg20 : memref<!tpu.dma_semaphore, #tpu.memory_space<semaphore_mem>>) src(%arg11 : memref<80x128xf32, #tpu.memory_space<vmem>>) dst(%dma_wait3A_71 : memref<10112x128xf32, #tpu.memory_space<vmem_shared>>)
    "tpu.region"() ({
      %run_scoped3A = tpu.sem_alloc : memref<!tpu.dma_semaphore, #tpu.memory_space<semaphore_mem>>
      %dma_start3A_223 = arith.constant 32 : i32
      %dma_start3A_224 = arith.constant 0 : i32
      %dma_start3A_225 = tpu.memref_slice %arg3[%add3A, %dma_start3A_223, %dma_start3A_224] : memref<32x128x80xi32, #tpu.memory_space<hbm>> -> memref<1x32x80xi32, #tpu.memory_space<hbm>>
      %dma_start3A_226 = tpu.memref_squeeze %dma_start3A_225 : memref<1x32x80xi32, #tpu.memory_space<hbm>> -> memref<32x80xi32, #tpu.memory_space<hbm>>
      %dma_start3A_227 = arith.constant 32 : i32
      %dma_start3A_228 = arith.constant 0 : i32
      %dma_start3A_229 = tpu.memref_slice %arg3[%add3A, %dma_start3A_227, %dma_start3A_228] : memref<32x128x80xi32, #tpu.memory_space<hbm>> -> memref<1x32x80xi32, #tpu.memory_space<hbm>>
      %dma_start3A_230 = tpu.memref_squeeze %dma_start3A_229 : memref<1x32x80xi32, #tpu.memory_space<hbm>> -> memref<32x80xi32, #tpu.memory_space<hbm>>
      tpu.enqueue_dma source(%dma_start3A_230 : memref<32x80xi32, #tpu.memory_space<hbm>>) target(%arg6 : memref<32x80xi32, #tpu.memory_space<vmem>>) target_semaphore(%run_scoped3A : memref<!tpu.dma_semaphore, #tpu.memory_space<semaphore_mem>>)
      %dma_wait3A_231 = arith.constant 32 : i32
      %dma_wait3A_232 = arith.constant 0 : i32
      %dma_wait3A_233 = tpu.memref_slice %arg3[%add3A, %dma_wait3A_231, %dma_wait3A_232] : memref<32x128x80xi32, #tpu.memory_space<hbm>> -> memref<1x32x80xi32, #tpu.memory_space<hbm>>
      %dma_wait3A_234 = tpu.memref_squeeze %dma_wait3A_233 : memref<1x32x80xi32, #tpu.memory_space<hbm>> -> memref<32x80xi32, #tpu.memory_space<hbm>>
      %dma_wait3A_235 = arith.constant 32 : i32
      %dma_wait3A_236 = arith.constant 0 : i32
      %dma_wait3A_237 = tpu.memref_slice %arg3[%add3A, %dma_wait3A_235, %dma_wait3A_236] : memref<32x128x80xi32, #tpu.memory_space<hbm>> -> memref<1x32x80xi32, #tpu.memory_space<hbm>>
      %dma_wait3A_238 = tpu.memref_squeeze %dma_wait3A_237 : memref<1x32x80xi32, #tpu.memory_space<hbm>> -> memref<32x80xi32, #tpu.memory_space<hbm>>
      tpu.wait_dma2 semaphore(%run_scoped3A : memref<!tpu.dma_semaphore, #tpu.memory_space<semaphore_mem>>) src(%dma_wait3A_238 : memref<32x80xi32, #tpu.memory_space<hbm>>) dst(%arg6 : memref<32x80xi32, #tpu.memory_space<vmem>>)
      tpu.yield
    }) : () -> ()
    "tpu.region"() ({
      %run_scoped3A = tpu.sem_alloc : memref<!tpu.dma_semaphore, #tpu.memory_space<semaphore_mem>>
      %dma_start3A_223 = arith.constant 32 : i32
      %dma_start3A_224 = arith.constant 0 : i32
      %dma_start3A_225 = tpu.memref_slice %arg4[%arg1, %dma_start3A_223, %dma_start3A_224] : memref<16x128x80xi32, #tpu.memory_space<hbm>> -> memref<1x32x80xi32, #tpu.memory_space<hbm>>
      %dma_start3A_226 = tpu.memref_squeeze %dma_start3A_225 : memref<1x32x80xi32, #tpu.memory_space<hbm>> -> memref<32x80xi32, #tpu.memory_space<hbm>>
      %dma_start3A_227 = arith.constant 32 : i32
      %dma_start3A_228 = arith.constant 0 : i32
      %dma_start3A_229 = tpu.memref_slice %arg4[%arg1, %dma_start3A_227, %dma_start3A_228] : memref<16x128x80xi32, #tpu.memory_space<hbm>> -> memref<1x32x80xi32, #tpu.memory_space<hbm>>
      %dma_start3A_230 = tpu.memref_squeeze %dma_start3A_229 : memref<1x32x80xi32, #tpu.memory_space<hbm>> -> memref<32x80xi32, #tpu.memory_space<hbm>>
      tpu.enqueue_dma source(%dma_start3A_230 : memref<32x80xi32, #tpu.memory_space<hbm>>) target(%arg7 : memref<32x80xi32, #tpu.memory_space<vmem>>) target_semaphore(%run_scoped3A : memref<!tpu.dma_semaphore, #tpu.memory_space<semaphore_mem>>)
      %dma_wait3A_231 = arith.constant 32 : i32
      %dma_wait3A_232 = arith.constant 0 : i32
      %dma_wait3A_233 = tpu.memref_slice %arg4[%arg1, %dma_wait3A_231, %dma_wait3A_232] : memref<16x128x80xi32, #tpu.memory_space<hbm>> -> memref<1x32x80xi32, #tpu.memory_space<hbm>>
      %dma_wait3A_234 = tpu.memref_squeeze %dma_wait3A_233 : memref<1x32x80xi32, #tpu.memory_space<hbm>> -> memref<32x80xi32, #tpu.memory_space<hbm>>
      %dma_wait3A_235 = arith.constant 32 : i32
      %dma_wait3A_236 = arith.constant 0 : i32
      %dma_wait3A_237 = tpu.memref_slice %arg4[%arg1, %dma_wait3A_235, %dma_wait3A_236] : memref<16x128x80xi32, #tpu.memory_space<hbm>> -> memref<1x32x80xi32, #tpu.memory_space<hbm>>
      %dma_wait3A_238 = tpu.memref_squeeze %dma_wait3A_237 : memref<1x32x80xi32, #tpu.memory_space<hbm>> -> memref<32x80xi32, #tpu.memory_space<hbm>>
      tpu.wait_dma2 semaphore(%run_scoped3A : memref<!tpu.dma_semaphore, #tpu.memory_space<semaphore_mem>>) src(%dma_wait3A_238 : memref<32x80xi32, #tpu.memory_space<hbm>>) dst(%arg7 : memref<32x80xi32, #tpu.memory_space<vmem>>)
      tpu.yield
    }) : () -> ()
    %dma_start3A_72 = arith.constant 0 : i32
    %dma_start3A_73 = arith.constant 0 : i32
    %dma_start3A_74 = tpu.memref_slice %arg6[%dma_start3A_72, %dma_start3A_73] : memref<32x80xi32, #tpu.memory_space<vmem>> -> memref<1x80xi32, #tpu.memory_space<vmem>>
    %dma_start3A_75 = tpu.memref_squeeze %dma_start3A_74 : memref<1x80xi32, #tpu.memory_space<vmem>> -> memref<80xi32, #tpu.memory_space<vmem>>
    %dma_start3A_76 = arith.constant 0 : i32
    %dma_start3A_77 = arith.constant 0 : i32
    %dma_start3A_78 = tpu.memref_slice %arg2[%dma_start3A_76, %dma_start3A_77] : memref<20000x128xf32, #tpu.memory_space<hbm>> -> memref<20000x128xf32, #tpu.memory_space<hbm>>
    tpu.enqueue_indirect_dma source(%dma_start3A_78 : memref<20000x128xf32, #tpu.memory_space<hbm>>) target(%arg8 : memref<80x128xf32, #tpu.memory_space<vmem>>) offsets(%dma_start3A_75 : memref<80xi32, #tpu.memory_space<vmem>>) semaphore(%arg13 : memref<!tpu.dma_semaphore, #tpu.memory_space<semaphore_mem>>)
    %dma_start3A_79 = arith.constant 1 : i32
    %dma_start3A_80 = arith.constant 0 : i32
    %dma_start3A_81 = tpu.memref_slice %arg6[%dma_start3A_79, %dma_start3A_80] : memref<32x80xi32, #tpu.memory_space<vmem>> -> memref<1x80xi32, #tpu.memory_space<vmem>>
    %dma_start3A_82 = tpu.memref_squeeze %dma_start3A_81 : memref<1x80xi32, #tpu.memory_space<vmem>> -> memref<80xi32, #tpu.memory_space<vmem>>
    %dma_start3A_83 = arith.constant 0 : i32
    %dma_start3A_84 = arith.constant 0 : i32
    %dma_start3A_85 = tpu.memref_slice %arg2[%dma_start3A_83, %dma_start3A_84] : memref<20000x128xf32, #tpu.memory_space<hbm>> -> memref<20000x128xf32, #tpu.memory_space<hbm>>
    tpu.enqueue_indirect_dma source(%dma_start3A_85 : memref<20000x128xf32, #tpu.memory_space<hbm>>) target(%arg9 : memref<80x128xf32, #tpu.memory_space<vmem>>) offsets(%dma_start3A_82 : memref<80xi32, #tpu.memory_space<vmem>>) semaphore(%arg14 : memref<!tpu.dma_semaphore, #tpu.memory_space<semaphore_mem>>)
    %scan3A_86 = arith.constant 0 : i32
    %scan3A_87 = arith.constant 0 : i32
    %scan3A_88 = arith.constant 8 : i32
    %scan3A_89 = arith.addi %scan3A_87, %scan3A_88 : i32
    %scan3A_90 = arith.constant 1 : i32
    %scan3A_91 = scf.for %scan3A_223 = %scan3A_87 to %scan3A_89 step %scan3A_90 iter_args(%scan3A_224 = %scan3A_86) -> (i32)  : i32 {
      %mul3A_225 = arith.constant 4 : i32
      %mul3A_226 = arith.muli %scan3A_223, %mul3A_225 : i32
      %add3A_227 = arith.constant 0 : i32
      %add3A_228 = arith.addi %mul3A_226, %add3A_227 : i32
      %dma_wait3A_229 = arith.constant 0 : i32
      %dma_wait3A_230 = arith.constant 0 : i32
      %dma_wait3A_231 = tpu.memref_slice %arg6[%dma_wait3A_229, %dma_wait3A_230] : memref<32x80xi32, #tpu.memory_space<vmem>> -> memref<1x80xi32, #tpu.memory_space<vmem>>
      %dma_wait3A_232 = tpu.memref_squeeze %dma_wait3A_231 : memref<1x80xi32, #tpu.memory_space<vmem>> -> memref<80xi32, #tpu.memory_space<vmem>>
      %dma_wait3A_233 = arith.constant 0 : i32
      %dma_wait3A_234 = arith.constant 0 : i32
      %dma_wait3A_235 = tpu.memref_slice %arg2[%dma_wait3A_233, %dma_wait3A_234] : memref<20000x128xf32, #tpu.memory_space<hbm>> -> memref<20000x128xf32, #tpu.memory_space<hbm>>
      tpu.wait_indirect_dma semaphore(%arg13 : memref<!tpu.dma_semaphore, #tpu.memory_space<semaphore_mem>>) src(%dma_wait3A_235 : memref<20000x128xf32, #tpu.memory_space<hbm>>) dst(%arg8 : memref<80x128xf32, #tpu.memory_space<vmem>>)
      %dma_start3A_236 = arith.constant 0 : i32
      %dma_start3A_237 = tpu.memref_slice %arg7[%add3A_228, %dma_start3A_236] : memref<32x80xi32, #tpu.memory_space<vmem>> -> memref<1x80xi32, #tpu.memory_space<vmem>>
      %dma_start3A_238 = tpu.memref_squeeze %dma_start3A_237 : memref<1x80xi32, #tpu.memory_space<vmem>> -> memref<80xi32, #tpu.memory_space<vmem>>
      %dma_start3A_239 = arith.constant 0 : i32
      %dma_start3A_240 = arith.constant 0 : i32
      %dma_start3A_241 = tpu.memref_slice %arg12[%dma_start3A_239, %dma_start3A_240] : memref<10112x128xf32, #tpu.memory_space<vmem_shared>> -> memref<10112x128xf32, #tpu.memory_space<vmem_shared>>
      tpu.enqueue_indirect_dma source(%arg8 : memref<80x128xf32, #tpu.memory_space<vmem>>) target(%dma_start3A_241 : memref<10112x128xf32, #tpu.memory_space<vmem_shared>>) offsets(%dma_start3A_238 : memref<80xi32, #tpu.memory_space<vmem>>) semaphore(%arg17 : memref<!tpu.dma_semaphore, #tpu.memory_space<semaphore_mem>>) {add = true}
      %add3A_242 = arith.constant 2 : i32
      %add3A_243 = arith.addi %add3A_228, %add3A_242 : i32
      %lt3A = arith.constant 32 : i32
      %lt3A_244 = arith.cmpi slt, %add3A_243, %lt3A : i32
      %convert_element_type3A = arith.extui %lt3A_244 : i1 to i32
      %cond3A = arith.constant 0 : i32
      %cond3A_245 = arith.cmpi ne, %convert_element_type3A, %cond3A : i32
      scf.if %cond3A_245 {
        %ge3A = arith.constant 2 : i32
        %ge3A_319 = arith.cmpi sge, %add3A_228, %ge3A : i32
        %convert_element_type3A_320 = arith.extui %ge3A_319 : i1 to i32
        %cond3A_321 = arith.constant 0 : i32
        %cond3A_322 = arith.cmpi ne, %convert_element_type3A_320, %cond3A_321 : i32
        scf.if %cond3A_322 {
          %dma_wait3A_331 = arith.constant 0 : i32
          %dma_wait3A_332 = arith.constant 0 : i32
          %dma_wait3A_333 = tpu.memref_slice %arg7[%dma_wait3A_331, %dma_wait3A_332] : memref<32x80xi32, #tpu.memory_space<vmem>> -> memref<1x80xi32, #tpu.memory_space<vmem>>
          %dma_wait3A_334 = tpu.memref_squeeze %dma_wait3A_333 : memref<1x80xi32, #tpu.memory_space<vmem>> -> memref<80xi32, #tpu.memory_space<vmem>>
          %dma_wait3A_335 = arith.constant 0 : i32
          %dma_wait3A_336 = arith.constant 0 : i32
          %dma_wait3A_337 = tpu.memref_slice %arg12[%dma_wait3A_335, %dma_wait3A_336] : memref<10112x128xf32, #tpu.memory_space<vmem_shared>> -> memref<10112x128xf32, #tpu.memory_space<vmem_shared>>
          tpu.wait_indirect_dma semaphore(%arg19 : memref<!tpu.dma_semaphore, #tpu.memory_space<semaphore_mem>>) src(%arg10 : memref<80x128xf32, #tpu.memory_space<vmem>>) dst(%dma_wait3A_337 : memref<10112x128xf32, #tpu.memory_space<vmem_shared>>)
        } else {
        }
        %add3A_323 = arith.constant 2 : i32
        %add3A_324 = arith.addi %add3A_228, %add3A_323 : i32
        %dma_start3A_325 = arith.constant 0 : i32
        %dma_start3A_326 = tpu.memref_slice %arg6[%add3A_324, %dma_start3A_325] : memref<32x80xi32, #tpu.memory_space<vmem>> -> memref<1x80xi32, #tpu.memory_space<vmem>>
        %dma_start3A_327 = tpu.memref_squeeze %dma_start3A_326 : memref<1x80xi32, #tpu.memory_space<vmem>> -> memref<80xi32, #tpu.memory_space<vmem>>
        %dma_start3A_328 = arith.constant 0 : i32
        %dma_start3A_329 = arith.constant 0 : i32
        %dma_start3A_330 = tpu.memref_slice %arg2[%dma_start3A_328, %dma_start3A_329] : memref<20000x128xf32, #tpu.memory_space<hbm>> -> memref<20000x128xf32, #tpu.memory_space<hbm>>
        tpu.enqueue_indirect_dma source(%dma_start3A_330 : memref<20000x128xf32, #tpu.memory_space<hbm>>) target(%arg10 : memref<80x128xf32, #tpu.memory_space<vmem>>) offsets(%dma_start3A_327 : memref<80xi32, #tpu.memory_space<vmem>>) semaphore(%arg15 : memref<!tpu.dma_semaphore, #tpu.memory_space<semaphore_mem>>)
      } else {
      }
      %mul3A_246 = arith.constant 4 : i32
      %mul3A_247 = arith.muli %scan3A_223, %mul3A_246 : i32
      %add3A_248 = arith.constant 1 : i32
      %add3A_249 = arith.addi %mul3A_247, %add3A_248 : i32
      %dma_wait3A_250 = arith.constant 0 : i32
      %dma_wait3A_251 = arith.constant 0 : i32
      %dma_wait3A_252 = tpu.memref_slice %arg6[%dma_wait3A_250, %dma_wait3A_251] : memref<32x80xi32, #tpu.memory_space<vmem>> -> memref<1x80xi32, #tpu.memory_space<vmem>>
      %dma_wait3A_253 = tpu.memref_squeeze %dma_wait3A_252 : memref<1x80xi32, #tpu.memory_space<vmem>> -> memref<80xi32, #tpu.memory_space<vmem>>
      %dma_wait3A_254 = arith.constant 0 : i32
      %dma_wait3A_255 = arith.constant 0 : i32
      %dma_wait3A_256 = tpu.memref_slice %arg2[%dma_wait3A_254, %dma_wait3A_255] : memref<20000x128xf32, #tpu.memory_space<hbm>> -> memref<20000x128xf32, #tpu.memory_space<hbm>>
      tpu.wait_indirect_dma semaphore(%arg14 : memref<!tpu.dma_semaphore, #tpu.memory_space<semaphore_mem>>) src(%dma_wait3A_256 : memref<20000x128xf32, #tpu.memory_space<hbm>>) dst(%arg9 : memref<80x128xf32, #tpu.memory_space<vmem>>)
      %dma_start3A_257 = arith.constant 0 : i32
      %dma_start3A_258 = tpu.memref_slice %arg7[%add3A_249, %dma_start3A_257] : memref<32x80xi32, #tpu.memory_space<vmem>> -> memref<1x80xi32, #tpu.memory_space<vmem>>
      %dma_start3A_259 = tpu.memref_squeeze %dma_start3A_258 : memref<1x80xi32, #tpu.memory_space<vmem>> -> memref<80xi32, #tpu.memory_space<vmem>>
      %dma_start3A_260 = arith.constant 0 : i32
      %dma_start3A_261 = arith.constant 0 : i32
      %dma_start3A_262 = tpu.memref_slice %arg12[%dma_start3A_260, %dma_start3A_261] : memref<10112x128xf32, #tpu.memory_space<vmem_shared>> -> memref<10112x128xf32, #tpu.memory_space<vmem_shared>>
      tpu.enqueue_indirect_dma source(%arg9 : memref<80x128xf32, #tpu.memory_space<vmem>>) target(%dma_start3A_262 : memref<10112x128xf32, #tpu.memory_space<vmem_shared>>) offsets(%dma_start3A_259 : memref<80xi32, #tpu.memory_space<vmem>>) semaphore(%arg18 : memref<!tpu.dma_semaphore, #tpu.memory_space<semaphore_mem>>) {add = true}
      %add3A_263 = arith.constant 2 : i32
      %add3A_264 = arith.addi %add3A_249, %add3A_263 : i32
      %lt3A_265 = arith.constant 32 : i32
      %lt3A_266 = arith.cmpi slt, %add3A_264, %lt3A_265 : i32
      %convert_element_type3A_267 = arith.extui %lt3A_266 : i1 to i32
      %cond3A_268 = arith.constant 0 : i32
      %cond3A_269 = arith.cmpi ne, %convert_element_type3A_267, %cond3A_268 : i32
      scf.if %cond3A_269 {
        %ge3A = arith.constant 2 : i32
        %ge3A_319 = arith.cmpi sge, %add3A_249, %ge3A : i32
        %convert_element_type3A_320 = arith.extui %ge3A_319 : i1 to i32
        %cond3A_321 = arith.constant 0 : i32
        %cond3A_322 = arith.cmpi ne, %convert_element_type3A_320, %cond3A_321 : i32
        scf.if %cond3A_322 {
          %dma_wait3A_331 = arith.constant 0 : i32
          %dma_wait3A_332 = arith.constant 0 : i32
          %dma_wait3A_333 = tpu.memref_slice %arg7[%dma_wait3A_331, %dma_wait3A_332] : memref<32x80xi32, #tpu.memory_space<vmem>> -> memref<1x80xi32, #tpu.memory_space<vmem>>
          %dma_wait3A_334 = tpu.memref_squeeze %dma_wait3A_333 : memref<1x80xi32, #tpu.memory_space<vmem>> -> memref<80xi32, #tpu.memory_space<vmem>>
          %dma_wait3A_335 = arith.constant 0 : i32
          %dma_wait3A_336 = arith.constant 0 : i32
          %dma_wait3A_337 = tpu.memref_slice %arg12[%dma_wait3A_335, %dma_wait3A_336] : memref<10112x128xf32, #tpu.memory_space<vmem_shared>> -> memref<10112x128xf32, #tpu.memory_space<vmem_shared>>
          tpu.wait_indirect_dma semaphore(%arg20 : memref<!tpu.dma_semaphore, #tpu.memory_space<semaphore_mem>>) src(%arg11 : memref<80x128xf32, #tpu.memory_space<vmem>>) dst(%dma_wait3A_337 : memref<10112x128xf32, #tpu.memory_space<vmem_shared>>)
        } else {
        }
        %add3A_323 = arith.constant 2 : i32
        %add3A_324 = arith.addi %add3A_249, %add3A_323 : i32
        %dma_start3A_325 = arith.constant 0 : i32
        %dma_start3A_326 = tpu.memref_slice %arg6[%add3A_324, %dma_start3A_325] : memref<32x80xi32, #tpu.memory_space<vmem>> -> memref<1x80xi32, #tpu.memory_space<vmem>>
        %dma_start3A_327 = tpu.memref_squeeze %dma_start3A_326 : memref<1x80xi32, #tpu.memory_space<vmem>> -> memref<80xi32, #tpu.memory_space<vmem>>
        %dma_start3A_328 = arith.constant 0 : i32
        %dma_start3A_329 = arith.constant 0 : i32
        %dma_start3A_330 = tpu.memref_slice %arg2[%dma_start3A_328, %dma_start3A_329] : memref<20000x128xf32, #tpu.memory_space<hbm>> -> memref<20000x128xf32, #tpu.memory_space<hbm>>
        tpu.enqueue_indirect_dma source(%dma_start3A_330 : memref<20000x128xf32, #tpu.memory_space<hbm>>) target(%arg11 : memref<80x128xf32, #tpu.memory_space<vmem>>) offsets(%dma_start3A_327 : memref<80xi32, #tpu.memory_space<vmem>>) semaphore(%arg16 : memref<!tpu.dma_semaphore, #tpu.memory_space<semaphore_mem>>)
      } else {
      }
      %mul3A_270 = arith.constant 4 : i32
      %mul3A_271 = arith.muli %scan3A_223, %mul3A_270 : i32
      %add3A_272 = arith.constant 2 : i32
      %add3A_273 = arith.addi %mul3A_271, %add3A_272 : i32
      %dma_wait3A_274 = arith.constant 0 : i32
      %dma_wait3A_275 = arith.constant 0 : i32
      %dma_wait3A_276 = tpu.memref_slice %arg6[%dma_wait3A_274, %dma_wait3A_275] : memref<32x80xi32, #tpu.memory_space<vmem>> -> memref<1x80xi32, #tpu.memory_space<vmem>>
      %dma_wait3A_277 = tpu.memref_squeeze %dma_wait3A_276 : memref<1x80xi32, #tpu.memory_space<vmem>> -> memref<80xi32, #tpu.memory_space<vmem>>
      %dma_wait3A_278 = arith.constant 0 : i32
      %dma_wait3A_279 = arith.constant 0 : i32
      %dma_wait3A_280 = tpu.memref_slice %arg2[%dma_wait3A_278, %dma_wait3A_279] : memref<20000x128xf32, #tpu.memory_space<hbm>> -> memref<20000x128xf32, #tpu.memory_space<hbm>>
      tpu.wait_indirect_dma semaphore(%arg15 : memref<!tpu.dma_semaphore, #tpu.memory_space<semaphore_mem>>) src(%dma_wait3A_280 : memref<20000x128xf32, #tpu.memory_space<hbm>>) dst(%arg10 : memref<80x128xf32, #tpu.memory_space<vmem>>)
      %dma_start3A_281 = arith.constant 0 : i32
      %dma_start3A_282 = tpu.memref_slice %arg7[%add3A_273, %dma_start3A_281] : memref<32x80xi32, #tpu.memory_space<vmem>> -> memref<1x80xi32, #tpu.memory_space<vmem>>
      %dma_start3A_283 = tpu.memref_squeeze %dma_start3A_282 : memref<1x80xi32, #tpu.memory_space<vmem>> -> memref<80xi32, #tpu.memory_space<vmem>>
      %dma_start3A_284 = arith.constant 0 : i32
      %dma_start3A_285 = arith.constant 0 : i32
      %dma_start3A_286 = tpu.memref_slice %arg12[%dma_start3A_284, %dma_start3A_285] : memref<10112x128xf32, #tpu.memory_space<vmem_shared>> -> memref<10112x128xf32, #tpu.memory_space<vmem_shared>>
      tpu.enqueue_indirect_dma source(%arg10 : memref<80x128xf32, #tpu.memory_space<vmem>>) target(%dma_start3A_286 : memref<10112x128xf32, #tpu.memory_space<vmem_shared>>) offsets(%dma_start3A_283 : memref<80xi32, #tpu.memory_space<vmem>>) semaphore(%arg19 : memref<!tpu.dma_semaphore, #tpu.memory_space<semaphore_mem>>) {add = true}
      %add3A_287 = arith.constant 2 : i32
      %add3A_288 = arith.addi %add3A_273, %add3A_287 : i32
      %lt3A_289 = arith.constant 32 : i32
      %lt3A_290 = arith.cmpi slt, %add3A_288, %lt3A_289 : i32
      %convert_element_type3A_291 = arith.extui %lt3A_290 : i1 to i32
      %cond3A_292 = arith.constant 0 : i32
      %cond3A_293 = arith.cmpi ne, %convert_element_type3A_291, %cond3A_292 : i32
      scf.if %cond3A_293 {
        %ge3A = arith.constant 2 : i32
        %ge3A_319 = arith.cmpi sge, %add3A_273, %ge3A : i32
        %convert_element_type3A_320 = arith.extui %ge3A_319 : i1 to i32
        %cond3A_321 = arith.constant 0 : i32
        %cond3A_322 = arith.cmpi ne, %convert_element_type3A_320, %cond3A_321 : i32
        scf.if %cond3A_322 {
          %dma_wait3A_331 = arith.constant 0 : i32
          %dma_wait3A_332 = arith.constant 0 : i32
          %dma_wait3A_333 = tpu.memref_slice %arg7[%dma_wait3A_331, %dma_wait3A_332] : memref<32x80xi32, #tpu.memory_space<vmem>> -> memref<1x80xi32, #tpu.memory_space<vmem>>
          %dma_wait3A_334 = tpu.memref_squeeze %dma_wait3A_333 : memref<1x80xi32, #tpu.memory_space<vmem>> -> memref<80xi32, #tpu.memory_space<vmem>>
          %dma_wait3A_335 = arith.constant 0 : i32
          %dma_wait3A_336 = arith.constant 0 : i32
          %dma_wait3A_337 = tpu.memref_slice %arg12[%dma_wait3A_335, %dma_wait3A_336] : memref<10112x128xf32, #tpu.memory_space<vmem_shared>> -> memref<10112x128xf32, #tpu.memory_space<vmem_shared>>
          tpu.wait_indirect_dma semaphore(%arg17 : memref<!tpu.dma_semaphore, #tpu.memory_space<semaphore_mem>>) src(%arg8 : memref<80x128xf32, #tpu.memory_space<vmem>>) dst(%dma_wait3A_337 : memref<10112x128xf32, #tpu.memory_space<vmem_shared>>)
        } else {
        }
        %add3A_323 = arith.constant 2 : i32
        %add3A_324 = arith.addi %add3A_273, %add3A_323 : i32
        %dma_start3A_325 = arith.constant 0 : i32
        %dma_start3A_326 = tpu.memref_slice %arg6[%add3A_324, %dma_start3A_325] : memref<32x80xi32, #tpu.memory_space<vmem>> -> memref<1x80xi32, #tpu.memory_space<vmem>>
        %dma_start3A_327 = tpu.memref_squeeze %dma_start3A_326 : memref<1x80xi32, #tpu.memory_space<vmem>> -> memref<80xi32, #tpu.memory_space<vmem>>
        %dma_start3A_328 = arith.constant 0 : i32
        %dma_start3A_329 = arith.constant 0 : i32
        %dma_start3A_330 = tpu.memref_slice %arg2[%dma_start3A_328, %dma_start3A_329] : memref<20000x128xf32, #tpu.memory_space<hbm>> -> memref<20000x128xf32, #tpu.memory_space<hbm>>
        tpu.enqueue_indirect_dma source(%dma_start3A_330 : memref<20000x128xf32, #tpu.memory_space<hbm>>) target(%arg8 : memref<80x128xf32, #tpu.memory_space<vmem>>) offsets(%dma_start3A_327 : memref<80xi32, #tpu.memory_space<vmem>>) semaphore(%arg13 : memref<!tpu.dma_semaphore, #tpu.memory_space<semaphore_mem>>)
      } else {
      }
      %mul3A_294 = arith.constant 4 : i32
      %mul3A_295 = arith.muli %scan3A_223, %mul3A_294 : i32
      %add3A_296 = arith.constant 3 : i32
      %add3A_297 = arith.addi %mul3A_295, %add3A_296 : i32
      %dma_wait3A_298 = arith.constant 0 : i32
      %dma_wait3A_299 = arith.constant 0 : i32
      %dma_wait3A_300 = tpu.memref_slice %arg6[%dma_wait3A_298, %dma_wait3A_299] : memref<32x80xi32, #tpu.memory_space<vmem>> -> memref<1x80xi32, #tpu.memory_space<vmem>>
      %dma_wait3A_301 = tpu.memref_squeeze %dma_wait3A_300 : memref<1x80xi32, #tpu.memory_space<vmem>> -> memref<80xi32, #tpu.memory_space<vmem>>
      %dma_wait3A_302 = arith.constant 0 : i32
      %dma_wait3A_303 = arith.constant 0 : i32
      %dma_wait3A_304 = tpu.memref_slice %arg2[%dma_wait3A_302, %dma_wait3A_303] : memref<20000x128xf32, #tpu.memory_space<hbm>> -> memref<20000x128xf32, #tpu.memory_space<hbm>>
      tpu.wait_indirect_dma semaphore(%arg16 : memref<!tpu.dma_semaphore, #tpu.memory_space<semaphore_mem>>) src(%dma_wait3A_304 : memref<20000x128xf32, #tpu.memory_space<hbm>>) dst(%arg11 : memref<80x128xf32, #tpu.memory_space<vmem>>)
      %dma_start3A_305 = arith.constant 0 : i32
      %dma_start3A_306 = tpu.memref_slice %arg7[%add3A_297, %dma_start3A_305] : memref<32x80xi32, #tpu.memory_space<vmem>> -> memref<1x80xi32, #tpu.memory_space<vmem>>
      %dma_start3A_307 = tpu.memref_squeeze %dma_start3A_306 : memref<1x80xi32, #tpu.memory_space<vmem>> -> memref<80xi32, #tpu.memory_space<vmem>>
      %dma_start3A_308 = arith.constant 0 : i32
      %dma_start3A_309 = arith.constant 0 : i32
      %dma_start3A_310 = tpu.memref_slice %arg12[%dma_start3A_308, %dma_start3A_309] : memref<10112x128xf32, #tpu.memory_space<vmem_shared>> -> memref<10112x128xf32, #tpu.memory_space<vmem_shared>>
      tpu.enqueue_indirect_dma source(%arg11 : memref<80x128xf32, #tpu.memory_space<vmem>>) target(%dma_start3A_310 : memref<10112x128xf32, #tpu.memory_space<vmem_shared>>) offsets(%dma_start3A_307 : memref<80xi32, #tpu.memory_space<vmem>>) semaphore(%arg20 : memref<!tpu.dma_semaphore, #tpu.memory_space<semaphore_mem>>) {add = true}
      %add3A_311 = arith.constant 2 : i32
      %add3A_312 = arith.addi %add3A_297, %add3A_311 : i32
      %lt3A_313 = arith.constant 32 : i32
      %lt3A_314 = arith.cmpi slt, %add3A_312, %lt3A_313 : i32
      %convert_element_type3A_315 = arith.extui %lt3A_314 : i1 to i32
      %cond3A_316 = arith.constant 0 : i32
      %cond3A_317 = arith.cmpi ne, %convert_element_type3A_315, %cond3A_316 : i32
      scf.if %cond3A_317 {
        %ge3A = arith.constant 2 : i32
        %ge3A_319 = arith.cmpi sge, %add3A_297, %ge3A : i32
        %convert_element_type3A_320 = arith.extui %ge3A_319 : i1 to i32
        %cond3A_321 = arith.constant 0 : i32
        %cond3A_322 = arith.cmpi ne, %convert_element_type3A_320, %cond3A_321 : i32
        scf.if %cond3A_322 {
          %dma_wait3A_331 = arith.constant 0 : i32
          %dma_wait3A_332 = arith.constant 0 : i32
          %dma_wait3A_333 = tpu.memref_slice %arg7[%dma_wait3A_331, %dma_wait3A_332] : memref<32x80xi32, #tpu.memory_space<vmem>> -> memref<1x80xi32, #tpu.memory_space<vmem>>
          %dma_wait3A_334 = tpu.memref_squeeze %dma_wait3A_333 : memref<1x80xi32, #tpu.memory_space<vmem>> -> memref<80xi32, #tpu.memory_space<vmem>>
          %dma_wait3A_335 = arith.constant 0 : i32
          %dma_wait3A_336 = arith.constant 0 : i32
          %dma_wait3A_337 = tpu.memref_slice %arg12[%dma_wait3A_335, %dma_wait3A_336] : memref<10112x128xf32, #tpu.memory_space<vmem_shared>> -> memref<10112x128xf32, #tpu.memory_space<vmem_shared>>
          tpu.wait_indirect_dma semaphore(%arg18 : memref<!tpu.dma_semaphore, #tpu.memory_space<semaphore_mem>>) src(%arg9 : memref<80x128xf32, #tpu.memory_space<vmem>>) dst(%dma_wait3A_337 : memref<10112x128xf32, #tpu.memory_space<vmem_shared>>)
        } else {
        }
        %add3A_323 = arith.constant 2 : i32
        %add3A_324 = arith.addi %add3A_297, %add3A_323 : i32
        %dma_start3A_325 = arith.constant 0 : i32
        %dma_start3A_326 = tpu.memref_slice %arg6[%add3A_324, %dma_start3A_325] : memref<32x80xi32, #tpu.memory_space<vmem>> -> memref<1x80xi32, #tpu.memory_space<vmem>>
        %dma_start3A_327 = tpu.memref_squeeze %dma_start3A_326 : memref<1x80xi32, #tpu.memory_space<vmem>> -> memref<80xi32, #tpu.memory_space<vmem>>
        %dma_start3A_328 = arith.constant 0 : i32
        %dma_start3A_329 = arith.constant 0 : i32
        %dma_start3A_330 = tpu.memref_slice %arg2[%dma_start3A_328, %dma_start3A_329] : memref<20000x128xf32, #tpu.memory_space<hbm>> -> memref<20000x128xf32, #tpu.memory_space<hbm>>
        tpu.enqueue_indirect_dma source(%dma_start3A_330 : memref<20000x128xf32, #tpu.memory_space<hbm>>) target(%arg9 : memref<80x128xf32, #tpu.memory_space<vmem>>) offsets(%dma_start3A_327 : memref<80xi32, #tpu.memory_space<vmem>>) semaphore(%arg14 : memref<!tpu.dma_semaphore, #tpu.memory_space<semaphore_mem>>)
      } else {
      }
      %scan3A_318 = arith.constant 0 : i32
      scf.yield %scan3A_318 : i32
    }
    %scan3A_92 = arith.constant 8 : i32
    %dma_wait3A_93 = arith.constant 0 : i32
    %dma_wait3A_94 = arith.constant 0 : i32
    %dma_wait3A_95 = tpu.memref_slice %arg7[%dma_wait3A_93, %dma_wait3A_94] : memref<32x80xi32, #tpu.memory_space<vmem>> -> memref<1x80xi32, #tpu.memory_space<vmem>>
    %dma_wait3A_96 = tpu.memref_squeeze %dma_wait3A_95 : memref<1x80xi32, #tpu.memory_space<vmem>> -> memref<80xi32, #tpu.memory_space<vmem>>
    %dma_wait3A_97 = arith.constant 0 : i32
    %dma_wait3A_98 = arith.constant 0 : i32
    %dma_wait3A_99 = tpu.memref_slice %arg12[%dma_wait3A_97, %dma_wait3A_98] : memref<10112x128xf32, #tpu.memory_space<vmem_shared>> -> memref<10112x128xf32, #tpu.memory_space<vmem_shared>>
    tpu.wait_indirect_dma semaphore(%arg17 : memref<!tpu.dma_semaphore, #tpu.memory_space<semaphore_mem>>) src(%arg8 : memref<80x128xf32, #tpu.memory_space<vmem>>) dst(%dma_wait3A_99 : memref<10112x128xf32, #tpu.memory_space<vmem_shared>>)
    %dma_wait3A_100 = arith.constant 0 : i32
    %dma_wait3A_101 = arith.constant 0 : i32
    %dma_wait3A_102 = tpu.memref_slice %arg7[%dma_wait3A_100, %dma_wait3A_101] : memref<32x80xi32, #tpu.memory_space<vmem>> -> memref<1x80xi32, #tpu.memory_space<vmem>>
    %dma_wait3A_103 = tpu.memref_squeeze %dma_wait3A_102 : memref<1x80xi32, #tpu.memory_space<vmem>> -> memref<80xi32, #tpu.memory_space<vmem>>
    %dma_wait3A_104 = arith.constant 0 : i32
    %dma_wait3A_105 = arith.constant 0 : i32
    %dma_wait3A_106 = tpu.memref_slice %arg12[%dma_wait3A_104, %dma_wait3A_105] : memref<10112x128xf32, #tpu.memory_space<vmem_shared>> -> memref<10112x128xf32, #tpu.memory_space<vmem_shared>>
    tpu.wait_indirect_dma semaphore(%arg18 : memref<!tpu.dma_semaphore, #tpu.memory_space<semaphore_mem>>) src(%arg9 : memref<80x128xf32, #tpu.memory_space<vmem>>) dst(%dma_wait3A_106 : memref<10112x128xf32, #tpu.memory_space<vmem_shared>>)
    %dma_wait3A_107 = arith.constant 0 : i32
    %dma_wait3A_108 = arith.constant 0 : i32
    %dma_wait3A_109 = tpu.memref_slice %arg7[%dma_wait3A_107, %dma_wait3A_108] : memref<32x80xi32, #tpu.memory_space<vmem>> -> memref<1x80xi32, #tpu.memory_space<vmem>>
    %dma_wait3A_110 = tpu.memref_squeeze %dma_wait3A_109 : memref<1x80xi32, #tpu.memory_space<vmem>> -> memref<80xi32, #tpu.memory_space<vmem>>
    %dma_wait3A_111 = arith.constant 0 : i32
    %dma_wait3A_112 = arith.constant 0 : i32
    %dma_wait3A_113 = tpu.memref_slice %arg12[%dma_wait3A_111, %dma_wait3A_112] : memref<10112x128xf32, #tpu.memory_space<vmem_shared>> -> memref<10112x128xf32, #tpu.memory_space<vmem_shared>>
    tpu.wait_indirect_dma semaphore(%arg19 : memref<!tpu.dma_semaphore, #tpu.memory_space<semaphore_mem>>) src(%arg10 : memref<80x128xf32, #tpu.memory_space<vmem>>) dst(%dma_wait3A_113 : memref<10112x128xf32, #tpu.memory_space<vmem_shared>>)
    %dma_wait3A_114 = arith.constant 0 : i32
    %dma_wait3A_115 = arith.constant 0 : i32
    %dma_wait3A_116 = tpu.memref_slice %arg7[%dma_wait3A_114, %dma_wait3A_115] : memref<32x80xi32, #tpu.memory_space<vmem>> -> memref<1x80xi32, #tpu.memory_space<vmem>>
    %dma_wait3A_117 = tpu.memref_squeeze %dma_wait3A_116 : memref<1x80xi32, #tpu.memory_space<vmem>> -> memref<80xi32, #tpu.memory_space<vmem>>
    %dma_wait3A_118 = arith.constant 0 : i32
    %dma_wait3A_119 = arith.constant 0 : i32
    %dma_wait3A_120 = tpu.memref_slice %arg12[%dma_wait3A_118, %dma_wait3A_119] : memref<10112x128xf32, #tpu.memory_space<vmem_shared>> -> memref<10112x128xf32, #tpu.memory_space<vmem_shared>>
    tpu.wait_indirect_dma semaphore(%arg20 : memref<!tpu.dma_semaphore, #tpu.memory_space<semaphore_mem>>) src(%arg11 : memref<80x128xf32, #tpu.memory_space<vmem>>) dst(%dma_wait3A_120 : memref<10112x128xf32, #tpu.memory_space<vmem_shared>>)
    "tpu.region"() ({
      %run_scoped3A = tpu.sem_alloc : memref<!tpu.dma_semaphore, #tpu.memory_space<semaphore_mem>>
      %dma_start3A_223 = arith.constant 64 : i32
      %dma_start3A_224 = arith.constant 0 : i32
      %dma_start3A_225 = tpu.memref_slice %arg3[%add3A, %dma_start3A_223, %dma_start3A_224] : memref<32x128x80xi32, #tpu.memory_space<hbm>> -> memref<1x32x80xi32, #tpu.memory_space<hbm>>
      %dma_start3A_226 = tpu.memref_squeeze %dma_start3A_225 : memref<1x32x80xi32, #tpu.memory_space<hbm>> -> memref<32x80xi32, #tpu.memory_space<hbm>>
      %dma_start3A_227 = arith.constant 64 : i32
      %dma_start3A_228 = arith.constant 0 : i32
      %dma_start3A_229 = tpu.memref_slice %arg3[%add3A, %dma_start3A_227, %dma_start3A_228] : memref<32x128x80xi32, #tpu.memory_space<hbm>> -> memref<1x32x80xi32, #tpu.memory_space<hbm>>
      %dma_start3A_230 = tpu.memref_squeeze %dma_start3A_229 : memref<1x32x80xi32, #tpu.memory_space<hbm>> -> memref<32x80xi32, #tpu.memory_space<hbm>>
      tpu.enqueue_dma source(%dma_start3A_230 : memref<32x80xi32, #tpu.memory_space<hbm>>) target(%arg6 : memref<32x80xi32, #tpu.memory_space<vmem>>) target_semaphore(%run_scoped3A : memref<!tpu.dma_semaphore, #tpu.memory_space<semaphore_mem>>)
      %dma_wait3A_231 = arith.constant 64 : i32
      %dma_wait3A_232 = arith.constant 0 : i32
      %dma_wait3A_233 = tpu.memref_slice %arg3[%add3A, %dma_wait3A_231, %dma_wait3A_232] : memref<32x128x80xi32, #tpu.memory_space<hbm>> -> memref<1x32x80xi32, #tpu.memory_space<hbm>>
      %dma_wait3A_234 = tpu.memref_squeeze %dma_wait3A_233 : memref<1x32x80xi32, #tpu.memory_space<hbm>> -> memref<32x80xi32, #tpu.memory_space<hbm>>
      %dma_wait3A_235 = arith.constant 64 : i32
      %dma_wait3A_236 = arith.constant 0 : i32
      %dma_wait3A_237 = tpu.memref_slice %arg3[%add3A, %dma_wait3A_235, %dma_wait3A_236] : memref<32x128x80xi32, #tpu.memory_space<hbm>> -> memref<1x32x80xi32, #tpu.memory_space<hbm>>
      %dma_wait3A_238 = tpu.memref_squeeze %dma_wait3A_237 : memref<1x32x80xi32, #tpu.memory_space<hbm>> -> memref<32x80xi32, #tpu.memory_space<hbm>>
      tpu.wait_dma2 semaphore(%run_scoped3A : memref<!tpu.dma_semaphore, #tpu.memory_space<semaphore_mem>>) src(%dma_wait3A_238 : memref<32x80xi32, #tpu.memory_space<hbm>>) dst(%arg6 : memref<32x80xi32, #tpu.memory_space<vmem>>)
      tpu.yield
    }) : () -> ()
    "tpu.region"() ({
      %run_scoped3A = tpu.sem_alloc : memref<!tpu.dma_semaphore, #tpu.memory_space<semaphore_mem>>
      %dma_start3A_223 = arith.constant 64 : i32
      %dma_start3A_224 = arith.constant 0 : i32
      %dma_start3A_225 = tpu.memref_slice %arg4[%arg1, %dma_start3A_223, %dma_start3A_224] : memref<16x128x80xi32, #tpu.memory_space<hbm>> -> memref<1x32x80xi32, #tpu.memory_space<hbm>>
      %dma_start3A_226 = tpu.memref_squeeze %dma_start3A_225 : memref<1x32x80xi32, #tpu.memory_space<hbm>> -> memref<32x80xi32, #tpu.memory_space<hbm>>
      %dma_start3A_227 = arith.constant 64 : i32
      %dma_start3A_228 = arith.constant 0 : i32
      %dma_start3A_229 = tpu.memref_slice %arg4[%arg1, %dma_start3A_227, %dma_start3A_228] : memref<16x128x80xi32, #tpu.memory_space<hbm>> -> memref<1x32x80xi32, #tpu.memory_space<hbm>>
      %dma_start3A_230 = tpu.memref_squeeze %dma_start3A_229 : memref<1x32x80xi32, #tpu.memory_space<hbm>> -> memref<32x80xi32, #tpu.memory_space<hbm>>
      tpu.enqueue_dma source(%dma_start3A_230 : memref<32x80xi32, #tpu.memory_space<hbm>>) target(%arg7 : memref<32x80xi32, #tpu.memory_space<vmem>>) target_semaphore(%run_scoped3A : memref<!tpu.dma_semaphore, #tpu.memory_space<semaphore_mem>>)
      %dma_wait3A_231 = arith.constant 64 : i32
      %dma_wait3A_232 = arith.constant 0 : i32
      %dma_wait3A_233 = tpu.memref_slice %arg4[%arg1, %dma_wait3A_231, %dma_wait3A_232] : memref<16x128x80xi32, #tpu.memory_space<hbm>> -> memref<1x32x80xi32, #tpu.memory_space<hbm>>
      %dma_wait3A_234 = tpu.memref_squeeze %dma_wait3A_233 : memref<1x32x80xi32, #tpu.memory_space<hbm>> -> memref<32x80xi32, #tpu.memory_space<hbm>>
      %dma_wait3A_235 = arith.constant 64 : i32
      %dma_wait3A_236 = arith.constant 0 : i32
      %dma_wait3A_237 = tpu.memref_slice %arg4[%arg1, %dma_wait3A_235, %dma_wait3A_236] : memref<16x128x80xi32, #tpu.memory_space<hbm>> -> memref<1x32x80xi32, #tpu.memory_space<hbm>>
      %dma_wait3A_238 = tpu.memref_squeeze %dma_wait3A_237 : memref<1x32x80xi32, #tpu.memory_space<hbm>> -> memref<32x80xi32, #tpu.memory_space<hbm>>
      tpu.wait_dma2 semaphore(%run_scoped3A : memref<!tpu.dma_semaphore, #tpu.memory_space<semaphore_mem>>) src(%dma_wait3A_238 : memref<32x80xi32, #tpu.memory_space<hbm>>) dst(%arg7 : memref<32x80xi32, #tpu.memory_space<vmem>>)
      tpu.yield
    }) : () -> ()
    %dma_start3A_121 = arith.constant 0 : i32
    %dma_start3A_122 = arith.constant 0 : i32
    %dma_start3A_123 = tpu.memref_slice %arg6[%dma_start3A_121, %dma_start3A_122] : memref<32x80xi32, #tpu.memory_space<vmem>> -> memref<1x80xi32, #tpu.memory_space<vmem>>
    %dma_start3A_124 = tpu.memref_squeeze %dma_start3A_123 : memref<1x80xi32, #tpu.memory_space<vmem>> -> memref<80xi32, #tpu.memory_space<vmem>>
    %dma_start3A_125 = arith.constant 0 : i32
    %dma_start3A_126 = arith.constant 0 : i32
    %dma_start3A_127 = tpu.memref_slice %arg2[%dma_start3A_125, %dma_start3A_126] : memref<20000x128xf32, #tpu.memory_space<hbm>> -> memref<20000x128xf32, #tpu.memory_space<hbm>>
    tpu.enqueue_indirect_dma source(%dma_start3A_127 : memref<20000x128xf32, #tpu.memory_space<hbm>>) target(%arg8 : memref<80x128xf32, #tpu.memory_space<vmem>>) offsets(%dma_start3A_124 : memref<80xi32, #tpu.memory_space<vmem>>) semaphore(%arg13 : memref<!tpu.dma_semaphore, #tpu.memory_space<semaphore_mem>>)
    %dma_start3A_128 = arith.constant 1 : i32
    %dma_start3A_129 = arith.constant 0 : i32
    %dma_start3A_130 = tpu.memref_slice %arg6[%dma_start3A_128, %dma_start3A_129] : memref<32x80xi32, #tpu.memory_space<vmem>> -> memref<1x80xi32, #tpu.memory_space<vmem>>
    %dma_start3A_131 = tpu.memref_squeeze %dma_start3A_130 : memref<1x80xi32, #tpu.memory_space<vmem>> -> memref<80xi32, #tpu.memory_space<vmem>>
    %dma_start3A_132 = arith.constant 0 : i32
    %dma_start3A_133 = arith.constant 0 : i32
    %dma_start3A_134 = tpu.memref_slice %arg2[%dma_start3A_132, %dma_start3A_133] : memref<20000x128xf32, #tpu.memory_space<hbm>> -> memref<20000x128xf32, #tpu.memory_space<hbm>>
    tpu.enqueue_indirect_dma source(%dma_start3A_134 : memref<20000x128xf32, #tpu.memory_space<hbm>>) target(%arg9 : memref<80x128xf32, #tpu.memory_space<vmem>>) offsets(%dma_start3A_131 : memref<80xi32, #tpu.memory_space<vmem>>) semaphore(%arg14 : memref<!tpu.dma_semaphore, #tpu.memory_space<semaphore_mem>>)
    %scan3A_135 = arith.constant 0 : i32
    %scan3A_136 = arith.constant 0 : i32
    %scan3A_137 = arith.constant 8 : i32
    %scan3A_138 = arith.addi %scan3A_136, %scan3A_137 : i32
    %scan3A_139 = arith.constant 1 : i32
    %scan3A_140 = scf.for %scan3A_223 = %scan3A_136 to %scan3A_138 step %scan3A_139 iter_args(%scan3A_224 = %scan3A_135) -> (i32)  : i32 {
      %mul3A_225 = arith.constant 4 : i32
      %mul3A_226 = arith.muli %scan3A_223, %mul3A_225 : i32
      %add3A_227 = arith.constant 0 : i32
      %add3A_228 = arith.addi %mul3A_226, %add3A_227 : i32
      %dma_wait3A_229 = arith.constant 0 : i32
      %dma_wait3A_230 = arith.constant 0 : i32
      %dma_wait3A_231 = tpu.memref_slice %arg6[%dma_wait3A_229, %dma_wait3A_230] : memref<32x80xi32, #tpu.memory_space<vmem>> -> memref<1x80xi32, #tpu.memory_space<vmem>>
      %dma_wait3A_232 = tpu.memref_squeeze %dma_wait3A_231 : memref<1x80xi32, #tpu.memory_space<vmem>> -> memref<80xi32, #tpu.memory_space<vmem>>
      %dma_wait3A_233 = arith.constant 0 : i32
      %dma_wait3A_234 = arith.constant 0 : i32
      %dma_wait3A_235 = tpu.memref_slice %arg2[%dma_wait3A_233, %dma_wait3A_234] : memref<20000x128xf32, #tpu.memory_space<hbm>> -> memref<20000x128xf32, #tpu.memory_space<hbm>>
      tpu.wait_indirect_dma semaphore(%arg13 : memref<!tpu.dma_semaphore, #tpu.memory_space<semaphore_mem>>) src(%dma_wait3A_235 : memref<20000x128xf32, #tpu.memory_space<hbm>>) dst(%arg8 : memref<80x128xf32, #tpu.memory_space<vmem>>)
      %dma_start3A_236 = arith.constant 0 : i32
      %dma_start3A_237 = tpu.memref_slice %arg7[%add3A_228, %dma_start3A_236] : memref<32x80xi32, #tpu.memory_space<vmem>> -> memref<1x80xi32, #tpu.memory_space<vmem>>
      %dma_start3A_238 = tpu.memref_squeeze %dma_start3A_237 : memref<1x80xi32, #tpu.memory_space<vmem>> -> memref<80xi32, #tpu.memory_space<vmem>>
      %dma_start3A_239 = arith.constant 0 : i32
      %dma_start3A_240 = arith.constant 0 : i32
      %dma_start3A_241 = tpu.memref_slice %arg12[%dma_start3A_239, %dma_start3A_240] : memref<10112x128xf32, #tpu.memory_space<vmem_shared>> -> memref<10112x128xf32, #tpu.memory_space<vmem_shared>>
      tpu.enqueue_indirect_dma source(%arg8 : memref<80x128xf32, #tpu.memory_space<vmem>>) target(%dma_start3A_241 : memref<10112x128xf32, #tpu.memory_space<vmem_shared>>) offsets(%dma_start3A_238 : memref<80xi32, #tpu.memory_space<vmem>>) semaphore(%arg17 : memref<!tpu.dma_semaphore, #tpu.memory_space<semaphore_mem>>) {add = true}
      %add3A_242 = arith.constant 2 : i32
      %add3A_243 = arith.addi %add3A_228, %add3A_242 : i32
      %lt3A = arith.constant 32 : i32
      %lt3A_244 = arith.cmpi slt, %add3A_243, %lt3A : i32
      %convert_element_type3A = arith.extui %lt3A_244 : i1 to i32
      %cond3A = arith.constant 0 : i32
      %cond3A_245 = arith.cmpi ne, %convert_element_type3A, %cond3A : i32
      scf.if %cond3A_245 {
        %ge3A = arith.constant 2 : i32
        %ge3A_319 = arith.cmpi sge, %add3A_228, %ge3A : i32
        %convert_element_type3A_320 = arith.extui %ge3A_319 : i1 to i32
        %cond3A_321 = arith.constant 0 : i32
        %cond3A_322 = arith.cmpi ne, %convert_element_type3A_320, %cond3A_321 : i32
        scf.if %cond3A_322 {
          %dma_wait3A_331 = arith.constant 0 : i32
          %dma_wait3A_332 = arith.constant 0 : i32
          %dma_wait3A_333 = tpu.memref_slice %arg7[%dma_wait3A_331, %dma_wait3A_332] : memref<32x80xi32, #tpu.memory_space<vmem>> -> memref<1x80xi32, #tpu.memory_space<vmem>>
          %dma_wait3A_334 = tpu.memref_squeeze %dma_wait3A_333 : memref<1x80xi32, #tpu.memory_space<vmem>> -> memref<80xi32, #tpu.memory_space<vmem>>
          %dma_wait3A_335 = arith.constant 0 : i32
          %dma_wait3A_336 = arith.constant 0 : i32
          %dma_wait3A_337 = tpu.memref_slice %arg12[%dma_wait3A_335, %dma_wait3A_336] : memref<10112x128xf32, #tpu.memory_space<vmem_shared>> -> memref<10112x128xf32, #tpu.memory_space<vmem_shared>>
          tpu.wait_indirect_dma semaphore(%arg19 : memref<!tpu.dma_semaphore, #tpu.memory_space<semaphore_mem>>) src(%arg10 : memref<80x128xf32, #tpu.memory_space<vmem>>) dst(%dma_wait3A_337 : memref<10112x128xf32, #tpu.memory_space<vmem_shared>>)
        } else {
        }
        %add3A_323 = arith.constant 2 : i32
        %add3A_324 = arith.addi %add3A_228, %add3A_323 : i32
        %dma_start3A_325 = arith.constant 0 : i32
        %dma_start3A_326 = tpu.memref_slice %arg6[%add3A_324, %dma_start3A_325] : memref<32x80xi32, #tpu.memory_space<vmem>> -> memref<1x80xi32, #tpu.memory_space<vmem>>
        %dma_start3A_327 = tpu.memref_squeeze %dma_start3A_326 : memref<1x80xi32, #tpu.memory_space<vmem>> -> memref<80xi32, #tpu.memory_space<vmem>>
        %dma_start3A_328 = arith.constant 0 : i32
        %dma_start3A_329 = arith.constant 0 : i32
        %dma_start3A_330 = tpu.memref_slice %arg2[%dma_start3A_328, %dma_start3A_329] : memref<20000x128xf32, #tpu.memory_space<hbm>> -> memref<20000x128xf32, #tpu.memory_space<hbm>>
        tpu.enqueue_indirect_dma source(%dma_start3A_330 : memref<20000x128xf32, #tpu.memory_space<hbm>>) target(%arg10 : memref<80x128xf32, #tpu.memory_space<vmem>>) offsets(%dma_start3A_327 : memref<80xi32, #tpu.memory_space<vmem>>) semaphore(%arg15 : memref<!tpu.dma_semaphore, #tpu.memory_space<semaphore_mem>>)
      } else {
      }
      %mul3A_246 = arith.constant 4 : i32
      %mul3A_247 = arith.muli %scan3A_223, %mul3A_246 : i32
      %add3A_248 = arith.constant 1 : i32
      %add3A_249 = arith.addi %mul3A_247, %add3A_248 : i32
      %dma_wait3A_250 = arith.constant 0 : i32
      %dma_wait3A_251 = arith.constant 0 : i32
      %dma_wait3A_252 = tpu.memref_slice %arg6[%dma_wait3A_250, %dma_wait3A_251] : memref<32x80xi32, #tpu.memory_space<vmem>> -> memref<1x80xi32, #tpu.memory_space<vmem>>
      %dma_wait3A_253 = tpu.memref_squeeze %dma_wait3A_252 : memref<1x80xi32, #tpu.memory_space<vmem>> -> memref<80xi32, #tpu.memory_space<vmem>>
      %dma_wait3A_254 = arith.constant 0 : i32
      %dma_wait3A_255 = arith.constant 0 : i32
      %dma_wait3A_256 = tpu.memref_slice %arg2[%dma_wait3A_254, %dma_wait3A_255] : memref<20000x128xf32, #tpu.memory_space<hbm>> -> memref<20000x128xf32, #tpu.memory_space<hbm>>
      tpu.wait_indirect_dma semaphore(%arg14 : memref<!tpu.dma_semaphore, #tpu.memory_space<semaphore_mem>>) src(%dma_wait3A_256 : memref<20000x128xf32, #tpu.memory_space<hbm>>) dst(%arg9 : memref<80x128xf32, #tpu.memory_space<vmem>>)
      %dma_start3A_257 = arith.constant 0 : i32
      %dma_start3A_258 = tpu.memref_slice %arg7[%add3A_249, %dma_start3A_257] : memref<32x80xi32, #tpu.memory_space<vmem>> -> memref<1x80xi32, #tpu.memory_space<vmem>>
      %dma_start3A_259 = tpu.memref_squeeze %dma_start3A_258 : memref<1x80xi32, #tpu.memory_space<vmem>> -> memref<80xi32, #tpu.memory_space<vmem>>
      %dma_start3A_260 = arith.constant 0 : i32
      %dma_start3A_261 = arith.constant 0 : i32
      %dma_start3A_262 = tpu.memref_slice %arg12[%dma_start3A_260, %dma_start3A_261] : memref<10112x128xf32, #tpu.memory_space<vmem_shared>> -> memref<10112x128xf32, #tpu.memory_space<vmem_shared>>
      tpu.enqueue_indirect_dma source(%arg9 : memref<80x128xf32, #tpu.memory_space<vmem>>) target(%dma_start3A_262 : memref<10112x128xf32, #tpu.memory_space<vmem_shared>>) offsets(%dma_start3A_259 : memref<80xi32, #tpu.memory_space<vmem>>) semaphore(%arg18 : memref<!tpu.dma_semaphore, #tpu.memory_space<semaphore_mem>>) {add = true}
      %add3A_263 = arith.constant 2 : i32
      %add3A_264 = arith.addi %add3A_249, %add3A_263 : i32
      %lt3A_265 = arith.constant 32 : i32
      %lt3A_266 = arith.cmpi slt, %add3A_264, %lt3A_265 : i32
      %convert_element_type3A_267 = arith.extui %lt3A_266 : i1 to i32
      %cond3A_268 = arith.constant 0 : i32
      %cond3A_269 = arith.cmpi ne, %convert_element_type3A_267, %cond3A_268 : i32
      scf.if %cond3A_269 {
        %ge3A = arith.constant 2 : i32
        %ge3A_319 = arith.cmpi sge, %add3A_249, %ge3A : i32
        %convert_element_type3A_320 = arith.extui %ge3A_319 : i1 to i32
        %cond3A_321 = arith.constant 0 : i32
        %cond3A_322 = arith.cmpi ne, %convert_element_type3A_320, %cond3A_321 : i32
        scf.if %cond3A_322 {
          %dma_wait3A_331 = arith.constant 0 : i32
          %dma_wait3A_332 = arith.constant 0 : i32
          %dma_wait3A_333 = tpu.memref_slice %arg7[%dma_wait3A_331, %dma_wait3A_332] : memref<32x80xi32, #tpu.memory_space<vmem>> -> memref<1x80xi32, #tpu.memory_space<vmem>>
          %dma_wait3A_334 = tpu.memref_squeeze %dma_wait3A_333 : memref<1x80xi32, #tpu.memory_space<vmem>> -> memref<80xi32, #tpu.memory_space<vmem>>
          %dma_wait3A_335 = arith.constant 0 : i32
          %dma_wait3A_336 = arith.constant 0 : i32
          %dma_wait3A_337 = tpu.memref_slice %arg12[%dma_wait3A_335, %dma_wait3A_336] : memref<10112x128xf32, #tpu.memory_space<vmem_shared>> -> memref<10112x128xf32, #tpu.memory_space<vmem_shared>>
          tpu.wait_indirect_dma semaphore(%arg20 : memref<!tpu.dma_semaphore, #tpu.memory_space<semaphore_mem>>) src(%arg11 : memref<80x128xf32, #tpu.memory_space<vmem>>) dst(%dma_wait3A_337 : memref<10112x128xf32, #tpu.memory_space<vmem_shared>>)
        } else {
        }
        %add3A_323 = arith.constant 2 : i32
        %add3A_324 = arith.addi %add3A_249, %add3A_323 : i32
        %dma_start3A_325 = arith.constant 0 : i32
        %dma_start3A_326 = tpu.memref_slice %arg6[%add3A_324, %dma_start3A_325] : memref<32x80xi32, #tpu.memory_space<vmem>> -> memref<1x80xi32, #tpu.memory_space<vmem>>
        %dma_start3A_327 = tpu.memref_squeeze %dma_start3A_326 : memref<1x80xi32, #tpu.memory_space<vmem>> -> memref<80xi32, #tpu.memory_space<vmem>>
        %dma_start3A_328 = arith.constant 0 : i32
        %dma_start3A_329 = arith.constant 0 : i32
        %dma_start3A_330 = tpu.memref_slice %arg2[%dma_start3A_328, %dma_start3A_329] : memref<20000x128xf32, #tpu.memory_space<hbm>> -> memref<20000x128xf32, #tpu.memory_space<hbm>>
        tpu.enqueue_indirect_dma source(%dma_start3A_330 : memref<20000x128xf32, #tpu.memory_space<hbm>>) target(%arg11 : memref<80x128xf32, #tpu.memory_space<vmem>>) offsets(%dma_start3A_327 : memref<80xi32, #tpu.memory_space<vmem>>) semaphore(%arg16 : memref<!tpu.dma_semaphore, #tpu.memory_space<semaphore_mem>>)
      } else {
      }
      %mul3A_270 = arith.constant 4 : i32
      %mul3A_271 = arith.muli %scan3A_223, %mul3A_270 : i32
      %add3A_272 = arith.constant 2 : i32
      %add3A_273 = arith.addi %mul3A_271, %add3A_272 : i32
      %dma_wait3A_274 = arith.constant 0 : i32
      %dma_wait3A_275 = arith.constant 0 : i32
      %dma_wait3A_276 = tpu.memref_slice %arg6[%dma_wait3A_274, %dma_wait3A_275] : memref<32x80xi32, #tpu.memory_space<vmem>> -> memref<1x80xi32, #tpu.memory_space<vmem>>
      %dma_wait3A_277 = tpu.memref_squeeze %dma_wait3A_276 : memref<1x80xi32, #tpu.memory_space<vmem>> -> memref<80xi32, #tpu.memory_space<vmem>>
      %dma_wait3A_278 = arith.constant 0 : i32
      %dma_wait3A_279 = arith.constant 0 : i32
      %dma_wait3A_280 = tpu.memref_slice %arg2[%dma_wait3A_278, %dma_wait3A_279] : memref<20000x128xf32, #tpu.memory_space<hbm>> -> memref<20000x128xf32, #tpu.memory_space<hbm>>
      tpu.wait_indirect_dma semaphore(%arg15 : memref<!tpu.dma_semaphore, #tpu.memory_space<semaphore_mem>>) src(%dma_wait3A_280 : memref<20000x128xf32, #tpu.memory_space<hbm>>) dst(%arg10 : memref<80x128xf32, #tpu.memory_space<vmem>>)
      %dma_start3A_281 = arith.constant 0 : i32
      %dma_start3A_282 = tpu.memref_slice %arg7[%add3A_273, %dma_start3A_281] : memref<32x80xi32, #tpu.memory_space<vmem>> -> memref<1x80xi32, #tpu.memory_space<vmem>>
      %dma_start3A_283 = tpu.memref_squeeze %dma_start3A_282 : memref<1x80xi32, #tpu.memory_space<vmem>> -> memref<80xi32, #tpu.memory_space<vmem>>
      %dma_start3A_284 = arith.constant 0 : i32
      %dma_start3A_285 = arith.constant 0 : i32
      %dma_start3A_286 = tpu.memref_slice %arg12[%dma_start3A_284, %dma_start3A_285] : memref<10112x128xf32, #tpu.memory_space<vmem_shared>> -> memref<10112x128xf32, #tpu.memory_space<vmem_shared>>
      tpu.enqueue_indirect_dma source(%arg10 : memref<80x128xf32, #tpu.memory_space<vmem>>) target(%dma_start3A_286 : memref<10112x128xf32, #tpu.memory_space<vmem_shared>>) offsets(%dma_start3A_283 : memref<80xi32, #tpu.memory_space<vmem>>) semaphore(%arg19 : memref<!tpu.dma_semaphore, #tpu.memory_space<semaphore_mem>>) {add = true}
      %add3A_287 = arith.constant 2 : i32
      %add3A_288 = arith.addi %add3A_273, %add3A_287 : i32
      %lt3A_289 = arith.constant 32 : i32
      %lt3A_290 = arith.cmpi slt, %add3A_288, %lt3A_289 : i32
      %convert_element_type3A_291 = arith.extui %lt3A_290 : i1 to i32
      %cond3A_292 = arith.constant 0 : i32
      %cond3A_293 = arith.cmpi ne, %convert_element_type3A_291, %cond3A_292 : i32
      scf.if %cond3A_293 {
        %ge3A = arith.constant 2 : i32
        %ge3A_319 = arith.cmpi sge, %add3A_273, %ge3A : i32
        %convert_element_type3A_320 = arith.extui %ge3A_319 : i1 to i32
        %cond3A_321 = arith.constant 0 : i32
        %cond3A_322 = arith.cmpi ne, %convert_element_type3A_320, %cond3A_321 : i32
        scf.if %cond3A_322 {
          %dma_wait3A_331 = arith.constant 0 : i32
          %dma_wait3A_332 = arith.constant 0 : i32
          %dma_wait3A_333 = tpu.memref_slice %arg7[%dma_wait3A_331, %dma_wait3A_332] : memref<32x80xi32, #tpu.memory_space<vmem>> -> memref<1x80xi32, #tpu.memory_space<vmem>>
          %dma_wait3A_334 = tpu.memref_squeeze %dma_wait3A_333 : memref<1x80xi32, #tpu.memory_space<vmem>> -> memref<80xi32, #tpu.memory_space<vmem>>
          %dma_wait3A_335 = arith.constant 0 : i32
          %dma_wait3A_336 = arith.constant 0 : i32
          %dma_wait3A_337 = tpu.memref_slice %arg12[%dma_wait3A_335, %dma_wait3A_336] : memref<10112x128xf32, #tpu.memory_space<vmem_shared>> -> memref<10112x128xf32, #tpu.memory_space<vmem_shared>>
          tpu.wait_indirect_dma semaphore(%arg17 : memref<!tpu.dma_semaphore, #tpu.memory_space<semaphore_mem>>) src(%arg8 : memref<80x128xf32, #tpu.memory_space<vmem>>) dst(%dma_wait3A_337 : memref<10112x128xf32, #tpu.memory_space<vmem_shared>>)
        } else {
        }
        %add3A_323 = arith.constant 2 : i32
        %add3A_324 = arith.addi %add3A_273, %add3A_323 : i32
        %dma_start3A_325 = arith.constant 0 : i32
        %dma_start3A_326 = tpu.memref_slice %arg6[%add3A_324, %dma_start3A_325] : memref<32x80xi32, #tpu.memory_space<vmem>> -> memref<1x80xi32, #tpu.memory_space<vmem>>
        %dma_start3A_327 = tpu.memref_squeeze %dma_start3A_326 : memref<1x80xi32, #tpu.memory_space<vmem>> -> memref<80xi32, #tpu.memory_space<vmem>>
        %dma_start3A_328 = arith.constant 0 : i32
        %dma_start3A_329 = arith.constant 0 : i32
        %dma_start3A_330 = tpu.memref_slice %arg2[%dma_start3A_328, %dma_start3A_329] : memref<20000x128xf32, #tpu.memory_space<hbm>> -> memref<20000x128xf32, #tpu.memory_space<hbm>>
        tpu.enqueue_indirect_dma source(%dma_start3A_330 : memref<20000x128xf32, #tpu.memory_space<hbm>>) target(%arg8 : memref<80x128xf32, #tpu.memory_space<vmem>>) offsets(%dma_start3A_327 : memref<80xi32, #tpu.memory_space<vmem>>) semaphore(%arg13 : memref<!tpu.dma_semaphore, #tpu.memory_space<semaphore_mem>>)
      } else {
      }
      %mul3A_294 = arith.constant 4 : i32
      %mul3A_295 = arith.muli %scan3A_223, %mul3A_294 : i32
      %add3A_296 = arith.constant 3 : i32
      %add3A_297 = arith.addi %mul3A_295, %add3A_296 : i32
      %dma_wait3A_298 = arith.constant 0 : i32
      %dma_wait3A_299 = arith.constant 0 : i32
      %dma_wait3A_300 = tpu.memref_slice %arg6[%dma_wait3A_298, %dma_wait3A_299] : memref<32x80xi32, #tpu.memory_space<vmem>> -> memref<1x80xi32, #tpu.memory_space<vmem>>
      %dma_wait3A_301 = tpu.memref_squeeze %dma_wait3A_300 : memref<1x80xi32, #tpu.memory_space<vmem>> -> memref<80xi32, #tpu.memory_space<vmem>>
      %dma_wait3A_302 = arith.constant 0 : i32
      %dma_wait3A_303 = arith.constant 0 : i32
      %dma_wait3A_304 = tpu.memref_slice %arg2[%dma_wait3A_302, %dma_wait3A_303] : memref<20000x128xf32, #tpu.memory_space<hbm>> -> memref<20000x128xf32, #tpu.memory_space<hbm>>
      tpu.wait_indirect_dma semaphore(%arg16 : memref<!tpu.dma_semaphore, #tpu.memory_space<semaphore_mem>>) src(%dma_wait3A_304 : memref<20000x128xf32, #tpu.memory_space<hbm>>) dst(%arg11 : memref<80x128xf32, #tpu.memory_space<vmem>>)
      %dma_start3A_305 = arith.constant 0 : i32
      %dma_start3A_306 = tpu.memref_slice %arg7[%add3A_297, %dma_start3A_305] : memref<32x80xi32, #tpu.memory_space<vmem>> -> memref<1x80xi32, #tpu.memory_space<vmem>>
      %dma_start3A_307 = tpu.memref_squeeze %dma_start3A_306 : memref<1x80xi32, #tpu.memory_space<vmem>> -> memref<80xi32, #tpu.memory_space<vmem>>
      %dma_start3A_308 = arith.constant 0 : i32
      %dma_start3A_309 = arith.constant 0 : i32
      %dma_start3A_310 = tpu.memref_slice %arg12[%dma_start3A_308, %dma_start3A_309] : memref<10112x128xf32, #tpu.memory_space<vmem_shared>> -> memref<10112x128xf32, #tpu.memory_space<vmem_shared>>
      tpu.enqueue_indirect_dma source(%arg11 : memref<80x128xf32, #tpu.memory_space<vmem>>) target(%dma_start3A_310 : memref<10112x128xf32, #tpu.memory_space<vmem_shared>>) offsets(%dma_start3A_307 : memref<80xi32, #tpu.memory_space<vmem>>) semaphore(%arg20 : memref<!tpu.dma_semaphore, #tpu.memory_space<semaphore_mem>>) {add = true}
      %add3A_311 = arith.constant 2 : i32
      %add3A_312 = arith.addi %add3A_297, %add3A_311 : i32
      %lt3A_313 = arith.constant 32 : i32
      %lt3A_314 = arith.cmpi slt, %add3A_312, %lt3A_313 : i32
      %convert_element_type3A_315 = arith.extui %lt3A_314 : i1 to i32
      %cond3A_316 = arith.constant 0 : i32
      %cond3A_317 = arith.cmpi ne, %convert_element_type3A_315, %cond3A_316 : i32
      scf.if %cond3A_317 {
        %ge3A = arith.constant 2 : i32
        %ge3A_319 = arith.cmpi sge, %add3A_297, %ge3A : i32
        %convert_element_type3A_320 = arith.extui %ge3A_319 : i1 to i32
        %cond3A_321 = arith.constant 0 : i32
        %cond3A_322 = arith.cmpi ne, %convert_element_type3A_320, %cond3A_321 : i32
        scf.if %cond3A_322 {
          %dma_wait3A_331 = arith.constant 0 : i32
          %dma_wait3A_332 = arith.constant 0 : i32
          %dma_wait3A_333 = tpu.memref_slice %arg7[%dma_wait3A_331, %dma_wait3A_332] : memref<32x80xi32, #tpu.memory_space<vmem>> -> memref<1x80xi32, #tpu.memory_space<vmem>>
          %dma_wait3A_334 = tpu.memref_squeeze %dma_wait3A_333 : memref<1x80xi32, #tpu.memory_space<vmem>> -> memref<80xi32, #tpu.memory_space<vmem>>
          %dma_wait3A_335 = arith.constant 0 : i32
          %dma_wait3A_336 = arith.constant 0 : i32
          %dma_wait3A_337 = tpu.memref_slice %arg12[%dma_wait3A_335, %dma_wait3A_336] : memref<10112x128xf32, #tpu.memory_space<vmem_shared>> -> memref<10112x128xf32, #tpu.memory_space<vmem_shared>>
          tpu.wait_indirect_dma semaphore(%arg18 : memref<!tpu.dma_semaphore, #tpu.memory_space<semaphore_mem>>) src(%arg9 : memref<80x128xf32, #tpu.memory_space<vmem>>) dst(%dma_wait3A_337 : memref<10112x128xf32, #tpu.memory_space<vmem_shared>>)
        } else {
        }
        %add3A_323 = arith.constant 2 : i32
        %add3A_324 = arith.addi %add3A_297, %add3A_323 : i32
        %dma_start3A_325 = arith.constant 0 : i32
        %dma_start3A_326 = tpu.memref_slice %arg6[%add3A_324, %dma_start3A_325] : memref<32x80xi32, #tpu.memory_space<vmem>> -> memref<1x80xi32, #tpu.memory_space<vmem>>
        %dma_start3A_327 = tpu.memref_squeeze %dma_start3A_326 : memref<1x80xi32, #tpu.memory_space<vmem>> -> memref<80xi32, #tpu.memory_space<vmem>>
        %dma_start3A_328 = arith.constant 0 : i32
        %dma_start3A_329 = arith.constant 0 : i32
        %dma_start3A_330 = tpu.memref_slice %arg2[%dma_start3A_328, %dma_start3A_329] : memref<20000x128xf32, #tpu.memory_space<hbm>> -> memref<20000x128xf32, #tpu.memory_space<hbm>>
        tpu.enqueue_indirect_dma source(%dma_start3A_330 : memref<20000x128xf32, #tpu.memory_space<hbm>>) target(%arg9 : memref<80x128xf32, #tpu.memory_space<vmem>>) offsets(%dma_start3A_327 : memref<80xi32, #tpu.memory_space<vmem>>) semaphore(%arg14 : memref<!tpu.dma_semaphore, #tpu.memory_space<semaphore_mem>>)
      } else {
      }
      %scan3A_318 = arith.constant 0 : i32
      scf.yield %scan3A_318 : i32
    }
    %scan3A_141 = arith.constant 8 : i32
    %dma_wait3A_142 = arith.constant 0 : i32
    %dma_wait3A_143 = arith.constant 0 : i32
    %dma_wait3A_144 = tpu.memref_slice %arg7[%dma_wait3A_142, %dma_wait3A_143] : memref<32x80xi32, #tpu.memory_space<vmem>> -> memref<1x80xi32, #tpu.memory_space<vmem>>
    %dma_wait3A_145 = tpu.memref_squeeze %dma_wait3A_144 : memref<1x80xi32, #tpu.memory_space<vmem>> -> memref<80xi32, #tpu.memory_space<vmem>>
    %dma_wait3A_146 = arith.constant 0 : i32
    %dma_wait3A_147 = arith.constant 0 : i32
    %dma_wait3A_148 = tpu.memref_slice %arg12[%dma_wait3A_146, %dma_wait3A_147] : memref<10112x128xf32, #tpu.memory_space<vmem_shared>> -> memref<10112x128xf32, #tpu.memory_space<vmem_shared>>
    tpu.wait_indirect_dma semaphore(%arg17 : memref<!tpu.dma_semaphore, #tpu.memory_space<semaphore_mem>>) src(%arg8 : memref<80x128xf32, #tpu.memory_space<vmem>>) dst(%dma_wait3A_148 : memref<10112x128xf32, #tpu.memory_space<vmem_shared>>)
    %dma_wait3A_149 = arith.constant 0 : i32
    %dma_wait3A_150 = arith.constant 0 : i32
    %dma_wait3A_151 = tpu.memref_slice %arg7[%dma_wait3A_149, %dma_wait3A_150] : memref<32x80xi32, #tpu.memory_space<vmem>> -> memref<1x80xi32, #tpu.memory_space<vmem>>
    %dma_wait3A_152 = tpu.memref_squeeze %dma_wait3A_151 : memref<1x80xi32, #tpu.memory_space<vmem>> -> memref<80xi32, #tpu.memory_space<vmem>>
    %dma_wait3A_153 = arith.constant 0 : i32
    %dma_wait3A_154 = arith.constant 0 : i32
    %dma_wait3A_155 = tpu.memref_slice %arg12[%dma_wait3A_153, %dma_wait3A_154] : memref<10112x128xf32, #tpu.memory_space<vmem_shared>> -> memref<10112x128xf32, #tpu.memory_space<vmem_shared>>
    tpu.wait_indirect_dma semaphore(%arg18 : memref<!tpu.dma_semaphore, #tpu.memory_space<semaphore_mem>>) src(%arg9 : memref<80x128xf32, #tpu.memory_space<vmem>>) dst(%dma_wait3A_155 : memref<10112x128xf32, #tpu.memory_space<vmem_shared>>)
    %dma_wait3A_156 = arith.constant 0 : i32
    %dma_wait3A_157 = arith.constant 0 : i32
    %dma_wait3A_158 = tpu.memref_slice %arg7[%dma_wait3A_156, %dma_wait3A_157] : memref<32x80xi32, #tpu.memory_space<vmem>> -> memref<1x80xi32, #tpu.memory_space<vmem>>
    %dma_wait3A_159 = tpu.memref_squeeze %dma_wait3A_158 : memref<1x80xi32, #tpu.memory_space<vmem>> -> memref<80xi32, #tpu.memory_space<vmem>>
    %dma_wait3A_160 = arith.constant 0 : i32
    %dma_wait3A_161 = arith.constant 0 : i32
    %dma_wait3A_162 = tpu.memref_slice %arg12[%dma_wait3A_160, %dma_wait3A_161] : memref<10112x128xf32, #tpu.memory_space<vmem_shared>> -> memref<10112x128xf32, #tpu.memory_space<vmem_shared>>
    tpu.wait_indirect_dma semaphore(%arg19 : memref<!tpu.dma_semaphore, #tpu.memory_space<semaphore_mem>>) src(%arg10 : memref<80x128xf32, #tpu.memory_space<vmem>>) dst(%dma_wait3A_162 : memref<10112x128xf32, #tpu.memory_space<vmem_shared>>)
    %dma_wait3A_163 = arith.constant 0 : i32
    %dma_wait3A_164 = arith.constant 0 : i32
    %dma_wait3A_165 = tpu.memref_slice %arg7[%dma_wait3A_163, %dma_wait3A_164] : memref<32x80xi32, #tpu.memory_space<vmem>> -> memref<1x80xi32, #tpu.memory_space<vmem>>
    %dma_wait3A_166 = tpu.memref_squeeze %dma_wait3A_165 : memref<1x80xi32, #tpu.memory_space<vmem>> -> memref<80xi32, #tpu.memory_space<vmem>>
    %dma_wait3A_167 = arith.constant 0 : i32
    %dma_wait3A_168 = arith.constant 0 : i32
    %dma_wait3A_169 = tpu.memref_slice %arg12[%dma_wait3A_167, %dma_wait3A_168] : memref<10112x128xf32, #tpu.memory_space<vmem_shared>> -> memref<10112x128xf32, #tpu.memory_space<vmem_shared>>
    tpu.wait_indirect_dma semaphore(%arg20 : memref<!tpu.dma_semaphore, #tpu.memory_space<semaphore_mem>>) src(%arg11 : memref<80x128xf32, #tpu.memory_space<vmem>>) dst(%dma_wait3A_169 : memref<10112x128xf32, #tpu.memory_space<vmem_shared>>)
    "tpu.region"() ({
      %run_scoped3A = tpu.sem_alloc : memref<!tpu.dma_semaphore, #tpu.memory_space<semaphore_mem>>
      %dma_start3A_223 = arith.constant 96 : i32
      %dma_start3A_224 = arith.constant 0 : i32
      %dma_start3A_225 = tpu.memref_slice %arg3[%add3A, %dma_start3A_223, %dma_start3A_224] : memref<32x128x80xi32, #tpu.memory_space<hbm>> -> memref<1x32x80xi32, #tpu.memory_space<hbm>>
      %dma_start3A_226 = tpu.memref_squeeze %dma_start3A_225 : memref<1x32x80xi32, #tpu.memory_space<hbm>> -> memref<32x80xi32, #tpu.memory_space<hbm>>
      %dma_start3A_227 = arith.constant 96 : i32
      %dma_start3A_228 = arith.constant 0 : i32
      %dma_start3A_229 = tpu.memref_slice %arg3[%add3A, %dma_start3A_227, %dma_start3A_228] : memref<32x128x80xi32, #tpu.memory_space<hbm>> -> memref<1x32x80xi32, #tpu.memory_space<hbm>>
      %dma_start3A_230 = tpu.memref_squeeze %dma_start3A_229 : memref<1x32x80xi32, #tpu.memory_space<hbm>> -> memref<32x80xi32, #tpu.memory_space<hbm>>
      tpu.enqueue_dma source(%dma_start3A_230 : memref<32x80xi32, #tpu.memory_space<hbm>>) target(%arg6 : memref<32x80xi32, #tpu.memory_space<vmem>>) target_semaphore(%run_scoped3A : memref<!tpu.dma_semaphore, #tpu.memory_space<semaphore_mem>>)
      %dma_wait3A_231 = arith.constant 96 : i32
      %dma_wait3A_232 = arith.constant 0 : i32
      %dma_wait3A_233 = tpu.memref_slice %arg3[%add3A, %dma_wait3A_231, %dma_wait3A_232] : memref<32x128x80xi32, #tpu.memory_space<hbm>> -> memref<1x32x80xi32, #tpu.memory_space<hbm>>
      %dma_wait3A_234 = tpu.memref_squeeze %dma_wait3A_233 : memref<1x32x80xi32, #tpu.memory_space<hbm>> -> memref<32x80xi32, #tpu.memory_space<hbm>>
      %dma_wait3A_235 = arith.constant 96 : i32
      %dma_wait3A_236 = arith.constant 0 : i32
      %dma_wait3A_237 = tpu.memref_slice %arg3[%add3A, %dma_wait3A_235, %dma_wait3A_236] : memref<32x128x80xi32, #tpu.memory_space<hbm>> -> memref<1x32x80xi32, #tpu.memory_space<hbm>>
      %dma_wait3A_238 = tpu.memref_squeeze %dma_wait3A_237 : memref<1x32x80xi32, #tpu.memory_space<hbm>> -> memref<32x80xi32, #tpu.memory_space<hbm>>
      tpu.wait_dma2 semaphore(%run_scoped3A : memref<!tpu.dma_semaphore, #tpu.memory_space<semaphore_mem>>) src(%dma_wait3A_238 : memref<32x80xi32, #tpu.memory_space<hbm>>) dst(%arg6 : memref<32x80xi32, #tpu.memory_space<vmem>>)
      tpu.yield
    }) : () -> ()
    "tpu.region"() ({
      %run_scoped3A = tpu.sem_alloc : memref<!tpu.dma_semaphore, #tpu.memory_space<semaphore_mem>>
      %dma_start3A_223 = arith.constant 96 : i32
      %dma_start3A_224 = arith.constant 0 : i32
      %dma_start3A_225 = tpu.memref_slice %arg4[%arg1, %dma_start3A_223, %dma_start3A_224] : memref<16x128x80xi32, #tpu.memory_space<hbm>> -> memref<1x32x80xi32, #tpu.memory_space<hbm>>
      %dma_start3A_226 = tpu.memref_squeeze %dma_start3A_225 : memref<1x32x80xi32, #tpu.memory_space<hbm>> -> memref<32x80xi32, #tpu.memory_space<hbm>>
      %dma_start3A_227 = arith.constant 96 : i32
      %dma_start3A_228 = arith.constant 0 : i32
      %dma_start3A_229 = tpu.memref_slice %arg4[%arg1, %dma_start3A_227, %dma_start3A_228] : memref<16x128x80xi32, #tpu.memory_space<hbm>> -> memref<1x32x80xi32, #tpu.memory_space<hbm>>
      %dma_start3A_230 = tpu.memref_squeeze %dma_start3A_229 : memref<1x32x80xi32, #tpu.memory_space<hbm>> -> memref<32x80xi32, #tpu.memory_space<hbm>>
      tpu.enqueue_dma source(%dma_start3A_230 : memref<32x80xi32, #tpu.memory_space<hbm>>) target(%arg7 : memref<32x80xi32, #tpu.memory_space<vmem>>) target_semaphore(%run_scoped3A : memref<!tpu.dma_semaphore, #tpu.memory_space<semaphore_mem>>)
      %dma_wait3A_231 = arith.constant 96 : i32
      %dma_wait3A_232 = arith.constant 0 : i32
      %dma_wait3A_233 = tpu.memref_slice %arg4[%arg1, %dma_wait3A_231, %dma_wait3A_232] : memref<16x128x80xi32, #tpu.memory_space<hbm>> -> memref<1x32x80xi32, #tpu.memory_space<hbm>>
      %dma_wait3A_234 = tpu.memref_squeeze %dma_wait3A_233 : memref<1x32x80xi32, #tpu.memory_space<hbm>> -> memref<32x80xi32, #tpu.memory_space<hbm>>
      %dma_wait3A_235 = arith.constant 96 : i32
      %dma_wait3A_236 = arith.constant 0 : i32
      %dma_wait3A_237 = tpu.memref_slice %arg4[%arg1, %dma_wait3A_235, %dma_wait3A_236] : memref<16x128x80xi32, #tpu.memory_space<hbm>> -> memref<1x32x80xi32, #tpu.memory_space<hbm>>
      %dma_wait3A_238 = tpu.memref_squeeze %dma_wait3A_237 : memref<1x32x80xi32, #tpu.memory_space<hbm>> -> memref<32x80xi32, #tpu.memory_space<hbm>>
      tpu.wait_dma2 semaphore(%run_scoped3A : memref<!tpu.dma_semaphore, #tpu.memory_space<semaphore_mem>>) src(%dma_wait3A_238 : memref<32x80xi32, #tpu.memory_space<hbm>>) dst(%arg7 : memref<32x80xi32, #tpu.memory_space<vmem>>)
      tpu.yield
    }) : () -> ()
    %dma_start3A_170 = arith.constant 0 : i32
    %dma_start3A_171 = arith.constant 0 : i32
    %dma_start3A_172 = tpu.memref_slice %arg6[%dma_start3A_170, %dma_start3A_171] : memref<32x80xi32, #tpu.memory_space<vmem>> -> memref<1x80xi32, #tpu.memory_space<vmem>>
    %dma_start3A_173 = tpu.memref_squeeze %dma_start3A_172 : memref<1x80xi32, #tpu.memory_space<vmem>> -> memref<80xi32, #tpu.memory_space<vmem>>
    %dma_start3A_174 = arith.constant 0 : i32
    %dma_start3A_175 = arith.constant 0 : i32
    %dma_start3A_176 = tpu.memref_slice %arg2[%dma_start3A_174, %dma_start3A_175] : memref<20000x128xf32, #tpu.memory_space<hbm>> -> memref<20000x128xf32, #tpu.memory_space<hbm>>
    tpu.enqueue_indirect_dma source(%dma_start3A_176 : memref<20000x128xf32, #tpu.memory_space<hbm>>) target(%arg8 : memref<80x128xf32, #tpu.memory_space<vmem>>) offsets(%dma_start3A_173 : memref<80xi32, #tpu.memory_space<vmem>>) semaphore(%arg13 : memref<!tpu.dma_semaphore, #tpu.memory_space<semaphore_mem>>)
    %dma_start3A_177 = arith.constant 1 : i32
    %dma_start3A_178 = arith.constant 0 : i32
    %dma_start3A_179 = tpu.memref_slice %arg6[%dma_start3A_177, %dma_start3A_178] : memref<32x80xi32, #tpu.memory_space<vmem>> -> memref<1x80xi32, #tpu.memory_space<vmem>>
    %dma_start3A_180 = tpu.memref_squeeze %dma_start3A_179 : memref<1x80xi32, #tpu.memory_space<vmem>> -> memref<80xi32, #tpu.memory_space<vmem>>
    %dma_start3A_181 = arith.constant 0 : i32
    %dma_start3A_182 = arith.constant 0 : i32
    %dma_start3A_183 = tpu.memref_slice %arg2[%dma_start3A_181, %dma_start3A_182] : memref<20000x128xf32, #tpu.memory_space<hbm>> -> memref<20000x128xf32, #tpu.memory_space<hbm>>
    tpu.enqueue_indirect_dma source(%dma_start3A_183 : memref<20000x128xf32, #tpu.memory_space<hbm>>) target(%arg9 : memref<80x128xf32, #tpu.memory_space<vmem>>) offsets(%dma_start3A_180 : memref<80xi32, #tpu.memory_space<vmem>>) semaphore(%arg14 : memref<!tpu.dma_semaphore, #tpu.memory_space<semaphore_mem>>)
    %scan3A_184 = arith.constant 0 : i32
    %scan3A_185 = arith.constant 0 : i32
    %scan3A_186 = arith.constant 8 : i32
    %scan3A_187 = arith.addi %scan3A_185, %scan3A_186 : i32
    %scan3A_188 = arith.constant 1 : i32
    %scan3A_189 = scf.for %scan3A_223 = %scan3A_185 to %scan3A_187 step %scan3A_188 iter_args(%scan3A_224 = %scan3A_184) -> (i32)  : i32 {
      %mul3A_225 = arith.constant 4 : i32
      %mul3A_226 = arith.muli %scan3A_223, %mul3A_225 : i32
      %add3A_227 = arith.constant 0 : i32
      %add3A_228 = arith.addi %mul3A_226, %add3A_227 : i32
      %dma_wait3A_229 = arith.constant 0 : i32
      %dma_wait3A_230 = arith.constant 0 : i32
      %dma_wait3A_231 = tpu.memref_slice %arg6[%dma_wait3A_229, %dma_wait3A_230] : memref<32x80xi32, #tpu.memory_space<vmem>> -> memref<1x80xi32, #tpu.memory_space<vmem>>
      %dma_wait3A_232 = tpu.memref_squeeze %dma_wait3A_231 : memref<1x80xi32, #tpu.memory_space<vmem>> -> memref<80xi32, #tpu.memory_space<vmem>>
      %dma_wait3A_233 = arith.constant 0 : i32
      %dma_wait3A_234 = arith.constant 0 : i32
      %dma_wait3A_235 = tpu.memref_slice %arg2[%dma_wait3A_233, %dma_wait3A_234] : memref<20000x128xf32, #tpu.memory_space<hbm>> -> memref<20000x128xf32, #tpu.memory_space<hbm>>
      tpu.wait_indirect_dma semaphore(%arg13 : memref<!tpu.dma_semaphore, #tpu.memory_space<semaphore_mem>>) src(%dma_wait3A_235 : memref<20000x128xf32, #tpu.memory_space<hbm>>) dst(%arg8 : memref<80x128xf32, #tpu.memory_space<vmem>>)
      %dma_start3A_236 = arith.constant 0 : i32
      %dma_start3A_237 = tpu.memref_slice %arg7[%add3A_228, %dma_start3A_236] : memref<32x80xi32, #tpu.memory_space<vmem>> -> memref<1x80xi32, #tpu.memory_space<vmem>>
      %dma_start3A_238 = tpu.memref_squeeze %dma_start3A_237 : memref<1x80xi32, #tpu.memory_space<vmem>> -> memref<80xi32, #tpu.memory_space<vmem>>
      %dma_start3A_239 = arith.constant 0 : i32
      %dma_start3A_240 = arith.constant 0 : i32
      %dma_start3A_241 = tpu.memref_slice %arg12[%dma_start3A_239, %dma_start3A_240] : memref<10112x128xf32, #tpu.memory_space<vmem_shared>> -> memref<10112x128xf32, #tpu.memory_space<vmem_shared>>
      tpu.enqueue_indirect_dma source(%arg8 : memref<80x128xf32, #tpu.memory_space<vmem>>) target(%dma_start3A_241 : memref<10112x128xf32, #tpu.memory_space<vmem_shared>>) offsets(%dma_start3A_238 : memref<80xi32, #tpu.memory_space<vmem>>) semaphore(%arg17 : memref<!tpu.dma_semaphore, #tpu.memory_space<semaphore_mem>>) {add = true}
      %add3A_242 = arith.constant 2 : i32
      %add3A_243 = arith.addi %add3A_228, %add3A_242 : i32
      %lt3A = arith.constant 32 : i32
      %lt3A_244 = arith.cmpi slt, %add3A_243, %lt3A : i32
      %convert_element_type3A = arith.extui %lt3A_244 : i1 to i32
      %cond3A = arith.constant 0 : i32
      %cond3A_245 = arith.cmpi ne, %convert_element_type3A, %cond3A : i32
      scf.if %cond3A_245 {
        %ge3A = arith.constant 2 : i32
        %ge3A_319 = arith.cmpi sge, %add3A_228, %ge3A : i32
        %convert_element_type3A_320 = arith.extui %ge3A_319 : i1 to i32
        %cond3A_321 = arith.constant 0 : i32
        %cond3A_322 = arith.cmpi ne, %convert_element_type3A_320, %cond3A_321 : i32
        scf.if %cond3A_322 {
          %dma_wait3A_331 = arith.constant 0 : i32
          %dma_wait3A_332 = arith.constant 0 : i32
          %dma_wait3A_333 = tpu.memref_slice %arg7[%dma_wait3A_331, %dma_wait3A_332] : memref<32x80xi32, #tpu.memory_space<vmem>> -> memref<1x80xi32, #tpu.memory_space<vmem>>
          %dma_wait3A_334 = tpu.memref_squeeze %dma_wait3A_333 : memref<1x80xi32, #tpu.memory_space<vmem>> -> memref<80xi32, #tpu.memory_space<vmem>>
          %dma_wait3A_335 = arith.constant 0 : i32
          %dma_wait3A_336 = arith.constant 0 : i32
          %dma_wait3A_337 = tpu.memref_slice %arg12[%dma_wait3A_335, %dma_wait3A_336] : memref<10112x128xf32, #tpu.memory_space<vmem_shared>> -> memref<10112x128xf32, #tpu.memory_space<vmem_shared>>
          tpu.wait_indirect_dma semaphore(%arg19 : memref<!tpu.dma_semaphore, #tpu.memory_space<semaphore_mem>>) src(%arg10 : memref<80x128xf32, #tpu.memory_space<vmem>>) dst(%dma_wait3A_337 : memref<10112x128xf32, #tpu.memory_space<vmem_shared>>)
        } else {
        }
        %add3A_323 = arith.constant 2 : i32
        %add3A_324 = arith.addi %add3A_228, %add3A_323 : i32
        %dma_start3A_325 = arith.constant 0 : i32
        %dma_start3A_326 = tpu.memref_slice %arg6[%add3A_324, %dma_start3A_325] : memref<32x80xi32, #tpu.memory_space<vmem>> -> memref<1x80xi32, #tpu.memory_space<vmem>>
        %dma_start3A_327 = tpu.memref_squeeze %dma_start3A_326 : memref<1x80xi32, #tpu.memory_space<vmem>> -> memref<80xi32, #tpu.memory_space<vmem>>
        %dma_start3A_328 = arith.constant 0 : i32
        %dma_start3A_329 = arith.constant 0 : i32
        %dma_start3A_330 = tpu.memref_slice %arg2[%dma_start3A_328, %dma_start3A_329] : memref<20000x128xf32, #tpu.memory_space<hbm>> -> memref<20000x128xf32, #tpu.memory_space<hbm>>
        tpu.enqueue_indirect_dma source(%dma_start3A_330 : memref<20000x128xf32, #tpu.memory_space<hbm>>) target(%arg10 : memref<80x128xf32, #tpu.memory_space<vmem>>) offsets(%dma_start3A_327 : memref<80xi32, #tpu.memory_space<vmem>>) semaphore(%arg15 : memref<!tpu.dma_semaphore, #tpu.memory_space<semaphore_mem>>)
      } else {
      }
      %mul3A_246 = arith.constant 4 : i32
      %mul3A_247 = arith.muli %scan3A_223, %mul3A_246 : i32
      %add3A_248 = arith.constant 1 : i32
      %add3A_249 = arith.addi %mul3A_247, %add3A_248 : i32
      %dma_wait3A_250 = arith.constant 0 : i32
      %dma_wait3A_251 = arith.constant 0 : i32
      %dma_wait3A_252 = tpu.memref_slice %arg6[%dma_wait3A_250, %dma_wait3A_251] : memref<32x80xi32, #tpu.memory_space<vmem>> -> memref<1x80xi32, #tpu.memory_space<vmem>>
      %dma_wait3A_253 = tpu.memref_squeeze %dma_wait3A_252 : memref<1x80xi32, #tpu.memory_space<vmem>> -> memref<80xi32, #tpu.memory_space<vmem>>
      %dma_wait3A_254 = arith.constant 0 : i32
      %dma_wait3A_255 = arith.constant 0 : i32
      %dma_wait3A_256 = tpu.memref_slice %arg2[%dma_wait3A_254, %dma_wait3A_255] : memref<20000x128xf32, #tpu.memory_space<hbm>> -> memref<20000x128xf32, #tpu.memory_space<hbm>>
      tpu.wait_indirect_dma semaphore(%arg14 : memref<!tpu.dma_semaphore, #tpu.memory_space<semaphore_mem>>) src(%dma_wait3A_256 : memref<20000x128xf32, #tpu.memory_space<hbm>>) dst(%arg9 : memref<80x128xf32, #tpu.memory_space<vmem>>)
      %dma_start3A_257 = arith.constant 0 : i32
      %dma_start3A_258 = tpu.memref_slice %arg7[%add3A_249, %dma_start3A_257] : memref<32x80xi32, #tpu.memory_space<vmem>> -> memref<1x80xi32, #tpu.memory_space<vmem>>
      %dma_start3A_259 = tpu.memref_squeeze %dma_start3A_258 : memref<1x80xi32, #tpu.memory_space<vmem>> -> memref<80xi32, #tpu.memory_space<vmem>>
      %dma_start3A_260 = arith.constant 0 : i32
      %dma_start3A_261 = arith.constant 0 : i32
      %dma_start3A_262 = tpu.memref_slice %arg12[%dma_start3A_260, %dma_start3A_261] : memref<10112x128xf32, #tpu.memory_space<vmem_shared>> -> memref<10112x128xf32, #tpu.memory_space<vmem_shared>>
      tpu.enqueue_indirect_dma source(%arg9 : memref<80x128xf32, #tpu.memory_space<vmem>>) target(%dma_start3A_262 : memref<10112x128xf32, #tpu.memory_space<vmem_shared>>) offsets(%dma_start3A_259 : memref<80xi32, #tpu.memory_space<vmem>>) semaphore(%arg18 : memref<!tpu.dma_semaphore, #tpu.memory_space<semaphore_mem>>) {add = true}
      %add3A_263 = arith.constant 2 : i32
      %add3A_264 = arith.addi %add3A_249, %add3A_263 : i32
      %lt3A_265 = arith.constant 32 : i32
      %lt3A_266 = arith.cmpi slt, %add3A_264, %lt3A_265 : i32
      %convert_element_type3A_267 = arith.extui %lt3A_266 : i1 to i32
      %cond3A_268 = arith.constant 0 : i32
      %cond3A_269 = arith.cmpi ne, %convert_element_type3A_267, %cond3A_268 : i32
      scf.if %cond3A_269 {
        %ge3A = arith.constant 2 : i32
        %ge3A_319 = arith.cmpi sge, %add3A_249, %ge3A : i32
        %convert_element_type3A_320 = arith.extui %ge3A_319 : i1 to i32
        %cond3A_321 = arith.constant 0 : i32
        %cond3A_322 = arith.cmpi ne, %convert_element_type3A_320, %cond3A_321 : i32
        scf.if %cond3A_322 {
          %dma_wait3A_331 = arith.constant 0 : i32
          %dma_wait3A_332 = arith.constant 0 : i32
          %dma_wait3A_333 = tpu.memref_slice %arg7[%dma_wait3A_331, %dma_wait3A_332] : memref<32x80xi32, #tpu.memory_space<vmem>> -> memref<1x80xi32, #tpu.memory_space<vmem>>
          %dma_wait3A_334 = tpu.memref_squeeze %dma_wait3A_333 : memref<1x80xi32, #tpu.memory_space<vmem>> -> memref<80xi32, #tpu.memory_space<vmem>>
          %dma_wait3A_335 = arith.constant 0 : i32
          %dma_wait3A_336 = arith.constant 0 : i32
          %dma_wait3A_337 = tpu.memref_slice %arg12[%dma_wait3A_335, %dma_wait3A_336] : memref<10112x128xf32, #tpu.memory_space<vmem_shared>> -> memref<10112x128xf32, #tpu.memory_space<vmem_shared>>
          tpu.wait_indirect_dma semaphore(%arg20 : memref<!tpu.dma_semaphore, #tpu.memory_space<semaphore_mem>>) src(%arg11 : memref<80x128xf32, #tpu.memory_space<vmem>>) dst(%dma_wait3A_337 : memref<10112x128xf32, #tpu.memory_space<vmem_shared>>)
        } else {
        }
        %add3A_323 = arith.constant 2 : i32
        %add3A_324 = arith.addi %add3A_249, %add3A_323 : i32
        %dma_start3A_325 = arith.constant 0 : i32
        %dma_start3A_326 = tpu.memref_slice %arg6[%add3A_324, %dma_start3A_325] : memref<32x80xi32, #tpu.memory_space<vmem>> -> memref<1x80xi32, #tpu.memory_space<vmem>>
        %dma_start3A_327 = tpu.memref_squeeze %dma_start3A_326 : memref<1x80xi32, #tpu.memory_space<vmem>> -> memref<80xi32, #tpu.memory_space<vmem>>
        %dma_start3A_328 = arith.constant 0 : i32
        %dma_start3A_329 = arith.constant 0 : i32
        %dma_start3A_330 = tpu.memref_slice %arg2[%dma_start3A_328, %dma_start3A_329] : memref<20000x128xf32, #tpu.memory_space<hbm>> -> memref<20000x128xf32, #tpu.memory_space<hbm>>
        tpu.enqueue_indirect_dma source(%dma_start3A_330 : memref<20000x128xf32, #tpu.memory_space<hbm>>) target(%arg11 : memref<80x128xf32, #tpu.memory_space<vmem>>) offsets(%dma_start3A_327 : memref<80xi32, #tpu.memory_space<vmem>>) semaphore(%arg16 : memref<!tpu.dma_semaphore, #tpu.memory_space<semaphore_mem>>)
      } else {
      }
      %mul3A_270 = arith.constant 4 : i32
      %mul3A_271 = arith.muli %scan3A_223, %mul3A_270 : i32
      %add3A_272 = arith.constant 2 : i32
      %add3A_273 = arith.addi %mul3A_271, %add3A_272 : i32
      %dma_wait3A_274 = arith.constant 0 : i32
      %dma_wait3A_275 = arith.constant 0 : i32
      %dma_wait3A_276 = tpu.memref_slice %arg6[%dma_wait3A_274, %dma_wait3A_275] : memref<32x80xi32, #tpu.memory_space<vmem>> -> memref<1x80xi32, #tpu.memory_space<vmem>>
      %dma_wait3A_277 = tpu.memref_squeeze %dma_wait3A_276 : memref<1x80xi32, #tpu.memory_space<vmem>> -> memref<80xi32, #tpu.memory_space<vmem>>
      %dma_wait3A_278 = arith.constant 0 : i32
      %dma_wait3A_279 = arith.constant 0 : i32
      %dma_wait3A_280 = tpu.memref_slice %arg2[%dma_wait3A_278, %dma_wait3A_279] : memref<20000x128xf32, #tpu.memory_space<hbm>> -> memref<20000x128xf32, #tpu.memory_space<hbm>>
      tpu.wait_indirect_dma semaphore(%arg15 : memref<!tpu.dma_semaphore, #tpu.memory_space<semaphore_mem>>) src(%dma_wait3A_280 : memref<20000x128xf32, #tpu.memory_space<hbm>>) dst(%arg10 : memref<80x128xf32, #tpu.memory_space<vmem>>)
      %dma_start3A_281 = arith.constant 0 : i32
      %dma_start3A_282 = tpu.memref_slice %arg7[%add3A_273, %dma_start3A_281] : memref<32x80xi32, #tpu.memory_space<vmem>> -> memref<1x80xi32, #tpu.memory_space<vmem>>
      %dma_start3A_283 = tpu.memref_squeeze %dma_start3A_282 : memref<1x80xi32, #tpu.memory_space<vmem>> -> memref<80xi32, #tpu.memory_space<vmem>>
      %dma_start3A_284 = arith.constant 0 : i32
      %dma_start3A_285 = arith.constant 0 : i32
      %dma_start3A_286 = tpu.memref_slice %arg12[%dma_start3A_284, %dma_start3A_285] : memref<10112x128xf32, #tpu.memory_space<vmem_shared>> -> memref<10112x128xf32, #tpu.memory_space<vmem_shared>>
      tpu.enqueue_indirect_dma source(%arg10 : memref<80x128xf32, #tpu.memory_space<vmem>>) target(%dma_start3A_286 : memref<10112x128xf32, #tpu.memory_space<vmem_shared>>) offsets(%dma_start3A_283 : memref<80xi32, #tpu.memory_space<vmem>>) semaphore(%arg19 : memref<!tpu.dma_semaphore, #tpu.memory_space<semaphore_mem>>) {add = true}
      %add3A_287 = arith.constant 2 : i32
      %add3A_288 = arith.addi %add3A_273, %add3A_287 : i32
      %lt3A_289 = arith.constant 32 : i32
      %lt3A_290 = arith.cmpi slt, %add3A_288, %lt3A_289 : i32
      %convert_element_type3A_291 = arith.extui %lt3A_290 : i1 to i32
      %cond3A_292 = arith.constant 0 : i32
      %cond3A_293 = arith.cmpi ne, %convert_element_type3A_291, %cond3A_292 : i32
      scf.if %cond3A_293 {
        %ge3A = arith.constant 2 : i32
        %ge3A_319 = arith.cmpi sge, %add3A_273, %ge3A : i32
        %convert_element_type3A_320 = arith.extui %ge3A_319 : i1 to i32
        %cond3A_321 = arith.constant 0 : i32
        %cond3A_322 = arith.cmpi ne, %convert_element_type3A_320, %cond3A_321 : i32
        scf.if %cond3A_322 {
          %dma_wait3A_331 = arith.constant 0 : i32
          %dma_wait3A_332 = arith.constant 0 : i32
          %dma_wait3A_333 = tpu.memref_slice %arg7[%dma_wait3A_331, %dma_wait3A_332] : memref<32x80xi32, #tpu.memory_space<vmem>> -> memref<1x80xi32, #tpu.memory_space<vmem>>
          %dma_wait3A_334 = tpu.memref_squeeze %dma_wait3A_333 : memref<1x80xi32, #tpu.memory_space<vmem>> -> memref<80xi32, #tpu.memory_space<vmem>>
          %dma_wait3A_335 = arith.constant 0 : i32
          %dma_wait3A_336 = arith.constant 0 : i32
          %dma_wait3A_337 = tpu.memref_slice %arg12[%dma_wait3A_335, %dma_wait3A_336] : memref<10112x128xf32, #tpu.memory_space<vmem_shared>> -> memref<10112x128xf32, #tpu.memory_space<vmem_shared>>
          tpu.wait_indirect_dma semaphore(%arg17 : memref<!tpu.dma_semaphore, #tpu.memory_space<semaphore_mem>>) src(%arg8 : memref<80x128xf32, #tpu.memory_space<vmem>>) dst(%dma_wait3A_337 : memref<10112x128xf32, #tpu.memory_space<vmem_shared>>)
        } else {
        }
        %add3A_323 = arith.constant 2 : i32
        %add3A_324 = arith.addi %add3A_273, %add3A_323 : i32
        %dma_start3A_325 = arith.constant 0 : i32
        %dma_start3A_326 = tpu.memref_slice %arg6[%add3A_324, %dma_start3A_325] : memref<32x80xi32, #tpu.memory_space<vmem>> -> memref<1x80xi32, #tpu.memory_space<vmem>>
        %dma_start3A_327 = tpu.memref_squeeze %dma_start3A_326 : memref<1x80xi32, #tpu.memory_space<vmem>> -> memref<80xi32, #tpu.memory_space<vmem>>
        %dma_start3A_328 = arith.constant 0 : i32
        %dma_start3A_329 = arith.constant 0 : i32
        %dma_start3A_330 = tpu.memref_slice %arg2[%dma_start3A_328, %dma_start3A_329] : memref<20000x128xf32, #tpu.memory_space<hbm>> -> memref<20000x128xf32, #tpu.memory_space<hbm>>
        tpu.enqueue_indirect_dma source(%dma_start3A_330 : memref<20000x128xf32, #tpu.memory_space<hbm>>) target(%arg8 : memref<80x128xf32, #tpu.memory_space<vmem>>) offsets(%dma_start3A_327 : memref<80xi32, #tpu.memory_space<vmem>>) semaphore(%arg13 : memref<!tpu.dma_semaphore, #tpu.memory_space<semaphore_mem>>)
      } else {
      }
      %mul3A_294 = arith.constant 4 : i32
      %mul3A_295 = arith.muli %scan3A_223, %mul3A_294 : i32
      %add3A_296 = arith.constant 3 : i32
      %add3A_297 = arith.addi %mul3A_295, %add3A_296 : i32
      %dma_wait3A_298 = arith.constant 0 : i32
      %dma_wait3A_299 = arith.constant 0 : i32
      %dma_wait3A_300 = tpu.memref_slice %arg6[%dma_wait3A_298, %dma_wait3A_299] : memref<32x80xi32, #tpu.memory_space<vmem>> -> memref<1x80xi32, #tpu.memory_space<vmem>>
      %dma_wait3A_301 = tpu.memref_squeeze %dma_wait3A_300 : memref<1x80xi32, #tpu.memory_space<vmem>> -> memref<80xi32, #tpu.memory_space<vmem>>
      %dma_wait3A_302 = arith.constant 0 : i32
      %dma_wait3A_303 = arith.constant 0 : i32
      %dma_wait3A_304 = tpu.memref_slice %arg2[%dma_wait3A_302, %dma_wait3A_303] : memref<20000x128xf32, #tpu.memory_space<hbm>> -> memref<20000x128xf32, #tpu.memory_space<hbm>>
      tpu.wait_indirect_dma semaphore(%arg16 : memref<!tpu.dma_semaphore, #tpu.memory_space<semaphore_mem>>) src(%dma_wait3A_304 : memref<20000x128xf32, #tpu.memory_space<hbm>>) dst(%arg11 : memref<80x128xf32, #tpu.memory_space<vmem>>)
      %dma_start3A_305 = arith.constant 0 : i32
      %dma_start3A_306 = tpu.memref_slice %arg7[%add3A_297, %dma_start3A_305] : memref<32x80xi32, #tpu.memory_space<vmem>> -> memref<1x80xi32, #tpu.memory_space<vmem>>
      %dma_start3A_307 = tpu.memref_squeeze %dma_start3A_306 : memref<1x80xi32, #tpu.memory_space<vmem>> -> memref<80xi32, #tpu.memory_space<vmem>>
      %dma_start3A_308 = arith.constant 0 : i32
      %dma_start3A_309 = arith.constant 0 : i32
      %dma_start3A_310 = tpu.memref_slice %arg12[%dma_start3A_308, %dma_start3A_309] : memref<10112x128xf32, #tpu.memory_space<vmem_shared>> -> memref<10112x128xf32, #tpu.memory_space<vmem_shared>>
      tpu.enqueue_indirect_dma source(%arg11 : memref<80x128xf32, #tpu.memory_space<vmem>>) target(%dma_start3A_310 : memref<10112x128xf32, #tpu.memory_space<vmem_shared>>) offsets(%dma_start3A_307 : memref<80xi32, #tpu.memory_space<vmem>>) semaphore(%arg20 : memref<!tpu.dma_semaphore, #tpu.memory_space<semaphore_mem>>) {add = true}
      %add3A_311 = arith.constant 2 : i32
      %add3A_312 = arith.addi %add3A_297, %add3A_311 : i32
      %lt3A_313 = arith.constant 32 : i32
      %lt3A_314 = arith.cmpi slt, %add3A_312, %lt3A_313 : i32
      %convert_element_type3A_315 = arith.extui %lt3A_314 : i1 to i32
      %cond3A_316 = arith.constant 0 : i32
      %cond3A_317 = arith.cmpi ne, %convert_element_type3A_315, %cond3A_316 : i32
      scf.if %cond3A_317 {
        %ge3A = arith.constant 2 : i32
        %ge3A_319 = arith.cmpi sge, %add3A_297, %ge3A : i32
        %convert_element_type3A_320 = arith.extui %ge3A_319 : i1 to i32
        %cond3A_321 = arith.constant 0 : i32
        %cond3A_322 = arith.cmpi ne, %convert_element_type3A_320, %cond3A_321 : i32
        scf.if %cond3A_322 {
          %dma_wait3A_331 = arith.constant 0 : i32
          %dma_wait3A_332 = arith.constant 0 : i32
          %dma_wait3A_333 = tpu.memref_slice %arg7[%dma_wait3A_331, %dma_wait3A_332] : memref<32x80xi32, #tpu.memory_space<vmem>> -> memref<1x80xi32, #tpu.memory_space<vmem>>
          %dma_wait3A_334 = tpu.memref_squeeze %dma_wait3A_333 : memref<1x80xi32, #tpu.memory_space<vmem>> -> memref<80xi32, #tpu.memory_space<vmem>>
          %dma_wait3A_335 = arith.constant 0 : i32
          %dma_wait3A_336 = arith.constant 0 : i32
          %dma_wait3A_337 = tpu.memref_slice %arg12[%dma_wait3A_335, %dma_wait3A_336] : memref<10112x128xf32, #tpu.memory_space<vmem_shared>> -> memref<10112x128xf32, #tpu.memory_space<vmem_shared>>
          tpu.wait_indirect_dma semaphore(%arg18 : memref<!tpu.dma_semaphore, #tpu.memory_space<semaphore_mem>>) src(%arg9 : memref<80x128xf32, #tpu.memory_space<vmem>>) dst(%dma_wait3A_337 : memref<10112x128xf32, #tpu.memory_space<vmem_shared>>)
        } else {
        }
        %add3A_323 = arith.constant 2 : i32
        %add3A_324 = arith.addi %add3A_297, %add3A_323 : i32
        %dma_start3A_325 = arith.constant 0 : i32
        %dma_start3A_326 = tpu.memref_slice %arg6[%add3A_324, %dma_start3A_325] : memref<32x80xi32, #tpu.memory_space<vmem>> -> memref<1x80xi32, #tpu.memory_space<vmem>>
        %dma_start3A_327 = tpu.memref_squeeze %dma_start3A_326 : memref<1x80xi32, #tpu.memory_space<vmem>> -> memref<80xi32, #tpu.memory_space<vmem>>
        %dma_start3A_328 = arith.constant 0 : i32
        %dma_start3A_329 = arith.constant 0 : i32
        %dma_start3A_330 = tpu.memref_slice %arg2[%dma_start3A_328, %dma_start3A_329] : memref<20000x128xf32, #tpu.memory_space<hbm>> -> memref<20000x128xf32, #tpu.memory_space<hbm>>
        tpu.enqueue_indirect_dma source(%dma_start3A_330 : memref<20000x128xf32, #tpu.memory_space<hbm>>) target(%arg9 : memref<80x128xf32, #tpu.memory_space<vmem>>) offsets(%dma_start3A_327 : memref<80xi32, #tpu.memory_space<vmem>>) semaphore(%arg14 : memref<!tpu.dma_semaphore, #tpu.memory_space<semaphore_mem>>)
      } else {
      }
      %scan3A_318 = arith.constant 0 : i32
      scf.yield %scan3A_318 : i32
    }
    %scan3A_190 = arith.constant 8 : i32
    %dma_wait3A_191 = arith.constant 0 : i32
    %dma_wait3A_192 = arith.constant 0 : i32
    %dma_wait3A_193 = tpu.memref_slice %arg7[%dma_wait3A_191, %dma_wait3A_192] : memref<32x80xi32, #tpu.memory_space<vmem>> -> memref<1x80xi32, #tpu.memory_space<vmem>>
    %dma_wait3A_194 = tpu.memref_squeeze %dma_wait3A_193 : memref<1x80xi32, #tpu.memory_space<vmem>> -> memref<80xi32, #tpu.memory_space<vmem>>
    %dma_wait3A_195 = arith.constant 0 : i32
    %dma_wait3A_196 = arith.constant 0 : i32
    %dma_wait3A_197 = tpu.memref_slice %arg12[%dma_wait3A_195, %dma_wait3A_196] : memref<10112x128xf32, #tpu.memory_space<vmem_shared>> -> memref<10112x128xf32, #tpu.memory_space<vmem_shared>>
    tpu.wait_indirect_dma semaphore(%arg17 : memref<!tpu.dma_semaphore, #tpu.memory_space<semaphore_mem>>) src(%arg8 : memref<80x128xf32, #tpu.memory_space<vmem>>) dst(%dma_wait3A_197 : memref<10112x128xf32, #tpu.memory_space<vmem_shared>>)
    %dma_wait3A_198 = arith.constant 0 : i32
    %dma_wait3A_199 = arith.constant 0 : i32
    %dma_wait3A_200 = tpu.memref_slice %arg7[%dma_wait3A_198, %dma_wait3A_199] : memref<32x80xi32, #tpu.memory_space<vmem>> -> memref<1x80xi32, #tpu.memory_space<vmem>>
    %dma_wait3A_201 = tpu.memref_squeeze %dma_wait3A_200 : memref<1x80xi32, #tpu.memory_space<vmem>> -> memref<80xi32, #tpu.memory_space<vmem>>
    %dma_wait3A_202 = arith.constant 0 : i32
    %dma_wait3A_203 = arith.constant 0 : i32
    %dma_wait3A_204 = tpu.memref_slice %arg12[%dma_wait3A_202, %dma_wait3A_203] : memref<10112x128xf32, #tpu.memory_space<vmem_shared>> -> memref<10112x128xf32, #tpu.memory_space<vmem_shared>>
    tpu.wait_indirect_dma semaphore(%arg18 : memref<!tpu.dma_semaphore, #tpu.memory_space<semaphore_mem>>) src(%arg9 : memref<80x128xf32, #tpu.memory_space<vmem>>) dst(%dma_wait3A_204 : memref<10112x128xf32, #tpu.memory_space<vmem_shared>>)
    %dma_wait3A_205 = arith.constant 0 : i32
    %dma_wait3A_206 = arith.constant 0 : i32
    %dma_wait3A_207 = tpu.memref_slice %arg7[%dma_wait3A_205, %dma_wait3A_206] : memref<32x80xi32, #tpu.memory_space<vmem>> -> memref<1x80xi32, #tpu.memory_space<vmem>>
    %dma_wait3A_208 = tpu.memref_squeeze %dma_wait3A_207 : memref<1x80xi32, #tpu.memory_space<vmem>> -> memref<80xi32, #tpu.memory_space<vmem>>
    %dma_wait3A_209 = arith.constant 0 : i32
    %dma_wait3A_210 = arith.constant 0 : i32
    %dma_wait3A_211 = tpu.memref_slice %arg12[%dma_wait3A_209, %dma_wait3A_210] : memref<10112x128xf32, #tpu.memory_space<vmem_shared>> -> memref<10112x128xf32, #tpu.memory_space<vmem_shared>>
    tpu.wait_indirect_dma semaphore(%arg19 : memref<!tpu.dma_semaphore, #tpu.memory_space<semaphore_mem>>) src(%arg10 : memref<80x128xf32, #tpu.memory_space<vmem>>) dst(%dma_wait3A_211 : memref<10112x128xf32, #tpu.memory_space<vmem_shared>>)
    %dma_wait3A_212 = arith.constant 0 : i32
    %dma_wait3A_213 = arith.constant 0 : i32
    %dma_wait3A_214 = tpu.memref_slice %arg7[%dma_wait3A_212, %dma_wait3A_213] : memref<32x80xi32, #tpu.memory_space<vmem>> -> memref<1x80xi32, #tpu.memory_space<vmem>>
    %dma_wait3A_215 = tpu.memref_squeeze %dma_wait3A_214 : memref<1x80xi32, #tpu.memory_space<vmem>> -> memref<80xi32, #tpu.memory_space<vmem>>
    %dma_wait3A_216 = arith.constant 0 : i32
    %dma_wait3A_217 = arith.constant 0 : i32
    %dma_wait3A_218 = tpu.memref_slice %arg12[%dma_wait3A_216, %dma_wait3A_217] : memref<10112x128xf32, #tpu.memory_space<vmem_shared>> -> memref<10112x128xf32, #tpu.memory_space<vmem_shared>>
    tpu.wait_indirect_dma semaphore(%arg20 : memref<!tpu.dma_semaphore, #tpu.memory_space<semaphore_mem>>) src(%arg11 : memref<80x128xf32, #tpu.memory_space<vmem>>) dst(%dma_wait3A_218 : memref<10112x128xf32, #tpu.memory_space<vmem_shared>>)
    %barrier3A_219 = arith.constant 0 : index
    tpu.barrier barrier_id(%barrier3A_219)
    %mul3A_220 = arith.constant 10112 : i32
    %mul3A_221 = arith.muli %arg0, %mul3A_220 : i32
    %add3A_222 = arith.addi %mul3A_221, %mul3A_8 : i32
    "tpu.region"() ({
      %run_scoped3A = tpu.sem_alloc : memref<!tpu.dma_semaphore, #tpu.memory_space<semaphore_mem>>
      %dma_start3A_223 = arith.constant 0 : i32
      %dma_start3A_224 = tpu.memref_slice %arg5[%add3A_222, %dma_start3A_223] : memref<20224x128xf32, #tpu.memory_space<hbm>> -> memref<632x128xf32, #tpu.memory_space<hbm>>
      %dma_start3A_225 = arith.constant 0 : i32
      %dma_start3A_226 = tpu.memref_slice %arg12[%mul3A_8, %dma_start3A_225] : memref<10112x128xf32, #tpu.memory_space<vmem_shared>> -> memref<632x128xf32, #tpu.memory_space<vmem_shared>>
      tpu.enqueue_dma source(%dma_start3A_226 : memref<632x128xf32, #tpu.memory_space<vmem_shared>>) target(%dma_start3A_224 : memref<632x128xf32, #tpu.memory_space<hbm>>) target_semaphore(%run_scoped3A : memref<!tpu.dma_semaphore, #tpu.memory_space<semaphore_mem>>)
      %dma_wait3A_227 = arith.constant 0 : i32
      %dma_wait3A_228 = tpu.memref_slice %arg5[%add3A_222, %dma_wait3A_227] : memref<20224x128xf32, #tpu.memory_space<hbm>> -> memref<632x128xf32, #tpu.memory_space<hbm>>
      %dma_wait3A_229 = arith.constant 0 : i32
      %dma_wait3A_230 = tpu.memref_slice %arg12[%mul3A_8, %dma_wait3A_229] : memref<10112x128xf32, #tpu.memory_space<vmem_shared>> -> memref<632x128xf32, #tpu.memory_space<vmem_shared>>
      tpu.wait_dma2 semaphore(%run_scoped3A : memref<!tpu.dma_semaphore, #tpu.memory_space<semaphore_mem>>) src(%dma_wait3A_230 : memref<632x128xf32, #tpu.memory_space<vmem_shared>>) dst(%dma_wait3A_228 : memref<632x128xf32, #tpu.memory_space<hbm>>)
      tpu.yield
    }) : () -> ()
    return
  }
}

module attributes {stable_mosaic.version = 14 : i64} {
  func.func @_k1_body(%arg0: i32, %arg1: memref<400x768xf32, #tpu.memory_space<vmem>>, %arg2: memref<768x256xf32, #tpu.memory_space<vmem>>, %arg3: memref<2x400x128xf32, #tpu.memory_space<vmem>>) attributes {dimension_semantics = [#tpu.dimension_semantics<arbitrary>], iteration_bounds = array<i64: 25>, scalar_prefetch = 0 : i64, scratch_operands = 0 : i64, tpu.core_type = #tpu.core_type<tc>, window_params = [{transform_indices = @transform_0, window_bounds = array<i64: 400, 768>}, {pipeline_mode = #tpu.pipeline_mode<synchronous>, transform_indices = @transform_1, window_bounds = array<i64: 768, 256>}, {transform_indices = @transform_2, window_bounds = array<i64: 2, 400, 128>}]} {
    %get3A = arith.constant 0 : index
    %get3A_0 = arith.constant 0 : index
    %get3A_1 = vector.load %arg1[%get3A, %get3A_0] : memref<400x768xf32, #tpu.memory_space<vmem>>, vector<400x768xf32>
    %get3A_2 = arith.constant 0 : index
    %get3A_3 = arith.constant 0 : index
    %get3A_4 = vector.load %arg2[%get3A_2, %get3A_3] : memref<768x256xf32, #tpu.memory_space<vmem>>, vector<768x256xf32>
    %dot_general3A = arith.constant dense<0.000000e+00> : vector<400x256xf32>
    %dot_general3A_5 = tpu.matmul %get3A_1, %get3A_4, %dot_general3A {dimension_numbers = #tpu.dot_dimension_numbers<[1], [0], [0], [1], [0, 0, 1, 1], [], []>, transpose_lhs_hint = false} : vector<400x768xf32>, vector<768x256xf32>, vector<400x256xf32> -> vector<400x256xf32>
    %slice3A = vector.extract_strided_slice %dot_general3A_5 {offsets = [0, 0], sizes = [400, 128], strides = [1, 1]} : vector<400x256xf32> to vector<400x128xf32>
    %swap3A = arith.constant 0 : index
    %swap3A_6 = arith.constant 0 : index
    %swap3A_7 = arith.constant 0 : index
    %swap3A_8 = vector.load %arg3[%swap3A, %swap3A_6, %swap3A_7] : memref<2x400x128xf32, #tpu.memory_space<vmem>>, vector<1x400x128xf32>
    %swap3A_9 = vector.shape_cast %swap3A_8 : vector<1x400x128xf32> to vector<400x128xf32>
    %swap3A_10 = vector.shape_cast %slice3A : vector<400x128xf32> to vector<1x400x128xf32>
    tpu.vector_store %arg3[%swap3A, %swap3A_6, %swap3A_7], %swap3A_10 {strides = array<i32>} : memref<2x400x128xf32, #tpu.memory_space<vmem>>, vector<1x400x128xf32>,
    %slice3A_11 = vector.extract_strided_slice %dot_general3A_5 {offsets = [0, 128], sizes = [400, 128], strides = [1, 1]} : vector<400x256xf32> to vector<400x128xf32>
    %swap3A_12 = arith.constant 1 : index
    %swap3A_13 = arith.constant 0 : index
    %swap3A_14 = arith.constant 0 : index
    %swap3A_15 = vector.load %arg3[%swap3A_12, %swap3A_13, %swap3A_14] : memref<2x400x128xf32, #tpu.memory_space<vmem>>, vector<1x400x128xf32>
    %swap3A_16 = vector.shape_cast %swap3A_15 : vector<1x400x128xf32> to vector<400x128xf32>
    %swap3A_17 = vector.shape_cast %slice3A_11 : vector<400x128xf32> to vector<1x400x128xf32>
    tpu.vector_store %arg3[%swap3A_12, %swap3A_13, %swap3A_14], %swap3A_17 {strides = array<i32>} : memref<2x400x128xf32, #tpu.memory_space<vmem>>, vector<1x400x128xf32>,
    return
  }
  func.func @transform_0(%arg0: i32) -> (i32, i32) {
    %c0_i32 = arith.constant 0 : i32
    %c0_i32_0 = arith.constant 0 : i32
    return %arg0, %c0_i32 : i32, i32
  }
  func.func @transform_1(%arg0: i32) -> (i32, i32) {
    %c0_i32 = arith.constant 0 : i32
    %c0_i32_0 = arith.constant 0 : i32
    %c0_i32_1 = arith.constant 0 : i32
    return %c0_i32, %c0_i32_0 : i32, i32
  }
  func.func @transform_2(%arg0: i32) -> (i32, i32, i32) {
    %c0_i32 = arith.constant 0 : i32
    %c0_i32_0 = arith.constant 0 : i32
    %c0_i32_1 = arith.constant 0 : i32
    return %c0_i32, %arg0, %c0_i32_0 : i32, i32, i32
  }
}

module attributes {stable_mosaic.version = 14 : i64} {
  func.func @_k2_body(%arg0: i32, %arg1: memref<2x400x128xf32, #tpu.memory_space<vmem>>, %arg2: memref<2x400x128xf32, #tpu.memory_space<vmem>>, %arg3: memref<1x256xf32, #tpu.memory_space<vmem>>, %arg4: memref<1x256xf32, #tpu.memory_space<vmem>>, %arg5: memref<256x256xf32, #tpu.memory_space<vmem>>, %arg6: memref<1x256xf32, #tpu.memory_space<vmem>>, %arg7: memref<256x256xf32, #tpu.memory_space<vmem>>, %arg8: memref<400x256xf32, #tpu.memory_space<vmem>>, %arg9: memref<2x400x128xf32, #tpu.memory_space<vmem>>) attributes {dimension_semantics = [#tpu.dimension_semantics<arbitrary>], iteration_bounds = array<i64: 25>, scalar_prefetch = 0 : i64, scratch_operands = 0 : i64, tpu.core_type = #tpu.core_type<tc>, window_params = [{transform_indices = @transform_0, window_bounds = array<i64: 2, 400, 128>}, {transform_indices = @transform_1, window_bounds = array<i64: 2, 400, 128>}, {pipeline_mode = #tpu.pipeline_mode<synchronous>, transform_indices = @transform_2, window_bounds = array<i64: 1, 256>}, {pipeline_mode = #tpu.pipeline_mode<synchronous>, transform_indices = @transform_3, window_bounds = array<i64: 1, 256>}, {pipeline_mode = #tpu.pipeline_mode<synchronous>, transform_indices = @transform_4, window_bounds = array<i64: 256, 256>}, {pipeline_mode = #tpu.pipeline_mode<synchronous>, transform_indices = @transform_5, window_bounds = array<i64: 1, 256>}, {pipeline_mode = #tpu.pipeline_mode<synchronous>, transform_indices = @transform_6, window_bounds = array<i64: 256, 256>}, {transform_indices = @transform_7, window_bounds = array<i64: 400, 256>}, {transform_indices = @transform_8, window_bounds = array<i64: 2, 400, 128>}]} {
    %get3A = arith.constant 0 : index
    %get3A_0 = arith.constant 0 : index
    %get3A_1 = arith.constant 0 : index
    %get3A_2 = vector.load %arg1[%get3A, %get3A_0, %get3A_1] : memref<2x400x128xf32, #tpu.memory_space<vmem>>, vector<1x400x128xf32>
    %get3A_3 = vector.shape_cast %get3A_2 : vector<1x400x128xf32> to vector<400x128xf32>
    %get3A_4 = arith.constant 0 : index
    %get3A_5 = arith.constant 0 : index
    %get3A_6 = arith.constant 0 : index
    %get3A_7 = vector.load %arg2[%get3A_4, %get3A_5, %get3A_6] : memref<2x400x128xf32, #tpu.memory_space<vmem>>, vector<1x400x128xf32>
    %get3A_8 = vector.shape_cast %get3A_7 : vector<1x400x128xf32> to vector<400x128xf32>
    %add3A = arith.addf %get3A_3, %get3A_8 : vector<400x128xf32>
    %get3A_9 = arith.constant 1 : index
    %get3A_10 = arith.constant 0 : index
    %get3A_11 = arith.constant 0 : index
    %get3A_12 = vector.load %arg1[%get3A_9, %get3A_10, %get3A_11] : memref<2x400x128xf32, #tpu.memory_space<vmem>>, vector<1x400x128xf32>
    %get3A_13 = vector.shape_cast %get3A_12 : vector<1x400x128xf32> to vector<400x128xf32>
    %get3A_14 = arith.constant 1 : index
    %get3A_15 = arith.constant 0 : index
    %get3A_16 = arith.constant 0 : index
    %get3A_17 = vector.load %arg2[%get3A_14, %get3A_15, %get3A_16] : memref<2x400x128xf32, #tpu.memory_space<vmem>>, vector<1x400x128xf32>
    %get3A_18 = vector.shape_cast %get3A_17 : vector<1x400x128xf32> to vector<400x128xf32>
    %add3A_19 = arith.addf %get3A_13, %get3A_18 : vector<400x128xf32>
    %concatenate3A = tpu.concatenate %add3A, %add3A_19 in 1 : vector<400x128xf32>, vector<400x128xf32> -> vector<400x256xf32>
    %get3A_20 = arith.constant 0 : index
    %get3A_21 = arith.constant 0 : index
    %get3A_22 = vector.load %arg3[%get3A_20, %get3A_21] : memref<1x256xf32, #tpu.memory_space<vmem>>, vector<1x256xf32>
    %mul3A = vector.broadcast %get3A_22 : vector<1x256xf32> to vector<400x256xf32>
    %mul3A_23 = arith.mulf %concatenate3A, %mul3A : vector<400x256xf32>
    %get3A_24 = arith.constant 0 : index
    %get3A_25 = arith.constant 0 : index
    %get3A_26 = vector.load %arg4[%get3A_24, %get3A_25] : memref<1x256xf32, #tpu.memory_space<vmem>>, vector<1x256xf32>
    %add3A_27 = vector.broadcast %get3A_26 : vector<1x256xf32> to vector<400x256xf32>
    %add3A_28 = arith.addf %mul3A_23, %add3A_27 : vector<400x256xf32>
    %max3A = arith.constant 0.000000e+00 : f32
    %max3A_29 = vector.broadcast %max3A : f32 to vector<400x256xf32>
    %max3A_30 = arith.maximumf %add3A_28, %max3A_29 : vector<400x256xf32>
    %get3A_31 = arith.constant 0 : index
    %get3A_32 = arith.constant 0 : index
    %get3A_33 = vector.load %arg5[%get3A_31, %get3A_32] : memref<256x256xf32, #tpu.memory_space<vmem>>, vector<256x256xf32>
    %dot_general3A = arith.constant dense<0.000000e+00> : vector<400x256xf32>
    %dot_general3A_34 = tpu.matmul %max3A_30, %get3A_33, %dot_general3A {dimension_numbers = #tpu.dot_dimension_numbers<[1], [0], [0], [1], [0, 0, 1, 1], [], []>, transpose_lhs_hint = false} : vector<400x256xf32>, vector<256x256xf32>, vector<400x256xf32> -> vector<400x256xf32>
    %get3A_35 = arith.constant 0 : index
    %get3A_36 = arith.constant 0 : index
    %get3A_37 = vector.load %arg6[%get3A_35, %get3A_36] : memref<1x256xf32, #tpu.memory_space<vmem>>, vector<1x256xf32>
    %add3A_38 = vector.broadcast %get3A_37 : vector<1x256xf32> to vector<400x256xf32>
    %add3A_39 = arith.addf %dot_general3A_34, %add3A_38 : vector<400x256xf32>
    %max3A_40 = arith.constant 0.000000e+00 : f32
    %max3A_41 = vector.broadcast %max3A_40 : f32 to vector<400x256xf32>
    %max3A_42 = arith.maximumf %add3A_39, %max3A_41 : vector<400x256xf32>
    %swap3A = arith.constant 0 : index
    %swap3A_43 = arith.constant 0 : index
    %swap3A_44 = vector.load %arg8[%swap3A, %swap3A_43] : memref<400x256xf32, #tpu.memory_space<vmem>>, vector<400x256xf32>
    tpu.vector_store %arg8[%swap3A, %swap3A_43], %max3A_42 {strides = array<i32>} : memref<400x256xf32, #tpu.memory_space<vmem>>, vector<400x256xf32>,
    %get3A_45 = arith.constant 0 : index
    %get3A_46 = arith.constant 0 : index
    %get3A_47 = vector.load %arg7[%get3A_45, %get3A_46] : memref<256x256xf32, #tpu.memory_space<vmem>>, vector<256x256xf32>
    %dot_general3A_48 = arith.constant dense<0.000000e+00> : vector<400x256xf32>
    %dot_general3A_49 = tpu.matmul %max3A_42, %get3A_47, %dot_general3A_48 {dimension_numbers = #tpu.dot_dimension_numbers<[1], [0], [0], [1], [0, 0, 1, 1], [], []>, transpose_lhs_hint = false} : vector<400x256xf32>, vector<256x256xf32>, vector<400x256xf32> -> vector<400x256xf32>
    %slice3A = vector.extract_strided_slice %dot_general3A_49 {offsets = [0, 0], sizes = [400, 128], strides = [1, 1]} : vector<400x256xf32> to vector<400x128xf32>
    %swap3A_50 = arith.constant 0 : index
    %swap3A_51 = arith.constant 0 : index
    %swap3A_52 = arith.constant 0 : index
    %swap3A_53 = vector.load %arg9[%swap3A_50, %swap3A_51, %swap3A_52] : memref<2x400x128xf32, #tpu.memory_space<vmem>>, vector<1x400x128xf32>
    %swap3A_54 = vector.shape_cast %swap3A_53 : vector<1x400x128xf32> to vector<400x128xf32>
    %swap3A_55 = vector.shape_cast %slice3A : vector<400x128xf32> to vector<1x400x128xf32>
    tpu.vector_store %arg9[%swap3A_50, %swap3A_51, %swap3A_52], %swap3A_55 {strides = array<i32>} : memref<2x400x128xf32, #tpu.memory_space<vmem>>, vector<1x400x128xf32>,
    %slice3A_56 = vector.extract_strided_slice %dot_general3A_49 {offsets = [0, 128], sizes = [400, 128], strides = [1, 1]} : vector<400x256xf32> to vector<400x128xf32>
    %swap3A_57 = arith.constant 1 : index
    %swap3A_58 = arith.constant 0 : index
    %swap3A_59 = arith.constant 0 : index
    %swap3A_60 = vector.load %arg9[%swap3A_57, %swap3A_58, %swap3A_59] : memref<2x400x128xf32, #tpu.memory_space<vmem>>, vector<1x400x128xf32>
    %swap3A_61 = vector.shape_cast %swap3A_60 : vector<1x400x128xf32> to vector<400x128xf32>
    %swap3A_62 = vector.shape_cast %slice3A_56 : vector<400x128xf32> to vector<1x400x128xf32>
    tpu.vector_store %arg9[%swap3A_57, %swap3A_58, %swap3A_59], %swap3A_62 {strides = array<i32>} : memref<2x400x128xf32, #tpu.memory_space<vmem>>, vector<1x400x128xf32>,
    return
  }
  func.func @transform_0(%arg0: i32) -> (i32, i32, i32) {
    %c0_i32 = arith.constant 0 : i32
    %c0_i32_0 = arith.constant 0 : i32
    %c0_i32_1 = arith.constant 0 : i32
    return %c0_i32, %arg0, %c0_i32_0 : i32, i32, i32
  }
  func.func @transform_1(%arg0: i32) -> (i32, i32, i32) {
    %c0_i32 = arith.constant 0 : i32
    %c0_i32_0 = arith.constant 0 : i32
    %c0_i32_1 = arith.constant 0 : i32
    return %c0_i32, %arg0, %c0_i32_0 : i32, i32, i32
  }
  func.func @transform_2(%arg0: i32) -> (i32, i32) {
    %c0_i32 = arith.constant 0 : i32
    %c0_i32_0 = arith.constant 0 : i32
    %c0_i32_1 = arith.constant 0 : i32
    return %c0_i32, %c0_i32_0 : i32, i32
  }
  func.func @transform_3(%arg0: i32) -> (i32, i32) {
    %c0_i32 = arith.constant 0 : i32
    %c0_i32_0 = arith.constant 0 : i32
    %c0_i32_1 = arith.constant 0 : i32
    return %c0_i32, %c0_i32_0 : i32, i32
  }
  func.func @transform_4(%arg0: i32) -> (i32, i32) {
    %c0_i32 = arith.constant 0 : i32
    %c0_i32_0 = arith.constant 0 : i32
    %c0_i32_1 = arith.constant 0 : i32
    return %c0_i32, %c0_i32_0 : i32, i32
  }
  func.func @transform_5(%arg0: i32) -> (i32, i32) {
    %c0_i32 = arith.constant 0 : i32
    %c0_i32_0 = arith.constant 0 : i32
    %c0_i32_1 = arith.constant 0 : i32
    return %c0_i32, %c0_i32_0 : i32, i32
  }
  func.func @transform_6(%arg0: i32) -> (i32, i32) {
    %c0_i32 = arith.constant 0 : i32
    %c0_i32_0 = arith.constant 0 : i32
    %c0_i32_1 = arith.constant 0 : i32
    return %c0_i32, %c0_i32_0 : i32, i32
  }
  func.func @transform_7(%arg0: i32) -> (i32, i32) {
    %c0_i32 = arith.constant 0 : i32
    %c0_i32_0 = arith.constant 0 : i32
    return %arg0, %c0_i32 : i32, i32
  }
  func.func @transform_8(%arg0: i32) -> (i32, i32, i32) {
    %c0_i32 = arith.constant 0 : i32
    %c0_i32_0 = arith.constant 0 : i32
    %c0_i32_1 = arith.constant 0 : i32
    return %c0_i32, %arg0, %c0_i32_0 : i32, i32, i32
  }
}

module attributes {stable_mosaic.version = 14 : i64} {
  func.func @_k3_body(%arg0: i32, %arg1: memref<2x400x128xf32, #tpu.memory_space<vmem>>, %arg2: memref<2x400x128xf32, #tpu.memory_space<vmem>>, %arg3: memref<1x256xf32, #tpu.memory_space<vmem>>, %arg4: memref<1x256xf32, #tpu.memory_space<vmem>>, %arg5: memref<256x256xf32, #tpu.memory_space<vmem>>, %arg6: memref<1x256xf32, #tpu.memory_space<vmem>>, %arg7: memref<400x256xf32, #tpu.memory_space<vmem>>, %arg8: memref<512x2xf32, #tpu.memory_space<vmem>>, %arg9: memref<1x2xf32, #tpu.memory_space<vmem>>, %arg10: memref<1x1x400xi32, #tpu.memory_space<vmem>>, %arg11: memref<64x2xf32, #tpu.memory_space<vmem>>) attributes {dimension_semantics = [#tpu.dimension_semantics<arbitrary>], iteration_bounds = array<i64: 25>, scalar_prefetch = 0 : i64, scratch_operands = 0 : i64, tpu.core_type = #tpu.core_type<tc>, window_params = [{transform_indices = @transform_0, window_bounds = array<i64: 2, 400, 128>}, {transform_indices = @transform_1, window_bounds = array<i64: 2, 400, 128>}, {pipeline_mode = #tpu.pipeline_mode<synchronous>, transform_indices = @transform_2, window_bounds = array<i64: 1, 256>}, {pipeline_mode = #tpu.pipeline_mode<synchronous>, transform_indices = @transform_3, window_bounds = array<i64: 1, 256>}, {pipeline_mode = #tpu.pipeline_mode<synchronous>, transform_indices = @transform_4, window_bounds = array<i64: 256, 256>}, {pipeline_mode = #tpu.pipeline_mode<synchronous>, transform_indices = @transform_5, window_bounds = array<i64: 1, 256>}, {transform_indices = @transform_6, window_bounds = array<i64: 400, 256>}, {pipeline_mode = #tpu.pipeline_mode<synchronous>, transform_indices = @transform_7, window_bounds = array<i64: 512, 2>}, {pipeline_mode = #tpu.pipeline_mode<synchronous>, transform_indices = @transform_8, window_bounds = array<i64: 1, 2>}, {transform_indices = @transform_9, window_bounds = array<i64: 1, 1, 400>}, {pipeline_mode = #tpu.pipeline_mode<synchronous>, transform_indices = @transform_10, window_bounds = array<i64: 64, 2>}]} {
    %get3A = arith.constant 0 : index
    %get3A_0 = arith.constant 0 : index
    %get3A_1 = arith.constant 0 : index
    %get3A_2 = vector.load %arg1[%get3A, %get3A_0, %get3A_1] : memref<2x400x128xf32, #tpu.memory_space<vmem>>, vector<1x400x128xf32>
    %get3A_3 = vector.shape_cast %get3A_2 : vector<1x400x128xf32> to vector<400x128xf32>
    %get3A_4 = arith.constant 0 : index
    %get3A_5 = arith.constant 0 : index
    %get3A_6 = arith.constant 0 : index
    %get3A_7 = vector.load %arg2[%get3A_4, %get3A_5, %get3A_6] : memref<2x400x128xf32, #tpu.memory_space<vmem>>, vector<1x400x128xf32>
    %get3A_8 = vector.shape_cast %get3A_7 : vector<1x400x128xf32> to vector<400x128xf32>
    %add3A = arith.addf %get3A_3, %get3A_8 : vector<400x128xf32>
    %get3A_9 = arith.constant 1 : index
    %get3A_10 = arith.constant 0 : index
    %get3A_11 = arith.constant 0 : index
    %get3A_12 = vector.load %arg1[%get3A_9, %get3A_10, %get3A_11] : memref<2x400x128xf32, #tpu.memory_space<vmem>>, vector<1x400x128xf32>
    %get3A_13 = vector.shape_cast %get3A_12 : vector<1x400x128xf32> to vector<400x128xf32>
    %get3A_14 = arith.constant 1 : index
    %get3A_15 = arith.constant 0 : index
    %get3A_16 = arith.constant 0 : index
    %get3A_17 = vector.load %arg2[%get3A_14, %get3A_15, %get3A_16] : memref<2x400x128xf32, #tpu.memory_space<vmem>>, vector<1x400x128xf32>
    %get3A_18 = vector.shape_cast %get3A_17 : vector<1x400x128xf32> to vector<400x128xf32>
    %add3A_19 = arith.addf %get3A_13, %get3A_18 : vector<400x128xf32>
    %concatenate3A = tpu.concatenate %add3A, %add3A_19 in 1 : vector<400x128xf32>, vector<400x128xf32> -> vector<400x256xf32>
    %get3A_20 = arith.constant 0 : index
    %get3A_21 = arith.constant 0 : index
    %get3A_22 = vector.load %arg3[%get3A_20, %get3A_21] : memref<1x256xf32, #tpu.memory_space<vmem>>, vector<1x256xf32>
    %mul3A = vector.broadcast %get3A_22 : vector<1x256xf32> to vector<400x256xf32>
    %mul3A_23 = arith.mulf %concatenate3A, %mul3A : vector<400x256xf32>
    %get3A_24 = arith.constant 0 : index
    %get3A_25 = arith.constant 0 : index
    %get3A_26 = vector.load %arg4[%get3A_24, %get3A_25] : memref<1x256xf32, #tpu.memory_space<vmem>>, vector<1x256xf32>
    %add3A_27 = vector.broadcast %get3A_26 : vector<1x256xf32> to vector<400x256xf32>
    %add3A_28 = arith.addf %mul3A_23, %add3A_27 : vector<400x256xf32>
    %max3A = arith.constant 0.000000e+00 : f32
    %max3A_29 = vector.broadcast %max3A : f32 to vector<400x256xf32>
    %max3A_30 = arith.maximumf %add3A_28, %max3A_29 : vector<400x256xf32>
    %get3A_31 = arith.constant 0 : index
    %get3A_32 = arith.constant 0 : index
    %get3A_33 = vector.load %arg5[%get3A_31, %get3A_32] : memref<256x256xf32, #tpu.memory_space<vmem>>, vector<256x256xf32>
    %dot_general3A = arith.constant dense<0.000000e+00> : vector<400x256xf32>
    %dot_general3A_34 = tpu.matmul %max3A_30, %get3A_33, %dot_general3A {dimension_numbers = #tpu.dot_dimension_numbers<[1], [0], [0], [1], [0, 0, 1, 1], [], []>, transpose_lhs_hint = false} : vector<400x256xf32>, vector<256x256xf32>, vector<400x256xf32> -> vector<400x256xf32>
    %get3A_35 = arith.constant 0 : index
    %get3A_36 = arith.constant 0 : index
    %get3A_37 = vector.load %arg6[%get3A_35, %get3A_36] : memref<1x256xf32, #tpu.memory_space<vmem>>, vector<1x256xf32>
    %add3A_38 = vector.broadcast %get3A_37 : vector<1x256xf32> to vector<400x256xf32>
    %add3A_39 = arith.addf %dot_general3A_34, %add3A_38 : vector<400x256xf32>
    %max3A_40 = arith.constant 0.000000e+00 : f32
    %max3A_41 = vector.broadcast %max3A_40 : f32 to vector<400x256xf32>
    %max3A_42 = arith.maximumf %add3A_39, %max3A_41 : vector<400x256xf32>
    %get3A_43 = arith.constant 0 : index
    %get3A_44 = arith.constant 0 : index
    %get3A_45 = vector.load %arg7[%get3A_43, %get3A_44] : memref<400x256xf32, #tpu.memory_space<vmem>>, vector<400x256xf32>
    %get3A_46 = arith.constant 0 : index
    %get3A_47 = arith.constant 0 : index
    %get3A_48 = vector.load %arg8[%get3A_46, %get3A_47] : memref<512x2xf32, #tpu.memory_space<vmem>>, vector<256x2xf32>
    %dot_general3A_49 = arith.constant dense<0.000000e+00> : vector<400x2xf32>
    %dot_general3A_50 = tpu.matmul %get3A_45, %get3A_48, %dot_general3A_49 {dimension_numbers = #tpu.dot_dimension_numbers<[1], [0], [0], [1], [0, 0, 1, 1], [], []>, transpose_lhs_hint = false} : vector<400x256xf32>, vector<256x2xf32>, vector<400x2xf32> -> vector<400x2xf32>
    %get3A_51 = arith.constant 256 : index
    %get3A_52 = arith.constant 0 : index
    %get3A_53 = vector.load %arg8[%get3A_51, %get3A_52] : memref<512x2xf32, #tpu.memory_space<vmem>>, vector<256x2xf32>
    %dot_general3A_54 = arith.constant dense<0.000000e+00> : vector<400x2xf32>
    %dot_general3A_55 = tpu.matmul %max3A_42, %get3A_53, %dot_general3A_54 {dimension_numbers = #tpu.dot_dimension_numbers<[1], [0], [0], [1], [0, 0, 1, 1], [], []>, transpose_lhs_hint = false} : vector<400x256xf32>, vector<256x2xf32>, vector<400x2xf32> -> vector<400x2xf32>
    %add3A_56 = arith.addf %dot_general3A_50, %dot_general3A_55 : vector<400x2xf32>
    %get3A_57 = arith.constant 0 : index
    %get3A_58 = arith.constant 0 : index
    %get3A_59 = arith.constant 0 : index
    %get3A_60 = vector.load %arg10[%get3A_57, %get3A_58, %get3A_59] : memref<1x1x400xi32, #tpu.memory_space<vmem>>, vector<1x1x400xi32>
    %get3A_61 = vector.shape_cast %get3A_60 : vector<1x1x400xi32> to vector<400xi32>
    %broadcast_in_dim3A = vector.shape_cast %get3A_61 : vector<400xi32> to vector<1x400xi32>
    %iota3A = tpu.iota {dimensions = array<i32: 0>} : vector<64x400xi32>
    %eq3A = vector.broadcast %broadcast_in_dim3A : vector<1x400xi32> to vector<64x400xi32>
    %eq3A_62 = arith.cmpi eq, %eq3A, %iota3A : vector<64x400xi32>
    %convert_element_type3A = arith.extui %eq3A_62 : vector<64x400xi1> to vector<64x400xi32>
    %convert_element_type3A_63 = arith.sitofp %convert_element_type3A : vector<64x400xi32> to vector<64x400xf32>
    %dot_general3A_64 = arith.constant dense<0.000000e+00> : vector<64x2xf32>
    %dot_general3A_65 = tpu.matmul %convert_element_type3A_63, %add3A_56, %dot_general3A_64 {dimension_numbers = #tpu.dot_dimension_numbers<[1], [0], [0], [1], [0, 0, 1, 1], [], []>, transpose_lhs_hint = false} : vector<64x400xf32>, vector<400x2xf32>, vector<64x2xf32> -> vector<64x2xf32>
    %eq3A_66 = arith.constant 0 : i32
    %eq3A_67 = arith.cmpi eq, %arg0, %eq3A_66 : i32
    %convert_element_type3A_68 = arith.extui %eq3A_67 : i1 to i32
    %cond3A = arith.constant 0 : i32
    %cond3A_69 = arith.cmpi ne, %convert_element_type3A_68, %cond3A : i32
    scf.if %cond3A_69 {
      %get3A_76 = arith.constant 0 : index
      %get3A_77 = arith.constant 0 : index
      %get3A_78 = vector.load %arg9[%get3A_76, %get3A_77] : memref<1x2xf32, #tpu.memory_space<vmem>>, vector<1x2xf32>
      %broadcast_in_dim3A_79 = vector.shape_cast %get3A_78 : vector<1x2xf32> to vector<1x2xf32>
      %broadcast_in_dim3A_80 = vector.broadcast %broadcast_in_dim3A_79 : vector<1x2xf32> to vector<64x2xf32>
      %swap3A_81 = arith.constant 0 : index
      %swap3A_82 = arith.constant 0 : index
      %swap3A_83 = vector.load %arg11[%swap3A_81, %swap3A_82] : memref<64x2xf32, #tpu.memory_space<vmem>>, vector<64x2xf32>
      tpu.vector_store %arg11[%swap3A_81, %swap3A_82], %broadcast_in_dim3A_80 {strides = array<i32>} : memref<64x2xf32, #tpu.memory_space<vmem>>, vector<64x2xf32>,
    } else {
    }
    %get3A_70 = arith.constant 0 : index
    %get3A_71 = arith.constant 0 : index
    %get3A_72 = vector.load %arg11[%get3A_70, %get3A_71] : memref<64x2xf32, #tpu.memory_space<vmem>>, vector<64x2xf32>
    %add3A_73 = arith.addf %get3A_72, %dot_general3A_65 : vector<64x2xf32>
    %swap3A = arith.constant 0 : index
    %swap3A_74 = arith.constant 0 : index
    %swap3A_75 = vector.load %arg11[%swap3A, %swap3A_74] : memref<64x2xf32, #tpu.memory_space<vmem>>, vector<64x2xf32>
    tpu.vector_store %arg11[%swap3A, %swap3A_74], %add3A_73 {strides = array<i32>} : memref<64x2xf32, #tpu.memory_space<vmem>>, vector<64x2xf32>,
    return
  }
  func.func @transform_0(%arg0: i32) -> (i32, i32, i32) {
    %c0_i32 = arith.constant 0 : i32
    %c0_i32_0 = arith.constant 0 : i32
    %c0_i32_1 = arith.constant 0 : i32
    return %c0_i32, %arg0, %c0_i32_0 : i32, i32, i32
  }
  func.func @transform_1(%arg0: i32) -> (i32, i32, i32) {
    %c0_i32 = arith.constant 0 : i32
    %c0_i32_0 = arith.constant 0 : i32
    %c0_i32_1 = arith.constant 0 : i32
    return %c0_i32, %arg0, %c0_i32_0 : i32, i32, i32
  }
  func.func @transform_2(%arg0: i32) -> (i32, i32) {
    %c0_i32 = arith.constant 0 : i32
    %c0_i32_0 = arith.constant 0 : i32
    %c0_i32_1 = arith.constant 0 : i32
    return %c0_i32, %c0_i32_0 : i32, i32
  }
  func.func @transform_3(%arg0: i32) -> (i32, i32) {
    %c0_i32 = arith.constant 0 : i32
    %c0_i32_0 = arith.constant 0 : i32
    %c0_i32_1 = arith.constant 0 : i32
    return %c0_i32, %c0_i32_0 : i32, i32
  }
  func.func @transform_4(%arg0: i32) -> (i32, i32) {
    %c0_i32 = arith.constant 0 : i32
    %c0_i32_0 = arith.constant 0 : i32
    %c0_i32_1 = arith.constant 0 : i32
    return %c0_i32, %c0_i32_0 : i32, i32
  }
  func.func @transform_5(%arg0: i32) -> (i32, i32) {
    %c0_i32 = arith.constant 0 : i32
    %c0_i32_0 = arith.constant 0 : i32
    %c0_i32_1 = arith.constant 0 : i32
    return %c0_i32, %c0_i32_0 : i32, i32
  }
  func.func @transform_6(%arg0: i32) -> (i32, i32) {
    %c0_i32 = arith.constant 0 : i32
    %c0_i32_0 = arith.constant 0 : i32
    return %arg0, %c0_i32 : i32, i32
  }
  func.func @transform_7(%arg0: i32) -> (i32, i32) {
    %c0_i32 = arith.constant 0 : i32
    %c0_i32_0 = arith.constant 0 : i32
    %c0_i32_1 = arith.constant 0 : i32
    return %c0_i32, %c0_i32_0 : i32, i32
  }
  func.func @transform_8(%arg0: i32) -> (i32, i32) {
    %c0_i32 = arith.constant 0 : i32
    %c0_i32_0 = arith.constant 0 : i32
    %c0_i32_1 = arith.constant 0 : i32
    return %c0_i32, %c0_i32_0 : i32, i32
  }
  func.func @transform_9(%arg0: i32) -> (i32, i32, i32) {
    %c0_i32 = arith.constant 0 : i32
    %c0_i32_0 = arith.constant 0 : i32
    %c0_i32_1 = arith.constant 0 : i32
    return %arg0, %c0_i32, %c0_i32_0 : i32, i32, i32
  }
  func.func @transform_10(%arg0: i32) -> (i32, i32) {
    %c0_i32 = arith.constant 0 : i32
    %c0_i32_0 = arith.constant 0 : i32
    %c0_i32_1 = arith.constant 0 : i32
    return %c0_i32, %c0_i32_0 : i32, i32
  }
}

</mosaic_0001>

<sc_bundles>
// kernel: kernel.10.cloned.1.call-start
scs
__scs_entry_jumppad:
0x0: {  	(pc) =	sbr.rel $0x88, $3  }
0x1: {  	(tag) =	ssettag $0x0;
	lr =	simm.s32 $0x1  }
0x2: {  	[smem:$0x3F90] =	sst lr;
	_ =	strace $0xD0000000  }
0x3: {  	_ = 	snop  }
0x4: {  	_ = 	snop  }
0x5: {  	_ = 	snop  }
0x6: {  	_ = 	snop  }
0x7: {  	_ = 	snop  }
__scs_overlays_trampoline_lowered:
0x8: {  	[smem:$0x3F9F] =	sst s0  }
0x9: {  	[smem:$0x3FA0] =	sst s1  }
0xa: {  	[smem:$0x3FA1] =	sst s2  }
0xb: {  	[smem:$0x3FA2] =	sst s3  }
0xc: {  	[smem:$0x3FA3] =	sst s4  }
0xd: {  	[smem:$0x3FA4] =	sst s5  }
0xe: {  	[smem:$0x3FA5] =	sst s6  }
0xf: {  	[smem:$0x3FA6] =	sst s7  }
0x10: {  	[smem:$0x3FA7] =	sst s8  }
0x11: {  	[smem:$0x3FA8] =	sst s9;
	s0 =	simm.s32 @!p0 $0x0  }
0x12: {  	s1 =	sld [smem:$0x3F8E];
	s0 =	simm.s32 @p0 $0x1  }
0x13: {  	[smem:$0x3FA9] =	sst s0;
	s0 =	simm.s32 @!p1 $0x0  }
0x14: {  	s2 =	sld [smem:$0x3F8D];
	s0 =	simm.s32 @p1 $0x1  }
0x15: {  	[smem:$0x3FAA] =	sst s0;
	s0 =	simm.s32 @!p2 $0x0  }
0x16: {  	s3 =	sld [smem:$0x3FDB];
	s0 =	simm.s32 @p2 $0x1  }
0x17: {  	s4 =	simm.s32 $0x1BF5;
	[smem:$0x3FAC] =	sst s0  }
0x18: {  	s0 =	sld [smem:$0x3F8F];
	_ =	swait.ge [sflag:s4], $0x0  }
0x19: {  	s7 =	sld [smem:$0x3F90]  }
0x1a: {  	s8 =	sadd.s32 $0xFFFFE003, lr  }
0x1b: {  	s9 =	sadd.s32 $0xFFFFFEF7, lr;
	s5 =	simm.s32 $0xFFFFFFFF;
	p2 =	slt.u32 s8, $0xFFFFF086  }
0x1c: {  	p1 =	slt.u32 s9, $0xF7A;
	s5 =	simm.s32 @!p2 $0x0  }
0x1d: {  	s5 =	simm.s32 @p1 $0x1;
	p0 =	seq.s32 s7, s2  }
0x1e: {  	s7 =	smul.u32 @!p0 $0xF7A, s2;
	p2 =	seq.s32 @!p0 s5, $0x0  }
0x1f: {  	s9 =	smul.u32 $0xF7A, s1;
	s8 =	simm.s32 @!p0 $0x1BF5;
	p2 =	por !p2, p0  }
0x20: {  	[sflag:s8] =	ssyncset.s32 @!p0 $0xFFFFF086;
	s6 =	sadd.s32 @!p0 s3, s7;
	s7 =	simm.s32 @!p0 $0x108  }
0x21: {  	s3 =	sadd.s32 s3, s9;
	s6 =	sadd.s32 @!p0 $0x88, s6;
	s7 =	simm.s32 @p2 $0x1082  }
0x22: {  	[simem:s7], [sflag:s8] =	dma.local @!p0 [hbm:s6], $0xF7A  }
0x23: {  	s9 =	sor.u32 $0xD0000000, s2;
	s6 =	simm.s32 $0x108;
	_ =	swait.ge @!p0 [sflag:s8], $0x0  }
0x24: {  	s3 =	sadd.s32 $0x88, s3;
	s6 =	simm.s32 @!p1 $0x1082;
	[sflag:s4] =	ssyncset.s32 $0xFFFFF086  }
0x25: {  	[simem:s6], [sflag:s4] =	dma.local [hbm:s3], $0xF7A  }
0x26: {  	[smem:$0x3F90] =	sst s1;
	(tag) =	ssettag s2;
	_ =	strace s9  }
0x27: {  	s1 =	sld [smem:$0x3FA0]  }
0x28: {  	s2 =	sld [smem:$0x3FA1]  }
0x29: {  	s4 =	sld [smem:$0x3FA3]  }
0x2a: {  	p0 =	seq.s32 s5, $0x0;
	s5 =	sld [smem:$0x3FA4]  }
0x2b: {  	s6 =	sld [smem:$0x3FA5]  }
0x2c: {  	s7 =	sld [smem:$0x3FA6]  }
0x2d: {  	s3 =	simm.s32 $0x108;
	s8 =	sld [smem:$0x3FA7]  }
0x2e: {  	s3 =	simm.s32 @!p0 $0x1082;
	s9 =	sld [smem:$0x3FA8]  }
0x2f: {  	lr =	sadd.s32 s0, s3;
	s0 =	sld [smem:$0x3F9F]  }
0x30: {  	s3 =	sld [smem:$0x3FA2]  }
0x31: {  	[smem:$0x3FAB] =	sst s10  }
0x32: {  	s10 =	sld [smem:$0x3FA9];
	_ =	sdelay $0x3  }
0x33: {  	p0 =	seq.s32 s10, $0x1;
	s10 =	sld [smem:$0x3FAB];
	_ =	sdelay $0x3  }
0x34: {  	[smem:$0x3FAB] =	sst s10  }
0x35: {  	s10 =	sld [smem:$0x3FAA];
	_ =	sdelay $0x3  }
0x36: {  	p1 =	seq.s32 s10, $0x1;
	s10 =	sld [smem:$0x3FAB];
	_ =	sdelay $0x3  }
0x37: {  	[smem:$0x3FAB] =	sst s10  }
0x38: {  	s10 =	sld [smem:$0x3FAC]  }
0x39: {  	_ = 	snop;
	(pc) =	sbr.ind lr, $3  }
0x3a: {  	_ = 	snop  }
0x3b: {  	_ = 	snop  }
0x3c: {  	p2 =	seq.s32 s10, $0x1;
	s10 =	sld [smem:$0x3FAB]  }
0x3d: {  	_ =	shalt  }
0x3e: {  	_ =	shalt  }
0x3f: {  	_ =	shalt  }
0x40: {  	_ =	shalt  }
0x41: {  	_ =	shalt  }
0x42: {  	_ =	shalt  }
0x43: {  	_ =	shalt  }
0x44: {  	_ =	shalt  }
0x45: {  	_ =	shalt  }
0x46: {  	_ =	shalt  }
0x47: {  	_ =	shalt  }
0x48: {  	_ =	shalt  }
0x49: {  	_ =	shalt  }
0x4a: {  	_ =	shalt  }
0x4b: {  	_ =	shalt  }
0x4c: {  	_ =	shalt  }
0x4d: {  	_ =	shalt  }
0x4e: {  	_ =	shalt  }
0x4f: {  	_ =	shalt  }
0x50: {  	_ =	shalt  }
0x51: {  	_ =	shalt  }
0x52: {  	_ =	shalt  }
0x53: {  	_ =	shalt  }
0x54: {  	_ =	shalt  }
0x55: {  	_ =	shalt  }
0x56: {  	_ =	shalt  }
0x57: {  	_ =	shalt  }
0x58: {  	_ =	shalt  }
0x59: {  	_ =	shalt  }
0x5a: {  	_ =	shalt  }
0x5b: {  	_ =	shalt  }
0x5c: {  	_ =	shalt  }
0x5d: {  	_ =	shalt  }
0x5e: {  	_ =	shalt  }
0x5f: {  	_ =	shalt  }
0x60: {  	_ =	shalt  }
0x61: {  	_ =	shalt  }
0x62: {  	_ =	shalt  }
0x63: {  	_ =	shalt  }
0x64: {  	_ =	shalt  }
0x65: {  	_ =	shalt  }
0x66: {  	_ =	shalt  }
0x67: {  	_ =	shalt  }
0x68: {  	_ =	shalt  }
0x69: {  	_ =	shalt  }
0x6a: {  	_ =	shalt  }
0x6b: {  	_ =	shalt  }
0x6c: {  	_ =	shalt  }
0x6d: {  	_ =	shalt  }
0x6e: {  	_ =	shalt  }
0x6f: {  	_ =	shalt  }
0x70: {  	_ =	shalt  }
0x71: {  	_ =	shalt  }
0x72: {  	_ =	shalt  }
0x73: {  	_ =	shalt  }
0x74: {  	_ =	shalt  }
0x75: {  	_ =	shalt  }
0x76: {  	_ =	shalt  }
0x77: {  	_ =	shalt  }
0x78: {  	_ =	shalt  }
0x79: {  	_ =	shalt  }
0x7a: {  	_ =	shalt  }
0x7b: {  	_ =	shalt  }
0x7c: {  	_ =	shalt  }
0x7d: {  	_ =	shalt  }
0x7e: {  	_ =	shalt  }
0x7f: {  	_ =	shalt  }
0x80: {  	_ =	shalt  }
0x81: {  	_ =	shalt  }
0x82: {  	_ =	shalt  }
0x83: {  	_ =	shalt  }
0x84: {  	_ =	shalt  }
0x85: {  	_ =	shalt  }
0x86: {  	_ =	shalt  }
0x87: {  	_ =	shalt  }
.Lfunc_end0:
.L_simem_size_0:
called_computation.1_lowered:
.L_overlay_start_0:
0x88: {  	s2 =	sld [smem:$0x3FD9]  }
0x89: {  	s3 =	sld [smem:$0x3FFE];
	_ =	sdelay $0x1  }
0x8a: {  	s1 =	srdreg.scid  }
0x8b: {  	s0 =	sand.u32 $0x1, s1  }
0x8c: {  	s16 =	sshll.u32 s0, $0xA;
	s2 =	sadd.s32 s3, s2  }
0x8d: {  	s2 =	sadd.s32 s2, s16  }
0x8e: {  	[smem:$0x3FB7] =	sst s2  }
0x8f: {  	_ = 	snop  }
0x90: {  	(tm) =	ssettm $0x1  }
0x91: {  	s17 =	sld [smem:$0x3FFB];
	_ =	sdelay $0x3  }
0x92: {  	_ =	strace s17  }
0x93: {  	s2 =	sld [smem:$0x3FFC];
	_ =	sdelay $0x3  }
0x94: {  	_ =	strace s2  }
0x95: {  	s2 =	sld [smem:$0x3FFD];
	_ =	sdelay $0x3  }
0x96: {  	_ =	strace s2  }
0x97: {  	_ =	strace $0x8FFFFFFF  }
0x98: {  	s18 =	sld [smem:$0x3FDB];
	_ =	sdelay $0x1  }
0x99: {  	s19 =	simm.s32 $_scs_section_size  }
0x9a: {  	s4 =	simm.s32 $_size__tile_overlayer_lowered;
	s5 =	simm.s32 $_tile_overlayer_lowered  }
0x9b: {  	s22 =	simm.s32 $0x1BFF;
	s21 =	sshll.u32 s5, $0x1;
	s2 =	sadd.s32 s19, s18  }
0x9c: {  	s6 =	simm.s32 $0x0;
	s20 =	sshll.u32 s4, $0x1;
	s4 =	sadd.s32 s21, s2  }
0x9d: {  	[timem:s6], [sflag:s22] =	dma.local [hbm:s4], s20  }
0x9e: {  	_ =	swait.ge [sflag:s22], s20  }
0x9f: {  	s3 =	ssub.s32 $0x0, s20;
	[sflag:s22] =	ssyncset.done $0x0  }
0xa0: {  	[sflag:s22] =	ssyncadd.s32 s3;
	_ =	sdelay $0x1  }
0xa1: {  	s23 =	simm.s32 $0x1B8B  }
0xa2: {  	_ =	swait.ge [sflag:s23], $0x1  }
0xa3: {  	[sflag:s23] =	ssyncset.done $0x0  }
0xa4: {  	s25 =	simm.s32 $0x1B8E;
	s24 =	sld [smem:$0x3FFE];
	[sflag:s23] =	ssyncadd.s32 $0xFFFFFFFF  }
0xa5: {  	s26 =	simm.s32 $execute0_lowered;
	[smem:$0x3FD2] =	sst s25  }
0xa6: {  	s4 =	sshll.u32 s26, $0x1;
	_ =	strace $0x80000049;
	[dreg:$0x1] =	wrdreg $0xFFFFFFFF  }
0xa7: {  	s28 =	simm.s32 $_size_execute0_lowered;
	s2 =	sadd.s32 s2, s4;
	[dreg:$0x0] =	wrdreg $0x0  }
0xa8: {  	s4 =	sshll.u32 s28, $0x1;
	[dreg:$0x2] =	wrdreg s2  }
0xa9: {  	[dreg:$0x3] =	wrdreg s4  }
0xaa: {  	[dreg:$0x4] =	wrdreg $0xC0  }
0xab: {  	_ =	task [dreg:s6], $0x5FFFF  }
0xac: {  	[dreg:$0x1] =	wrdreg $0xFFFFFFFF  }
0xad: {  	[dreg:$0x0] =	wrdreg $0x60  }
0xae: {  	[dreg:$0x2] =	wrdreg s24  }
0xaf: {  	[dreg:$0x3] =	wrdreg $0xC0000  }
0xb0: {  	[dreg:$0x4] =	wrdreg $0x9  }
0xb1: {  	_ =	task.clear_ibuf [dreg:s6], $0x5FFFF;
	_ =	strace $0x90000049  }
0xb2: {  	s29 =	simm.s32 $0x9;
	_ =	strace $0x8000004B  }
0xb3: {  	_ =	swait.ge [sflag:s29], $0x1  }
0xb4: {  	[sflag:s29] =	ssyncadd.s32 $0xFFFFFFFF  }
0xb5: {  	_ =	strace $0x9000004B  }
0xb6: {  	_ =	sfence  }
0xb7: {  	s30 =	sld [smem:$0x0];
	_ =	sdelay $0x2  }
0xb8: {  	s31 =	sshll.u32 s1, $0xD;
	s1 =	sshrl.u32 s1, $0x2  }
0xb9: {  	s3 =	sand.u32 $0x4000, s31;
	s1 =	sadd.s32 s1, s30  }
0xba: {  	s0 =	sor.u32 s3, s0;
	s1 =	sshll.u32 s1, $0x11  }
0xbb: {  	s0 =	sor.u32 s1, s0  }
0xbc: {  	s0 =	sadd.s32 $0x8F2B, s0  }
0xbd: {  	[sflag:s0] =	ssyncadd.remote.s32 $0x1  }
0xbe: {  	_ =	sfence.sel $0xFFFF  }
0xbf: {  	[dreg:$0x0] =	wrdreg $0xFFFFFFFF;
	(pc) =	sbr.abs _section_cstart, $3  }
0xc0: {  	[dreg:$0x1] =	wrdreg $0xFFFFFFFF  }
0xc1: {  	_ =	task.clear_ibuf [dreg:s6], $0x2FFFF;
	_ =	strace $0x9FFFFFFF  }
0xc2: {  	(tm) =	ssettm $0x7FFFFFFF  }
0xc3: {  	_ =	shalt  }
tec
execute0_lowered:
.L_overlay_start_1:
0x0: {  	(tag) =	ssettag $0x1  }
0x1: {  	s0 =	rddreg [dreg:$0x0]  }
0x2: {  	s1 =	rddreg [dreg:$0x1];
	s3 =	simm.s32 $0x0;
	s2 =	srdreg.scid  }
0x3: {  	s8 =	stileid.u32;
	s28 =	simm.s32 $0x80;
	s29 =	simm.s32 $0x4800  }
0x4: {  	s30 =	simm.s32 $0x1;
	s31 =	simm.s32 $0x100;
	[smem:$0x7FF] =	sst s3  }
0x5: {  	s2 =	sand.u32 $0x1, s2;
	s5 =	sshll.u32 s8, $0xB;
	s6 =	smul.u32 $0x2780, s8  }
0x6: {  	s8 =	smul.u32 $0x4F000, s8;
	s4 =	sshll.u32 s2, $0xF;
	_ =	strace $0x8000004A  }
0x7: {  	s9 =	smul.u32 $0x27800, s2;
	s10 =	sadd.s32 s5, s0;
	s2 =	ssub.s32 $0x2, s2  }
0x8: {  	s7 =	sor.u32 s5, s4;
	s4 =	sadd.s32 $0x1AA00, s0;
	s19 =	sadd.s32 $0x12A00, s10  }
0x9: {  	s8 =	sshrl.u32 s8, $0x2;
	s21 =	sadd.s32 $0x12C00, s10;
	[dreg:$0xb] =	wrdreg s19  }
0xa: {  	s23 =	sadd.s32 $0x12E00, s10;
	s25 =	sadd.s32 $0x13000, s10;
	[dreg:$0xd] =	wrdreg s21  }
0xb: {  	s10 =	simm.s32 $0x1100;
	s5 =	sadd.s32 s8, s1;
	[dreg:$0xf] =	wrdreg s23  }
0xc: {  	s7 =	sadd.s32 s7, s0;
	[dreg:$0x11] =	wrdreg s25;
	s11 =	sadd.s32 $0x2800, s5  }
0xd: {  	s6 =	sadd.s32 s6, s9;
	s12 =	sadd.s32 $0x5000, s5;
	[dreg:$0x3] =	wrdreg s11  }
0xe: {  	s9 =	sshrl.u32 s2, $0x1;
	s13 =	sadd.s32 $0x7800, s5;
	[dreg:$0x4] =	wrdreg s12  }
0xf: {  	s23 =	simm.s32 $0x2000;
	s14 =	sadd.s32 $0xA000, s5;
	[dreg:$0x5] =	wrdreg s13  }
0x10: {  	s25 =	simm.s32 $0x1000;
	s15 =	sadd.s32 $0xC800, s5;
	[dreg:$0x6] =	wrdreg s14  }
0x11: {  	s8 =	simm.s32 $0x9800;
	s16 =	sadd.s32 $0xF000, s5;
	[dreg:$0x7] =	wrdreg s15  }
0x12: {  	s0 =	sadd.s32 s6, s0;
	s17 =	sadd.s32 $0x11800, s5;
	[dreg:$0x8] =	wrdreg s16  }
0x13: {  	s2 =	ssub.s32 s2, s9;
	s18 =	sadd.s32 $0x2A00, s7;
	[dreg:$0x9] =	wrdreg s17  }
0x14: {  	s20 =	sadd.s32 $0x2C00, s7;
	s22 =	sadd.s32 $0x2E00, s7;
	[dreg:$0xa] =	wrdreg s18  }
0x15: {  	s24 =	sadd.s32 $0x3000, s7;
	s6 =	simm.s32 $0x1080;
	[dreg:$0xc] =	wrdreg s20  }
0x16: {  	s7 =	simm.s32 $0x180;
	s9 =	simm.s32 $0x3;
	[dreg:$0xe] =	wrdreg s22  }
0x17: {  	[dreg:$0x10] =	wrdreg s24;
	s0 =	sadd.s32 $0x68C00, s0;
	s26 =	smax.u32 s2, $0x1  }
.Ltmp0:
0x18: {  	s24 =	simm.s32 $0x9;
	s2 =	simm.s32 $0x2;
	(pc) =	sbr.rel .LBB2_1-.Ltmp0, $4  }
0x19: {  	s11 =	simm.s32 $0x5;
	s12 =	simm.s32 $0x200;
	s13 =	simm.s32 $0x4  }
0x1a: {  	s14 =	simm.s32 $0x1180;
	s15 =	simm.s32 $0x6;
	s16 =	simm.s32 $0x280  }
0x1b: {  	s17 =	simm.s32 $0x7;
	s18 =	simm.s32 $0x8;
	[dreg:$0x12] =	wrdreg s0  }
0x1c: {  	v0 =	vimm.f32 $0.0e+00;
	[dreg:$0x13] =	wrdreg s26;
	s26 =	simm.s32 $0x50;
	s0 =	simm.s32 $0x7000  }
.LBB2_15:
0x1d: {  	_ =	swait.ge [sflag:s13], $0x2800  }
0x1e: {  	[sflag:s13] =	ssyncset.done $0x0  }
0x1f: {  	[sflag:s13] =	ssyncadd.s32 $0xFFFFD800  }
0x20: {  	[spmem:s1] =	stream.indirect.scatter.add.f32 [tilespmem:s8], [sflag:$0x8], $0x80, s21, s26, $0xb8;
	[tilespmem:$0x1FC00] =	vst v63  }
0x21: {  	_ =	swait.ge [sflag:s11], $0x2800  }
0x22: {  	[sflag:s11] =	ssyncset.done $0x0  }
0x23: {  	[sflag:s11] =	ssyncadd.s32 $0xFFFFD800  }
0x24: {  	_ =	swait.ge [sflag:s15], $0x2800  }
0x25: {  	[sflag:s15] =	ssyncset.done $0x0  }
0x26: {  	[sflag:s15] =	ssyncadd.s32 $0xFFFFD800  }
0x27: {  	_ =	swait.ge [sflag:s17], $0x2800  }
0x28: {  	[sflag:s17] =	ssyncset.done $0x0  }
0x29: {  	[sflag:s17] =	ssyncadd.s32 $0xFFFFD800  }
0x2a: {  	_ =	swait.ge [sflag:s18], $0x2800  }
0x2b: {  	[sflag:s18] =	ssyncset.done $0x0  }
0x2c: {  	s19 =	stileid.u32;
	[sflag:s18] =	ssyncadd.s32 $0xFFFFD800  }
0x2d: {  	s19 =	sshll.u32 s19, $0x6;
	[bflag:$0x0] =	sbarrier.arrive $0xFFFF  }
0x2e: {  	s20 =	sshrl.u32 s5, $0x3;
	s19 =	sor.u32 $0x1C09, s19;
	s22 =	rddreg [dreg:$0x12]  }
0x2f: {  	[hbm:s22], [sflag:s19] =	dma.local [spmem:s20], $0x2780  }
0x30: {  	_ =	swait.ge [sflag:s24], $0x2780  }
0x31: {  	s3 =	sadd.s32 $0x1, s3;
	s22 =	rddreg [dreg:$0x13]  }
0x32: {  	p0 =	sne.s32 s3, s22  }
.Ltmp1:
0x33: {  	_ = 	snop;
	(pc) =	sbr.rel @!p0 .LBB2_16-.Ltmp1, $3  }
0x34: {  	_ =	sdelay $0x1  }
0x35: {  	[sflag:s24] =	ssyncset.done $0x0  }
0x36: {  	[sflag:s24] =	ssyncadd.s32 $0xFFFFD880  }
.LBB2_1:
0x37: {  	s19 =	simm.s32 $0x0;
	s20 =	simm.s32 $0x200  }
.LBB2_2:
0x38: {  	p0 =	sne.s32 s20, $0x9E00;
	[tilespmem:s19+$0x2070] =	vst v0  }
0x39: {  	[tilespmem:s19+$0x2000] =	vst v0  }
0x3a: {  	[tilespmem:s19+$0x2010] =	vst v0  }
.Ltmp2:
0x3b: {  	[tilespmem:s19+$0x2020] =	vst v0;
	(pc) =	sbr.rel @p0 .LBB2_2-.Ltmp2, $4  }
0x3c: {  	[tilespmem:s19+$0x2030] =	vst v0  }
0x3d: {  	[tilespmem:s19+$0x2040] =	vst v0  }
0x3e: {  	[tilespmem:s19+$0x2050] =	vst v0  }
0x3f: {  	[tilespmem:s19+$0x2060] =	vst v0;
	s19 =	sshra.s32 s20, $0x2;
	s20 =	sadd.s32 $0x200, s20  }
0x40: {  	[tilespmem:s19+$0x2070] =	vst v0  }
0x41: {  	[tilespmem:s19+$0x2000] =	vst v0  }
0x42: {  	[tilespmem:s19+$0x2010] =	vst v0  }
0x43: {  	[tilespmem:s19+$0x2020] =	vst v0  }
0x44: {  	[tilespmem:s19+$0x2030] =	vst v0  }
0x45: {  	[tilespmem:s19+$0x2040] =	vst v0  }
0x46: {  	[tilespmem:s19+$0x2050] =	vst v0  }
0x47: {  	[tilespmem:s19+$0x2060] =	vst v0  }
0x48: {  	[spmem:s5] =	stream.linear.scatter [tilespmem:s23], [sflag:$0x9], $0x2800, $0x38;
	[tilespmem:$0x1FC00] =	vst v63  }
0x49: {  	_ =	swait.ge [sflag:s24], $0x2800  }
0x4a: {  	[sflag:s24] =	ssyncset.done $0x0  }
0x4b: {  	s21 =	rddreg [dreg:$0x3];
	[sflag:s24] =	ssyncadd.s32 $0xFFFFD800  }
0x4c: {  	[spmem:s21] =	stream.linear.scatter [tilespmem:s23], [sflag:$0x9], $0x2800, $0x38;
	[tilespmem:$0x1FC00] =	vst v63  }
0x4d: {  	_ =	swait.ge [sflag:s24], $0x2800  }
0x4e: {  	[sflag:s24] =	ssyncset.done $0x0  }
0x4f: {  	s22 =	rddreg [dreg:$0x4];
	[sflag:s24] =	ssyncadd.s32 $0xFFFFD800  }
0x50: {  	[spmem:s22] =	stream.linear.scatter [tilespmem:s23], [sflag:$0x9], $0x2800, $0x38;
	[tilespmem:$0x1FC00] =	vst v63  }
0x51: {  	_ =	swait.ge [sflag:s24], $0x2800  }
0x52: {  	[sflag:s24] =	ssyncset.done $0x0  }
0x53: {  	s20 =	rddreg [dreg:$0x5];
	[sflag:s24] =	ssyncadd.s32 $0xFFFFD800  }
0x54: {  	[spmem:s20] =	stream.linear.scatter [tilespmem:s23], [sflag:$0x9], $0x2800, $0x38;
	[tilespmem:$0x1FC00] =	vst v63  }
0x55: {  	_ =	swait.ge [sflag:s24], $0x2800  }
0x56: {  	[sflag:s24] =	ssyncset.done $0x0  }
0x57: {  	s21 =	rddreg [dreg:$0x6];
	[sflag:s24] =	ssyncadd.s32 $0xFFFFD800  }
0x58: {  	[spmem:s21] =	stream.linear.scatter [tilespmem:s23], [sflag:$0x9], $0x2800, $0x38;
	[tilespmem:$0x1FC00] =	vst v63  }
0x59: {  	_ =	swait.ge [sflag:s24], $0x2800  }
0x5a: {  	[sflag:s24] =	ssyncset.done $0x0  }
0x5b: {  	s22 =	rddreg [dreg:$0x7];
	[sflag:s24] =	ssyncadd.s32 $0xFFFFD800  }
0x5c: {  	[spmem:s22] =	stream.linear.scatter [tilespmem:s23], [sflag:$0x9], $0x2800, $0x38;
	[tilespmem:$0x1FC00] =	vst v63  }
0x5d: {  	_ =	swait.ge [sflag:s24], $0x2800  }
0x5e: {  	[sflag:s24] =	ssyncset.done $0x0  }
0x5f: {  	s20 =	rddreg [dreg:$0x8];
	[sflag:s24] =	ssyncadd.s32 $0xFFFFD800  }
0x60: {  	[spmem:s20] =	stream.linear.scatter [tilespmem:s23], [sflag:$0x9], $0x2800, $0x38;
	[tilespmem:$0x1FC00] =	vst v63  }
0x61: {  	_ =	swait.ge [sflag:s24], $0x2800  }
0x62: {  	[sflag:s24] =	ssyncset.done $0x0  }
0x63: {  	s21 =	rddreg [dreg:$0x9];
	[sflag:s24] =	ssyncadd.s32 $0xFFFFD800  }
0x64: {  	[spmem:s21] =	stream.linear.scatter [tilespmem:s23], [sflag:$0x9], $0x2400, $0x38;
	[tilespmem:$0x1FC00] =	vst v63  }
0x65: {  	_ =	swait.ge [sflag:s24], $0x2400  }
0x66: {  	[sflag:s24] =	ssyncset.done $0x0  }
0x67: {  	[sflag:s24] =	ssyncadd.s32 $0xFFFFDC00  }
0x68: {  	[bflag:$0x0] =	sbarrier.arrive $0xFFFF  }
0x69: {  	s19 =	simm.s32 $0x0;
	s20 =	rddreg [dreg:$0xa]  }
0x6a: {  	[tilespmem:s19], [sflag:$0x9] =	stream.linear.gather [hbm4b:s20+s19], $0x1000, $0x38;
	[tilespmem:$0x1FC00] =	vst v63  }
0x6b: {  	_ =	swait.ge [sflag:s24], $0x1000  }
0x6c: {  	[sflag:s24] =	ssyncset.done $0x0  }
0x6d: {  	s22 =	rddreg [dreg:$0xb];
	[sflag:s24] =	ssyncadd.s32 $0xFFFFF000  }
0x6e: {  	[tilespmem:s25], [sflag:$0x9] =	stream.linear.gather [hbm4b:s22+s19], $0x1000, $0x38;
	[tilespmem:$0x1FC00] =	vst v63  }
0x6f: {  	_ =	swait.ge [sflag:s24], $0x1000  }
0x70: {  	[sflag:s24] =	ssyncset.done $0x0  }
0x71: {  	[sflag:s24] =	ssyncadd.s32 $0xFFFFF000  }
0x72: {  	[tilespmem:s23], [sflag:$0x1] =	stream.indirect.gather [hbm4b:s4+s26], $0x80, s19, s26, $0xb8;
	[tilespmem:$0x1FC00] =	vst v63  }
0x73: {  	_ = 	snop  }
0x74: {  	[tilespmem:s29], [sflag:$0x2] =	stream.indirect.gather [hbm4b:s4+s26], $0x80, s28, s26, $0xb8;
	[tilespmem:$0x1FC00] =	vst v63  }
0x75: {  	_ =	swait.ge [sflag:s30], $0x2800  }
0x76: {  	[sflag:s30] =	ssyncset.done $0x0  }
0x77: {  	[sflag:s30] =	ssyncadd.s32 $0xFFFFD800  }
0x78: {  	[spmem:s1] =	stream.indirect.scatter.add.f32 [tilespmem:s23], [sflag:$0x5], $0x80, s25, s26, $0xb8;
	[tilespmem:$0x1FC00] =	vst v63  }
0x79: {  	_ = 	snop  }
0x7a: {  	[tilespmem:s0], [sflag:$0x3] =	stream.indirect.gather [hbm4b:s4+s26], $0x80, s31, s26, $0xb8;
	[tilespmem:$0x1FC00] =	vst v63  }
0x7b: {  	_ =	swait.ge [sflag:s2], $0x2800  }
0x7c: {  	[sflag:s2] =	ssyncset.done $0x0  }
0x7d: {  	[sflag:s2] =	ssyncadd.s32 $0xFFFFD800  }
0x7e: {  	[spmem:s1] =	stream.indirect.scatter.add.f32 [tilespmem:s29], [sflag:$0x6], $0x80, s6, s26, $0xb8;
	[tilespmem:$0x1FC00] =	vst v63  }
0x7f: {  	_ = 	snop  }
0x80: {  	[tilespmem:s8], [sflag:$0x4] =	stream.indirect.gather [hbm4b:s4+s26], $0x80, s7, s26, $0xb8;
	[tilespmem:$0x1FC00] =	vst v63  }
0x81: {  	_ =	swait.ge [sflag:s9], $0x2800  }
0x82: {  	[sflag:s9] =	ssyncset.done $0x0  }
0x83: {  	[sflag:s9] =	ssyncadd.s32 $0xFFFFD800  }
0x84: {  	[spmem:s1] =	stream.indirect.scatter.add.f32 [tilespmem:s0], [sflag:$0x7], $0x80, s10, s26, $0xb8;
	[tilespmem:$0x1FC00] =	vst v63  }
0x85: {  	_ =	swait.ge [sflag:s11], $0x2800  }
0x86: {  	[sflag:s11] =	ssyncset.done $0x0  }
0x87: {  	[sflag:s11] =	ssyncadd.s32 $0xFFFFD800  }
0x88: {  	[tilespmem:s23], [sflag:$0x1] =	stream.indirect.gather [hbm4b:s4+s26], $0x80, s12, s26, $0xb8;
	[tilespmem:$0x1FC00] =	vst v63  }
0x89: {  	_ =	swait.ge [sflag:s13], $0x2800  }
0x8a: {  	[sflag:s13] =	ssyncset.done $0x0  }
0x8b: {  	[sflag:s13] =	ssyncadd.s32 $0xFFFFD800  }
0x8c: {  	[spmem:s1] =	stream.indirect.scatter.add.f32 [tilespmem:s8], [sflag:$0x8], $0x80, s14, s26, $0xb8;
	[tilespmem:$0x1FC00] =	vst v63  }
0x8d: {  	_ =	swait.ge [sflag:s15], $0x2800  }
0x8e: {  	[sflag:s15] =	ssyncset.done $0x0  }
0x8f: {  	[sflag:s15] =	ssyncadd.s32 $0xFFFFD800  }
0x90: {  	[tilespmem:s29], [sflag:$0x2] =	stream.indirect.gather [hbm4b:s4+s26], $0x80, s16, s26, $0xb8;
	[tilespmem:$0x1FC00] =	vst v63  }
.LBB2_4:
0x91: {  	_ =	swait.ge [sflag:s30], $0x2800  }
0x92: {  	s20 =	sshra.s32 s19, $0x2;
	[sflag:s30] =	ssyncset.done $0x0  }
0x93: {  	s21 =	sadd.s32 $0x1200, s20;
	[sflag:s30] =	ssyncadd.s32 $0xFFFFD800  }
0x94: {  	[spmem:s1] =	stream.indirect.scatter.add.f32 [tilespmem:s23], [sflag:$0x5], $0x80, s21, s26, $0xb8;
	[tilespmem:$0x1FC00] =	vst v63  }
0x95: {  	_ =	swait.ge [sflag:s17], $0x2800  }
0x96: {  	[sflag:s17] =	ssyncset.done $0x0  }
0x97: {  	s22 =	sadd.s32 $0x300, s20;
	[sflag:s17] =	ssyncadd.s32 $0xFFFFD800  }
0x98: {  	[tilespmem:s0], [sflag:$0x3] =	stream.indirect.gather [hbm4b:s4+s26], $0x80, s22, s26, $0xb8;
	[tilespmem:$0x1FC00] =	vst v63  }
0x99: {  	_ =	swait.ge [sflag:s2], $0x2800  }
0x9a: {  	[sflag:s2] =	ssyncset.done $0x0  }
0x9b: {  	s22 =	sadd.s32 $0x1280, s20;
	[sflag:s2] =	ssyncadd.s32 $0xFFFFD800  }
0x9c: {  	[spmem:s1] =	stream.indirect.scatter.add.f32 [tilespmem:s29], [sflag:$0x6], $0x80, s22, s26, $0xb8;
	[tilespmem:$0x1FC00] =	vst v63  }
0x9d: {  	_ =	swait.ge [sflag:s18], $0x2800  }
0x9e: {  	[sflag:s18] =	ssyncset.done $0x0  }
0x9f: {  	p0 =	seq.s32 s19, $0x3000;
	s22 =	sadd.s32 $0x380, s20;
	[sflag:s18] =	ssyncadd.s32 $0xFFFFD800  }
0xa0: {  	[tilespmem:s8], [sflag:$0x4] =	stream.indirect.gather [hbm4b:s4+s26], $0x80, s22, s26, $0xb8;
	[tilespmem:$0x1FC00] =	vst v63  }
.Ltmp3:
0xa1: {  	_ = 	snop;
	(pc) =	sbr.rel @p0 .LBB2_6-.Ltmp3, $4  }
0xa2: {  	_ =	swait.ge [sflag:s9], $0x2800  }
0xa3: {  	[sflag:s9] =	ssyncset.done $0x0  }
0xa4: {  	s21 =	sadd.s32 $0x1380, s20;
	s22 =	sadd.s32 $0x1300, s20;
	[sflag:s9] =	ssyncadd.s32 $0xFFFFD800  }
0xa5: {  	[spmem:s1] =	stream.indirect.scatter.add.f32 [tilespmem:s0], [sflag:$0x7], $0x80, s22, s26, $0xb8;
	[tilespmem:$0x1FC00] =	vst v63  }
0xa6: {  	_ =	swait.ge [sflag:s11], $0x2800  }
0xa7: {  	[sflag:s11] =	ssyncset.done $0x0  }
0xa8: {  	s22 =	sadd.s32 $0x400, s20;
	[sflag:s11] =	ssyncadd.s32 $0xFFFFD800  }
0xa9: {  	[tilespmem:s23], [sflag:$0x1] =	stream.indirect.gather [hbm4b:s4+s26], $0x80, s22, s26, $0xb8;
	[tilespmem:$0x1FC00] =	vst v63  }
0xaa: {  	_ =	swait.ge [sflag:s13], $0x2800  }
0xab: {  	[sflag:s13] =	ssyncset.done $0x0  }
0xac: {  	[sflag:s13] =	ssyncadd.s32 $0xFFFFD800  }
0xad: {  	[spmem:s1] =	stream.indirect.scatter.add.f32 [tilespmem:s8], [sflag:$0x8], $0x80, s21, s26, $0xb8;
	[tilespmem:$0x1FC00] =	vst v63  }
.Ltmp4:
0xae: {  	_ = 	snop;
	(pc) =	sbr.rel .LBB2_4-.Ltmp4, $4  }
0xaf: {  	_ =	swait.ge [sflag:s15], $0x2800  }
0xb0: {  	[sflag:s15] =	ssyncset.done $0x0  }
0xb1: {  	s19 =	sadd.s32 $0x800, s19;
	s22 =	sadd.s32 $0x480, s20;
	[sflag:s15] =	ssyncadd.s32 $0xFFFFD800  }
0xb2: {  	[tilespmem:s29], [sflag:$0x2] =	stream.indirect.gather [hbm4b:s4+s26], $0x80, s22, s26, $0xb8;
	[tilespmem:$0x1FC00] =	vst v63  }
.LBB2_6:
0xb3: {  	_ =	swait.ge [sflag:s13], $0x2800  }
0xb4: {  	[sflag:s13] =	ssyncset.done $0x0  }
0xb5: {  	[sflag:s13] =	ssyncadd.s32 $0xFFFFD800  }
0xb6: {  	[spmem:s1] =	stream.indirect.scatter.add.f32 [tilespmem:s8], [sflag:$0x8], $0x80, s21, s26, $0xb8;
	[tilespmem:$0x1FC00] =	vst v63  }
0xb7: {  	_ =	swait.ge [sflag:s11], $0x2800  }
0xb8: {  	[sflag:s11] =	ssyncset.done $0x0  }
0xb9: {  	[sflag:s11] =	ssyncadd.s32 $0xFFFFD800  }
0xba: {  	_ =	swait.ge [sflag:s15], $0x2800  }
0xbb: {  	[sflag:s15] =	ssyncset.done $0x0  }
0xbc: {  	[sflag:s15] =	ssyncadd.s32 $0xFFFFD800  }
0xbd: {  	_ =	swait.ge [sflag:s17], $0x2800  }
0xbe: {  	[sflag:s17] =	ssyncset.done $0x0  }
0xbf: {  	[sflag:s17] =	ssyncadd.s32 $0xFFFFD800  }
0xc0: {  	_ =	swait.ge [sflag:s18], $0x2800  }
0xc1: {  	[sflag:s18] =	ssyncset.done $0x0  }
0xc2: {  	s19 =	simm.s32 $0x0;
	s20 =	rddreg [dreg:$0xc];
	[sflag:s18] =	ssyncadd.s32 $0xFFFFD800  }
0xc3: {  	[tilespmem:s19], [sflag:$0x9] =	stream.linear.gather [hbm4b:s20+s19], $0x1000, $0x38;
	[tilespmem:$0x1FC00] =	vst v63  }
0xc4: {  	_ =	swait.ge [sflag:s24], $0x1000  }
0xc5: {  	[sflag:s24] =	ssyncset.done $0x0  }
0xc6: {  	s22 =	rddreg [dreg:$0xd];
	[sflag:s24] =	ssyncadd.s32 $0xFFFFF000  }
0xc7: {  	[tilespmem:s25], [sflag:$0x9] =	stream.linear.gather [hbm4b:s22+s19], $0x1000, $0x38;
	[tilespmem:$0x1FC00] =	vst v63  }
0xc8: {  	_ =	swait.ge [sflag:s24], $0x1000  }
0xc9: {  	[sflag:s24] =	ssyncset.done $0x0  }
0xca: {  	[sflag:s24] =	ssyncadd.s32 $0xFFFFF000  }
0xcb: {  	[tilespmem:s23], [sflag:$0x1] =	stream.indirect.gather [hbm4b:s4+s26], $0x80, s19, s26, $0xb8;
	[tilespmem:$0x1FC00] =	vst v63  }
0xcc: {  	_ = 	snop  }
0xcd: {  	[tilespmem:s29], [sflag:$0x2] =	stream.indirect.gather [hbm4b:s4+s26], $0x80, s28, s26, $0xb8;
	[tilespmem:$0x1FC00] =	vst v63  }
0xce: {  	_ =	swait.ge [sflag:s30], $0x2800  }
0xcf: {  	[sflag:s30] =	ssyncset.done $0x0  }
0xd0: {  	[sflag:s30] =	ssyncadd.s32 $0xFFFFD800  }
0xd1: {  	[spmem:s1] =	stream.indirect.scatter.add.f32 [tilespmem:s23], [sflag:$0x5], $0x80, s25, s26, $0xb8;
	[tilespmem:$0x1FC00] =	vst v63  }
0xd2: {  	_ = 	snop  }
0xd3: {  	[tilespmem:s0], [sflag:$0x3] =	stream.indirect.gather [hbm4b:s4+s26], $0x80, s31, s26, $0xb8;
	[tilespmem:$0x1FC00] =	vst v63  }
0xd4: {  	_ =	swait.ge [sflag:s2], $0x2800  }
0xd5: {  	[sflag:s2] =	ssyncset.done $0x0  }
0xd6: {  	[sflag:s2] =	ssyncadd.s32 $0xFFFFD800  }
0xd7: {  	[spmem:s1] =	stream.indirect.scatter.add.f32 [tilespmem:s29], [sflag:$0x6], $0x80, s6, s26, $0xb8;
	[tilespmem:$0x1FC00] =	vst v63  }
0xd8: {  	_ = 	snop  }
0xd9: {  	[tilespmem:s8], [sflag:$0x4] =	stream.indirect.gather [hbm4b:s4+s26], $0x80, s7, s26, $0xb8;
	[tilespmem:$0x1FC00] =	vst v63  }
0xda: {  	_ =	swait.ge [sflag:s9], $0x2800  }
0xdb: {  	[sflag:s9] =	ssyncset.done $0x0  }
0xdc: {  	[sflag:s9] =	ssyncadd.s32 $0xFFFFD800  }
0xdd: {  	[spmem:s1] =	stream.indirect.scatter.add.f32 [tilespmem:s0], [sflag:$0x7], $0x80, s10, s26, $0xb8;
	[tilespmem:$0x1FC00] =	vst v63  }
0xde: {  	_ =	swait.ge [sflag:s11], $0x2800  }
0xdf: {  	[sflag:s11] =	ssyncset.done $0x0  }
0xe0: {  	[sflag:s11] =	ssyncadd.s32 $0xFFFFD800  }
0xe1: {  	[tilespmem:s23], [sflag:$0x1] =	stream.indirect.gather [hbm4b:s4+s26], $0x80, s12, s26, $0xb8;
	[tilespmem:$0x1FC00] =	vst v63  }
0xe2: {  	_ =	swait.ge [sflag:s13], $0x2800  }
0xe3: {  	[sflag:s13] =	ssyncset.done $0x0  }
0xe4: {  	[sflag:s13] =	ssyncadd.s32 $0xFFFFD800  }
0xe5: {  	[spmem:s1] =	stream.indirect.scatter.add.f32 [tilespmem:s8], [sflag:$0x8], $0x80, s14, s26, $0xb8;
	[tilespmem:$0x1FC00] =	vst v63  }
0xe6: {  	_ =	swait.ge [sflag:s15], $0x2800  }
0xe7: {  	[sflag:s15] =	ssyncset.done $0x0  }
0xe8: {  	[sflag:s15] =	ssyncadd.s32 $0xFFFFD800  }
0xe9: {  	[tilespmem:s29], [sflag:$0x2] =	stream.indirect.gather [hbm4b:s4+s26], $0x80, s16, s26, $0xb8;
	[tilespmem:$0x1FC00] =	vst v63  }
.LBB2_7:
0xea: {  	_ =	swait.ge [sflag:s30], $0x2800  }
0xeb: {  	s20 =	sshra.s32 s19, $0x2;
	[sflag:s30] =	ssyncset.done $0x0  }
0xec: {  	s21 =	sadd.s32 $0x1200, s20;
	[sflag:s30] =	ssyncadd.s32 $0xFFFFD800  }
0xed: {  	[spmem:s1] =	stream.indirect.scatter.add.f32 [tilespmem:s23], [sflag:$0x5], $0x80, s21, s26, $0xb8;
	[tilespmem:$0x1FC00] =	vst v63  }
0xee: {  	_ =	swait.ge [sflag:s17], $0x2800  }
0xef: {  	[sflag:s17] =	ssyncset.done $0x0  }
0xf0: {  	s22 =	sadd.s32 $0x300, s20;
	[sflag:s17] =	ssyncadd.s32 $0xFFFFD800  }
0xf1: {  	[tilespmem:s0], [sflag:$0x3] =	stream.indirect.gather [hbm4b:s4+s26], $0x80, s22, s26, $0xb8;
	[tilespmem:$0x1FC00] =	vst v63  }
0xf2: {  	_ =	swait.ge [sflag:s2], $0x2800  }
0xf3: {  	[sflag:s2] =	ssyncset.done $0x0  }
0xf4: {  	s22 =	sadd.s32 $0x1280, s20;
	[sflag:s2] =	ssyncadd.s32 $0xFFFFD800  }
0xf5: {  	[spmem:s1] =	stream.indirect.scatter.add.f32 [tilespmem:s29], [sflag:$0x6], $0x80, s22, s26, $0xb8;
	[tilespmem:$0x1FC00] =	vst v63  }
0xf6: {  	_ =	swait.ge [sflag:s18], $0x2800  }
0xf7: {  	[sflag:s18] =	ssyncset.done $0x0  }
0xf8: {  	p0 =	seq.s32 s19, $0x3000;
	s22 =	sadd.s32 $0x380, s20;
	[sflag:s18] =	ssyncadd.s32 $0xFFFFD800  }
0xf9: {  	[tilespmem:s8], [sflag:$0x4] =	stream.indirect.gather [hbm4b:s4+s26], $0x80, s22, s26, $0xb8;
	[tilespmem:$0x1FC00] =	vst v63  }
.Ltmp5:
0xfa: {  	_ = 	snop;
	(pc) =	sbr.rel @p0 .LBB2_9-.Ltmp5, $4  }
0xfb: {  	_ =	swait.ge [sflag:s9], $0x2800  }
0xfc: {  	[sflag:s9] =	ssyncset.done $0x0  }
0xfd: {  	s21 =	sadd.s32 $0x1380, s20;
	s22 =	sadd.s32 $0x1300, s20;
	[sflag:s9] =	ssyncadd.s32 $0xFFFFD800  }
0xfe: {  	[spmem:s1] =	stream.indirect.scatter.add.f32 [tilespmem:s0], [sflag:$0x7], $0x80, s22, s26, $0xb8;
	[tilespmem:$0x1FC00] =	vst v63  }
0xff: {  	_ =	swait.ge [sflag:s11], $0x2800  }
0x100: {  	[sflag:s11] =	ssyncset.done $0x0  }
0x101: {  	s22 =	sadd.s32 $0x400, s20;
	[sflag:s11] =	ssyncadd.s32 $0xFFFFD800  }
0x102: {  	[tilespmem:s23], [sflag:$0x1] =	stream.indirect.gather [hbm4b:s4+s26], $0x80, s22, s26, $0xb8;
	[tilespmem:$0x1FC00] =	vst v63  }
0x103: {  	_ =	swait.ge [sflag:s13], $0x2800  }
0x104: {  	[sflag:s13] =	ssyncset.done $0x0  }
0x105: {  	[sflag:s13] =	ssyncadd.s32 $0xFFFFD800  }
0x106: {  	[spmem:s1] =	stream.indirect.scatter.add.f32 [tilespmem:s8], [sflag:$0x8], $0x80, s21, s26, $0xb8;
	[tilespmem:$0x1FC00] =	vst v63  }
.Ltmp6:
0x107: {  	_ = 	snop;
	(pc) =	sbr.rel .LBB2_7-.Ltmp6, $4  }
0x108: {  	_ =	swait.ge [sflag:s15], $0x2800  }
0x109: {  	[sflag:s15] =	ssyncset.done $0x0  }
0x10a: {  	s19 =	sadd.s32 $0x800, s19;
	s22 =	sadd.s32 $0x480, s20;
	[sflag:s15] =	ssyncadd.s32 $0xFFFFD800  }
0x10b: {  	[tilespmem:s29], [sflag:$0x2] =	stream.indirect.gather [hbm4b:s4+s26], $0x80, s22, s26, $0xb8;
	[tilespmem:$0x1FC00] =	vst v63  }
.LBB2_9:
0x10c: {  	_ =	swait.ge [sflag:s13], $0x2800  }
0x10d: {  	[sflag:s13] =	ssyncset.done $0x0  }
0x10e: {  	[sflag:s13] =	ssyncadd.s32 $0xFFFFD800  }
0x10f: {  	[spmem:s1] =	stream.indirect.scatter.add.f32 [tilespmem:s8], [sflag:$0x8], $0x80, s21, s26, $0xb8;
	[tilespmem:$0x1FC00] =	vst v63  }
0x110: {  	_ =	swait.ge [sflag:s11], $0x2800  }
0x111: {  	[sflag:s11] =	ssyncset.done $0x0  }
0x112: {  	[sflag:s11] =	ssyncadd.s32 $0xFFFFD800  }
0x113: {  	_ =	swait.ge [sflag:s15], $0x2800  }
0x114: {  	[sflag:s15] =	ssyncset.done $0x0  }
0x115: {  	[sflag:s15] =	ssyncadd.s32 $0xFFFFD800  }
0x116: {  	_ =	swait.ge [sflag:s17], $0x2800  }
0x117: {  	[sflag:s17] =	ssyncset.done $0x0  }
0x118: {  	[sflag:s17] =	ssyncadd.s32 $0xFFFFD800  }
0x119: {  	_ =	swait.ge [sflag:s18], $0x2800  }
0x11a: {  	[sflag:s18] =	ssyncset.done $0x0  }
0x11b: {  	s19 =	simm.s32 $0x0;
	s20 =	rddreg [dreg:$0xe];
	[sflag:s18] =	ssyncadd.s32 $0xFFFFD800  }
0x11c: {  	[tilespmem:s19], [sflag:$0x9] =	stream.linear.gather [hbm4b:s20+s19], $0x1000, $0x38;
	[tilespmem:$0x1FC00] =	vst v63  }
0x11d: {  	_ =	swait.ge [sflag:s24], $0x1000  }
0x11e: {  	[sflag:s24] =	ssyncset.done $0x0  }
0x11f: {  	s22 =	rddreg [dreg:$0xf];
	[sflag:s24] =	ssyncadd.s32 $0xFFFFF000  }
0x120: {  	[tilespmem:s25], [sflag:$0x9] =	stream.linear.gather [hbm4b:s22+s19], $0x1000, $0x38;
	[tilespmem:$0x1FC00] =	vst v63  }
0x121: {  	_ =	swait.ge [sflag:s24], $0x1000  }
0x122: {  	[sflag:s24] =	ssyncset.done $0x0  }
0x123: {  	[sflag:s24] =	ssyncadd.s32 $0xFFFFF000  }
0x124: {  	[tilespmem:s23], [sflag:$0x1] =	stream.indirect.gather [hbm4b:s4+s26], $0x80, s19, s26, $0xb8;
	[tilespmem:$0x1FC00] =	vst v63  }
0x125: {  	_ = 	snop  }
0x126: {  	[tilespmem:s29], [sflag:$0x2] =	stream.indirect.gather [hbm4b:s4+s26], $0x80, s28, s26, $0xb8;
	[tilespmem:$0x1FC00] =	vst v63  }
0x127: {  	_ =	swait.ge [sflag:s30], $0x2800  }
0x128: {  	[sflag:s30] =	ssyncset.done $0x0  }
0x129: {  	[sflag:s30] =	ssyncadd.s32 $0xFFFFD800  }
0x12a: {  	[spmem:s1] =	stream.indirect.scatter.add.f32 [tilespmem:s23], [sflag:$0x5], $0x80, s25, s26, $0xb8;
	[tilespmem:$0x1FC00] =	vst v63  }
0x12b: {  	_ = 	snop  }
0x12c: {  	[tilespmem:s0], [sflag:$0x3] =	stream.indirect.gather [hbm4b:s4+s26], $0x80, s31, s26, $0xb8;
	[tilespmem:$0x1FC00] =	vst v63  }
0x12d: {  	_ =	swait.ge [sflag:s2], $0x2800  }
0x12e: {  	[sflag:s2] =	ssyncset.done $0x0  }
0x12f: {  	[sflag:s2] =	ssyncadd.s32 $0xFFFFD800  }
0x130: {  	[spmem:s1] =	stream.indirect.scatter.add.f32 [tilespmem:s29], [sflag:$0x6], $0x80, s6, s26, $0xb8;
	[tilespmem:$0x1FC00] =	vst v63  }
0x131: {  	_ = 	snop  }
0x132: {  	[tilespmem:s8], [sflag:$0x4] =	stream.indirect.gather [hbm4b:s4+s26], $0x80, s7, s26, $0xb8;
	[tilespmem:$0x1FC00] =	vst v63  }
0x133: {  	_ =	swait.ge [sflag:s9], $0x2800  }
0x134: {  	[sflag:s9] =	ssyncset.done $0x0  }
0x135: {  	[sflag:s9] =	ssyncadd.s32 $0xFFFFD800  }
0x136: {  	[spmem:s1] =	stream.indirect.scatter.add.f32 [tilespmem:s0], [sflag:$0x7], $0x80, s10, s26, $0xb8;
	[tilespmem:$0x1FC00] =	vst v63  }
0x137: {  	_ =	swait.ge [sflag:s11], $0x2800  }
0x138: {  	[sflag:s11] =	ssyncset.done $0x0  }
0x139: {  	[sflag:s11] =	ssyncadd.s32 $0xFFFFD800  }
0x13a: {  	[tilespmem:s23], [sflag:$0x1] =	stream.indirect.gather [hbm4b:s4+s26], $0x80, s12, s26, $0xb8;
	[tilespmem:$0x1FC00] =	vst v63  }
0x13b: {  	_ =	swait.ge [sflag:s13], $0x2800  }
0x13c: {  	[sflag:s13] =	ssyncset.done $0x0  }
0x13d: {  	[sflag:s13] =	ssyncadd.s32 $0xFFFFD800  }
0x13e: {  	[spmem:s1] =	stream.indirect.scatter.add.f32 [tilespmem:s8], [sflag:$0x8], $0x80, s14, s26, $0xb8;
	[tilespmem:$0x1FC00] =	vst v63  }
0x13f: {  	_ =	swait.ge [sflag:s15], $0x2800  }
0x140: {  	[sflag:s15] =	ssyncset.done $0x0  }
0x141: {  	[sflag:s15] =	ssyncadd.s32 $0xFFFFD800  }
0x142: {  	[tilespmem:s29], [sflag:$0x2] =	stream.indirect.gather [hbm4b:s4+s26], $0x80, s16, s26, $0xb8;
	[tilespmem:$0x1FC00] =	vst v63  }
.LBB2_10:
0x143: {  	_ =	swait.ge [sflag:s30], $0x2800  }
0x144: {  	s20 =	sshra.s32 s19, $0x2;
	[sflag:s30] =	ssyncset.done $0x0  }
0x145: {  	s21 =	sadd.s32 $0x1200, s20;
	[sflag:s30] =	ssyncadd.s32 $0xFFFFD800  }
0x146: {  	[spmem:s1] =	stream.indirect.scatter.add.f32 [tilespmem:s23], [sflag:$0x5], $0x80, s21, s26, $0xb8;
	[tilespmem:$0x1FC00] =	vst v63  }
0x147: {  	_ =	swait.ge [sflag:s17], $0x2800  }
0x148: {  	[sflag:s17] =	ssyncset.done $0x0  }
0x149: {  	s22 =	sadd.s32 $0x300, s20;
	[sflag:s17] =	ssyncadd.s32 $0xFFFFD800  }
0x14a: {  	[tilespmem:s0], [sflag:$0x3] =	stream.indirect.gather [hbm4b:s4+s26], $0x80, s22, s26, $0xb8;
	[tilespmem:$0x1FC00] =	vst v63  }
0x14b: {  	_ =	swait.ge [sflag:s2], $0x2800  }
0x14c: {  	[sflag:s2] =	ssyncset.done $0x0  }
0x14d: {  	s22 =	sadd.s32 $0x1280, s20;
	[sflag:s2] =	ssyncadd.s32 $0xFFFFD800  }
0x14e: {  	[spmem:s1] =	stream.indirect.scatter.add.f32 [tilespmem:s29], [sflag:$0x6], $0x80, s22, s26, $0xb8;
	[tilespmem:$0x1FC00] =	vst v63  }
0x14f: {  	_ =	swait.ge [sflag:s18], $0x2800  }
0x150: {  	[sflag:s18] =	ssyncset.done $0x0  }
0x151: {  	p0 =	seq.s32 s19, $0x3000;
	s22 =	sadd.s32 $0x380, s20;
	[sflag:s18] =	ssyncadd.s32 $0xFFFFD800  }
0x152: {  	[tilespmem:s8], [sflag:$0x4] =	stream.indirect.gather [hbm4b:s4+s26], $0x80, s22, s26, $0xb8;
	[tilespmem:$0x1FC00] =	vst v63  }
.Ltmp7:
0x153: {  	_ = 	snop;
	(pc) =	sbr.rel @p0 .LBB2_12-.Ltmp7, $4  }
0x154: {  	_ =	swait.ge [sflag:s9], $0x2800  }
0x155: {  	[sflag:s9] =	ssyncset.done $0x0  }
0x156: {  	s21 =	sadd.s32 $0x1380, s20;
	s22 =	sadd.s32 $0x1300, s20;
	[sflag:s9] =	ssyncadd.s32 $0xFFFFD800  }
0x157: {  	[spmem:s1] =	stream.indirect.scatter.add.f32 [tilespmem:s0], [sflag:$0x7], $0x80, s22, s26, $0xb8;
	[tilespmem:$0x1FC00] =	vst v63  }
0x158: {  	_ =	swait.ge [sflag:s11], $0x2800  }
0x159: {  	[sflag:s11] =	ssyncset.done $0x0  }
0x15a: {  	s22 =	sadd.s32 $0x400, s20;
	[sflag:s11] =	ssyncadd.s32 $0xFFFFD800  }
0x15b: {  	[tilespmem:s23], [sflag:$0x1] =	stream.indirect.gather [hbm4b:s4+s26], $0x80, s22, s26, $0xb8;
	[tilespmem:$0x1FC00] =	vst v63  }
0x15c: {  	_ =	swait.ge [sflag:s13], $0x2800  }
0x15d: {  	[sflag:s13] =	ssyncset.done $0x0  }
0x15e: {  	[sflag:s13] =	ssyncadd.s32 $0xFFFFD800  }
0x15f: {  	[spmem:s1] =	stream.indirect.scatter.add.f32 [tilespmem:s8], [sflag:$0x8], $0x80, s21, s26, $0xb8;
	[tilespmem:$0x1FC00] =	vst v63  }
.Ltmp8:
0x160: {  	_ = 	snop;
	(pc) =	sbr.rel .LBB2_10-.Ltmp8, $4  }
0x161: {  	_ =	swait.ge [sflag:s15], $0x2800  }
0x162: {  	[sflag:s15] =	ssyncset.done $0x0  }
0x163: {  	s19 =	sadd.s32 $0x800, s19;
	s22 =	sadd.s32 $0x480, s20;
	[sflag:s15] =	ssyncadd.s32 $0xFFFFD800  }
0x164: {  	[tilespmem:s29], [sflag:$0x2] =	stream.indirect.gather [hbm4b:s4+s26], $0x80, s22, s26, $0xb8;
	[tilespmem:$0x1FC00] =	vst v63  }
.LBB2_12:
0x165: {  	_ =	swait.ge [sflag:s13], $0x2800  }
0x166: {  	[sflag:s13] =	ssyncset.done $0x0  }
0x167: {  	[sflag:s13] =	ssyncadd.s32 $0xFFFFD800  }
0x168: {  	[spmem:s1] =	stream.indirect.scatter.add.f32 [tilespmem:s8], [sflag:$0x8], $0x80, s21, s26, $0xb8;
	[tilespmem:$0x1FC00] =	vst v63  }
0x169: {  	_ =	swait.ge [sflag:s11], $0x2800  }
0x16a: {  	[sflag:s11] =	ssyncset.done $0x0  }
0x16b: {  	[sflag:s11] =	ssyncadd.s32 $0xFFFFD800  }
0x16c: {  	_ =	swait.ge [sflag:s15], $0x2800  }
0x16d: {  	[sflag:s15] =	ssyncset.done $0x0  }
0x16e: {  	[sflag:s15] =	ssyncadd.s32 $0xFFFFD800  }
0x16f: {  	_ =	swait.ge [sflag:s17], $0x2800  }
0x170: {  	[sflag:s17] =	ssyncset.done $0x0  }
0x171: {  	[sflag:s17] =	ssyncadd.s32 $0xFFFFD800  }
0x172: {  	_ =	swait.ge [sflag:s18], $0x2800  }
0x173: {  	[sflag:s18] =	ssyncset.done $0x0  }
0x174: {  	s19 =	simm.s32 $0x0;
	s20 =	rddreg [dreg:$0x10];
	[sflag:s18] =	ssyncadd.s32 $0xFFFFD800  }
0x175: {  	[tilespmem:s19], [sflag:$0x9] =	stream.linear.gather [hbm4b:s20+s19], $0x1000, $0x38;
	[tilespmem:$0x1FC00] =	vst v63  }
0x176: {  	_ =	swait.ge [sflag:s24], $0x1000  }
0x177: {  	[sflag:s24] =	ssyncset.done $0x0  }
0x178: {  	s22 =	rddreg [dreg:$0x11];
	[sflag:s24] =	ssyncadd.s32 $0xFFFFF000  }
0x179: {  	[tilespmem:s25], [sflag:$0x9] =	stream.linear.gather [hbm4b:s22+s19], $0x1000, $0x38;
	[tilespmem:$0x1FC00] =	vst v63  }
0x17a: {  	_ =	swait.ge [sflag:s24], $0x1000  }
0x17b: {  	[sflag:s24] =	ssyncset.done $0x0  }
0x17c: {  	[sflag:s24] =	ssyncadd.s32 $0xFFFFF000  }
0x17d: {  	[tilespmem:s23], [sflag:$0x1] =	stream.indirect.gather [hbm4b:s4+s26], $0x80, s19, s26, $0xb8;
	[tilespmem:$0x1FC00] =	vst v63  }
0x17e: {  	_ = 	snop  }
0x17f: {  	[tilespmem:s29], [sflag:$0x2] =	stream.indirect.gather [hbm4b:s4+s26], $0x80, s28, s26, $0xb8;
	[tilespmem:$0x1FC00] =	vst v63  }
0x180: {  	_ =	swait.ge [sflag:s30], $0x2800  }
0x181: {  	[sflag:s30] =	ssyncset.done $0x0  }
0x182: {  	[sflag:s30] =	ssyncadd.s32 $0xFFFFD800  }
0x183: {  	[spmem:s1] =	stream.indirect.scatter.add.f32 [tilespmem:s23], [sflag:$0x5], $0x80, s25, s26, $0xb8;
	[tilespmem:$0x1FC00] =	vst v63  }
0x184: {  	_ = 	snop  }
0x185: {  	[tilespmem:s0], [sflag:$0x3] =	stream.indirect.gather [hbm4b:s4+s26], $0x80, s31, s26, $0xb8;
	[tilespmem:$0x1FC00] =	vst v63  }
0x186: {  	_ =	swait.ge [sflag:s2], $0x2800  }
0x187: {  	[sflag:s2] =	ssyncset.done $0x0  }
0x188: {  	[sflag:s2] =	ssyncadd.s32 $0xFFFFD800  }
0x189: {  	[spmem:s1] =	stream.indirect.scatter.add.f32 [tilespmem:s29], [sflag:$0x6], $0x80, s6, s26, $0xb8;
	[tilespmem:$0x1FC00] =	vst v63  }
0x18a: {  	_ = 	snop  }
0x18b: {  	[tilespmem:s8], [sflag:$0x4] =	stream.indirect.gather [hbm4b:s4+s26], $0x80, s7, s26, $0xb8;
	[tilespmem:$0x1FC00] =	vst v63  }
0x18c: {  	_ =	swait.ge [sflag:s9], $0x2800  }
0x18d: {  	[sflag:s9] =	ssyncset.done $0x0  }
0x18e: {  	[sflag:s9] =	ssyncadd.s32 $0xFFFFD800  }
0x18f: {  	[spmem:s1] =	stream.indirect.scatter.add.f32 [tilespmem:s0], [sflag:$0x7], $0x80, s10, s26, $0xb8;
	[tilespmem:$0x1FC00] =	vst v63  }
0x190: {  	_ =	swait.ge [sflag:s11], $0x2800  }
0x191: {  	[sflag:s11] =	ssyncset.done $0x0  }
0x192: {  	[sflag:s11] =	ssyncadd.s32 $0xFFFFD800  }
0x193: {  	[tilespmem:s23], [sflag:$0x1] =	stream.indirect.gather [hbm4b:s4+s26], $0x80, s12, s26, $0xb8;
	[tilespmem:$0x1FC00] =	vst v63  }
0x194: {  	_ =	swait.ge [sflag:s13], $0x2800  }
0x195: {  	[sflag:s13] =	ssyncset.done $0x0  }
0x196: {  	[sflag:s13] =	ssyncadd.s32 $0xFFFFD800  }
0x197: {  	[spmem:s1] =	stream.indirect.scatter.add.f32 [tilespmem:s8], [sflag:$0x8], $0x80, s14, s26, $0xb8;
	[tilespmem:$0x1FC00] =	vst v63  }
0x198: {  	_ =	swait.ge [sflag:s15], $0x2800  }
0x199: {  	[sflag:s15] =	ssyncset.done $0x0  }
0x19a: {  	[sflag:s15] =	ssyncadd.s32 $0xFFFFD800  }
0x19b: {  	[tilespmem:s29], [sflag:$0x2] =	stream.indirect.gather [hbm4b:s4+s26], $0x80, s16, s26, $0xb8;
	[tilespmem:$0x1FC00] =	vst v63  }
.LBB2_13:
0x19c: {  	_ =	swait.ge [sflag:s30], $0x2800  }
0x19d: {  	s20 =	sshra.s32 s19, $0x2;
	[sflag:s30] =	ssyncset.done $0x0  }
0x19e: {  	s21 =	sadd.s32 $0x1200, s20;
	[sflag:s30] =	ssyncadd.s32 $0xFFFFD800  }
0x19f: {  	[spmem:s1] =	stream.indirect.scatter.add.f32 [tilespmem:s23], [sflag:$0x5], $0x80, s21, s26, $0xb8;
	[tilespmem:$0x1FC00] =	vst v63  }
0x1a0: {  	_ =	swait.ge [sflag:s17], $0x2800  }
0x1a1: {  	[sflag:s17] =	ssyncset.done $0x0  }
0x1a2: {  	s22 =	sadd.s32 $0x300, s20;
	[sflag:s17] =	ssyncadd.s32 $0xFFFFD800  }
0x1a3: {  	[tilespmem:s0], [sflag:$0x3] =	stream.indirect.gather [hbm4b:s4+s26], $0x80, s22, s26, $0xb8;
	[tilespmem:$0x1FC00] =	vst v63  }
0x1a4: {  	_ =	swait.ge [sflag:s2], $0x2800  }
0x1a5: {  	[sflag:s2] =	ssyncset.done $0x0  }
0x1a6: {  	s22 =	sadd.s32 $0x1280, s20;
	[sflag:s2] =	ssyncadd.s32 $0xFFFFD800  }
0x1a7: {  	[spmem:s1] =	stream.indirect.scatter.add.f32 [tilespmem:s29], [sflag:$0x6], $0x80, s22, s26, $0xb8;
	[tilespmem:$0x1FC00] =	vst v63  }
0x1a8: {  	_ =	swait.ge [sflag:s18], $0x2800  }
0x1a9: {  	[sflag:s18] =	ssyncset.done $0x0  }
0x1aa: {  	p0 =	seq.s32 s19, $0x3000;
	s22 =	sadd.s32 $0x380, s20;
	[sflag:s18] =	ssyncadd.s32 $0xFFFFD800  }
0x1ab: {  	[tilespmem:s8], [sflag:$0x4] =	stream.indirect.gather [hbm4b:s4+s26], $0x80, s22, s26, $0xb8;
	[tilespmem:$0x1FC00] =	vst v63  }
.Ltmp9:
0x1ac: {  	_ = 	snop;
	(pc) =	sbr.rel @p0 .LBB2_15-.Ltmp9, $4  }
0x1ad: {  	_ =	swait.ge [sflag:s9], $0x2800  }
0x1ae: {  	[sflag:s9] =	ssyncset.done $0x0  }
0x1af: {  	s21 =	sadd.s32 $0x1380, s20;
	s22 =	sadd.s32 $0x1300, s20;
	[sflag:s9] =	ssyncadd.s32 $0xFFFFD800  }
0x1b0: {  	[spmem:s1] =	stream.indirect.scatter.add.f32 [tilespmem:s0], [sflag:$0x7], $0x80, s22, s26, $0xb8;
	[tilespmem:$0x1FC00] =	vst v63  }
0x1b1: {  	_ =	swait.ge [sflag:s11], $0x2800  }
0x1b2: {  	[sflag:s11] =	ssyncset.done $0x0  }
0x1b3: {  	s22 =	sadd.s32 $0x400, s20;
	[sflag:s11] =	ssyncadd.s32 $0xFFFFD800  }
0x1b4: {  	[tilespmem:s23], [sflag:$0x1] =	stream.indirect.gather [hbm4b:s4+s26], $0x80, s22, s26, $0xb8;
	[tilespmem:$0x1FC00] =	vst v63  }
0x1b5: {  	_ =	swait.ge [sflag:s13], $0x2800  }
0x1b6: {  	[sflag:s13] =	ssyncset.done $0x0  }
0x1b7: {  	[sflag:s13] =	ssyncadd.s32 $0xFFFFD800  }
0x1b8: {  	[spmem:s1] =	stream.indirect.scatter.add.f32 [tilespmem:s8], [sflag:$0x8], $0x80, s21, s26, $0xb8;
	[tilespmem:$0x1FC00] =	vst v63  }
.Ltmp10:
0x1b9: {  	_ = 	snop;
	(pc) =	sbr.rel .LBB2_13-.Ltmp10, $4  }
0x1ba: {  	_ =	swait.ge [sflag:s15], $0x2800  }
0x1bb: {  	[sflag:s15] =	ssyncset.done $0x0  }
0x1bc: {  	s19 =	sadd.s32 $0x800, s19;
	s22 =	sadd.s32 $0x480, s20;
	[sflag:s15] =	ssyncadd.s32 $0xFFFFD800  }
0x1bd: {  	[tilespmem:s29], [sflag:$0x2] =	stream.indirect.gather [hbm4b:s4+s26], $0x80, s22, s26, $0xb8;
	[tilespmem:$0x1FC00] =	vst v63  }
.LBB2_16:
0x1be: {  	_ =	sfence.sel $0x180000  }
0x1bf: {  	[bflag:$0x0] =	sbarrier.arrive $0xFFFF  }
0x1c0: {  	_ =	strace $0x9000004A  }
0x1c1: {  	s0 =	stileid.u32;
	[bflag:$0x2] =	sbarrier.arrive $0xFFFF  }
0x1c2: {  	p0 =	sne.s32 s0, $0x0;
	s0 =	rddreg [dreg:$0x2]  }
0x1c3: {  	s0 =	sadd.s32 @!p0 $0x100000, s0  }
0x1c4: {  	[sflag:s0] =	ssyncadd.tile.s32 @!p0 $0x1;
	_ =	shalt  }
.Lfunc_end2:
_tile_overlayer_lowered:
.L_overlay_start_2:
0x1c5: {  	(tag) =	ssettag $0x2  }
0x1c6: {  	s0 =	rddreg [dreg:$0x0];
	s2 =	stileid.u32  }
0x1c7: {  	s1 =	rddreg [dreg:$0x1];
	p0 =	sne.s32 s2, $0x0  }
0x1c8: {  	s3 =	rddreg [dreg:$0x2];
	[bflag:$0x3] =	sbarrier.arrive $0xFFFF;
	s2 =	simm.s32 @!p0 $0x1C09  }
0x1c9: {  	[timem:s3], [sflag:s2] =	dma.local @!p0 [hbm:s0], s1  }
0x1ca: {  	s0 =	simm.s32 @!p0 $0x9  }
0x1cb: {  	_ =	swait.ge @!p0 [sflag:s0], s1  }
0x1cc: {  	s1 =	ssub.s32 @!p0 $0x0, s1;
	[sflag:s0] =	ssyncset.done @!p0 $0x0  }
0x1cd: {  	[sflag:s0] =	ssyncadd.s32 @!p0 s1  }
0x1ce: {  	[bflag:$0x3] =	sbarrier.arrive $0xFFFF  }
0x1cf: {  	_ =	shalt  }

// kernel: kernel.7.cloned.1.call-start
scs
__scs_entry_jumppad:
0x0: {  	(pc) =	sbr.rel $0x88, $3  }
0x1: {  	(tag) =	ssettag $0x0;
	lr =	simm.s32 $0x1  }
0x2: {  	[smem:$0x3F90] =	sst lr;
	_ =	strace $0xD0000000  }
0x3: {  	_ = 	snop  }
0x4: {  	_ = 	snop  }
0x5: {  	_ = 	snop  }
0x6: {  	_ = 	snop  }
0x7: {  	_ = 	snop  }
__scs_overlays_trampoline_lowered:
0x8: {  	[smem:$0x3F9F] =	sst s0  }
0x9: {  	[smem:$0x3FA0] =	sst s1  }
0xa: {  	[smem:$0x3FA1] =	sst s2  }
0xb: {  	[smem:$0x3FA2] =	sst s3  }
0xc: {  	[smem:$0x3FA3] =	sst s4  }
0xd: {  	[smem:$0x3FA4] =	sst s5  }
0xe: {  	[smem:$0x3FA5] =	sst s6  }
0xf: {  	[smem:$0x3FA6] =	sst s7  }
0x10: {  	[smem:$0x3FA7] =	sst s8  }
0x11: {  	[smem:$0x3FA8] =	sst s9;
	s0 =	simm.s32 @!p0 $0x0  }
0x12: {  	s1 =	sld [smem:$0x3F8E];
	s0 =	simm.s32 @p0 $0x1  }
0x13: {  	[smem:$0x3FA9] =	sst s0;
	s0 =	simm.s32 @!p1 $0x0  }
0x14: {  	s2 =	sld [smem:$0x3F8D];
	s0 =	simm.s32 @p1 $0x1  }
0x15: {  	[smem:$0x3FAA] =	sst s0;
	s0 =	simm.s32 @!p2 $0x0  }
0x16: {  	s3 =	sld [smem:$0x3FDB];
	s0 =	simm.s32 @p2 $0x1  }
0x17: {  	s4 =	simm.s32 $0x1BF5;
	[smem:$0x3FAC] =	sst s0  }
0x18: {  	s0 =	sld [smem:$0x3F8F];
	_ =	swait.ge [sflag:s4], $0x0  }
0x19: {  	s7 =	sld [smem:$0x3F90]  }
0x1a: {  	s8 =	sadd.s32 $0xFFFFE003, lr  }
0x1b: {  	s9 =	sadd.s32 $0xFFFFFEF7, lr;
	s5 =	simm.s32 $0xFFFFFFFF;
	p2 =	slt.u32 s8, $0xFFFFF086  }
0x1c: {  	p1 =	slt.u32 s9, $0xF7A;
	s5 =	simm.s32 @!p2 $0x0  }
0x1d: {  	s5 =	simm.s32 @p1 $0x1;
	p0 =	seq.s32 s7, s2  }
0x1e: {  	s7 =	smul.u32 @!p0 $0xF7A, s2;
	p2 =	seq.s32 @!p0 s5, $0x0  }
0x1f: {  	s9 =	smul.u32 $0xF7A, s1;
	s8 =	simm.s32 @!p0 $0x1BF5;
	p2 =	por !p2, p0  }
0x20: {  	[sflag:s8] =	ssyncset.s32 @!p0 $0xFFFFF086;
	s6 =	sadd.s32 @!p0 s3, s7;
	s7 =	simm.s32 @!p0 $0x108  }
0x21: {  	s3 =	sadd.s32 s3, s9;
	s6 =	sadd.s32 @!p0 $0x88, s6;
	s7 =	simm.s32 @p2 $0x1082  }
0x22: {  	[simem:s7], [sflag:s8] =	dma.local @!p0 [hbm:s6], $0xF7A  }
0x23: {  	s9 =	sor.u32 $0xD0000000, s2;
	s6 =	simm.s32 $0x108;
	_ =	swait.ge @!p0 [sflag:s8], $0x0  }
0x24: {  	s3 =	sadd.s32 $0x88, s3;
	s6 =	simm.s32 @!p1 $0x1082;
	[sflag:s4] =	ssyncset.s32 $0xFFFFF086  }
0x25: {  	[simem:s6], [sflag:s4] =	dma.local [hbm:s3], $0xF7A  }
0x26: {  	[smem:$0x3F90] =	sst s1;
	(tag) =	ssettag s2;
	_ =	strace s9  }
0x27: {  	s1 =	sld [smem:$0x3FA0]  }
0x28: {  	s2 =	sld [smem:$0x3FA1]  }
0x29: {  	s4 =	sld [smem:$0x3FA3]  }
0x2a: {  	p0 =	seq.s32 s5, $0x0;
	s5 =	sld [smem:$0x3FA4]  }
0x2b: {  	s6 =	sld [smem:$0x3FA5]  }
0x2c: {  	s7 =	sld [smem:$0x3FA6]  }
0x2d: {  	s3 =	simm.s32 $0x108;
	s8 =	sld [smem:$0x3FA7]  }
0x2e: {  	s3 =	simm.s32 @!p0 $0x1082;
	s9 =	sld [smem:$0x3FA8]  }
0x2f: {  	lr =	sadd.s32 s0, s3;
	s0 =	sld [smem:$0x3F9F]  }
0x30: {  	s3 =	sld [smem:$0x3FA2]  }
0x31: {  	[smem:$0x3FAB] =	sst s10  }
0x32: {  	s10 =	sld [smem:$0x3FA9];
	_ =	sdelay $0x3  }
0x33: {  	p0 =	seq.s32 s10, $0x1;
	s10 =	sld [smem:$0x3FAB];
	_ =	sdelay $0x3  }
0x34: {  	[smem:$0x3FAB] =	sst s10  }
0x35: {  	s10 =	sld [smem:$0x3FAA];
	_ =	sdelay $0x3  }
0x36: {  	p1 =	seq.s32 s10, $0x1;
	s10 =	sld [smem:$0x3FAB];
	_ =	sdelay $0x3  }
0x37: {  	[smem:$0x3FAB] =	sst s10  }
0x38: {  	s10 =	sld [smem:$0x3FAC]  }
0x39: {  	_ = 	snop;
	(pc) =	sbr.ind lr, $3  }
0x3a: {  	_ = 	snop  }
0x3b: {  	_ = 	snop  }
0x3c: {  	p2 =	seq.s32 s10, $0x1;
	s10 =	sld [smem:$0x3FAB]  }
0x3d: {  	_ =	shalt  }
0x3e: {  	_ =	shalt  }
0x3f: {  	_ =	shalt  }
0x40: {  	_ =	shalt  }
0x41: {  	_ =	shalt  }
0x42: {  	_ =	shalt  }
0x43: {  	_ =	shalt  }
0x44: {  	_ =	shalt  }
0x45: {  	_ =	shalt  }
0x46: {  	_ =	shalt  }
0x47: {  	_ =	shalt  }
0x48: {  	_ =	shalt  }
0x49: {  	_ =	shalt  }
0x4a: {  	_ =	shalt  }
0x4b: {  	_ =	shalt  }
0x4c: {  	_ =	shalt  }
0x4d: {  	_ =	shalt  }
0x4e: {  	_ =	shalt  }
0x4f: {  	_ =	shalt  }
0x50: {  	_ =	shalt  }
0x51: {  	_ =	shalt  }
0x52: {  	_ =	shalt  }
0x53: {  	_ =	shalt  }
0x54: {  	_ =	shalt  }
0x55: {  	_ =	shalt  }
0x56: {  	_ =	shalt  }
0x57: {  	_ =	shalt  }
0x58: {  	_ =	shalt  }
0x59: {  	_ =	shalt  }
0x5a: {  	_ =	shalt  }
0x5b: {  	_ =	shalt  }
0x5c: {  	_ =	shalt  }
0x5d: {  	_ =	shalt  }
0x5e: {  	_ =	shalt  }
0x5f: {  	_ =	shalt  }
0x60: {  	_ =	shalt  }
0x61: {  	_ =	shalt  }
0x62: {  	_ =	shalt  }
0x63: {  	_ =	shalt  }
0x64: {  	_ =	shalt  }
0x65: {  	_ =	shalt  }
0x66: {  	_ =	shalt  }
0x67: {  	_ =	shalt  }
0x68: {  	_ =	shalt  }
0x69: {  	_ =	shalt  }
0x6a: {  	_ =	shalt  }
0x6b: {  	_ =	shalt  }
0x6c: {  	_ =	shalt  }
0x6d: {  	_ =	shalt  }
0x6e: {  	_ =	shalt  }
0x6f: {  	_ =	shalt  }
0x70: {  	_ =	shalt  }
0x71: {  	_ =	shalt  }
0x72: {  	_ =	shalt  }
0x73: {  	_ =	shalt  }
0x74: {  	_ =	shalt  }
0x75: {  	_ =	shalt  }
0x76: {  	_ =	shalt  }
0x77: {  	_ =	shalt  }
0x78: {  	_ =	shalt  }
0x79: {  	_ =	shalt  }
0x7a: {  	_ =	shalt  }
0x7b: {  	_ =	shalt  }
0x7c: {  	_ =	shalt  }
0x7d: {  	_ =	shalt  }
0x7e: {  	_ =	shalt  }
0x7f: {  	_ =	shalt  }
0x80: {  	_ =	shalt  }
0x81: {  	_ =	shalt  }
0x82: {  	_ =	shalt  }
0x83: {  	_ =	shalt  }
0x84: {  	_ =	shalt  }
0x85: {  	_ =	shalt  }
0x86: {  	_ =	shalt  }
0x87: {  	_ =	shalt  }
.Lfunc_end0:
.L_simem_size_0:
called_computation_lowered:
.L_overlay_start_0:
0x88: {  	s2 =	sld [smem:$0x3FD9]  }
0x89: {  	s3 =	sld [smem:$0x3FFE];
	_ =	sdelay $0x1  }
0x8a: {  	s1 =	srdreg.scid  }
0x8b: {  	s0 =	sand.u32 $0x1, s1  }
0x8c: {  	s16 =	sshll.u32 s0, $0xA;
	s2 =	sadd.s32 s3, s2  }
0x8d: {  	s2 =	sadd.s32 s2, s16  }
0x8e: {  	[smem:$0x3FB7] =	sst s2  }
0x8f: {  	_ = 	snop  }
0x90: {  	(tm) =	ssettm $0x1  }
0x91: {  	s17 =	sld [smem:$0x3FFB];
	_ =	sdelay $0x3  }
0x92: {  	_ =	strace s17  }
0x93: {  	s2 =	sld [smem:$0x3FFC];
	_ =	sdelay $0x3  }
0x94: {  	_ =	strace s2  }
0x95: {  	s2 =	sld [smem:$0x3FFD];
	_ =	sdelay $0x3  }
0x96: {  	_ =	strace s2  }
0x97: {  	_ =	strace $0x8FFFFFFF  }
0x98: {  	s18 =	sld [smem:$0x3FDB];
	_ =	sdelay $0x1  }
0x99: {  	s19 =	simm.s32 $_scs_section_size  }
0x9a: {  	s4 =	simm.s32 $_size__tile_overlayer_lowered;
	s5 =	simm.s32 $_tile_overlayer_lowered  }
0x9b: {  	s22 =	simm.s32 $0x1BFF;
	s21 =	sshll.u32 s5, $0x1;
	s2 =	sadd.s32 s19, s18  }
0x9c: {  	s6 =	simm.s32 $0x0;
	s20 =	sshll.u32 s4, $0x1;
	s4 =	sadd.s32 s21, s2  }
0x9d: {  	[timem:s6], [sflag:s22] =	dma.local [hbm:s4], s20  }
0x9e: {  	_ =	swait.ge [sflag:s22], s20  }
0x9f: {  	s3 =	ssub.s32 $0x0, s20;
	[sflag:s22] =	ssyncset.done $0x0  }
0xa0: {  	[sflag:s22] =	ssyncadd.s32 s3;
	_ =	sdelay $0x1  }
0xa1: {  	s23 =	simm.s32 $0x1B8B  }
0xa2: {  	_ =	swait.ge [sflag:s23], $0x1  }
0xa3: {  	[sflag:s23] =	ssyncset.done $0x0  }
0xa4: {  	s25 =	simm.s32 $0x1B8E;
	s24 =	sld [smem:$0x3FFE];
	[sflag:s23] =	ssyncadd.s32 $0xFFFFFFFF  }
0xa5: {  	s26 =	simm.s32 $execute0_lowered;
	[smem:$0x3FD2] =	sst s25  }
0xa6: {  	s4 =	sshll.u32 s26, $0x1;
	_ =	strace $0x80000046;
	[dreg:$0x1] =	wrdreg $0xFFFFFFFF  }
0xa7: {  	s28 =	simm.s32 $_size_execute0_lowered;
	s2 =	sadd.s32 s2, s4;
	[dreg:$0x0] =	wrdreg $0x0  }
0xa8: {  	s4 =	sshll.u32 s28, $0x1;
	[dreg:$0x2] =	wrdreg s2  }
0xa9: {  	[dreg:$0x3] =	wrdreg s4  }
0xaa: {  	[dreg:$0x4] =	wrdreg $0xC0  }
0xab: {  	_ =	task [dreg:s6], $0x5FFFF  }
0xac: {  	[dreg:$0x1] =	wrdreg $0xFFFFFFFF  }
0xad: {  	[dreg:$0x0] =	wrdreg $0x60  }
0xae: {  	[dreg:$0x2] =	wrdreg s24  }
0xaf: {  	[dreg:$0x3] =	wrdreg $0xC0000  }
0xb0: {  	[dreg:$0x4] =	wrdreg $0x9  }
0xb1: {  	_ =	task.clear_ibuf [dreg:s6], $0x5FFFF;
	_ =	strace $0x90000046  }
0xb2: {  	s29 =	simm.s32 $0x9;
	_ =	strace $0x80000048  }
0xb3: {  	_ =	swait.ge [sflag:s29], $0x1  }
0xb4: {  	[sflag:s29] =	ssyncadd.s32 $0xFFFFFFFF  }
0xb5: {  	_ =	strace $0x90000048  }
0xb6: {  	_ =	sfence  }
0xb7: {  	s30 =	sld [smem:$0x0];
	_ =	sdelay $0x2  }
0xb8: {  	s31 =	sshll.u32 s1, $0xD;
	s1 =	sshrl.u32 s1, $0x2  }
0xb9: {  	s3 =	sand.u32 $0x4000, s31;
	s1 =	sadd.s32 s1, s30  }
0xba: {  	s0 =	sor.u32 s3, s0;
	s1 =	sshll.u32 s1, $0x11  }
0xbb: {  	s0 =	sor.u32 s1, s0  }
0xbc: {  	s0 =	sadd.s32 $0x8F2B, s0  }
0xbd: {  	[sflag:s0] =	ssyncadd.remote.s32 $0x1  }
0xbe: {  	_ =	sfence.sel $0xFFFF  }
0xbf: {  	[dreg:$0x0] =	wrdreg $0xFFFFFFFF;
	(pc) =	sbr.abs _section_cstart, $3  }
0xc0: {  	[dreg:$0x1] =	wrdreg $0xFFFFFFFF  }
0xc1: {  	_ =	task.clear_ibuf [dreg:s6], $0x2FFFF;
	_ =	strace $0x9FFFFFFF  }
0xc2: {  	(tm) =	ssettm $0x7FFFFFFF  }
0xc3: {  	_ =	shalt  }
tec
execute0_lowered:
.L_overlay_start_1:
0x0: {  	(tag) =	ssettag $0x1  }
0x1: {  	s0 =	rddreg [dreg:$0x0]  }
0x2: {  	s1 =	rddreg [dreg:$0x1];
	s3 =	simm.s32 $0x0;
	s2 =	srdreg.scid  }
0x3: {  	s8 =	stileid.u32;
	s28 =	simm.s32 $0x80;
	s29 =	simm.s32 $0x4800  }
0x4: {  	s30 =	simm.s32 $0x1;
	s31 =	simm.s32 $0x100;
	[smem:$0x7FF] =	sst s3  }
0x5: {  	s2 =	sand.u32 $0x1, s2;
	s5 =	sshll.u32 s8, $0xB;
	s6 =	smul.u32 $0x2780, s8  }
0x6: {  	s8 =	smul.u32 $0x4F000, s8;
	s4 =	sshll.u32 s2, $0xF;
	_ =	strace $0x80000047  }
0x7: {  	s9 =	smul.u32 $0x27800, s2;
	s10 =	sadd.s32 s5, s0;
	s2 =	ssub.s32 $0x2, s2  }
0x8: {  	s7 =	sor.u32 s5, s4;
	s4 =	sadd.s32 $0x1AA00, s0;
	s19 =	sadd.s32 $0x12A00, s10  }
0x9: {  	s8 =	sshrl.u32 s8, $0x2;
	s21 =	sadd.s32 $0x12C00, s10;
	[dreg:$0xb] =	wrdreg s19  }
0xa: {  	s23 =	sadd.s32 $0x12E00, s10;
	s25 =	sadd.s32 $0x13000, s10;
	[dreg:$0xd] =	wrdreg s21  }
0xb: {  	s10 =	simm.s32 $0x1100;
	s5 =	sadd.s32 s8, s1;
	[dreg:$0xf] =	wrdreg s23  }
0xc: {  	s7 =	sadd.s32 s7, s0;
	[dreg:$0x11] =	wrdreg s25;
	s11 =	sadd.s32 $0x2800, s5  }
0xd: {  	s6 =	sadd.s32 s6, s9;
	s12 =	sadd.s32 $0x5000, s5;
	[dreg:$0x3] =	wrdreg s11  }
0xe: {  	s9 =	sshrl.u32 s2, $0x1;
	s13 =	sadd.s32 $0x7800, s5;
	[dreg:$0x4] =	wrdreg s12  }
0xf: {  	s23 =	simm.s32 $0x2000;
	s14 =	sadd.s32 $0xA000, s5;
	[dreg:$0x5] =	wrdreg s13  }
0x10: {  	s25 =	simm.s32 $0x1000;
	s15 =	sadd.s32 $0xC800, s5;
	[dreg:$0x6] =	wrdreg s14  }
0x11: {  	s8 =	simm.s32 $0x9800;
	s16 =	sadd.s32 $0xF000, s5;
	[dreg:$0x7] =	wrdreg s15  }
0x12: {  	s0 =	sadd.s32 s6, s0;
	s17 =	sadd.s32 $0x11800, s5;
	[dreg:$0x8] =	wrdreg s16  }
0x13: {  	s2 =	ssub.s32 s2, s9;
	s18 =	sadd.s32 $0x2A00, s7;
	[dreg:$0x9] =	wrdreg s17  }
0x14: {  	s20 =	sadd.s32 $0x2C00, s7;
	s22 =	sadd.s32 $0x2E00, s7;
	[dreg:$0xa] =	wrdreg s18  }
0x15: {  	s24 =	sadd.s32 $0x3000, s7;
	s6 =	simm.s32 $0x1080;
	[dreg:$0xc] =	wrdreg s20  }
0x16: {  	s7 =	simm.s32 $0x180;
	s9 =	simm.s32 $0x3;
	[dreg:$0xe] =	wrdreg s22  }
0x17: {  	[dreg:$0x10] =	wrdreg s24;
	s0 =	sadd.s32 $0x68C00, s0;
	s26 =	smax.u32 s2, $0x1  }
.Ltmp0:
0x18: {  	s24 =	simm.s32 $0x9;
	s2 =	simm.s32 $0x2;
	(pc) =	sbr.rel .LBB2_1-.Ltmp0, $4  }
0x19: {  	s11 =	simm.s32 $0x5;
	s12 =	simm.s32 $0x200;
	s13 =	simm.s32 $0x4  }
0x1a: {  	s14 =	simm.s32 $0x1180;
	s15 =	simm.s32 $0x6;
	s16 =	simm.s32 $0x280  }
0x1b: {  	s17 =	simm.s32 $0x7;
	s18 =	simm.s32 $0x8;
	[dreg:$0x12] =	wrdreg s0  }
0x1c: {  	v0 =	vimm.f32 $0.0e+00;
	[dreg:$0x13] =	wrdreg s26;
	s26 =	simm.s32 $0x50;
	s0 =	simm.s32 $0x7000  }
.LBB2_15:
0x1d: {  	_ =	swait.ge [sflag:s13], $0x2800  }
0x1e: {  	[sflag:s13] =	ssyncset.done $0x0  }
0x1f: {  	[sflag:s13] =	ssyncadd.s32 $0xFFFFD800  }
0x20: {  	[spmem:s1] =	stream.indirect.scatter.add.f32 [tilespmem:s8], [sflag:$0x8], $0x80, s21, s26, $0xb8;
	[tilespmem:$0x1FC00] =	vst v63  }
0x21: {  	_ =	swait.ge [sflag:s11], $0x2800  }
0x22: {  	[sflag:s11] =	ssyncset.done $0x0  }
0x23: {  	[sflag:s11] =	ssyncadd.s32 $0xFFFFD800  }
0x24: {  	_ =	swait.ge [sflag:s15], $0x2800  }
0x25: {  	[sflag:s15] =	ssyncset.done $0x0  }
0x26: {  	[sflag:s15] =	ssyncadd.s32 $0xFFFFD800  }
0x27: {  	_ =	swait.ge [sflag:s17], $0x2800  }
0x28: {  	[sflag:s17] =	ssyncset.done $0x0  }
0x29: {  	[sflag:s17] =	ssyncadd.s32 $0xFFFFD800  }
0x2a: {  	_ =	swait.ge [sflag:s18], $0x2800  }
0x2b: {  	[sflag:s18] =	ssyncset.done $0x0  }
0x2c: {  	s19 =	stileid.u32;
	[sflag:s18] =	ssyncadd.s32 $0xFFFFD800  }
0x2d: {  	s19 =	sshll.u32 s19, $0x6;
	[bflag:$0x0] =	sbarrier.arrive $0xFFFF  }
0x2e: {  	s20 =	sshrl.u32 s5, $0x3;
	s19 =	sor.u32 $0x1C09, s19;
	s22 =	rddreg [dreg:$0x12]  }
0x2f: {  	[hbm:s22], [sflag:s19] =	dma.local [spmem:s20], $0x2780  }
0x30: {  	_ =	swait.ge [sflag:s24], $0x2780  }
0x31: {  	s3 =	sadd.s32 $0x1, s3;
	s22 =	rddreg [dreg:$0x13]  }
0x32: {  	p0 =	sne.s32 s3, s22  }
.Ltmp1:
0x33: {  	_ = 	snop;
	(pc) =	sbr.rel @!p0 .LBB2_16-.Ltmp1, $3  }
0x34: {  	_ =	sdelay $0x1  }
0x35: {  	[sflag:s24] =	ssyncset.done $0x0  }
0x36: {  	[sflag:s24] =	ssyncadd.s32 $0xFFFFD880  }
.LBB2_1:
0x37: {  	s19 =	simm.s32 $0x0;
	s20 =	simm.s32 $0x200  }
.LBB2_2:
0x38: {  	p0 =	sne.s32 s20, $0x9E00;
	[tilespmem:s19+$0x2070] =	vst v0  }
0x39: {  	[tilespmem:s19+$0x2000] =	vst v0  }
0x3a: {  	[tilespmem:s19+$0x2010] =	vst v0  }
.Ltmp2:
0x3b: {  	[tilespmem:s19+$0x2020] =	vst v0;
	(pc) =	sbr.rel @p0 .LBB2_2-.Ltmp2, $4  }
0x3c: {  	[tilespmem:s19+$0x2030] =	vst v0  }
0x3d: {  	[tilespmem:s19+$0x2040] =	vst v0  }
0x3e: {  	[tilespmem:s19+$0x2050] =	vst v0  }
0x3f: {  	[tilespmem:s19+$0x2060] =	vst v0;
	s19 =	sshra.s32 s20, $0x2;
	s20 =	sadd.s32 $0x200, s20  }
0x40: {  	[tilespmem:s19+$0x2070] =	vst v0  }
0x41: {  	[tilespmem:s19+$0x2000] =	vst v0  }
0x42: {  	[tilespmem:s19+$0x2010] =	vst v0  }
0x43: {  	[tilespmem:s19+$0x2020] =	vst v0  }
0x44: {  	[tilespmem:s19+$0x2030] =	vst v0  }
0x45: {  	[tilespmem:s19+$0x2040] =	vst v0  }
0x46: {  	[tilespmem:s19+$0x2050] =	vst v0  }
0x47: {  	[tilespmem:s19+$0x2060] =	vst v0  }
0x48: {  	[spmem:s5] =	stream.linear.scatter [tilespmem:s23], [sflag:$0x9], $0x2800, $0x38;
	[tilespmem:$0x1FC00] =	vst v63  }
0x49: {  	_ =	swait.ge [sflag:s24], $0x2800  }
0x4a: {  	[sflag:s24] =	ssyncset.done $0x0  }
0x4b: {  	s21 =	rddreg [dreg:$0x3];
	[sflag:s24] =	ssyncadd.s32 $0xFFFFD800  }
0x4c: {  	[spmem:s21] =	stream.linear.scatter [tilespmem:s23], [sflag:$0x9], $0x2800, $0x38;
	[tilespmem:$0x1FC00] =	vst v63  }
0x4d: {  	_ =	swait.ge [sflag:s24], $0x2800  }
0x4e: {  	[sflag:s24] =	ssyncset.done $0x0  }
0x4f: {  	s22 =	rddreg [dreg:$0x4];
	[sflag:s24] =	ssyncadd.s32 $0xFFFFD800  }
0x50: {  	[spmem:s22] =	stream.linear.scatter [tilespmem:s23], [sflag:$0x9], $0x2800, $0x38;
	[tilespmem:$0x1FC00] =	vst v63  }
0x51: {  	_ =	swait.ge [sflag:s24], $0x2800  }
0x52: {  	[sflag:s24] =	ssyncset.done $0x0  }
0x53: {  	s20 =	rddreg [dreg:$0x5];
	[sflag:s24] =	ssyncadd.s32 $0xFFFFD800  }
0x54: {  	[spmem:s20] =	stream.linear.scatter [tilespmem:s23], [sflag:$0x9], $0x2800, $0x38;
	[tilespmem:$0x1FC00] =	vst v63  }
0x55: {  	_ =	swait.ge [sflag:s24], $0x2800  }
0x56: {  	[sflag:s24] =	ssyncset.done $0x0  }
0x57: {  	s21 =	rddreg [dreg:$0x6];
	[sflag:s24] =	ssyncadd.s32 $0xFFFFD800  }
0x58: {  	[spmem:s21] =	stream.linear.scatter [tilespmem:s23], [sflag:$0x9], $0x2800, $0x38;
	[tilespmem:$0x1FC00] =	vst v63  }
0x59: {  	_ =	swait.ge [sflag:s24], $0x2800  }
0x5a: {  	[sflag:s24] =	ssyncset.done $0x0  }
0x5b: {  	s22 =	rddreg [dreg:$0x7];
	[sflag:s24] =	ssyncadd.s32 $0xFFFFD800  }
0x5c: {  	[spmem:s22] =	stream.linear.scatter [tilespmem:s23], [sflag:$0x9], $0x2800, $0x38;
	[tilespmem:$0x1FC00] =	vst v63  }
0x5d: {  	_ =	swait.ge [sflag:s24], $0x2800  }
0x5e: {  	[sflag:s24] =	ssyncset.done $0x0  }
0x5f: {  	s20 =	rddreg [dreg:$0x8];
	[sflag:s24] =	ssyncadd.s32 $0xFFFFD800  }
0x60: {  	[spmem:s20] =	stream.linear.scatter [tilespmem:s23], [sflag:$0x9], $0x2800, $0x38;
	[tilespmem:$0x1FC00] =	vst v63  }
0x61: {  	_ =	swait.ge [sflag:s24], $0x2800  }
0x62: {  	[sflag:s24] =	ssyncset.done $0x0  }
0x63: {  	s21 =	rddreg [dreg:$0x9];
	[sflag:s24] =	ssyncadd.s32 $0xFFFFD800  }
0x64: {  	[spmem:s21] =	stream.linear.scatter [tilespmem:s23], [sflag:$0x9], $0x2400, $0x38;
	[tilespmem:$0x1FC00] =	vst v63  }
0x65: {  	_ =	swait.ge [sflag:s24], $0x2400  }
0x66: {  	[sflag:s24] =	ssyncset.done $0x0  }
0x67: {  	[sflag:s24] =	ssyncadd.s32 $0xFFFFDC00  }
0x68: {  	[bflag:$0x0] =	sbarrier.arrive $0xFFFF  }
0x69: {  	s19 =	simm.s32 $0x0;
	s20 =	rddreg [dreg:$0xa]  }
0x6a: {  	[tilespmem:s19], [sflag:$0x9] =	stream.linear.gather [hbm4b:s20+s19], $0x1000, $0x38;
	[tilespmem:$0x1FC00] =	vst v63  }
0x6b: {  	_ =	swait.ge [sflag:s24], $0x1000  }
0x6c: {  	[sflag:s24] =	ssyncset.done $0x0  }
0x6d: {  	s22 =	rddreg [dreg:$0xb];
	[sflag:s24] =	ssyncadd.s32 $0xFFFFF000  }
0x6e: {  	[tilespmem:s25], [sflag:$0x9] =	stream.linear.gather [hbm4b:s22+s19], $0x1000, $0x38;
	[tilespmem:$0x1FC00] =	vst v63  }
0x6f: {  	_ =	swait.ge [sflag:s24], $0x1000  }
0x70: {  	[sflag:s24] =	ssyncset.done $0x0  }
0x71: {  	[sflag:s24] =	ssyncadd.s32 $0xFFFFF000  }
0x72: {  	[tilespmem:s23], [sflag:$0x1] =	stream.indirect.gather [hbm4b:s4+s26], $0x80, s19, s26, $0xb8;
	[tilespmem:$0x1FC00] =	vst v63  }
0x73: {  	_ = 	snop  }
0x74: {  	[tilespmem:s29], [sflag:$0x2] =	stream.indirect.gather [hbm4b:s4+s26], $0x80, s28, s26, $0xb8;
	[tilespmem:$0x1FC00] =	vst v63  }
0x75: {  	_ =	swait.ge [sflag:s30], $0x2800  }
0x76: {  	[sflag:s30] =	ssyncset.done $0x0  }
0x77: {  	[sflag:s30] =	ssyncadd.s32 $0xFFFFD800  }
0x78: {  	[spmem:s1] =	stream.indirect.scatter.add.f32 [tilespmem:s23], [sflag:$0x5], $0x80, s25, s26, $0xb8;
	[tilespmem:$0x1FC00] =	vst v63  }
0x79: {  	_ = 	snop  }
0x7a: {  	[tilespmem:s0], [sflag:$0x3] =	stream.indirect.gather [hbm4b:s4+s26], $0x80, s31, s26, $0xb8;
	[tilespmem:$0x1FC00] =	vst v63  }
0x7b: {  	_ =	swait.ge [sflag:s2], $0x2800  }
0x7c: {  	[sflag:s2] =	ssyncset.done $0x0  }
0x7d: {  	[sflag:s2] =	ssyncadd.s32 $0xFFFFD800  }
0x7e: {  	[spmem:s1] =	stream.indirect.scatter.add.f32 [tilespmem:s29], [sflag:$0x6], $0x80, s6, s26, $0xb8;
	[tilespmem:$0x1FC00] =	vst v63  }
0x7f: {  	_ = 	snop  }
0x80: {  	[tilespmem:s8], [sflag:$0x4] =	stream.indirect.gather [hbm4b:s4+s26], $0x80, s7, s26, $0xb8;
	[tilespmem:$0x1FC00] =	vst v63  }
0x81: {  	_ =	swait.ge [sflag:s9], $0x2800  }
0x82: {  	[sflag:s9] =	ssyncset.done $0x0  }
0x83: {  	[sflag:s9] =	ssyncadd.s32 $0xFFFFD800  }
0x84: {  	[spmem:s1] =	stream.indirect.scatter.add.f32 [tilespmem:s0], [sflag:$0x7], $0x80, s10, s26, $0xb8;
	[tilespmem:$0x1FC00] =	vst v63  }
0x85: {  	_ =	swait.ge [sflag:s11], $0x2800  }
0x86: {  	[sflag:s11] =	ssyncset.done $0x0  }
0x87: {  	[sflag:s11] =	ssyncadd.s32 $0xFFFFD800  }
0x88: {  	[tilespmem:s23], [sflag:$0x1] =	stream.indirect.gather [hbm4b:s4+s26], $0x80, s12, s26, $0xb8;
	[tilespmem:$0x1FC00] =	vst v63  }
0x89: {  	_ =	swait.ge [sflag:s13], $0x2800  }
0x8a: {  	[sflag:s13] =	ssyncset.done $0x0  }
0x8b: {  	[sflag:s13] =	ssyncadd.s32 $0xFFFFD800  }
0x8c: {  	[spmem:s1] =	stream.indirect.scatter.add.f32 [tilespmem:s8], [sflag:$0x8], $0x80, s14, s26, $0xb8;
	[tilespmem:$0x1FC00] =	vst v63  }
0x8d: {  	_ =	swait.ge [sflag:s15], $0x2800  }
0x8e: {  	[sflag:s15] =	ssyncset.done $0x0  }
0x8f: {  	[sflag:s15] =	ssyncadd.s32 $0xFFFFD800  }
0x90: {  	[tilespmem:s29], [sflag:$0x2] =	stream.indirect.gather [hbm4b:s4+s26], $0x80, s16, s26, $0xb8;
	[tilespmem:$0x1FC00] =	vst v63  }
.LBB2_4:
0x91: {  	_ =	swait.ge [sflag:s30], $0x2800  }
0x92: {  	s20 =	sshra.s32 s19, $0x2;
	[sflag:s30] =	ssyncset.done $0x0  }
0x93: {  	s21 =	sadd.s32 $0x1200, s20;
	[sflag:s30] =	ssyncadd.s32 $0xFFFFD800  }
0x94: {  	[spmem:s1] =	stream.indirect.scatter.add.f32 [tilespmem:s23], [sflag:$0x5], $0x80, s21, s26, $0xb8;
	[tilespmem:$0x1FC00] =	vst v63  }
0x95: {  	_ =	swait.ge [sflag:s17], $0x2800  }
0x96: {  	[sflag:s17] =	ssyncset.done $0x0  }
0x97: {  	s22 =	sadd.s32 $0x300, s20;
	[sflag:s17] =	ssyncadd.s32 $0xFFFFD800  }
0x98: {  	[tilespmem:s0], [sflag:$0x3] =	stream.indirect.gather [hbm4b:s4+s26], $0x80, s22, s26, $0xb8;
	[tilespmem:$0x1FC00] =	vst v63  }
0x99: {  	_ =	swait.ge [sflag:s2], $0x2800  }
0x9a: {  	[sflag:s2] =	ssyncset.done $0x0  }
0x9b: {  	s22 =	sadd.s32 $0x1280, s20;
	[sflag:s2] =	ssyncadd.s32 $0xFFFFD800  }
0x9c: {  	[spmem:s1] =	stream.indirect.scatter.add.f32 [tilespmem:s29], [sflag:$0x6], $0x80, s22, s26, $0xb8;
	[tilespmem:$0x1FC00] =	vst v63  }
0x9d: {  	_ =	swait.ge [sflag:s18], $0x2800  }
0x9e: {  	[sflag:s18] =	ssyncset.done $0x0  }
0x9f: {  	p0 =	seq.s32 s19, $0x3000;
	s22 =	sadd.s32 $0x380, s20;
	[sflag:s18] =	ssyncadd.s32 $0xFFFFD800  }
0xa0: {  	[tilespmem:s8], [sflag:$0x4] =	stream.indirect.gather [hbm4b:s4+s26], $0x80, s22, s26, $0xb8;
	[tilespmem:$0x1FC00] =	vst v63  }
.Ltmp3:
0xa1: {  	_ = 	snop;
	(pc) =	sbr.rel @p0 .LBB2_6-.Ltmp3, $4  }
0xa2: {  	_ =	swait.ge [sflag:s9], $0x2800  }
0xa3: {  	[sflag:s9] =	ssyncset.done $0x0  }
0xa4: {  	s21 =	sadd.s32 $0x1380, s20;
	s22 =	sadd.s32 $0x1300, s20;
	[sflag:s9] =	ssyncadd.s32 $0xFFFFD800  }
0xa5: {  	[spmem:s1] =	stream.indirect.scatter.add.f32 [tilespmem:s0], [sflag:$0x7], $0x80, s22, s26, $0xb8;
	[tilespmem:$0x1FC00] =	vst v63  }
0xa6: {  	_ =	swait.ge [sflag:s11], $0x2800  }
0xa7: {  	[sflag:s11] =	ssyncset.done $0x0  }
0xa8: {  	s22 =	sadd.s32 $0x400, s20;
	[sflag:s11] =	ssyncadd.s32 $0xFFFFD800  }
0xa9: {  	[tilespmem:s23], [sflag:$0x1] =	stream.indirect.gather [hbm4b:s4+s26], $0x80, s22, s26, $0xb8;
	[tilespmem:$0x1FC00] =	vst v63  }
0xaa: {  	_ =	swait.ge [sflag:s13], $0x2800  }
0xab: {  	[sflag:s13] =	ssyncset.done $0x0  }
0xac: {  	[sflag:s13] =	ssyncadd.s32 $0xFFFFD800  }
0xad: {  	[spmem:s1] =	stream.indirect.scatter.add.f32 [tilespmem:s8], [sflag:$0x8], $0x80, s21, s26, $0xb8;
	[tilespmem:$0x1FC00] =	vst v63  }
.Ltmp4:
0xae: {  	_ = 	snop;
	(pc) =	sbr.rel .LBB2_4-.Ltmp4, $4  }
0xaf: {  	_ =	swait.ge [sflag:s15], $0x2800  }
0xb0: {  	[sflag:s15] =	ssyncset.done $0x0  }
0xb1: {  	s19 =	sadd.s32 $0x800, s19;
	s22 =	sadd.s32 $0x480, s20;
	[sflag:s15] =	ssyncadd.s32 $0xFFFFD800  }
0xb2: {  	[tilespmem:s29], [sflag:$0x2] =	stream.indirect.gather [hbm4b:s4+s26], $0x80, s22, s26, $0xb8;
	[tilespmem:$0x1FC00] =	vst v63  }
.LBB2_6:
0xb3: {  	_ =	swait.ge [sflag:s13], $0x2800  }
0xb4: {  	[sflag:s13] =	ssyncset.done $0x0  }
0xb5: {  	[sflag:s13] =	ssyncadd.s32 $0xFFFFD800  }
0xb6: {  	[spmem:s1] =	stream.indirect.scatter.add.f32 [tilespmem:s8], [sflag:$0x8], $0x80, s21, s26, $0xb8;
	[tilespmem:$0x1FC00] =	vst v63  }
0xb7: {  	_ =	swait.ge [sflag:s11], $0x2800  }
0xb8: {  	[sflag:s11] =	ssyncset.done $0x0  }
0xb9: {  	[sflag:s11] =	ssyncadd.s32 $0xFFFFD800  }
0xba: {  	_ =	swait.ge [sflag:s15], $0x2800  }
0xbb: {  	[sflag:s15] =	ssyncset.done $0x0  }
0xbc: {  	[sflag:s15] =	ssyncadd.s32 $0xFFFFD800  }
0xbd: {  	_ =	swait.ge [sflag:s17], $0x2800  }
0xbe: {  	[sflag:s17] =	ssyncset.done $0x0  }
0xbf: {  	[sflag:s17] =	ssyncadd.s32 $0xFFFFD800  }
0xc0: {  	_ =	swait.ge [sflag:s18], $0x2800  }
0xc1: {  	[sflag:s18] =	ssyncset.done $0x0  }
0xc2: {  	s19 =	simm.s32 $0x0;
	s20 =	rddreg [dreg:$0xc];
	[sflag:s18] =	ssyncadd.s32 $0xFFFFD800  }
0xc3: {  	[tilespmem:s19], [sflag:$0x9] =	stream.linear.gather [hbm4b:s20+s19], $0x1000, $0x38;
	[tilespmem:$0x1FC00] =	vst v63  }
0xc4: {  	_ =	swait.ge [sflag:s24], $0x1000  }
0xc5: {  	[sflag:s24] =	ssyncset.done $0x0  }
0xc6: {  	s22 =	rddreg [dreg:$0xd];
	[sflag:s24] =	ssyncadd.s32 $0xFFFFF000  }
0xc7: {  	[tilespmem:s25], [sflag:$0x9] =	stream.linear.gather [hbm4b:s22+s19], $0x1000, $0x38;
	[tilespmem:$0x1FC00] =	vst v63  }
0xc8: {  	_ =	swait.ge [sflag:s24], $0x1000  }
0xc9: {  	[sflag:s24] =	ssyncset.done $0x0  }
0xca: {  	[sflag:s24] =	ssyncadd.s32 $0xFFFFF000  }
0xcb: {  	[tilespmem:s23], [sflag:$0x1] =	stream.indirect.gather [hbm4b:s4+s26], $0x80, s19, s26, $0xb8;
	[tilespmem:$0x1FC00] =	vst v63  }
0xcc: {  	_ = 	snop  }
0xcd: {  	[tilespmem:s29], [sflag:$0x2] =	stream.indirect.gather [hbm4b:s4+s26], $0x80, s28, s26, $0xb8;
	[tilespmem:$0x1FC00] =	vst v63  }
0xce: {  	_ =	swait.ge [sflag:s30], $0x2800  }
0xcf: {  	[sflag:s30] =	ssyncset.done $0x0  }
0xd0: {  	[sflag:s30] =	ssyncadd.s32 $0xFFFFD800  }
0xd1: {  	[spmem:s1] =	stream.indirect.scatter.add.f32 [tilespmem:s23], [sflag:$0x5], $0x80, s25, s26, $0xb8;
	[tilespmem:$0x1FC00] =	vst v63  }
0xd2: {  	_ = 	snop  }
0xd3: {  	[tilespmem:s0], [sflag:$0x3] =	stream.indirect.gather [hbm4b:s4+s26], $0x80, s31, s26, $0xb8;
	[tilespmem:$0x1FC00] =	vst v63  }
0xd4: {  	_ =	swait.ge [sflag:s2], $0x2800  }
0xd5: {  	[sflag:s2] =	ssyncset.done $0x0  }
0xd6: {  	[sflag:s2] =	ssyncadd.s32 $0xFFFFD800  }
0xd7: {  	[spmem:s1] =	stream.indirect.scatter.add.f32 [tilespmem:s29], [sflag:$0x6], $0x80, s6, s26, $0xb8;
	[tilespmem:$0x1FC00] =	vst v63  }
0xd8: {  	_ = 	snop  }
0xd9: {  	[tilespmem:s8], [sflag:$0x4] =	stream.indirect.gather [hbm4b:s4+s26], $0x80, s7, s26, $0xb8;
	[tilespmem:$0x1FC00] =	vst v63  }
0xda: {  	_ =	swait.ge [sflag:s9], $0x2800  }
0xdb: {  	[sflag:s9] =	ssyncset.done $0x0  }
0xdc: {  	[sflag:s9] =	ssyncadd.s32 $0xFFFFD800  }
0xdd: {  	[spmem:s1] =	stream.indirect.scatter.add.f32 [tilespmem:s0], [sflag:$0x7], $0x80, s10, s26, $0xb8;
	[tilespmem:$0x1FC00] =	vst v63  }
0xde: {  	_ =	swait.ge [sflag:s11], $0x2800  }
0xdf: {  	[sflag:s11] =	ssyncset.done $0x0  }
0xe0: {  	[sflag:s11] =	ssyncadd.s32 $0xFFFFD800  }
0xe1: {  	[tilespmem:s23], [sflag:$0x1] =	stream.indirect.gather [hbm4b:s4+s26], $0x80, s12, s26, $0xb8;
	[tilespmem:$0x1FC00] =	vst v63  }
0xe2: {  	_ =	swait.ge [sflag:s13], $0x2800  }
0xe3: {  	[sflag:s13] =	ssyncset.done $0x0  }
0xe4: {  	[sflag:s13] =	ssyncadd.s32 $0xFFFFD800  }
0xe5: {  	[spmem:s1] =	stream.indirect.scatter.add.f32 [tilespmem:s8], [sflag:$0x8], $0x80, s14, s26, $0xb8;
	[tilespmem:$0x1FC00] =	vst v63  }
0xe6: {  	_ =	swait.ge [sflag:s15], $0x2800  }
0xe7: {  	[sflag:s15] =	ssyncset.done $0x0  }
0xe8: {  	[sflag:s15] =	ssyncadd.s32 $0xFFFFD800  }
0xe9: {  	[tilespmem:s29], [sflag:$0x2] =	stream.indirect.gather [hbm4b:s4+s26], $0x80, s16, s26, $0xb8;
	[tilespmem:$0x1FC00] =	vst v63  }
.LBB2_7:
0xea: {  	_ =	swait.ge [sflag:s30], $0x2800  }
0xeb: {  	s20 =	sshra.s32 s19, $0x2;
	[sflag:s30] =	ssyncset.done $0x0  }
0xec: {  	s21 =	sadd.s32 $0x1200, s20;
	[sflag:s30] =	ssyncadd.s32 $0xFFFFD800  }
0xed: {  	[spmem:s1] =	stream.indirect.scatter.add.f32 [tilespmem:s23], [sflag:$0x5], $0x80, s21, s26, $0xb8;
	[tilespmem:$0x1FC00] =	vst v63  }
0xee: {  	_ =	swait.ge [sflag:s17], $0x2800  }
0xef: {  	[sflag:s17] =	ssyncset.done $0x0  }
0xf0: {  	s22 =	sadd.s32 $0x300, s20;
	[sflag:s17] =	ssyncadd.s32 $0xFFFFD800  }
0xf1: {  	[tilespmem:s0], [sflag:$0x3] =	stream.indirect.gather [hbm4b:s4+s26], $0x80, s22, s26, $0xb8;
	[tilespmem:$0x1FC00] =	vst v63  }
0xf2: {  	_ =	swait.ge [sflag:s2], $0x2800  }
0xf3: {  	[sflag:s2] =	ssyncset.done $0x0  }
0xf4: {  	s22 =	sadd.s32 $0x1280, s20;
	[sflag:s2] =	ssyncadd.s32 $0xFFFFD800  }
0xf5: {  	[spmem:s1] =	stream.indirect.scatter.add.f32 [tilespmem:s29], [sflag:$0x6], $0x80, s22, s26, $0xb8;
	[tilespmem:$0x1FC00] =	vst v63  }
0xf6: {  	_ =	swait.ge [sflag:s18], $0x2800  }
0xf7: {  	[sflag:s18] =	ssyncset.done $0x0  }
0xf8: {  	p0 =	seq.s32 s19, $0x3000;
	s22 =	sadd.s32 $0x380, s20;
	[sflag:s18] =	ssyncadd.s32 $0xFFFFD800  }
0xf9: {  	[tilespmem:s8], [sflag:$0x4] =	stream.indirect.gather [hbm4b:s4+s26], $0x80, s22, s26, $0xb8;
	[tilespmem:$0x1FC00] =	vst v63  }
.Ltmp5:
0xfa: {  	_ = 	snop;
	(pc) =	sbr.rel @p0 .LBB2_9-.Ltmp5, $4  }
0xfb: {  	_ =	swait.ge [sflag:s9], $0x2800  }
0xfc: {  	[sflag:s9] =	ssyncset.done $0x0  }
0xfd: {  	s21 =	sadd.s32 $0x1380, s20;
	s22 =	sadd.s32 $0x1300, s20;
	[sflag:s9] =	ssyncadd.s32 $0xFFFFD800  }
0xfe: {  	[spmem:s1] =	stream.indirect.scatter.add.f32 [tilespmem:s0], [sflag:$0x7], $0x80, s22, s26, $0xb8;
	[tilespmem:$0x1FC00] =	vst v63  }
0xff: {  	_ =	swait.ge [sflag:s11], $0x2800  }
0x100: {  	[sflag:s11] =	ssyncset.done $0x0  }
0x101: {  	s22 =	sadd.s32 $0x400, s20;
	[sflag:s11] =	ssyncadd.s32 $0xFFFFD800  }
0x102: {  	[tilespmem:s23], [sflag:$0x1] =	stream.indirect.gather [hbm4b:s4+s26], $0x80, s22, s26, $0xb8;
	[tilespmem:$0x1FC00] =	vst v63  }
0x103: {  	_ =	swait.ge [sflag:s13], $0x2800  }
0x104: {  	[sflag:s13] =	ssyncset.done $0x0  }
0x105: {  	[sflag:s13] =	ssyncadd.s32 $0xFFFFD800  }
0x106: {  	[spmem:s1] =	stream.indirect.scatter.add.f32 [tilespmem:s8], [sflag:$0x8], $0x80, s21, s26, $0xb8;
	[tilespmem:$0x1FC00] =	vst v63  }
.Ltmp6:
0x107: {  	_ = 	snop;
	(pc) =	sbr.rel .LBB2_7-.Ltmp6, $4  }
0x108: {  	_ =	swait.ge [sflag:s15], $0x2800  }
0x109: {  	[sflag:s15] =	ssyncset.done $0x0  }
0x10a: {  	s19 =	sadd.s32 $0x800, s19;
	s22 =	sadd.s32 $0x480, s20;
	[sflag:s15] =	ssyncadd.s32 $0xFFFFD800  }
0x10b: {  	[tilespmem:s29], [sflag:$0x2] =	stream.indirect.gather [hbm4b:s4+s26], $0x80, s22, s26, $0xb8;
	[tilespmem:$0x1FC00] =	vst v63  }
.LBB2_9:
0x10c: {  	_ =	swait.ge [sflag:s13], $0x2800  }
0x10d: {  	[sflag:s13] =	ssyncset.done $0x0  }
0x10e: {  	[sflag:s13] =	ssyncadd.s32 $0xFFFFD800  }
0x10f: {  	[spmem:s1] =	stream.indirect.scatter.add.f32 [tilespmem:s8], [sflag:$0x8], $0x80, s21, s26, $0xb8;
	[tilespmem:$0x1FC00] =	vst v63  }
0x110: {  	_ =	swait.ge [sflag:s11], $0x2800  }
0x111: {  	[sflag:s11] =	ssyncset.done $0x0  }
0x112: {  	[sflag:s11] =	ssyncadd.s32 $0xFFFFD800  }
0x113: {  	_ =	swait.ge [sflag:s15], $0x2800  }
0x114: {  	[sflag:s15] =	ssyncset.done $0x0  }
0x115: {  	[sflag:s15] =	ssyncadd.s32 $0xFFFFD800  }
0x116: {  	_ =	swait.ge [sflag:s17], $0x2800  }
0x117: {  	[sflag:s17] =	ssyncset.done $0x0  }
0x118: {  	[sflag:s17] =	ssyncadd.s32 $0xFFFFD800  }
0x119: {  	_ =	swait.ge [sflag:s18], $0x2800  }
0x11a: {  	[sflag:s18] =	ssyncset.done $0x0  }
0x11b: {  	s19 =	simm.s32 $0x0;
	s20 =	rddreg [dreg:$0xe];
	[sflag:s18] =	ssyncadd.s32 $0xFFFFD800  }
0x11c: {  	[tilespmem:s19], [sflag:$0x9] =	stream.linear.gather [hbm4b:s20+s19], $0x1000, $0x38;
	[tilespmem:$0x1FC00] =	vst v63  }
0x11d: {  	_ =	swait.ge [sflag:s24], $0x1000  }
0x11e: {  	[sflag:s24] =	ssyncset.done $0x0  }
0x11f: {  	s22 =	rddreg [dreg:$0xf];
	[sflag:s24] =	ssyncadd.s32 $0xFFFFF000  }
0x120: {  	[tilespmem:s25], [sflag:$0x9] =	stream.linear.gather [hbm4b:s22+s19], $0x1000, $0x38;
	[tilespmem:$0x1FC00] =	vst v63  }
0x121: {  	_ =	swait.ge [sflag:s24], $0x1000  }
0x122: {  	[sflag:s24] =	ssyncset.done $0x0  }
0x123: {  	[sflag:s24] =	ssyncadd.s32 $0xFFFFF000  }
0x124: {  	[tilespmem:s23], [sflag:$0x1] =	stream.indirect.gather [hbm4b:s4+s26], $0x80, s19, s26, $0xb8;
	[tilespmem:$0x1FC00] =	vst v63  }
0x125: {  	_ = 	snop  }
0x126: {  	[tilespmem:s29], [sflag:$0x2] =	stream.indirect.gather [hbm4b:s4+s26], $0x80, s28, s26, $0xb8;
	[tilespmem:$0x1FC00] =	vst v63  }
0x127: {  	_ =	swait.ge [sflag:s30], $0x2800  }
0x128: {  	[sflag:s30] =	ssyncset.done $0x0  }
0x129: {  	[sflag:s30] =	ssyncadd.s32 $0xFFFFD800  }
0x12a: {  	[spmem:s1] =	stream.indirect.scatter.add.f32 [tilespmem:s23], [sflag:$0x5], $0x80, s25, s26, $0xb8;
	[tilespmem:$0x1FC00] =	vst v63  }
0x12b: {  	_ = 	snop  }
0x12c: {  	[tilespmem:s0], [sflag:$0x3] =	stream.indirect.gather [hbm4b:s4+s26], $0x80, s31, s26, $0xb8;
	[tilespmem:$0x1FC00] =	vst v63  }
0x12d: {  	_ =	swait.ge [sflag:s2], $0x2800  }
0x12e: {  	[sflag:s2] =	ssyncset.done $0x0  }
0x12f: {  	[sflag:s2] =	ssyncadd.s32 $0xFFFFD800  }
0x130: {  	[spmem:s1] =	stream.indirect.scatter.add.f32 [tilespmem:s29], [sflag:$0x6], $0x80, s6, s26, $0xb8;
	[tilespmem:$0x1FC00] =	vst v63  }
0x131: {  	_ = 	snop  }
0x132: {  	[tilespmem:s8], [sflag:$0x4] =	stream.indirect.gather [hbm4b:s4+s26], $0x80, s7, s26, $0xb8;
	[tilespmem:$0x1FC00] =	vst v63  }
0x133: {  	_ =	swait.ge [sflag:s9], $0x2800  }
0x134: {  	[sflag:s9] =	ssyncset.done $0x0  }
0x135: {  	[sflag:s9] =	ssyncadd.s32 $0xFFFFD800  }
0x136: {  	[spmem:s1] =	stream.indirect.scatter.add.f32 [tilespmem:s0], [sflag:$0x7], $0x80, s10, s26, $0xb8;
	[tilespmem:$0x1FC00] =	vst v63  }
0x137: {  	_ =	swait.ge [sflag:s11], $0x2800  }
0x138: {  	[sflag:s11] =	ssyncset.done $0x0  }
0x139: {  	[sflag:s11] =	ssyncadd.s32 $0xFFFFD800  }
0x13a: {  	[tilespmem:s23], [sflag:$0x1] =	stream.indirect.gather [hbm4b:s4+s26], $0x80, s12, s26, $0xb8;
	[tilespmem:$0x1FC00] =	vst v63  }
0x13b: {  	_ =	swait.ge [sflag:s13], $0x2800  }
0x13c: {  	[sflag:s13] =	ssyncset.done $0x0  }
0x13d: {  	[sflag:s13] =	ssyncadd.s32 $0xFFFFD800  }
0x13e: {  	[spmem:s1] =	stream.indirect.scatter.add.f32 [tilespmem:s8], [sflag:$0x8], $0x80, s14, s26, $0xb8;
	[tilespmem:$0x1FC00] =	vst v63  }
0x13f: {  	_ =	swait.ge [sflag:s15], $0x2800  }
0x140: {  	[sflag:s15] =	ssyncset.done $0x0  }
0x141: {  	[sflag:s15] =	ssyncadd.s32 $0xFFFFD800  }
0x142: {  	[tilespmem:s29], [sflag:$0x2] =	stream.indirect.gather [hbm4b:s4+s26], $0x80, s16, s26, $0xb8;
	[tilespmem:$0x1FC00] =	vst v63  }
.LBB2_10:
0x143: {  	_ =	swait.ge [sflag:s30], $0x2800  }
0x144: {  	s20 =	sshra.s32 s19, $0x2;
	[sflag:s30] =	ssyncset.done $0x0  }
0x145: {  	s21 =	sadd.s32 $0x1200, s20;
	[sflag:s30] =	ssyncadd.s32 $0xFFFFD800  }
0x146: {  	[spmem:s1] =	stream.indirect.scatter.add.f32 [tilespmem:s23], [sflag:$0x5], $0x80, s21, s26, $0xb8;
	[tilespmem:$0x1FC00] =	vst v63  }
0x147: {  	_ =	swait.ge [sflag:s17], $0x2800  }
0x148: {  	[sflag:s17] =	ssyncset.done $0x0  }
0x149: {  	s22 =	sadd.s32 $0x300, s20;
	[sflag:s17] =	ssyncadd.s32 $0xFFFFD800  }
0x14a: {  	[tilespmem:s0], [sflag:$0x3] =	stream.indirect.gather [hbm4b:s4+s26], $0x80, s22, s26, $0xb8;
	[tilespmem:$0x1FC00] =	vst v63  }
0x14b: {  	_ =	swait.ge [sflag:s2], $0x2800  }
0x14c: {  	[sflag:s2] =	ssyncset.done $0x0  }
0x14d: {  	s22 =	sadd.s32 $0x1280, s20;
	[sflag:s2] =	ssyncadd.s32 $0xFFFFD800  }
0x14e: {  	[spmem:s1] =	stream.indirect.scatter.add.f32 [tilespmem:s29], [sflag:$0x6], $0x80, s22, s26, $0xb8;
	[tilespmem:$0x1FC00] =	vst v63  }
0x14f: {  	_ =	swait.ge [sflag:s18], $0x2800  }
0x150: {  	[sflag:s18] =	ssyncset.done $0x0  }
0x151: {  	p0 =	seq.s32 s19, $0x3000;
	s22 =	sadd.s32 $0x380, s20;
	[sflag:s18] =	ssyncadd.s32 $0xFFFFD800  }
0x152: {  	[tilespmem:s8], [sflag:$0x4] =	stream.indirect.gather [hbm4b:s4+s26], $0x80, s22, s26, $0xb8;
	[tilespmem:$0x1FC00] =	vst v63  }
.Ltmp7:
0x153: {  	_ = 	snop;
	(pc) =	sbr.rel @p0 .LBB2_12-.Ltmp7, $4  }
0x154: {  	_ =	swait.ge [sflag:s9], $0x2800  }
0x155: {  	[sflag:s9] =	ssyncset.done $0x0  }
0x156: {  	s21 =	sadd.s32 $0x1380, s20;
	s22 =	sadd.s32 $0x1300, s20;
	[sflag:s9] =	ssyncadd.s32 $0xFFFFD800  }
0x157: {  	[spmem:s1] =	stream.indirect.scatter.add.f32 [tilespmem:s0], [sflag:$0x7], $0x80, s22, s26, $0xb8;
	[tilespmem:$0x1FC00] =	vst v63  }
0x158: {  	_ =	swait.ge [sflag:s11], $0x2800  }
0x159: {  	[sflag:s11] =	ssyncset.done $0x0  }
0x15a: {  	s22 =	sadd.s32 $0x400, s20;
	[sflag:s11] =	ssyncadd.s32 $0xFFFFD800  }
0x15b: {  	[tilespmem:s23], [sflag:$0x1] =	stream.indirect.gather [hbm4b:s4+s26], $0x80, s22, s26, $0xb8;
	[tilespmem:$0x1FC00] =	vst v63  }
0x15c: {  	_ =	swait.ge [sflag:s13], $0x2800  }
0x15d: {  	[sflag:s13] =	ssyncset.done $0x0  }
0x15e: {  	[sflag:s13] =	ssyncadd.s32 $0xFFFFD800  }
0x15f: {  	[spmem:s1] =	stream.indirect.scatter.add.f32 [tilespmem:s8], [sflag:$0x8], $0x80, s21, s26, $0xb8;
	[tilespmem:$0x1FC00] =	vst v63  }
.Ltmp8:
0x160: {  	_ = 	snop;
	(pc) =	sbr.rel .LBB2_10-.Ltmp8, $4  }
0x161: {  	_ =	swait.ge [sflag:s15], $0x2800  }
0x162: {  	[sflag:s15] =	ssyncset.done $0x0  }
0x163: {  	s19 =	sadd.s32 $0x800, s19;
	s22 =	sadd.s32 $0x480, s20;
	[sflag:s15] =	ssyncadd.s32 $0xFFFFD800  }
0x164: {  	[tilespmem:s29], [sflag:$0x2] =	stream.indirect.gather [hbm4b:s4+s26], $0x80, s22, s26, $0xb8;
	[tilespmem:$0x1FC00] =	vst v63  }
.LBB2_12:
0x165: {  	_ =	swait.ge [sflag:s13], $0x2800  }
0x166: {  	[sflag:s13] =	ssyncset.done $0x0  }
0x167: {  	[sflag:s13] =	ssyncadd.s32 $0xFFFFD800  }
0x168: {  	[spmem:s1] =	stream.indirect.scatter.add.f32 [tilespmem:s8], [sflag:$0x8], $0x80, s21, s26, $0xb8;
	[tilespmem:$0x1FC00] =	vst v63  }
0x169: {  	_ =	swait.ge [sflag:s11], $0x2800  }
0x16a: {  	[sflag:s11] =	ssyncset.done $0x0  }
0x16b: {  	[sflag:s11] =	ssyncadd.s32 $0xFFFFD800  }
0x16c: {  	_ =	swait.ge [sflag:s15], $0x2800  }
0x16d: {  	[sflag:s15] =	ssyncset.done $0x0  }
0x16e: {  	[sflag:s15] =	ssyncadd.s32 $0xFFFFD800  }
0x16f: {  	_ =	swait.ge [sflag:s17], $0x2800  }
0x170: {  	[sflag:s17] =	ssyncset.done $0x0  }
0x171: {  	[sflag:s17] =	ssyncadd.s32 $0xFFFFD800  }
0x172: {  	_ =	swait.ge [sflag:s18], $0x2800  }
0x173: {  	[sflag:s18] =	ssyncset.done $0x0  }
0x174: {  	s19 =	simm.s32 $0x0;
	s20 =	rddreg [dreg:$0x10];
	[sflag:s18] =	ssyncadd.s32 $0xFFFFD800  }
0x175: {  	[tilespmem:s19], [sflag:$0x9] =	stream.linear.gather [hbm4b:s20+s19], $0x1000, $0x38;
	[tilespmem:$0x1FC00] =	vst v63  }
0x176: {  	_ =	swait.ge [sflag:s24], $0x1000  }
0x177: {  	[sflag:s24] =	ssyncset.done $0x0  }
0x178: {  	s22 =	rddreg [dreg:$0x11];
	[sflag:s24] =	ssyncadd.s32 $0xFFFFF000  }
0x179: {  	[tilespmem:s25], [sflag:$0x9] =	stream.linear.gather [hbm4b:s22+s19], $0x1000, $0x38;
	[tilespmem:$0x1FC00] =	vst v63  }
0x17a: {  	_ =	swait.ge [sflag:s24], $0x1000  }
0x17b: {  	[sflag:s24] =	ssyncset.done $0x0  }
0x17c: {  	[sflag:s24] =	ssyncadd.s32 $0xFFFFF000  }
0x17d: {  	[tilespmem:s23], [sflag:$0x1] =	stream.indirect.gather [hbm4b:s4+s26], $0x80, s19, s26, $0xb8;
	[tilespmem:$0x1FC00] =	vst v63  }
0x17e: {  	_ = 	snop  }
0x17f: {  	[tilespmem:s29], [sflag:$0x2] =	stream.indirect.gather [hbm4b:s4+s26], $0x80, s28, s26, $0xb8;
	[tilespmem:$0x1FC00] =	vst v63  }
0x180: {  	_ =	swait.ge [sflag:s30], $0x2800  }
0x181: {  	[sflag:s30] =	ssyncset.done $0x0  }
0x182: {  	[sflag:s30] =	ssyncadd.s32 $0xFFFFD800  }
0x183: {  	[spmem:s1] =	stream.indirect.scatter.add.f32 [tilespmem:s23], [sflag:$0x5], $0x80, s25, s26, $0xb8;
	[tilespmem:$0x1FC00] =	vst v63  }
0x184: {  	_ = 	snop  }
0x185: {  	[tilespmem:s0], [sflag:$0x3] =	stream.indirect.gather [hbm4b:s4+s26], $0x80, s31, s26, $0xb8;
	[tilespmem:$0x1FC00] =	vst v63  }
0x186: {  	_ =	swait.ge [sflag:s2], $0x2800  }
0x187: {  	[sflag:s2] =	ssyncset.done $0x0  }
0x188: {  	[sflag:s2] =	ssyncadd.s32 $0xFFFFD800  }
0x189: {  	[spmem:s1] =	stream.indirect.scatter.add.f32 [tilespmem:s29], [sflag:$0x6], $0x80, s6, s26, $0xb8;
	[tilespmem:$0x1FC00] =	vst v63  }
0x18a: {  	_ = 	snop  }
0x18b: {  	[tilespmem:s8], [sflag:$0x4] =	stream.indirect.gather [hbm4b:s4+s26], $0x80, s7, s26, $0xb8;
	[tilespmem:$0x1FC00] =	vst v63  }
0x18c: {  	_ =	swait.ge [sflag:s9], $0x2800  }
0x18d: {  	[sflag:s9] =	ssyncset.done $0x0  }
0x18e: {  	[sflag:s9] =	ssyncadd.s32 $0xFFFFD800  }
0x18f: {  	[spmem:s1] =	stream.indirect.scatter.add.f32 [tilespmem:s0], [sflag:$0x7], $0x80, s10, s26, $0xb8;
	[tilespmem:$0x1FC00] =	vst v63  }
0x190: {  	_ =	swait.ge [sflag:s11], $0x2800  }
0x191: {  	[sflag:s11] =	ssyncset.done $0x0  }
0x192: {  	[sflag:s11] =	ssyncadd.s32 $0xFFFFD800  }
0x193: {  	[tilespmem:s23], [sflag:$0x1] =	stream.indirect.gather [hbm4b:s4+s26], $0x80, s12, s26, $0xb8;
	[tilespmem:$0x1FC00] =	vst v63  }
0x194: {  	_ =	swait.ge [sflag:s13], $0x2800  }
0x195: {  	[sflag:s13] =	ssyncset.done $0x0  }
0x196: {  	[sflag:s13] =	ssyncadd.s32 $0xFFFFD800  }
0x197: {  	[spmem:s1] =	stream.indirect.scatter.add.f32 [tilespmem:s8], [sflag:$0x8], $0x80, s14, s26, $0xb8;
	[tilespmem:$0x1FC00] =	vst v63  }
0x198: {  	_ =	swait.ge [sflag:s15], $0x2800  }
0x199: {  	[sflag:s15] =	ssyncset.done $0x0  }
0x19a: {  	[sflag:s15] =	ssyncadd.s32 $0xFFFFD800  }
0x19b: {  	[tilespmem:s29], [sflag:$0x2] =	stream.indirect.gather [hbm4b:s4+s26], $0x80, s16, s26, $0xb8;
	[tilespmem:$0x1FC00] =	vst v63  }
.LBB2_13:
0x19c: {  	_ =	swait.ge [sflag:s30], $0x2800  }
0x19d: {  	s20 =	sshra.s32 s19, $0x2;
	[sflag:s30] =	ssyncset.done $0x0  }
0x19e: {  	s21 =	sadd.s32 $0x1200, s20;
	[sflag:s30] =	ssyncadd.s32 $0xFFFFD800  }
0x19f: {  	[spmem:s1] =	stream.indirect.scatter.add.f32 [tilespmem:s23], [sflag:$0x5], $0x80, s21, s26, $0xb8;
	[tilespmem:$0x1FC00] =	vst v63  }
0x1a0: {  	_ =	swait.ge [sflag:s17], $0x2800  }
0x1a1: {  	[sflag:s17] =	ssyncset.done $0x0  }
0x1a2: {  	s22 =	sadd.s32 $0x300, s20;
	[sflag:s17] =	ssyncadd.s32 $0xFFFFD800  }
0x1a3: {  	[tilespmem:s0], [sflag:$0x3] =	stream.indirect.gather [hbm4b:s4+s26], $0x80, s22, s26, $0xb8;
	[tilespmem:$0x1FC00] =	vst v63  }
0x1a4: {  	_ =	swait.ge [sflag:s2], $0x2800  }
0x1a5: {  	[sflag:s2] =	ssyncset.done $0x0  }
0x1a6: {  	s22 =	sadd.s32 $0x1280, s20;
	[sflag:s2] =	ssyncadd.s32 $0xFFFFD800  }
0x1a7: {  	[spmem:s1] =	stream.indirect.scatter.add.f32 [tilespmem:s29], [sflag:$0x6], $0x80, s22, s26, $0xb8;
	[tilespmem:$0x1FC00] =	vst v63  }
0x1a8: {  	_ =	swait.ge [sflag:s18], $0x2800  }
0x1a9: {  	[sflag:s18] =	ssyncset.done $0x0  }
0x1aa: {  	p0 =	seq.s32 s19, $0x3000;
	s22 =	sadd.s32 $0x380, s20;
	[sflag:s18] =	ssyncadd.s32 $0xFFFFD800  }
0x1ab: {  	[tilespmem:s8], [sflag:$0x4] =	stream.indirect.gather [hbm4b:s4+s26], $0x80, s22, s26, $0xb8;
	[tilespmem:$0x1FC00] =	vst v63  }
.Ltmp9:
0x1ac: {  	_ = 	snop;
	(pc) =	sbr.rel @p0 .LBB2_15-.Ltmp9, $4  }
0x1ad: {  	_ =	swait.ge [sflag:s9], $0x2800  }
0x1ae: {  	[sflag:s9] =	ssyncset.done $0x0  }
0x1af: {  	s21 =	sadd.s32 $0x1380, s20;
	s22 =	sadd.s32 $0x1300, s20;
	[sflag:s9] =	ssyncadd.s32 $0xFFFFD800  }
0x1b0: {  	[spmem:s1] =	stream.indirect.scatter.add.f32 [tilespmem:s0], [sflag:$0x7], $0x80, s22, s26, $0xb8;
	[tilespmem:$0x1FC00] =	vst v63  }
0x1b1: {  	_ =	swait.ge [sflag:s11], $0x2800  }
0x1b2: {  	[sflag:s11] =	ssyncset.done $0x0  }
0x1b3: {  	s22 =	sadd.s32 $0x400, s20;
	[sflag:s11] =	ssyncadd.s32 $0xFFFFD800  }
0x1b4: {  	[tilespmem:s23], [sflag:$0x1] =	stream.indirect.gather [hbm4b:s4+s26], $0x80, s22, s26, $0xb8;
	[tilespmem:$0x1FC00] =	vst v63  }
0x1b5: {  	_ =	swait.ge [sflag:s13], $0x2800  }
0x1b6: {  	[sflag:s13] =	ssyncset.done $0x0  }
0x1b7: {  	[sflag:s13] =	ssyncadd.s32 $0xFFFFD800  }
0x1b8: {  	[spmem:s1] =	stream.indirect.scatter.add.f32 [tilespmem:s8], [sflag:$0x8], $0x80, s21, s26, $0xb8;
	[tilespmem:$0x1FC00] =	vst v63  }
.Ltmp10:
0x1b9: {  	_ = 	snop;
	(pc) =	sbr.rel .LBB2_13-.Ltmp10, $4  }
0x1ba: {  	_ =	swait.ge [sflag:s15], $0x2800  }
0x1bb: {  	[sflag:s15] =	ssyncset.done $0x0  }
0x1bc: {  	s19 =	sadd.s32 $0x800, s19;
	s22 =	sadd.s32 $0x480, s20;
	[sflag:s15] =	ssyncadd.s32 $0xFFFFD800  }
0x1bd: {  	[tilespmem:s29], [sflag:$0x2] =	stream.indirect.gather [hbm4b:s4+s26], $0x80, s22, s26, $0xb8;
	[tilespmem:$0x1FC00] =	vst v63  }
.LBB2_16:
0x1be: {  	_ =	sfence.sel $0x180000  }
0x1bf: {  	[bflag:$0x0] =	sbarrier.arrive $0xFFFF  }
0x1c0: {  	_ =	strace $0x90000047  }
0x1c1: {  	s0 =	stileid.u32;
	[bflag:$0x2] =	sbarrier.arrive $0xFFFF  }
0x1c2: {  	p0 =	sne.s32 s0, $0x0;
	s0 =	rddreg [dreg:$0x2]  }
0x1c3: {  	s0 =	sadd.s32 @!p0 $0x100000, s0  }
0x1c4: {  	[sflag:s0] =	ssyncadd.tile.s32 @!p0 $0x1;
	_ =	shalt  }
.Lfunc_end2:
_tile_overlayer_lowered:
.L_overlay_start_2:
0x1c5: {  	(tag) =	ssettag $0x2  }
0x1c6: {  	s0 =	rddreg [dreg:$0x0];
	s2 =	stileid.u32  }
0x1c7: {  	s1 =	rddreg [dreg:$0x1];
	p0 =	sne.s32 s2, $0x0  }
0x1c8: {  	s3 =	rddreg [dreg:$0x2];
	[bflag:$0x3] =	sbarrier.arrive $0xFFFF;
	s2 =	simm.s32 @!p0 $0x1C09  }
0x1c9: {  	[timem:s3], [sflag:s2] =	dma.local @!p0 [hbm:s0], s1  }
0x1ca: {  	s0 =	simm.s32 @!p0 $0x9  }
0x1cb: {  	_ =	swait.ge @!p0 [sflag:s0], s1  }
0x1cc: {  	s1 =	ssub.s32 @!p0 $0x0, s1;
	[sflag:s0] =	ssyncset.done @!p0 $0x0  }
0x1cd: {  	[sflag:s0] =	ssyncadd.s32 @!p0 s1  }
0x1ce: {  	[bflag:$0x3] =	sbarrier.arrive $0xFFFF  }
0x1cf: {  	_ =	shalt  }

</sc_bundles>
